<compile_context>
chip_gen: v7x
topology: tpu7x:2x2x1
jax: 0.10.2.dev20260603
libtpu: 0.0.44.dev20260713+nightly
codegen_flags: <defaults>
</compile_context>

<pallas_src>
import functools
import jax
import jax.numpy as jnp
from jax import lax
from jax.experimental import pallas as pl
from jax.experimental.pallas import tpu as pltpu
from jax.experimental.pallas import tpu_sc as plsc

D = 32
NC = 2
NS = 16
NW = NC * NS


NA_HALF = 50176
FT_ROWS = 51200
_CH = 128
_NCHUNK = 800000 // _CH


def _sc_scatter_kernel(bf_hbm, i0_hbm, i1_hbm, zin_hbm,
                       sp_hbm,
                       ftbl, buf, i0v, i1v, sem):
    c = lax.axis_index("c")
    t = lax.axis_index("s")

    pltpu.sync_copy(zin_hbm, buf)

    def zt(k, _):
        pltpu.sync_copy(buf, ftbl.at[pl.ds(t * 3200 + k * _CH, _CH), :])
        return _
    lax.fori_loop(0, 25, zt, 0)

    plsc.subcore_barrier()

    base = c * NA_HALF
    lane = lax.iota(jnp.int32, 16)
    padv = NA_HALF + t * 8 + (lane & 7)

    def body(k, carry):
        m = t + 16 * k

        @pl.when(m < _NCHUNK)
        def _do():
            b0 = pl.multiple_of(m * _CH, 8)
            pltpu.sync_copy(bf_hbm.at[pl.ds(b0, _CH), :], buf)
            pltpu.sync_copy(i0_hbm.at[pl.ds(b0, _CH)], i0v)
            pltpu.sync_copy(i1_hbm.at[pl.ds(b0, _CH)], i1v)

            def clamp(j, _s):
                v0 = i0v[pl.ds(j * 16, 16)] - base
                ok0 = (v0 >= 0) & (v0 < NA_HALF)
                i0v[pl.ds(j * 16, 16)] = jnp.where(ok0, v0, padv)
                v1 = i1v[pl.ds(j * 16, 16)] - base
                ok1 = (v1 >= 0) & (v1 < NA_HALF)
                i1v[pl.ds(j * 16, 16)] = jnp.where(ok1, v1, padv)
                return _s
            lax.fori_loop(0, _CH // 16, clamp, 0)

            pltpu.async_copy(buf, ftbl.at[i0v], sem, add=True).wait()
            pltpu.async_copy(buf, ftbl.at[i1v], sem, add=True).wait()
        return carry

    lax.fori_loop(0, (_NCHUNK + 15) // 16, body, 0)

    plsc.subcore_barrier()

    ro = pl.multiple_of(c * FT_ROWS + t * 3200, 8)

    def wo(k, _):
        pltpu.sync_copy(ftbl.at[pl.ds(t * 3200 + k * _CH, _CH), :], buf)
        pltpu.sync_copy(buf, sp_hbm.at[pl.ds(ro + k * _CH, _CH), :])
        return _
    lax.fori_loop(0, 25, wo, 0)


def _sc_scatter(bond_feats, idx0, idx1):
    mesh = plsc.VectorSubcoreMesh(core_axis_name="c", subcore_axis_name="s")
    zin = jnp.zeros((_CH, D), jnp.float32)
    k = functools.partial(
        pl.kernel, mesh=mesh,
        out_type=jax.ShapeDtypeStruct((2 * FT_ROWS, D), jnp.float32),
        scratch_types=[
            pltpu.VMEM_SHARED((FT_ROWS, D), jnp.float32),
            pltpu.VMEM((_CH, D), jnp.float32),
            pltpu.VMEM((_CH,), jnp.int32),
            pltpu.VMEM((_CH,), jnp.int32),
            pltpu.SemaphoreType.DMA,
        ],
    )(_sc_scatter_kernel)
    return k(bond_feats, idx0, idx1, zin)


def _sc_gather_bonds(atom_new, global_feats, idx0, idx1, bond_graph):
    n_bond = idx0.shape[0]
    b_per_w = n_bond // NW
    CH = 1000
    n_ch = b_per_w // CH

    mesh = plsc.VectorSubcoreMesh(core_axis_name="c", subcore_axis_name="s")

    @functools.partial(
        pl.kernel, mesh=mesh,
        out_type=[jax.ShapeDtypeStruct((n_bond, D), jnp.float32)] * 3,
        scratch_types=[
            pltpu.VMEM((CH,), jnp.int32),
            pltpu.VMEM((CH,), jnp.int32),
            pltpu.VMEM((CH,), jnp.int32),
            pltpu.VMEM((CH, D), jnp.float32),
            pltpu.VMEM((CH, D), jnp.float32),
            pltpu.VMEM((CH, D), jnp.float32),
            pltpu.SemaphoreType.DMA,
            pltpu.SemaphoreType.DMA,
            pltpu.SemaphoreType.DMA,
        ],
    )
    def k(atom_hbm, glob_hbm, i0_hbm, i1_hbm, bg_hbm, a0_hbm, a1_hbm, gb_hbm,
          i0v, i1v, bgv, r0, r1, rg, s0, s1, sg):
        wid = lax.axis_index("s") * NC + lax.axis_index("c")
        base_w = wid * b_per_w

        def body(i, _):
            base = base_w + i * CH
            pltpu.sync_copy(i0_hbm.at[pl.ds(base, CH)], i0v)
            pltpu.sync_copy(i1_hbm.at[pl.ds(base, CH)], i1v)
            pltpu.sync_copy(bg_hbm.at[pl.ds(base, CH)], bgv)
            c0 = pltpu.async_copy(atom_hbm.at[i0v], r0, s0)
            c1 = pltpu.async_copy(atom_hbm.at[i1v], r1, s1)
            cg = pltpu.async_copy(glob_hbm.at[bgv], rg, sg)
            c0.wait()
            c1.wait()
            cg.wait()
            pltpu.sync_copy(r0, a0_hbm.at[pl.ds(base, CH), :])
            pltpu.sync_copy(r1, a1_hbm.at[pl.ds(base, CH), :])
            pltpu.sync_copy(rg, gb_hbm.at[pl.ds(base, CH), :])
            return _

        lax.fori_loop(0, n_ch, body, 0)

    return k(atom_new, global_feats, idx0, idx1, bond_graph)


def _softplus(x):
    return jnp.maximum(x, 0.0) + jnp.log1p(jnp.exp(-jnp.abs(x)))


def _mlp3(x, W1, b1, W2, b2, W3, b3):
    h = _softplus(jnp.dot(x, W1, preferred_element_type=jnp.float32) + b1)
    h = _softplus(jnp.dot(h, W2, preferred_element_type=jnp.float32) + b2)
    return jnp.dot(h, W3, preferred_element_type=jnp.float32) + b3


def _atom_kernel(af, sums, cnt, mg, W1, b1, W2, b2, W3, b3, out):
    c = jnp.maximum(cnt[...], 1.0)
    mb = sums[...] / c
    x = jnp.concatenate([af[...], mb, mg[...]], axis=1)
    out[...] = _mlp3(x, W1[...], b1[...], W2[...], b2[...], W3[...], b3[...])


def _atom_mlp(af, sums, cnt, mg, W1, b1, W2, b2, W3, b3):
    n = af.shape[0]
    B = 2000
    grid = (n // B,)
    row = lambda i: (i, 0)
    fixed = lambda i: (0, 0)
    return pl.pallas_call(
        _atom_kernel,
        grid=grid,
        in_specs=[
            pl.BlockSpec((B, D), row),
            pl.BlockSpec((B, D), row),
            pl.BlockSpec((B, 1), row),
            pl.BlockSpec((B, D), row),
            pl.BlockSpec(W1.shape, fixed),
            pl.BlockSpec(b1.shape, fixed),
            pl.BlockSpec(W2.shape, fixed),
            pl.BlockSpec(b2.shape, fixed),
            pl.BlockSpec(W3.shape, fixed),
            pl.BlockSpec(b3.shape, fixed),
        ],
        out_specs=pl.BlockSpec((B, D), row),
        out_shape=jax.ShapeDtypeStruct((n, D), jnp.float32),
    )(af, sums, cnt, mg, W1, b1, W2, b2, W3, b3)


def _bond_kernel(bf, a0, a1, gb, W1, b1, W2, b2, W3, b3, out):
    x = jnp.concatenate([bf[...], a0[...], a1[...], gb[...]], axis=1)
    out[...] = _mlp3(x, W1[...], b1[...], W2[...], b2[...], W3[...], b3[...])


def _bond_mlp(bf, a0, a1, gb, W1, b1, W2, b2, W3, b3):
    n = bf.shape[0]
    B = 3200
    grid = (n // B,)
    row = lambda i: (i, 0)
    fixed = lambda i: (0, 0)
    return pl.pallas_call(
        _bond_kernel,
        grid=grid,
        in_specs=[
            pl.BlockSpec((B, D), row),
            pl.BlockSpec((B, D), row),
            pl.BlockSpec((B, D), row),
            pl.BlockSpec((B, D), row),
            pl.BlockSpec(W1.shape, fixed),
            pl.BlockSpec(b1.shape, fixed),
            pl.BlockSpec(W2.shape, fixed),
            pl.BlockSpec(b2.shape, fixed),
            pl.BlockSpec(W3.shape, fixed),
            pl.BlockSpec(b3.shape, fixed),
        ],
        out_specs=pl.BlockSpec((B, D), row),
        out_shape=jax.ShapeDtypeStruct((n, D), jnp.float32),
    )(bf, a0, a1, gb, W1, b1, W2, b2, W3, b3)


def _glob_kernel(gf, sa, ca, sb, cb, W1, b1, W2, b2, W3, b3, out):
    ma = sa[...] / jnp.maximum(ca[...], 1.0)
    mb = sb[...] / jnp.maximum(cb[...], 1.0)
    x = jnp.concatenate([gf[...], ma, mb], axis=1)
    out[...] = _mlp3(x, W1[...], b1[...], W2[...], b2[...], W3[...], b3[...])


def _glob_mlp(gf, sa, ca, sb, cb, W1, b1, W2, b2, W3, b3):
    n = gf.shape[0]
    return pl.pallas_call(
        _glob_kernel,
        out_shape=jax.ShapeDtypeStruct((n, D), jnp.float32),
    )(gf, sa, ca, sb, cb, W1, b1, W2, b2, W3, b3)


def kernel(atom_feats, bond_feats, global_feats,
           Wa1, ba1, Wa2, ba2, Wa3, ba3,
           Wb1, bb1, Wb2, bb2, Wb3, bb3,
           Wg1, bg1, Wg2, bg2, Wg3, bg3,
           bond_atoms, atom_graph, bond_graph):
    n_atom = atom_feats.shape[0]
    n_bond = bond_feats.shape[0]
    n_graph = global_feats.shape[0]

    ba1r, ba2r, ba3r = ba1[None, :], ba2[None, :], ba3[None, :]
    bb1r, bb2r, bb3r = bb1[None, :], bb2[None, :], bb3[None, :]
    bg1r, bg2r, bg3r = bg1[None, :], bg2[None, :], bg3[None, :]

    idx0 = bond_atoms[:, 0]
    idx1 = bond_atoms[:, 1]

    bf_aug = jnp.concatenate(
        [bond_feats, jnp.ones((n_bond, 1), jnp.float32)], axis=1)
    acc = jnp.zeros((n_atom, D + 1), jnp.float32).at[idx0].add(bf_aug)
    acc = acc.at[idx1].add(bf_aug)
    sums = acc[:, :D]
    cnt = acc[:, D]
    mg = global_feats[atom_graph]

    atom_new = _atom_mlp(atom_feats, sums, cnt[:, None], mg,
                         Wa1, ba1r, Wa2, ba2r, Wa3, ba3r)

    a0 = atom_new[idx0]
    a1 = atom_new[idx1]
    gb = global_feats[bond_graph]

    bond_new = _bond_mlp(bond_feats, a0, a1, gb,
                         Wb1, bb1r, Wb2, bb2r, Wb3, bb3r)

    gids = jnp.arange(n_graph + 1, dtype=jnp.int32)
    ab = jnp.searchsorted(atom_graph, gids).astype(jnp.int32)
    bb = jnp.searchsorted(bond_graph, gids).astype(jnp.int32)
    csa = jnp.concatenate([jnp.zeros((1, D), jnp.float32),
                           jnp.cumsum(atom_new, axis=0)], axis=0)
    sa = csa[ab[1:]] - csa[ab[:-1]]
    ca = (ab[1:] - ab[:-1]).astype(jnp.float32)
    csb = jnp.concatenate([jnp.zeros((1, D), jnp.float32),
                           jnp.cumsum(bond_new, axis=0)], axis=0)
    sb = csb[bb[1:]] - csb[bb[:-1]]
    cb = (bb[1:] - bb[:-1]).astype(jnp.float32)

    glob_new = _glob_mlp(global_feats, sa, ca[:, None], sb, cb[:, None],
                         Wg1, bg1r, Wg2, bg2r, Wg3, bg3r)
    return atom_new, bond_new, glob_new

# --- scband reference (transcript-rebuilt; emitter-appended) ---
"""Pipeline reference for scband-megconv-18373870092602 (READ-ONLY COPY).

The authoritative reference and input builder live on the scoring server;
editing this copy changes nothing except your own understanding.
"""

import jax, jax.numpy as jnp
import numpy as np

N_ATOM = 100000
N_BOND = 800000
N_GRAPH = 2000
D = 32


def _linearn(x, W1, b1, W2, b2, W3, b3):
    # LinearN with num_fc_layers=3: Softplus, Softplus, Identity
    x = jax.nn.softplus(x @ W1 + b1)
    x = jax.nn.softplus(x @ W2 + b2)
    return x @ W3 + b3


def _mk_fc(key, in_size):
    ks = jax.random.split(key, 3)
    W1 = jax.random.normal(ks[0], (in_size, 64), jnp.float32) * 0.05
    b1 = jnp.zeros((64,), jnp.float32)
    W2 = jax.random.normal(ks[1], (64, 64), jnp.float32) * 0.05
    b2 = jnp.zeros((64,), jnp.float32)
    W3 = jax.random.normal(ks[2], (64, 32), jnp.float32) * 0.05
    b3 = jnp.zeros((32,), jnp.float32)
    return W1, b1, W2, b2, W3, b3


def setup_inputs(seed: int = 0):
    key = jax.random.key(seed)
    ks = jax.random.split(key, 12)
    atom_feats = jax.random.normal(ks[0], (N_ATOM, D), jnp.float32)
    bond_feats = jax.random.normal(ks[1], (N_BOND, D), jnp.float32)
    global_feats = jax.random.normal(ks[2], (N_GRAPH, D), jnp.float32)
    bond_atoms = jax.random.randint(ks[3], (N_BOND, 2), 0, N_ATOM, dtype=jnp.int64 if jax.config.jax_enable_x64 else jnp.int32)
    atom_graph = jnp.sort(jax.random.randint(ks[4], (N_ATOM,), 0, N_GRAPH))
    bond_graph = jnp.sort(jax.random.randint(ks[5], (N_BOND,), 0, N_GRAPH))
    # AtomUpdateLayer fc: in = atom(32)+bond(32)+global(32) = 96
    Wa1, ba1, Wa2, ba2, Wa3, ba3 = _mk_fc(ks[6], 96)
    # BondUpdateLayer fc: in = bond(32)+atom(32)*2+global(32) = 128
    Wb1, bb1, Wb2, bb2, Wb3, bb3 = _mk_fc(ks[7], 128)
    # GlobalUpdateLayer (= AtomUpdateLayer) fc: in = 96
    Wg1, bg1, Wg2, bg2, Wg3, bg3 = _mk_fc(ks[8], 96)
    return {
        'atom_feats': atom_feats, 'bond_feats': bond_feats, 'global_feats': global_feats,
        'Wa1': Wa1, 'ba1': ba1, 'Wa2': Wa2, 'ba2': ba2, 'Wa3': Wa3, 'ba3': ba3,
        'Wb1': Wb1, 'bb1': bb1, 'Wb2': Wb2, 'bb2': bb2, 'Wb3': Wb3, 'bb3': bb3,
        'Wg1': Wg1, 'bg1': bg1, 'Wg2': Wg2, 'bg2': bg2, 'Wg3': Wg3, 'bg3': bg3,
        'bond_atoms': bond_atoms, 'atom_graph': atom_graph, 'bond_graph': bond_graph,
    }


def reference(atom_feats, bond_feats, global_feats,
              Wa1, ba1, Wa2, ba2, Wa3, ba3,
              Wb1, bb1, Wb2, bb2, Wb3, bb3,
              Wg1, bg1, Wg2, bg2, Wg3, bg3,
              bond_atoms, atom_graph, bond_graph):
    n_atom = atom_feats.shape[0]
    n_bond = bond_feats.shape[0]
    n_graph = global_feats.shape[0]
    # ---- AtomUpdateLayer (master='atom', attends bond via b2a mean, global via g2a mean) ----
    dst = bond_atoms.reshape(-1)                     # each bond messages both endpoint atoms
    msg = jnp.repeat(bond_feats, 2, axis=0)          # copy_u('ft','m') on b2a
    sums = jnp.zeros((n_atom, D), jnp.float32).at[dst].add(msg)
    cnt = jnp.zeros((n_atom,), jnp.float32).at[dst].add(1.0)
    m_bond = sums / jnp.maximum(cnt, 1.0)[:, None]   # fn.mean
    ft = jnp.concatenate([atom_feats, m_bond], axis=1)   # apply_node_fn concat
    m_glob = global_feats[atom_graph]                # one g2a edge per atom -> mean == gather
    ft = jnp.concatenate([ft, m_glob], axis=1)       # -> 96
    atom_new = _linearn(ft, Wa1, ba1, Wa2, ba2, Wa3, ba3)
    # ---- BondUpdateLayer (master='bond', attends atom via a2b flatten-2, global via g2b) ----
    m_atoms = atom_new[bond_atoms].reshape(n_bond, 2 * D)  # mailbox flatten (2 endpoints)
    ft = jnp.concatenate([bond_feats, m_atoms], axis=1)
    m_glob_b = global_feats[bond_graph]
    ft = jnp.concatenate([ft, m_glob_b], axis=1)     # -> 128
    bond_new = _linearn(ft, Wb1, bb1, Wb2, bb2, Wb3, bb3)
    # ---- GlobalUpdateLayer (master='global', attends atom via a2g mean, bond via b2g mean) ----
    sa = jax.ops.segment_sum(atom_new, atom_graph, num_segments=n_graph)
    ca = jax.ops.segment_sum(jnp.ones((n_atom,), jnp.float32), atom_graph, num_segments=n_graph)
    m_a = sa / jnp.maximum(ca, 1.0)[:, None]
    ft = jnp.concatenate([global_feats, m_a], axis=1)
    sb = jax.ops.segment_sum(bond_new, bond_graph, num_segments=n_graph)
    cb = jax.ops.segment_sum(jnp.ones((n_bond,), jnp.float32), bond_graph, num_segments=n_graph)
    m_b = sb / jnp.maximum(cb, 1.0)[:, None]
    ft = jnp.concatenate([ft, m_b], axis=1)          # -> 96
    glob_new = _linearn(ft, Wg1, bg1, Wg2, bg2, Wg3, bg3)
    return atom_new, bond_new, glob_new

if __name__ == "__main__":
    import jax
    _d = setup_inputs()
    print(jax.jit(kernel)(*tuple(_d.values())))

</pallas_src>

<mosaic_0001>
module attributes {stable_mosaic.version = 14 : i64} {
  func.func @_atom_kernel(%arg0: i32, %arg1: memref<2000x32xf32, #tpu.memory_space<vmem>>, %arg2: memref<2000x32xf32, #tpu.memory_space<vmem>>, %arg3: memref<2000x1xf32, #tpu.memory_space<vmem>>, %arg4: memref<2000x32xf32, #tpu.memory_space<vmem>>, %arg5: memref<96x64xf32, #tpu.memory_space<vmem>>, %arg6: memref<1x64xf32, #tpu.memory_space<vmem>>, %arg7: memref<64x64xf32, #tpu.memory_space<vmem>>, %arg8: memref<1x64xf32, #tpu.memory_space<vmem>>, %arg9: memref<64x32xf32, #tpu.memory_space<vmem>>, %arg10: memref<1x32xf32, #tpu.memory_space<vmem>>, %arg11: memref<2000x32xf32, #tpu.memory_space<vmem>>) attributes {dimension_semantics = [#tpu.dimension_semantics<arbitrary>], iteration_bounds = array<i64: 50>, scalar_prefetch = 0 : i64, scratch_operands = 0 : i64, tpu.core_type = #tpu.core_type<tc>, window_params = [{transform_indices = @transform_0, window_bounds = array<i64: 2000, 32>}, {transform_indices = @transform_1, window_bounds = array<i64: 2000, 32>}, {transform_indices = @transform_2, window_bounds = array<i64: 2000, 1>}, {transform_indices = @transform_3, window_bounds = array<i64: 2000, 32>}, {pipeline_mode = #tpu.pipeline_mode<synchronous>, transform_indices = @transform_4, window_bounds = array<i64: 96, 64>}, {pipeline_mode = #tpu.pipeline_mode<synchronous>, transform_indices = @transform_5, window_bounds = array<i64: 1, 64>}, {pipeline_mode = #tpu.pipeline_mode<synchronous>, transform_indices = @transform_6, window_bounds = array<i64: 64, 64>}, {pipeline_mode = #tpu.pipeline_mode<synchronous>, transform_indices = @transform_7, window_bounds = array<i64: 1, 64>}, {pipeline_mode = #tpu.pipeline_mode<synchronous>, transform_indices = @transform_8, window_bounds = array<i64: 64, 32>}, {pipeline_mode = #tpu.pipeline_mode<synchronous>, transform_indices = @transform_9, window_bounds = array<i64: 1, 32>}, {transform_indices = @transform_10, window_bounds = array<i64: 2000, 32>}]} {
    %get3A = arith.constant 0 : index
    %get3A_0 = arith.constant 0 : index
    %get3A_1 = vector.load %arg3[%get3A, %get3A_0] : memref<2000x1xf32, #tpu.memory_space<vmem>>, vector<2000x1xf32>
    %max3A = arith.constant 1.000000e+00 : f32
    %max3A_2 = vector.broadcast %max3A : f32 to vector<2000x1xf32>
    %max3A_3 = arith.maximumf %get3A_1, %max3A_2 : vector<2000x1xf32>
    %get3A_4 = arith.constant 0 : index
    %get3A_5 = arith.constant 0 : index
    %get3A_6 = vector.load %arg2[%get3A_4, %get3A_5] : memref<2000x32xf32, #tpu.memory_space<vmem>>, vector<2000x32xf32>
    %div3A = vector.broadcast %max3A_3 : vector<2000x1xf32> to vector<2000x32xf32>
    %div3A_7 = arith.divf %get3A_6, %div3A : vector<2000x32xf32>
    %get3A_8 = arith.constant 0 : index
    %get3A_9 = arith.constant 0 : index
    %get3A_10 = vector.load %arg1[%get3A_8, %get3A_9] : memref<2000x32xf32, #tpu.memory_space<vmem>>, vector<2000x32xf32>
    %get3A_11 = arith.constant 0 : index
    %get3A_12 = arith.constant 0 : index
    %get3A_13 = vector.load %arg4[%get3A_11, %get3A_12] : memref<2000x32xf32, #tpu.memory_space<vmem>>, vector<2000x32xf32>
    %concatenate3A = tpu.concatenate %get3A_10, %div3A_7, %get3A_13 in 1 : vector<2000x32xf32>, vector<2000x32xf32>, vector<2000x32xf32> -> vector<2000x96xf32>
    %get3A_14 = arith.constant 0 : index
    %get3A_15 = arith.constant 0 : index
    %get3A_16 = vector.load %arg5[%get3A_14, %get3A_15] : memref<96x64xf32, #tpu.memory_space<vmem>>, vector<96x64xf32>
    %get3A_17 = arith.constant 0 : index
    %get3A_18 = arith.constant 0 : index
    %get3A_19 = vector.load %arg6[%get3A_17, %get3A_18] : memref<1x64xf32, #tpu.memory_space<vmem>>, vector<1x64xf32>
    %get3A_20 = arith.constant 0 : index
    %get3A_21 = arith.constant 0 : index
    %get3A_22 = vector.load %arg7[%get3A_20, %get3A_21] : memref<64x64xf32, #tpu.memory_space<vmem>>, vector<64x64xf32>
    %get3A_23 = arith.constant 0 : index
    %get3A_24 = arith.constant 0 : index
    %get3A_25 = vector.load %arg8[%get3A_23, %get3A_24] : memref<1x64xf32, #tpu.memory_space<vmem>>, vector<1x64xf32>
    %get3A_26 = arith.constant 0 : index
    %get3A_27 = arith.constant 0 : index
    %get3A_28 = vector.load %arg9[%get3A_26, %get3A_27] : memref<64x32xf32, #tpu.memory_space<vmem>>, vector<64x32xf32>
    %get3A_29 = arith.constant 0 : index
    %get3A_30 = arith.constant 0 : index
    %get3A_31 = vector.load %arg10[%get3A_29, %get3A_30] : memref<1x32xf32, #tpu.memory_space<vmem>>, vector<1x32xf32>
    %dot_general3A = arith.constant dense<0.000000e+00> : vector<2000x64xf32>
    %dot_general3A_32 = tpu.matmul %concatenate3A, %get3A_16, %dot_general3A {dimension_numbers = #tpu.dot_dimension_numbers<[1], [0], [0], [1], [0, 0, 1, 1], [], []>, transpose_lhs_hint = false} : vector<2000x96xf32>, vector<96x64xf32>, vector<2000x64xf32> -> vector<2000x64xf32>
    %add3A = vector.broadcast %get3A_19 : vector<1x64xf32> to vector<2000x64xf32>
    %add3A_33 = arith.addf %dot_general3A_32, %add3A : vector<2000x64xf32>
    %max3A_34 = arith.constant 0.000000e+00 : f32
    %max3A_35 = vector.broadcast %max3A_34 : f32 to vector<2000x64xf32>
    %max3A_36 = arith.maximumf %add3A_33, %max3A_35 : vector<2000x64xf32>
    %abs3A = math.absf %add3A_33 : vector<2000x64xf32>
    %neg3A = arith.constant 0.000000e+00 : f32
    %neg3A_37 = vector.broadcast %neg3A : f32 to vector<2000x64xf32>
    %neg3A_38 = arith.subf %neg3A_37, %abs3A : vector<2000x64xf32>
    %exp3A = math.exp %neg3A_38 : vector<2000x64xf32>
    %log1p3A = math.log1p %exp3A : vector<2000x64xf32>
    %add3A_39 = arith.addf %max3A_36, %log1p3A : vector<2000x64xf32>
    %dot_general3A_40 = arith.constant dense<0.000000e+00> : vector<2000x64xf32>
    %dot_general3A_41 = tpu.matmul %add3A_39, %get3A_22, %dot_general3A_40 {dimension_numbers = #tpu.dot_dimension_numbers<[1], [0], [0], [1], [0, 0, 1, 1], [], []>, transpose_lhs_hint = false} : vector<2000x64xf32>, vector<64x64xf32>, vector<2000x64xf32> -> vector<2000x64xf32>
    %add3A_42 = vector.broadcast %get3A_25 : vector<1x64xf32> to vector<2000x64xf32>
    %add3A_43 = arith.addf %dot_general3A_41, %add3A_42 : vector<2000x64xf32>
    %max3A_44 = arith.constant 0.000000e+00 : f32
    %max3A_45 = vector.broadcast %max3A_44 : f32 to vector<2000x64xf32>
    %max3A_46 = arith.maximumf %add3A_43, %max3A_45 : vector<2000x64xf32>
    %abs3A_47 = math.absf %add3A_43 : vector<2000x64xf32>
    %neg3A_48 = arith.constant 0.000000e+00 : f32
    %neg3A_49 = vector.broadcast %neg3A_48 : f32 to vector<2000x64xf32>
    %neg3A_50 = arith.subf %neg3A_49, %abs3A_47 : vector<2000x64xf32>
    %exp3A_51 = math.exp %neg3A_50 : vector<2000x64xf32>
    %log1p3A_52 = math.log1p %exp3A_51 : vector<2000x64xf32>
    %add3A_53 = arith.addf %max3A_46, %log1p3A_52 : vector<2000x64xf32>
    %dot_general3A_54 = arith.constant dense<0.000000e+00> : vector<2000x32xf32>
    %dot_general3A_55 = tpu.matmul %add3A_53, %get3A_28, %dot_general3A_54 {dimension_numbers = #tpu.dot_dimension_numbers<[1], [0], [0], [1], [0, 0, 1, 1], [], []>, transpose_lhs_hint = false} : vector<2000x64xf32>, vector<64x32xf32>, vector<2000x32xf32> -> vector<2000x32xf32>
    %add3A_56 = vector.broadcast %get3A_31 : vector<1x32xf32> to vector<2000x32xf32>
    %add3A_57 = arith.addf %dot_general3A_55, %add3A_56 : vector<2000x32xf32>
    %swap3A = arith.constant 0 : index
    %swap3A_58 = arith.constant 0 : index
    %swap3A_59 = vector.load %arg11[%swap3A, %swap3A_58] : memref<2000x32xf32, #tpu.memory_space<vmem>>, vector<2000x32xf32>
    tpu.vector_store %arg11[%swap3A, %swap3A_58], %add3A_57 {strides = array<i32>} : memref<2000x32xf32, #tpu.memory_space<vmem>>, vector<2000x32xf32>,
    return
  }
  func.func @transform_0(%arg0: i32) -> (i32, i32) {
    %c0_i32 = arith.constant 0 : i32
    %c0_i32_0 = arith.constant 0 : i32
    return %arg0, %c0_i32 : i32, i32
  }
  func.func @transform_1(%arg0: i32) -> (i32, i32) {
    %c0_i32 = arith.constant 0 : i32
    %c0_i32_0 = arith.constant 0 : i32
    return %arg0, %c0_i32 : i32, i32
  }
  func.func @transform_2(%arg0: i32) -> (i32, i32) {
    %c0_i32 = arith.constant 0 : i32
    %c0_i32_0 = arith.constant 0 : i32
    return %arg0, %c0_i32 : i32, i32
  }
  func.func @transform_3(%arg0: i32) -> (i32, i32) {
    %c0_i32 = arith.constant 0 : i32
    %c0_i32_0 = arith.constant 0 : i32
    return %arg0, %c0_i32 : i32, i32
  }
  func.func @transform_4(%arg0: i32) -> (i32, i32) {
    %c0_i32 = arith.constant 0 : i32
    %c0_i32_0 = arith.constant 0 : i32
    %c0_i32_1 = arith.constant 0 : i32
    return %c0_i32, %c0_i32_0 : i32, i32
  }
  func.func @transform_5(%arg0: i32) -> (i32, i32) {
    %c0_i32 = arith.constant 0 : i32
    %c0_i32_0 = arith.constant 0 : i32
    %c0_i32_1 = arith.constant 0 : i32
    return %c0_i32, %c0_i32_0 : i32, i32
  }
  func.func @transform_6(%arg0: i32) -> (i32, i32) {
    %c0_i32 = arith.constant 0 : i32
    %c0_i32_0 = arith.constant 0 : i32
    %c0_i32_1 = arith.constant 0 : i32
    return %c0_i32, %c0_i32_0 : i32, i32
  }
  func.func @transform_7(%arg0: i32) -> (i32, i32) {
    %c0_i32 = arith.constant 0 : i32
    %c0_i32_0 = arith.constant 0 : i32
    %c0_i32_1 = arith.constant 0 : i32
    return %c0_i32, %c0_i32_0 : i32, i32
  }
  func.func @transform_8(%arg0: i32) -> (i32, i32) {
    %c0_i32 = arith.constant 0 : i32
    %c0_i32_0 = arith.constant 0 : i32
    %c0_i32_1 = arith.constant 0 : i32
    return %c0_i32, %c0_i32_0 : i32, i32
  }
  func.func @transform_9(%arg0: i32) -> (i32, i32) {
    %c0_i32 = arith.constant 0 : i32
    %c0_i32_0 = arith.constant 0 : i32
    %c0_i32_1 = arith.constant 0 : i32
    return %c0_i32, %c0_i32_0 : i32, i32
  }
  func.func @transform_10(%arg0: i32) -> (i32, i32) {
    %c0_i32 = arith.constant 0 : i32
    %c0_i32_0 = arith.constant 0 : i32
    return %arg0, %c0_i32 : i32, i32
  }
}

module attributes {stable_mosaic.version = 14 : i64} {
  func.func @_bond_kernel(%arg0: i32, %arg1: memref<3200x32xf32, #tpu.memory_space<vmem>>, %arg2: memref<3200x32xf32, #tpu.memory_space<vmem>>, %arg3: memref<3200x32xf32, #tpu.memory_space<vmem>>, %arg4: memref<3200x32xf32, #tpu.memory_space<vmem>>, %arg5: memref<128x64xf32, #tpu.memory_space<vmem>>, %arg6: memref<1x64xf32, #tpu.memory_space<vmem>>, %arg7: memref<64x64xf32, #tpu.memory_space<vmem>>, %arg8: memref<1x64xf32, #tpu.memory_space<vmem>>, %arg9: memref<64x32xf32, #tpu.memory_space<vmem>>, %arg10: memref<1x32xf32, #tpu.memory_space<vmem>>, %arg11: memref<3200x32xf32, #tpu.memory_space<vmem>>) attributes {dimension_semantics = [#tpu.dimension_semantics<arbitrary>], iteration_bounds = array<i64: 250>, scalar_prefetch = 0 : i64, scratch_operands = 0 : i64, tpu.core_type = #tpu.core_type<tc>, window_params = [{transform_indices = @transform_0, window_bounds = array<i64: 3200, 32>}, {transform_indices = @transform_1, window_bounds = array<i64: 3200, 32>}, {transform_indices = @transform_2, window_bounds = array<i64: 3200, 32>}, {transform_indices = @transform_3, window_bounds = array<i64: 3200, 32>}, {pipeline_mode = #tpu.pipeline_mode<synchronous>, transform_indices = @transform_4, window_bounds = array<i64: 128, 64>}, {pipeline_mode = #tpu.pipeline_mode<synchronous>, transform_indices = @transform_5, window_bounds = array<i64: 1, 64>}, {pipeline_mode = #tpu.pipeline_mode<synchronous>, transform_indices = @transform_6, window_bounds = array<i64: 64, 64>}, {pipeline_mode = #tpu.pipeline_mode<synchronous>, transform_indices = @transform_7, window_bounds = array<i64: 1, 64>}, {pipeline_mode = #tpu.pipeline_mode<synchronous>, transform_indices = @transform_8, window_bounds = array<i64: 64, 32>}, {pipeline_mode = #tpu.pipeline_mode<synchronous>, transform_indices = @transform_9, window_bounds = array<i64: 1, 32>}, {transform_indices = @transform_10, window_bounds = array<i64: 3200, 32>}]} {
    %get3A = arith.constant 0 : index
    %get3A_0 = arith.constant 0 : index
    %get3A_1 = vector.load %arg1[%get3A, %get3A_0] : memref<3200x32xf32, #tpu.memory_space<vmem>>, vector<3200x32xf32>
    %get3A_2 = arith.constant 0 : index
    %get3A_3 = arith.constant 0 : index
    %get3A_4 = vector.load %arg2[%get3A_2, %get3A_3] : memref<3200x32xf32, #tpu.memory_space<vmem>>, vector<3200x32xf32>
    %get3A_5 = arith.constant 0 : index
    %get3A_6 = arith.constant 0 : index
    %get3A_7 = vector.load %arg3[%get3A_5, %get3A_6] : memref<3200x32xf32, #tpu.memory_space<vmem>>, vector<3200x32xf32>
    %get3A_8 = arith.constant 0 : index
    %get3A_9 = arith.constant 0 : index
    %get3A_10 = vector.load %arg4[%get3A_8, %get3A_9] : memref<3200x32xf32, #tpu.memory_space<vmem>>, vector<3200x32xf32>
    %concatenate3A = tpu.concatenate %get3A_1, %get3A_4, %get3A_7, %get3A_10 in 1 : vector<3200x32xf32>, vector<3200x32xf32>, vector<3200x32xf32>, vector<3200x32xf32> -> vector<3200x128xf32>
    %get3A_11 = arith.constant 0 : index
    %get3A_12 = arith.constant 0 : index
    %get3A_13 = vector.load %arg5[%get3A_11, %get3A_12] : memref<128x64xf32, #tpu.memory_space<vmem>>, vector<128x64xf32>
    %get3A_14 = arith.constant 0 : index
    %get3A_15 = arith.constant 0 : index
    %get3A_16 = vector.load %arg6[%get3A_14, %get3A_15] : memref<1x64xf32, #tpu.memory_space<vmem>>, vector<1x64xf32>
    %get3A_17 = arith.constant 0 : index
    %get3A_18 = arith.constant 0 : index
    %get3A_19 = vector.load %arg7[%get3A_17, %get3A_18] : memref<64x64xf32, #tpu.memory_space<vmem>>, vector<64x64xf32>
    %get3A_20 = arith.constant 0 : index
    %get3A_21 = arith.constant 0 : index
    %get3A_22 = vector.load %arg8[%get3A_20, %get3A_21] : memref<1x64xf32, #tpu.memory_space<vmem>>, vector<1x64xf32>
    %get3A_23 = arith.constant 0 : index
    %get3A_24 = arith.constant 0 : index
    %get3A_25 = vector.load %arg9[%get3A_23, %get3A_24] : memref<64x32xf32, #tpu.memory_space<vmem>>, vector<64x32xf32>
    %get3A_26 = arith.constant 0 : index
    %get3A_27 = arith.constant 0 : index
    %get3A_28 = vector.load %arg10[%get3A_26, %get3A_27] : memref<1x32xf32, #tpu.memory_space<vmem>>, vector<1x32xf32>
    %dot_general3A = arith.constant dense<0.000000e+00> : vector<3200x64xf32>
    %dot_general3A_29 = tpu.matmul %concatenate3A, %get3A_13, %dot_general3A {dimension_numbers = #tpu.dot_dimension_numbers<[1], [0], [0], [1], [0, 0, 1, 1], [], []>, transpose_lhs_hint = false} : vector<3200x128xf32>, vector<128x64xf32>, vector<3200x64xf32> -> vector<3200x64xf32>
    %add3A = vector.broadcast %get3A_16 : vector<1x64xf32> to vector<3200x64xf32>
    %add3A_30 = arith.addf %dot_general3A_29, %add3A : vector<3200x64xf32>
    %max3A = arith.constant 0.000000e+00 : f32
    %max3A_31 = vector.broadcast %max3A : f32 to vector<3200x64xf32>
    %max3A_32 = arith.maximumf %add3A_30, %max3A_31 : vector<3200x64xf32>
    %abs3A = math.absf %add3A_30 : vector<3200x64xf32>
    %neg3A = arith.constant 0.000000e+00 : f32
    %neg3A_33 = vector.broadcast %neg3A : f32 to vector<3200x64xf32>
    %neg3A_34 = arith.subf %neg3A_33, %abs3A : vector<3200x64xf32>
    %exp3A = math.exp %neg3A_34 : vector<3200x64xf32>
    %log1p3A = math.log1p %exp3A : vector<3200x64xf32>
    %add3A_35 = arith.addf %max3A_32, %log1p3A : vector<3200x64xf32>
    %dot_general3A_36 = arith.constant dense<0.000000e+00> : vector<3200x64xf32>
    %dot_general3A_37 = tpu.matmul %add3A_35, %get3A_19, %dot_general3A_36 {dimension_numbers = #tpu.dot_dimension_numbers<[1], [0], [0], [1], [0, 0, 1, 1], [], []>, transpose_lhs_hint = false} : vector<3200x64xf32>, vector<64x64xf32>, vector<3200x64xf32> -> vector<3200x64xf32>
    %add3A_38 = vector.broadcast %get3A_22 : vector<1x64xf32> to vector<3200x64xf32>
    %add3A_39 = arith.addf %dot_general3A_37, %add3A_38 : vector<3200x64xf32>
    %max3A_40 = arith.constant 0.000000e+00 : f32
    %max3A_41 = vector.broadcast %max3A_40 : f32 to vector<3200x64xf32>
    %max3A_42 = arith.maximumf %add3A_39, %max3A_41 : vector<3200x64xf32>
    %abs3A_43 = math.absf %add3A_39 : vector<3200x64xf32>
    %neg3A_44 = arith.constant 0.000000e+00 : f32
    %neg3A_45 = vector.broadcast %neg3A_44 : f32 to vector<3200x64xf32>
    %neg3A_46 = arith.subf %neg3A_45, %abs3A_43 : vector<3200x64xf32>
    %exp3A_47 = math.exp %neg3A_46 : vector<3200x64xf32>
    %log1p3A_48 = math.log1p %exp3A_47 : vector<3200x64xf32>
    %add3A_49 = arith.addf %max3A_42, %log1p3A_48 : vector<3200x64xf32>
    %dot_general3A_50 = arith.constant dense<0.000000e+00> : vector<3200x32xf32>
    %dot_general3A_51 = tpu.matmul %add3A_49, %get3A_25, %dot_general3A_50 {dimension_numbers = #tpu.dot_dimension_numbers<[1], [0], [0], [1], [0, 0, 1, 1], [], []>, transpose_lhs_hint = false} : vector<3200x64xf32>, vector<64x32xf32>, vector<3200x32xf32> -> vector<3200x32xf32>
    %add3A_52 = vector.broadcast %get3A_28 : vector<1x32xf32> to vector<3200x32xf32>
    %add3A_53 = arith.addf %dot_general3A_51, %add3A_52 : vector<3200x32xf32>
    %swap3A = arith.constant 0 : index
    %swap3A_54 = arith.constant 0 : index
    %swap3A_55 = vector.load %arg11[%swap3A, %swap3A_54] : memref<3200x32xf32, #tpu.memory_space<vmem>>, vector<3200x32xf32>
    tpu.vector_store %arg11[%swap3A, %swap3A_54], %add3A_53 {strides = array<i32>} : memref<3200x32xf32, #tpu.memory_space<vmem>>, vector<3200x32xf32>,
    return
  }
  func.func @transform_0(%arg0: i32) -> (i32, i32) {
    %c0_i32 = arith.constant 0 : i32
    %c0_i32_0 = arith.constant 0 : i32
    return %arg0, %c0_i32 : i32, i32
  }
  func.func @transform_1(%arg0: i32) -> (i32, i32) {
    %c0_i32 = arith.constant 0 : i32
    %c0_i32_0 = arith.constant 0 : i32
    return %arg0, %c0_i32 : i32, i32
  }
  func.func @transform_2(%arg0: i32) -> (i32, i32) {
    %c0_i32 = arith.constant 0 : i32
    %c0_i32_0 = arith.constant 0 : i32
    return %arg0, %c0_i32 : i32, i32
  }
  func.func @transform_3(%arg0: i32) -> (i32, i32) {
    %c0_i32 = arith.constant 0 : i32
    %c0_i32_0 = arith.constant 0 : i32
    return %arg0, %c0_i32 : i32, i32
  }
  func.func @transform_4(%arg0: i32) -> (i32, i32) {
    %c0_i32 = arith.constant 0 : i32
    %c0_i32_0 = arith.constant 0 : i32
    %c0_i32_1 = arith.constant 0 : i32
    return %c0_i32, %c0_i32_0 : i32, i32
  }
  func.func @transform_5(%arg0: i32) -> (i32, i32) {
    %c0_i32 = arith.constant 0 : i32
    %c0_i32_0 = arith.constant 0 : i32
    %c0_i32_1 = arith.constant 0 : i32
    return %c0_i32, %c0_i32_0 : i32, i32
  }
  func.func @transform_6(%arg0: i32) -> (i32, i32) {
    %c0_i32 = arith.constant 0 : i32
    %c0_i32_0 = arith.constant 0 : i32
    %c0_i32_1 = arith.constant 0 : i32
    return %c0_i32, %c0_i32_0 : i32, i32
  }
  func.func @transform_7(%arg0: i32) -> (i32, i32) {
    %c0_i32 = arith.constant 0 : i32
    %c0_i32_0 = arith.constant 0 : i32
    %c0_i32_1 = arith.constant 0 : i32
    return %c0_i32, %c0_i32_0 : i32, i32
  }
  func.func @transform_8(%arg0: i32) -> (i32, i32) {
    %c0_i32 = arith.constant 0 : i32
    %c0_i32_0 = arith.constant 0 : i32
    %c0_i32_1 = arith.constant 0 : i32
    return %c0_i32, %c0_i32_0 : i32, i32
  }
  func.func @transform_9(%arg0: i32) -> (i32, i32) {
    %c0_i32 = arith.constant 0 : i32
    %c0_i32_0 = arith.constant 0 : i32
    %c0_i32_1 = arith.constant 0 : i32
    return %c0_i32, %c0_i32_0 : i32, i32
  }
  func.func @transform_10(%arg0: i32) -> (i32, i32) {
    %c0_i32 = arith.constant 0 : i32
    %c0_i32_0 = arith.constant 0 : i32
    return %arg0, %c0_i32 : i32, i32
  }
}

module attributes {stable_mosaic.version = 14 : i64} {
  func.func @_glob_kernel(%arg0: memref<2000x32xf32, #tpu.memory_space<vmem>>, %arg1: memref<2000x32xf32, #tpu.memory_space<vmem>>, %arg2: memref<2000x1xf32, #tpu.memory_space<vmem>>, %arg3: memref<2000x32xf32, #tpu.memory_space<vmem>>, %arg4: memref<2000x1xf32, #tpu.memory_space<vmem>>, %arg5: memref<96x64xf32, #tpu.memory_space<vmem>>, %arg6: memref<1x64xf32, #tpu.memory_space<vmem>>, %arg7: memref<64x64xf32, #tpu.memory_space<vmem>>, %arg8: memref<1x64xf32, #tpu.memory_space<vmem>>, %arg9: memref<64x32xf32, #tpu.memory_space<vmem>>, %arg10: memref<1x32xf32, #tpu.memory_space<vmem>>, %arg11: memref<2000x32xf32, #tpu.memory_space<vmem>>) attributes {dimension_semantics = [], scalar_prefetch = 0 : i64, scratch_operands = 0 : i64, tpu.core_type = #tpu.core_type<tc>} {
    %get3A = arith.constant 0 : index
    %get3A_0 = arith.constant 0 : index
    %get3A_1 = vector.load %arg1[%get3A, %get3A_0] : memref<2000x32xf32, #tpu.memory_space<vmem>>, vector<2000x32xf32>
    %get3A_2 = arith.constant 0 : index
    %get3A_3 = arith.constant 0 : index
    %get3A_4 = vector.load %arg2[%get3A_2, %get3A_3] : memref<2000x1xf32, #tpu.memory_space<vmem>>, vector<2000x1xf32>
    %max3A = arith.constant 1.000000e+00 : f32
    %max3A_5 = vector.broadcast %max3A : f32 to vector<2000x1xf32>
    %max3A_6 = arith.maximumf %get3A_4, %max3A_5 : vector<2000x1xf32>
    %div3A = vector.broadcast %max3A_6 : vector<2000x1xf32> to vector<2000x32xf32>
    %div3A_7 = arith.divf %get3A_1, %div3A : vector<2000x32xf32>
    %get3A_8 = arith.constant 0 : index
    %get3A_9 = arith.constant 0 : index
    %get3A_10 = vector.load %arg3[%get3A_8, %get3A_9] : memref<2000x32xf32, #tpu.memory_space<vmem>>, vector<2000x32xf32>
    %get3A_11 = arith.constant 0 : index
    %get3A_12 = arith.constant 0 : index
    %get3A_13 = vector.load %arg4[%get3A_11, %get3A_12] : memref<2000x1xf32, #tpu.memory_space<vmem>>, vector<2000x1xf32>
    %max3A_14 = arith.constant 1.000000e+00 : f32
    %max3A_15 = vector.broadcast %max3A_14 : f32 to vector<2000x1xf32>
    %max3A_16 = arith.maximumf %get3A_13, %max3A_15 : vector<2000x1xf32>
    %div3A_17 = vector.broadcast %max3A_16 : vector<2000x1xf32> to vector<2000x32xf32>
    %div3A_18 = arith.divf %get3A_10, %div3A_17 : vector<2000x32xf32>
    %get3A_19 = arith.constant 0 : index
    %get3A_20 = arith.constant 0 : index
    %get3A_21 = vector.load %arg0[%get3A_19, %get3A_20] : memref<2000x32xf32, #tpu.memory_space<vmem>>, vector<2000x32xf32>
    %concatenate3A = tpu.concatenate %get3A_21, %div3A_7, %div3A_18 in 1 : vector<2000x32xf32>, vector<2000x32xf32>, vector<2000x32xf32> -> vector<2000x96xf32>
    %get3A_22 = arith.constant 0 : index
    %get3A_23 = arith.constant 0 : index
    %get3A_24 = vector.load %arg5[%get3A_22, %get3A_23] : memref<96x64xf32, #tpu.memory_space<vmem>>, vector<96x64xf32>
    %get3A_25 = arith.constant 0 : index
    %get3A_26 = arith.constant 0 : index
    %get3A_27 = vector.load %arg6[%get3A_25, %get3A_26] : memref<1x64xf32, #tpu.memory_space<vmem>>, vector<1x64xf32>
    %get3A_28 = arith.constant 0 : index
    %get3A_29 = arith.constant 0 : index
    %get3A_30 = vector.load %arg7[%get3A_28, %get3A_29] : memref<64x64xf32, #tpu.memory_space<vmem>>, vector<64x64xf32>
    %get3A_31 = arith.constant 0 : index
    %get3A_32 = arith.constant 0 : index
    %get3A_33 = vector.load %arg8[%get3A_31, %get3A_32] : memref<1x64xf32, #tpu.memory_space<vmem>>, vector<1x64xf32>
    %get3A_34 = arith.constant 0 : index
    %get3A_35 = arith.constant 0 : index
    %get3A_36 = vector.load %arg9[%get3A_34, %get3A_35] : memref<64x32xf32, #tpu.memory_space<vmem>>, vector<64x32xf32>
    %get3A_37 = arith.constant 0 : index
    %get3A_38 = arith.constant 0 : index
    %get3A_39 = vector.load %arg10[%get3A_37, %get3A_38] : memref<1x32xf32, #tpu.memory_space<vmem>>, vector<1x32xf32>
    %dot_general3A = arith.constant dense<0.000000e+00> : vector<2000x64xf32>
    %dot_general3A_40 = tpu.matmul %concatenate3A, %get3A_24, %dot_general3A {dimension_numbers = #tpu.dot_dimension_numbers<[1], [0], [0], [1], [0, 0, 1, 1], [], []>, transpose_lhs_hint = false} : vector<2000x96xf32>, vector<96x64xf32>, vector<2000x64xf32> -> vector<2000x64xf32>
    %add3A = vector.broadcast %get3A_27 : vector<1x64xf32> to vector<2000x64xf32>
    %add3A_41 = arith.addf %dot_general3A_40, %add3A : vector<2000x64xf32>
    %max3A_42 = arith.constant 0.000000e+00 : f32
    %max3A_43 = vector.broadcast %max3A_42 : f32 to vector<2000x64xf32>
    %max3A_44 = arith.maximumf %add3A_41, %max3A_43 : vector<2000x64xf32>
    %abs3A = math.absf %add3A_41 : vector<2000x64xf32>
    %neg3A = arith.constant 0.000000e+00 : f32
    %neg3A_45 = vector.broadcast %neg3A : f32 to vector<2000x64xf32>
    %neg3A_46 = arith.subf %neg3A_45, %abs3A : vector<2000x64xf32>
    %exp3A = math.exp %neg3A_46 : vector<2000x64xf32>
    %log1p3A = math.log1p %exp3A : vector<2000x64xf32>
    %add3A_47 = arith.addf %max3A_44, %log1p3A : vector<2000x64xf32>
    %dot_general3A_48 = arith.constant dense<0.000000e+00> : vector<2000x64xf32>
    %dot_general3A_49 = tpu.matmul %add3A_47, %get3A_30, %dot_general3A_48 {dimension_numbers = #tpu.dot_dimension_numbers<[1], [0], [0], [1], [0, 0, 1, 1], [], []>, transpose_lhs_hint = false} : vector<2000x64xf32>, vector<64x64xf32>, vector<2000x64xf32> -> vector<2000x64xf32>
    %add3A_50 = vector.broadcast %get3A_33 : vector<1x64xf32> to vector<2000x64xf32>
    %add3A_51 = arith.addf %dot_general3A_49, %add3A_50 : vector<2000x64xf32>
    %max3A_52 = arith.constant 0.000000e+00 : f32
    %max3A_53 = vector.broadcast %max3A_52 : f32 to vector<2000x64xf32>
    %max3A_54 = arith.maximumf %add3A_51, %max3A_53 : vector<2000x64xf32>
    %abs3A_55 = math.absf %add3A_51 : vector<2000x64xf32>
    %neg3A_56 = arith.constant 0.000000e+00 : f32
    %neg3A_57 = vector.broadcast %neg3A_56 : f32 to vector<2000x64xf32>
    %neg3A_58 = arith.subf %neg3A_57, %abs3A_55 : vector<2000x64xf32>
    %exp3A_59 = math.exp %neg3A_58 : vector<2000x64xf32>
    %log1p3A_60 = math.log1p %exp3A_59 : vector<2000x64xf32>
    %add3A_61 = arith.addf %max3A_54, %log1p3A_60 : vector<2000x64xf32>
    %dot_general3A_62 = arith.constant dense<0.000000e+00> : vector<2000x32xf32>
    %dot_general3A_63 = tpu.matmul %add3A_61, %get3A_36, %dot_general3A_62 {dimension_numbers = #tpu.dot_dimension_numbers<[1], [0], [0], [1], [0, 0, 1, 1], [], []>, transpose_lhs_hint = false} : vector<2000x64xf32>, vector<64x32xf32>, vector<2000x32xf32> -> vector<2000x32xf32>
    %add3A_64 = vector.broadcast %get3A_39 : vector<1x32xf32> to vector<2000x32xf32>
    %add3A_65 = arith.addf %dot_general3A_63, %add3A_64 : vector<2000x32xf32>
    %swap3A = arith.constant 0 : index
    %swap3A_66 = arith.constant 0 : index
    %swap3A_67 = vector.load %arg11[%swap3A, %swap3A_66] : memref<2000x32xf32, #tpu.memory_space<vmem>>, vector<2000x32xf32>
    tpu.vector_store %arg11[%swap3A, %swap3A_66], %add3A_65 {strides = array<i32>} : memref<2000x32xf32, #tpu.memory_space<vmem>>, vector<2000x32xf32>,
    return
  }
}

</mosaic_0001>

<sc_bundles>
// kernel: gather_offload_async_start.1
scs
__scs_entry_jumppad:
0x0: {  	(pc) =	sbr.rel $0x88, $3  }
0x1: {  	(tag) =	ssettag $0x0;
	lr =	simm.s32 $0x1  }
0x2: {  	[smem:$0x3F89] =	sst lr;
	_ =	strace $0xD0000000  }
0x3: {  	_ = 	snop  }
0x4: {  	_ = 	snop  }
0x5: {  	_ = 	snop  }
0x6: {  	_ = 	snop  }
0x7: {  	_ = 	snop  }
__scs_overlays_trampoline_lowered:
0x8: {  	[smem:$0x3F98] =	sst s0  }
0x9: {  	[smem:$0x3F99] =	sst s1  }
0xa: {  	[smem:$0x3F9A] =	sst s2  }
0xb: {  	[smem:$0x3F9B] =	sst s3  }
0xc: {  	[smem:$0x3F9C] =	sst s4  }
0xd: {  	[smem:$0x3F9D] =	sst s5  }
0xe: {  	[smem:$0x3F9E] =	sst s6  }
0xf: {  	[smem:$0x3F9F] =	sst s7  }
0x10: {  	[smem:$0x3FA0] =	sst s8  }
0x11: {  	[smem:$0x3FA1] =	sst s9;
	s0 =	simm.s32 @!p0 $0x0  }
0x12: {  	s1 =	sld [smem:$0x3F87];
	s0 =	simm.s32 @p0 $0x1  }
0x13: {  	[smem:$0x3FA2] =	sst s0;
	s0 =	simm.s32 @!p1 $0x0  }
0x14: {  	s2 =	sld [smem:$0x3F86];
	s0 =	simm.s32 @p1 $0x1  }
0x15: {  	[smem:$0x3FA3] =	sst s0;
	s0 =	simm.s32 @!p2 $0x0  }
0x16: {  	s3 =	sld [smem:$0x3FDB];
	s0 =	simm.s32 @p2 $0x1  }
0x17: {  	s4 =	simm.s32 $0x1BF5;
	[smem:$0x3FA5] =	sst s0  }
0x18: {  	s0 =	sld [smem:$0x3F88];
	_ =	swait.ge [sflag:s4], $0x0  }
0x19: {  	s7 =	sld [smem:$0x3F89]  }
0x1a: {  	s8 =	sadd.s32 $0xFFFFE003, lr  }
0x1b: {  	s9 =	sadd.s32 $0xFFFFFEF7, lr;
	s5 =	simm.s32 $0xFFFFFFFF;
	p2 =	slt.u32 s8, $0xFFFFF086  }
0x1c: {  	p1 =	slt.u32 s9, $0xF7A;
	s5 =	simm.s32 @!p2 $0x0  }
0x1d: {  	s5 =	simm.s32 @p1 $0x1;
	p0 =	seq.s32 s7, s2  }
0x1e: {  	s7 =	smul.u32 @!p0 $0xF7A, s2;
	p2 =	seq.s32 @!p0 s5, $0x0  }
0x1f: {  	s9 =	smul.u32 $0xF7A, s1;
	s8 =	simm.s32 @!p0 $0x1BF5;
	p2 =	por !p2, p0  }
0x20: {  	[sflag:s8] =	ssyncset.s32 @!p0 $0xFFFFF086;
	s6 =	sadd.s32 @!p0 s3, s7;
	s7 =	simm.s32 @!p0 $0x108  }
0x21: {  	s3 =	sadd.s32 s3, s9;
	s6 =	sadd.s32 @!p0 $0x88, s6;
	s7 =	simm.s32 @p2 $0x1082  }
0x22: {  	[simem:s7], [sflag:s8] =	dma.local @!p0 [hbm:s6], $0xF7A  }
0x23: {  	s9 =	sor.u32 $0xD0000000, s2;
	s6 =	simm.s32 $0x108;
	_ =	swait.ge @!p0 [sflag:s8], $0x0  }
0x24: {  	s3 =	sadd.s32 $0x88, s3;
	s6 =	simm.s32 @!p1 $0x1082;
	[sflag:s4] =	ssyncset.s32 $0xFFFFF086  }
0x25: {  	[simem:s6], [sflag:s4] =	dma.local [hbm:s3], $0xF7A  }
0x26: {  	[smem:$0x3F89] =	sst s1;
	(tag) =	ssettag s2;
	_ =	strace s9  }
0x27: {  	s1 =	sld [smem:$0x3F99]  }
0x28: {  	s2 =	sld [smem:$0x3F9A]  }
0x29: {  	s4 =	sld [smem:$0x3F9C]  }
0x2a: {  	p0 =	seq.s32 s5, $0x0;
	s5 =	sld [smem:$0x3F9D]  }
0x2b: {  	s6 =	sld [smem:$0x3F9E]  }
0x2c: {  	s7 =	sld [smem:$0x3F9F]  }
0x2d: {  	s3 =	simm.s32 $0x108;
	s8 =	sld [smem:$0x3FA0]  }
0x2e: {  	s3 =	simm.s32 @!p0 $0x1082;
	s9 =	sld [smem:$0x3FA1]  }
0x2f: {  	lr =	sadd.s32 s0, s3;
	s0 =	sld [smem:$0x3F98]  }
0x30: {  	s3 =	sld [smem:$0x3F9B]  }
0x31: {  	[smem:$0x3FA4] =	sst s10  }
0x32: {  	s10 =	sld [smem:$0x3FA2];
	_ =	sdelay $0x3  }
0x33: {  	p0 =	seq.s32 s10, $0x1;
	s10 =	sld [smem:$0x3FA4];
	_ =	sdelay $0x3  }
0x34: {  	[smem:$0x3FA4] =	sst s10  }
0x35: {  	s10 =	sld [smem:$0x3FA3];
	_ =	sdelay $0x3  }
0x36: {  	p1 =	seq.s32 s10, $0x1;
	s10 =	sld [smem:$0x3FA4];
	_ =	sdelay $0x3  }
0x37: {  	[smem:$0x3FA4] =	sst s10  }
0x38: {  	s10 =	sld [smem:$0x3FA5]  }
0x39: {  	_ = 	snop;
	(pc) =	sbr.ind lr, $3  }
0x3a: {  	_ = 	snop  }
0x3b: {  	_ = 	snop  }
0x3c: {  	p2 =	seq.s32 s10, $0x1;
	s10 =	sld [smem:$0x3FA4]  }
0x3d: {  	_ =	shalt  }
0x3e: {  	_ =	shalt  }
0x3f: {  	_ =	shalt  }
0x40: {  	_ =	shalt  }
0x41: {  	_ =	shalt  }
0x42: {  	_ =	shalt  }
0x43: {  	_ =	shalt  }
0x44: {  	_ =	shalt  }
0x45: {  	_ =	shalt  }
0x46: {  	_ =	shalt  }
0x47: {  	_ =	shalt  }
0x48: {  	_ =	shalt  }
0x49: {  	_ =	shalt  }
0x4a: {  	_ =	shalt  }
0x4b: {  	_ =	shalt  }
0x4c: {  	_ =	shalt  }
0x4d: {  	_ =	shalt  }
0x4e: {  	_ =	shalt  }
0x4f: {  	_ =	shalt  }
0x50: {  	_ =	shalt  }
0x51: {  	_ =	shalt  }
0x52: {  	_ =	shalt  }
0x53: {  	_ =	shalt  }
0x54: {  	_ =	shalt  }
0x55: {  	_ =	shalt  }
0x56: {  	_ =	shalt  }
0x57: {  	_ =	shalt  }
0x58: {  	_ =	shalt  }
0x59: {  	_ =	shalt  }
0x5a: {  	_ =	shalt  }
0x5b: {  	_ =	shalt  }
0x5c: {  	_ =	shalt  }
0x5d: {  	_ =	shalt  }
0x5e: {  	_ =	shalt  }
0x5f: {  	_ =	shalt  }
0x60: {  	_ =	shalt  }
0x61: {  	_ =	shalt  }
0x62: {  	_ =	shalt  }
0x63: {  	_ =	shalt  }
0x64: {  	_ =	shalt  }
0x65: {  	_ =	shalt  }
0x66: {  	_ =	shalt  }
0x67: {  	_ =	shalt  }
0x68: {  	_ =	shalt  }
0x69: {  	_ =	shalt  }
0x6a: {  	_ =	shalt  }
0x6b: {  	_ =	shalt  }
0x6c: {  	_ =	shalt  }
0x6d: {  	_ =	shalt  }
0x6e: {  	_ =	shalt  }
0x6f: {  	_ =	shalt  }
0x70: {  	_ =	shalt  }
0x71: {  	_ =	shalt  }
0x72: {  	_ =	shalt  }
0x73: {  	_ =	shalt  }
0x74: {  	_ =	shalt  }
0x75: {  	_ =	shalt  }
0x76: {  	_ =	shalt  }
0x77: {  	_ =	shalt  }
0x78: {  	_ =	shalt  }
0x79: {  	_ =	shalt  }
0x7a: {  	_ =	shalt  }
0x7b: {  	_ =	shalt  }
0x7c: {  	_ =	shalt  }
0x7d: {  	_ =	shalt  }
0x7e: {  	_ =	shalt  }
0x7f: {  	_ =	shalt  }
0x80: {  	_ =	shalt  }
0x81: {  	_ =	shalt  }
0x82: {  	_ =	shalt  }
0x83: {  	_ =	shalt  }
0x84: {  	_ =	shalt  }
0x85: {  	_ =	shalt  }
0x86: {  	_ =	shalt  }
0x87: {  	_ =	shalt  }
.Lfunc_end0:
.L_simem_size_0:
called_computation.6_lowered:
.L_overlay_start_0:
0x88: {  	s0 =	sld [smem:$0x3FD9]  }
0x89: {  	s1 =	sld [smem:$0x3FFE];
	_ =	sdelay $0x3  }
0x8a: {  	s0 =	sadd.s32 s1, s0  }
0x8b: {  	[smem:$0x3FB0] =	sst s0  }
0x8c: {  	_ = 	snop  }
0x8d: {  	(tm) =	ssettm $0x1  }
0x8e: {  	s15 =	sld [smem:$0x3FFB];
	_ =	sdelay $0x3  }
0x8f: {  	_ =	strace s15  }
0x90: {  	s0 =	sld [smem:$0x3FFC];
	_ =	sdelay $0x3  }
0x91: {  	_ =	strace s0  }
0x92: {  	s0 =	sld [smem:$0x3FFD];
	_ =	sdelay $0x3  }
0x93: {  	_ =	strace s0  }
0x94: {  	_ =	strace $0x8FFFFFFF  }
0x95: {  	s16 =	sld [smem:$0x3FDB];
	_ =	sdelay $0x1  }
0x96: {  	s17 =	simm.s32 $_scs_section_size  }
0x97: {  	s2 =	simm.s32 $_size__tile_overlayer_lowered;
	s3 =	simm.s32 $_tile_overlayer_lowered  }
0x98: {  	s20 =	simm.s32 $0x1BFF;
	s19 =	sshll.u32 s3, $0x1;
	s0 =	sadd.s32 s17, s16  }
0x99: {  	s4 =	simm.s32 $0x0;
	s18 =	sshll.u32 s2, $0x1;
	s2 =	sadd.s32 s19, s0  }
0x9a: {  	[timem:s4], [sflag:s20] =	dma.local [hbm:s2], s18  }
0x9b: {  	_ =	swait.ge [sflag:s20], s18  }
0x9c: {  	s1 =	ssub.s32 $0x0, s18;
	[sflag:s20] =	ssyncset.done $0x0  }
0x9d: {  	[sflag:s20] =	ssyncadd.s32 s1;
	_ =	sdelay $0x1  }
0x9e: {  	s21 =	simm.s32 $0x1B8B  }
0x9f: {  	_ =	swait.ge [sflag:s21], $0x1  }
0xa0: {  	[sflag:s21] =	ssyncset.done $0x0  }
0xa1: {  	s23 =	simm.s32 $0x1B8E;
	s22 =	sld [smem:$0x3FFE];
	[sflag:s21] =	ssyncadd.s32 $0xFFFFFFFF  }
0xa2: {  	s24 =	simm.s32 $execute0_lowered;
	[smem:$0x3FD2] =	sst s23  }
0xa3: {  	s2 =	sshll.u32 s24, $0x1;
	_ =	strace $0x80000055;
	[dreg:$0x1] =	wrdreg $0xFFFFFFFF  }
0xa4: {  	s25 =	simm.s32 $_size_execute0_lowered;
	s0 =	sadd.s32 s0, s2;
	[dreg:$0x0] =	wrdreg $0x0  }
0xa5: {  	s2 =	sshll.u32 s25, $0x1;
	[dreg:$0x2] =	wrdreg s0  }
0xa6: {  	[dreg:$0x3] =	wrdreg s2  }
0xa7: {  	[dreg:$0x4] =	wrdreg $0xC0  }
0xa8: {  	_ =	task [dreg:s4], $0x5FFFF  }
0xa9: {  	[dreg:$0x1] =	wrdreg $0xFFFFFFFF  }
0xaa: {  	[dreg:$0x0] =	wrdreg $0x60  }
0xab: {  	[dreg:$0x2] =	wrdreg s22  }
0xac: {  	[dreg:$0x3] =	wrdreg $0xA  }
0xad: {  	_ =	task.clear_ibuf [dreg:s4], $0x4FFFF;
	_ =	strace $0x90000055  }
0xae: {  	s26 =	simm.s32 $0xA;
	_ =	strace $0x80000057  }
0xaf: {  	_ =	swait.ge [sflag:s26], $0x1  }
0xb0: {  	[sflag:s26] =	ssyncadd.s32 $0xFFFFFFFF  }
0xb1: {  	_ =	strace $0x90000057  }
0xb2: {  	_ =	sfence  }
0xb3: {  	s28 =	sld [smem:$0x0];
	_ =	sdelay $0x1  }
0xb4: {  	s29 =	srdreg.scid  }
0xb5: {  	s30 =	sshll.u32 s29, $0xD;
	s31 =	sshrl.u32 s29, $0x2  }
0xb6: {  	s1 =	sand.u32 $0x1, s29;
	s2 =	sand.u32 $0x4000, s30;
	s0 =	sadd.s32 s31, s28  }
0xb7: {  	s1 =	sor.u32 s2, s1;
	s0 =	sshll.u32 s0, $0x11  }
0xb8: {  	s0 =	sor.u32 s0, s1  }
0xb9: {  	s0 =	sadd.s32 $0x8F2B, s0  }
0xba: {  	[sflag:s0] =	ssyncadd.remote.s32 $0x1  }
0xbb: {  	_ =	sfence.sel $0xFFFF  }
0xbc: {  	[dreg:$0x0] =	wrdreg $0xFFFFFFFF;
	(pc) =	sbr.abs _section_cstart, $3  }
0xbd: {  	[dreg:$0x1] =	wrdreg $0xFFFFFFFF  }
0xbe: {  	_ =	task.clear_ibuf [dreg:s4], $0x2FFFF;
	_ =	strace $0x9FFFFFFF  }
0xbf: {  	(tm) =	ssettm $0x7FFFFFFF  }
tec
execute0_lowered:
.L_overlay_start_1:
0x0: {  	(tag) =	ssettag $0x1  }
0x1: {  	s0 =	stileid.u32  }
0x2: {  	s1 =	smin.u32 s0, $0x9  }
0x3: {  	s1 =	sadd.s32 s0, s1  }
0x4: {  	p0 =	slt.u32 s0, $0x9;
	s2 =	smul.u32 $0x50, s1;
	s1 =	simm.s32 $0xA0  }
0x5: {  	s1 =	simm.s32 @!p0 $0x50  }
0x6: {  	s1 =	sadd.s32 s1, s2  }
0x7: {  	s3 =	smin.u32 s1, $0x7D0  }
0x8: {  	s7 =	ssub.s32 s3, s2  }
0x9: {  	p0 =	sgt.s32 s7, $0x0  }
0xa: {  	s7 =	simm.s32 @!p0 $0x0  }
0xb: {  	s4 =	smul.u32 $0xCCCD, s7  }
0xc: {  	s9 =	rddreg [dreg:$0x0];
	s6 =	simm.s32 $0x1;
	s11 =	simm.s32 $0x3  }
0xd: {  	s13 =	simm.s32 $0x0;
	s12 =	simm.s32 $0x0;
	s8 =	sshrl.u32 s4, $0x16  }
0xe: {  	s1 =	rddreg [dreg:$0x1];
	_ =	strace $0x80000056;
	s10 =	smul.u32 $0x50, s8  }
.Ltmp0:
0xf: {  	s5 =	sadd.s32 $0xC59800, s9;
	[sflag:s6] =	ssyncpa.u1 $0x0;
	(pc) =	sbr.rel .LBB2_1-.Ltmp0, $4  }
0x10: {  	s4 =	sadd.s32 $0x311400, s9;
	p0 =	sne.s32 s7, s10;
	s10 =	simm.s32 $0x1  }
0x11: {  	s9 =	sadd.s32 $0xC59C00, s9;
	s7 =	simm.s32 $0x2;
	s10 =	simm.s32 @!p0 $0x0  }
0x12: {  	[sflag:s7] =	ssyncpa.u1 $0x0;
	p0 =	por $0x0, $0x0;
	s8 =	sadd.s32 s8, s10  }
0x13: {  	vm0 =	vmmov $0xff;
	vm1 =	vcmask $0x3F20;
	[sflag:s11] =	ssyncpa.u1 $0x0;
	s11 =	smov.u32 s2;
	s10 =	sadd.s32 $0x1, s8  }
.LBB2_6:
0x14: {  	[hbm:s17] =	stream.linear.scatter [tilespmem:s14], [sflag:$0x3], $0x400, $0x38;
	[tilespmem:$0x50A0] =	vst v63  }
.LBB2_7:
0x15: {  	s13 =	sadd.s32 $0x50, s11  }
0x16: {  	s15 =	smov.u32 s2;
	p2 =	slt.s32 s13, s3  }
0x17: {  	s15 =	smov.u32 @p2 s13;
	p2 =	sne.s32 s12, s10  }
.Ltmp1:
0x18: {  	p1 =	slt.u32 s12, $0x2;
	(pc) =	sbr.rel @!p2 .LBB2_8-.Ltmp1, $4  }
0x19: {  	s14 =	simm.s32 @!p1 $0x3  }
0x1a: {  	s16 =	sadd.s32 $0x1, s12;
	_ =	swait.ge @!p1 [sflag:s14], $0x2800  }
0x1b: {  	p0 =	por !p0, !p0;
	s13 =	smov.u32 s11;
	[sflag:s14] =	ssyncset.done @!p1 $0x0  }
0x1c: {  	s12 =	smov.u32 s16;
	s11 =	smov.u32 s15;
	[sflag:s14] =	ssyncadd.s32 @!p1 $0xFFFFD800  }
.LBB2_1:
0x1d: {  	p1 =	sge.u32 s12, s8  }
0x1e: {  	s14 =	sxor.u32 @!p1 $0xFFFFFFFF, s12  }
0x1f: {  	s14 =	sand.u32 @!p1 $0x1, s14  }
0x20: {  	s14 =	smul.u32 @!p1 $0x140, s14  }
0x21: {  	s31 =	sadd.s32 $0xFFFFFFFF, s12;
	s15 =	sshrl.u32 @!p1 s11, $0x3  }
0x22: {  	s16 =	sand.u32 @!p1 $0x7, s11;
	s15 =	sadd.s32 @!p1 s5, s15;
	s14 =	sshrl.u32 @!p1 s14, $0x2  }
0x23: {  	[tilespmem:s14], [sflag:$0x2] =	stream.linear.gather @!p1 [hbm4b:s15+s16], $0x50, $0x38;
	[tilespmem:$0x50A0] =	vst v63  }
0x24: {  	p1 =	sge.u32 s31, s8  }
.Ltmp2:
0x25: {  	_ = 	snop;
	(pc) =	sbr.rel @p1 .LBB2_7-.Ltmp2, $1  }
0x26: {  	_ =	sdelay $0x3  }
0x27: {  	s14 =	simm.s32 $0x1  }
0x28: {  	s14 =	simm.s32 @!p0 $0x0  }
0x29: {  	s15 =	smul.u32 $0x140, s14  }
0x2a: {  	_ =	swait.ge [sflag:s7], $0x50  }
0x2b: {  	[sflag:s7] =	ssyncset.done $0x0;
	s16 =	sshrl.u32 s15, $0x2  }
0x2c: {  	[sflag:s7] =	ssyncadd.s32 $0xFFFFFFB0;
	s15 =	sadd.s32 $0x0, s16  }
0x2d: {  	v0 =	vld.msk [tilespmem:s15+$0x0 ss:$0x1], $0xffff;
	_ =	sdelay $0x4  }
0x2e: {  	vm2 =	vgt.s32 v0, $0x0  }
0x2f: {  	v0 =	vnsel vm2, $0x0, v0  }
0x30: {  	v0 =	vmin.u32 v0, $0x186A0  }
0x31: {  	v0 =	vshll.u32 v0, $0x4  }
0x32: {  	s14 =	smul.u32 $0xA000, s14;
	_ =	sdelay $0x1  }
0x33: {  	s14 =	sshrl.u32 s14, $0x2  }
0x34: {  	s14 =	sor.u32 $0xA0, s14  }
0x35: {  	[tilespmem:s14], [sflag:$0x1] =	stream.indirect_vreg.gather [hbm:s4], $0x80, v0, vm0, $0x38;
	[tilespmem:$0x50A0] =	vst v63  }
0x36: {  	s17 =	sadd.s32 $0x10, s16;
	s15 =	sadd.s32 $0x400, s14  }
0x37: {  	[tilespmem:s15], [sflag:$0x1] =	stream.indirect_vreg.gather [hbm:s4], $0x80, v0, vm1, $0x38;
	[tilespmem:$0x50A0] =	vst v63  }
0x38: {  	s18 =	simm.s32 $0x80;
	v0 =	vld.msk [tilespmem:s17+$0x0 ss:$0x1], $0xffff;
	s17 =	smov.u32 s14  }
.LBB2_3:
0x39: {  	p1 =	sne.s32 s18, $0x100;
	_ =	sdelay $0x4  }
0x3a: {  	vm2 =	vgt.s32 v0, $0x0  }
0x3b: {  	v0 =	vnsel vm2, $0x0, v0  }
0x3c: {  	v0 =	vmin.u32 v0, $0x186A0  }
0x3d: {  	v0 =	vshll.u32 v0, $0x4;
	_ =	sdelay $0x3  }
.Ltmp3:
0x3e: {  	s19 =	sshra.s32 s18, $0x2;
	s17 =	sadd.s32 $0x800, s17;
	(pc) =	sbr.rel @p1 .LBB2_3-.Ltmp3, $4  }
0x3f: {  	[tilespmem:s17], [sflag:$0x1] =	stream.indirect_vreg.gather [hbm:s4], $0x80, v0, vm0, $0x38;
	[tilespmem:$0x50A0] =	vst v63  }
0x40: {  	s19 =	sadd.s32 s19, s16;
	s20 =	sadd.s32 $0x400, s17  }
0x41: {  	[tilespmem:s20], [sflag:$0x1] =	stream.indirect_vreg.gather [hbm:s4], $0x80, v0, vm1, $0x38;
	[tilespmem:$0x50A0] =	vst v63  }
0x42: {  	s18 =	sadd.s32 $0x40, s18;
	v0 =	vld.msk [tilespmem:s19+$0x0 ss:$0x1], $0xffff  }
0x43: {  	_ =	sdelay $0x3  }
0x44: {  	vm2 =	vgt.s32 v0, $0x0  }
0x45: {  	v0 =	vnsel vm2, $0x0, v0  }
0x46: {  	v0 =	vmin.u32 v0, $0x186A0  }
0x47: {  	v0 =	vshll.u32 v0, $0x4;
	_ =	sdelay $0x3  }
0x48: {  	s16 =	sadd.s32 $0x800, s17  }
0x49: {  	[tilespmem:s16], [sflag:$0x1] =	stream.indirect_vreg.gather [hbm:s4], $0x80, v0, vm0, $0x38;
	[tilespmem:$0x50A0] =	vst v63  }
0x4a: {  	s16 =	sadd.s32 $0x400, s16  }
0x4b: {  	[tilespmem:s16], [sflag:$0x1] =	stream.indirect_vreg.gather [hbm:s4], $0x80, v0, vm1, $0x38;
	[tilespmem:$0x50A0] =	vst v63  }
0x4c: {  	s13 =	sshll.u32 s13, $0x4;
	_ =	swait.ge [sflag:s6], $0x2800  }
0x4d: {  	s13 =	sadd.s32 s13, s9;
	[sflag:s6] =	ssyncset.done $0x0  }
0x4e: {  	s17 =	sadd.s32 $0x0, s13;
	s16 =	simm.s32 $0x80;
	[sflag:s6] =	ssyncadd.s32 $0xFFFFD800  }
.LBB2_5:
0x4f: {  	[hbm:s17] =	stream.linear.scatter [tilespmem:s14], [sflag:$0x3], $0x400, $0x38;
	[tilespmem:$0x50A0] =	vst v63  }
0x50: {  	s17 =	smov.u32 s16;
	s14 =	smov.u32 s15;
	p1 =	sne.s32 s16, $0x480  }
.Ltmp4:
0x51: {  	s16 =	sadd.s32 $0x80, s16;
	(pc) =	sbr.rel @p1 .LBB2_5-.Ltmp4, $2  }
0x52: {  	_ =	sdelay $0x2  }
0x53: {  	s15 =	sadd.s32 $0x400, s15;
	s17 =	sadd.s32 s17, s13  }
.Ltmp5:
0x54: {  	_ = 	snop;
	(pc) =	sbr.rel .LBB2_6-.Ltmp5, $1  }
0x55: {  	_ =	sdelay $0x3  }
.LBB2_8:
0x56: {  	_ =	sfence.sel $0x180000  }
0x57: {  	s2 =	simm.s32 $0x2;
	[bflag:$0x0] =	sbarrier.arrive $0xFFFF  }
0x58: {  	s30 =	simm.s32 $0x3;
	[sflag:s2] =	ssyncpa.u1 $0x1  }
0x59: {  	s31 =	simm.s32 $0x1;
	[sflag:s30] =	ssyncpa.u1 $0x1  }
0x5a: {  	[sflag:s31] =	ssyncpa.u1 $0x1  }
0x5b: {  	p0 =	sne.s32 s0, $0x0;
	_ =	strace $0x90000056  }
0x5c: {  	s0 =	sadd.s32 @!p0 $0x100000, s1;
	[bflag:$0x2] =	sbarrier.arrive $0xFFFF  }
0x5d: {  	[sflag:s0] =	ssyncadd.tile.s32 @!p0 $0x1;
	_ =	shalt  }
.Lfunc_end2:
_tile_overlayer_lowered:
.L_overlay_start_2:
0x5e: {  	(tag) =	ssettag $0x2  }
0x5f: {  	s0 =	rddreg [dreg:$0x0];
	s2 =	stileid.u32  }
0x60: {  	s1 =	rddreg [dreg:$0x1];
	p0 =	sne.s32 s2, $0x0  }
0x61: {  	s3 =	rddreg [dreg:$0x2];
	[bflag:$0x3] =	sbarrier.arrive $0xFFFF;
	s2 =	simm.s32 @!p0 $0x1C01  }
0x62: {  	[timem:s3], [sflag:s2] =	dma.local @!p0 [hbm:s0], s1  }
0x63: {  	s0 =	simm.s32 @!p0 $0x1  }
0x64: {  	_ =	swait.ge @!p0 [sflag:s0], s1  }
0x65: {  	s1 =	ssub.s32 @!p0 $0x0, s1;
	[sflag:s0] =	ssyncset.done @!p0 $0x0  }
0x66: {  	[sflag:s0] =	ssyncadd.s32 @!p0 s1  }
0x67: {  	[bflag:$0x3] =	sbarrier.arrive $0xFFFF  }
0x68: {  	_ =	shalt  }

// kernel: gather_offload_async_start.2
scs
__scs_entry_jumppad:
0x0: {  	(pc) =	sbr.rel $0x88, $3  }
0x1: {  	(tag) =	ssettag $0x0;
	lr =	simm.s32 $0x1  }
0x2: {  	[smem:$0x3F89] =	sst lr;
	_ =	strace $0xD0000000  }
0x3: {  	_ = 	snop  }
0x4: {  	_ = 	snop  }
0x5: {  	_ = 	snop  }
0x6: {  	_ = 	snop  }
0x7: {  	_ = 	snop  }
__scs_overlays_trampoline_lowered:
0x8: {  	[smem:$0x3F98] =	sst s0  }
0x9: {  	[smem:$0x3F99] =	sst s1  }
0xa: {  	[smem:$0x3F9A] =	sst s2  }
0xb: {  	[smem:$0x3F9B] =	sst s3  }
0xc: {  	[smem:$0x3F9C] =	sst s4  }
0xd: {  	[smem:$0x3F9D] =	sst s5  }
0xe: {  	[smem:$0x3F9E] =	sst s6  }
0xf: {  	[smem:$0x3F9F] =	sst s7  }
0x10: {  	[smem:$0x3FA0] =	sst s8  }
0x11: {  	[smem:$0x3FA1] =	sst s9;
	s0 =	simm.s32 @!p0 $0x0  }
0x12: {  	s1 =	sld [smem:$0x3F87];
	s0 =	simm.s32 @p0 $0x1  }
0x13: {  	[smem:$0x3FA2] =	sst s0;
	s0 =	simm.s32 @!p1 $0x0  }
0x14: {  	s2 =	sld [smem:$0x3F86];
	s0 =	simm.s32 @p1 $0x1  }
0x15: {  	[smem:$0x3FA3] =	sst s0;
	s0 =	simm.s32 @!p2 $0x0  }
0x16: {  	s3 =	sld [smem:$0x3FDB];
	s0 =	simm.s32 @p2 $0x1  }
0x17: {  	s4 =	simm.s32 $0x1BF5;
	[smem:$0x3FA5] =	sst s0  }
0x18: {  	s0 =	sld [smem:$0x3F88];
	_ =	swait.ge [sflag:s4], $0x0  }
0x19: {  	s7 =	sld [smem:$0x3F89]  }
0x1a: {  	s8 =	sadd.s32 $0xFFFFE003, lr  }
0x1b: {  	s9 =	sadd.s32 $0xFFFFFEF7, lr;
	s5 =	simm.s32 $0xFFFFFFFF;
	p2 =	slt.u32 s8, $0xFFFFF086  }
0x1c: {  	p1 =	slt.u32 s9, $0xF7A;
	s5 =	simm.s32 @!p2 $0x0  }
0x1d: {  	s5 =	simm.s32 @p1 $0x1;
	p0 =	seq.s32 s7, s2  }
0x1e: {  	s7 =	smul.u32 @!p0 $0xF7A, s2;
	p2 =	seq.s32 @!p0 s5, $0x0  }
0x1f: {  	s9 =	smul.u32 $0xF7A, s1;
	s8 =	simm.s32 @!p0 $0x1BF5;
	p2 =	por !p2, p0  }
0x20: {  	[sflag:s8] =	ssyncset.s32 @!p0 $0xFFFFF086;
	s6 =	sadd.s32 @!p0 s3, s7;
	s7 =	simm.s32 @!p0 $0x108  }
0x21: {  	s3 =	sadd.s32 s3, s9;
	s6 =	sadd.s32 @!p0 $0x88, s6;
	s7 =	simm.s32 @p2 $0x1082  }
0x22: {  	[simem:s7], [sflag:s8] =	dma.local @!p0 [hbm:s6], $0xF7A  }
0x23: {  	s9 =	sor.u32 $0xD0000000, s2;
	s6 =	simm.s32 $0x108;
	_ =	swait.ge @!p0 [sflag:s8], $0x0  }
0x24: {  	s3 =	sadd.s32 $0x88, s3;
	s6 =	simm.s32 @!p1 $0x1082;
	[sflag:s4] =	ssyncset.s32 $0xFFFFF086  }
0x25: {  	[simem:s6], [sflag:s4] =	dma.local [hbm:s3], $0xF7A  }
0x26: {  	[smem:$0x3F89] =	sst s1;
	(tag) =	ssettag s2;
	_ =	strace s9  }
0x27: {  	s1 =	sld [smem:$0x3F99]  }
0x28: {  	s2 =	sld [smem:$0x3F9A]  }
0x29: {  	s4 =	sld [smem:$0x3F9C]  }
0x2a: {  	p0 =	seq.s32 s5, $0x0;
	s5 =	sld [smem:$0x3F9D]  }
0x2b: {  	s6 =	sld [smem:$0x3F9E]  }
0x2c: {  	s7 =	sld [smem:$0x3F9F]  }
0x2d: {  	s3 =	simm.s32 $0x108;
	s8 =	sld [smem:$0x3FA0]  }
0x2e: {  	s3 =	simm.s32 @!p0 $0x1082;
	s9 =	sld [smem:$0x3FA1]  }
0x2f: {  	lr =	sadd.s32 s0, s3;
	s0 =	sld [smem:$0x3F98]  }
0x30: {  	s3 =	sld [smem:$0x3F9B]  }
0x31: {  	[smem:$0x3FA4] =	sst s10  }
0x32: {  	s10 =	sld [smem:$0x3FA2];
	_ =	sdelay $0x3  }
0x33: {  	p0 =	seq.s32 s10, $0x1;
	s10 =	sld [smem:$0x3FA4];
	_ =	sdelay $0x3  }
0x34: {  	[smem:$0x3FA4] =	sst s10  }
0x35: {  	s10 =	sld [smem:$0x3FA3];
	_ =	sdelay $0x3  }
0x36: {  	p1 =	seq.s32 s10, $0x1;
	s10 =	sld [smem:$0x3FA4];
	_ =	sdelay $0x3  }
0x37: {  	[smem:$0x3FA4] =	sst s10  }
0x38: {  	s10 =	sld [smem:$0x3FA5]  }
0x39: {  	_ = 	snop;
	(pc) =	sbr.ind lr, $3  }
0x3a: {  	_ = 	snop  }
0x3b: {  	_ = 	snop  }
0x3c: {  	p2 =	seq.s32 s10, $0x1;
	s10 =	sld [smem:$0x3FA4]  }
0x3d: {  	_ =	shalt  }
0x3e: {  	_ =	shalt  }
0x3f: {  	_ =	shalt  }
0x40: {  	_ =	shalt  }
0x41: {  	_ =	shalt  }
0x42: {  	_ =	shalt  }
0x43: {  	_ =	shalt  }
0x44: {  	_ =	shalt  }
0x45: {  	_ =	shalt  }
0x46: {  	_ =	shalt  }
0x47: {  	_ =	shalt  }
0x48: {  	_ =	shalt  }
0x49: {  	_ =	shalt  }
0x4a: {  	_ =	shalt  }
0x4b: {  	_ =	shalt  }
0x4c: {  	_ =	shalt  }
0x4d: {  	_ =	shalt  }
0x4e: {  	_ =	shalt  }
0x4f: {  	_ =	shalt  }
0x50: {  	_ =	shalt  }
0x51: {  	_ =	shalt  }
0x52: {  	_ =	shalt  }
0x53: {  	_ =	shalt  }
0x54: {  	_ =	shalt  }
0x55: {  	_ =	shalt  }
0x56: {  	_ =	shalt  }
0x57: {  	_ =	shalt  }
0x58: {  	_ =	shalt  }
0x59: {  	_ =	shalt  }
0x5a: {  	_ =	shalt  }
0x5b: {  	_ =	shalt  }
0x5c: {  	_ =	shalt  }
0x5d: {  	_ =	shalt  }
0x5e: {  	_ =	shalt  }
0x5f: {  	_ =	shalt  }
0x60: {  	_ =	shalt  }
0x61: {  	_ =	shalt  }
0x62: {  	_ =	shalt  }
0x63: {  	_ =	shalt  }
0x64: {  	_ =	shalt  }
0x65: {  	_ =	shalt  }
0x66: {  	_ =	shalt  }
0x67: {  	_ =	shalt  }
0x68: {  	_ =	shalt  }
0x69: {  	_ =	shalt  }
0x6a: {  	_ =	shalt  }
0x6b: {  	_ =	shalt  }
0x6c: {  	_ =	shalt  }
0x6d: {  	_ =	shalt  }
0x6e: {  	_ =	shalt  }
0x6f: {  	_ =	shalt  }
0x70: {  	_ =	shalt  }
0x71: {  	_ =	shalt  }
0x72: {  	_ =	shalt  }
0x73: {  	_ =	shalt  }
0x74: {  	_ =	shalt  }
0x75: {  	_ =	shalt  }
0x76: {  	_ =	shalt  }
0x77: {  	_ =	shalt  }
0x78: {  	_ =	shalt  }
0x79: {  	_ =	shalt  }
0x7a: {  	_ =	shalt  }
0x7b: {  	_ =	shalt  }
0x7c: {  	_ =	shalt  }
0x7d: {  	_ =	shalt  }
0x7e: {  	_ =	shalt  }
0x7f: {  	_ =	shalt  }
0x80: {  	_ =	shalt  }
0x81: {  	_ =	shalt  }
0x82: {  	_ =	shalt  }
0x83: {  	_ =	shalt  }
0x84: {  	_ =	shalt  }
0x85: {  	_ =	shalt  }
0x86: {  	_ =	shalt  }
0x87: {  	_ =	shalt  }
.Lfunc_end0:
.L_simem_size_0:
called_computation.7_lowered:
.L_overlay_start_0:
0x88: {  	s2 =	sld [smem:$0x3FD9]  }
0x89: {  	s3 =	sld [smem:$0x3FFE];
	_ =	sdelay $0x1  }
0x8a: {  	s1 =	srdreg.scid  }
0x8b: {  	s0 =	sand.u32 $0x1, s1  }
0x8c: {  	s15 =	sshll.u32 s0, $0xA;
	s2 =	sadd.s32 s3, s2  }
0x8d: {  	s2 =	sadd.s32 s2, s15  }
0x8e: {  	[smem:$0x3FB0] =	sst s2  }
0x8f: {  	_ = 	snop  }
0x90: {  	s2 =	sld [smem:$0x3FD0];
	_ =	sdelay $0x2  }
0x91: {  	s16 =	simm.s32 $0xD;
	s4 =	simm.s32 $0x10  }
0x92: {  	[smem:s4], [sflag:s16] =	dma.local [hbm:s2], $0x1  }
0x93: {  	_ =	swait.eq [sflag:s16], $0x1  }
0x94: {  	[sflag:s16] =	ssyncset.done $0x0  }
0x95: {  	[sflag:s16] =	ssyncadd.s32 $0xFFFFFFFF  }
0x96: {  	s17 =	sld [smem:$0x12];
	(tm) =	ssettm $0x1  }
0x97: {  	s18 =	sld [smem:$0x3FFB];
	_ =	sdelay $0x3  }
0x98: {  	_ =	strace s18  }
0x99: {  	s2 =	sld [smem:$0x3FFC];
	_ =	sdelay $0x3  }
0x9a: {  	_ =	strace s2  }
0x9b: {  	s2 =	sld [smem:$0x3FFD];
	_ =	sdelay $0x3  }
0x9c: {  	_ =	strace s2  }
0x9d: {  	_ =	strace $0x8FFFFFFF  }
0x9e: {  	s19 =	sld [smem:$0x3FDB];
	_ =	sdelay $0x1  }
0x9f: {  	s20 =	simm.s32 $_scs_section_size  }
0xa0: {  	s5 =	simm.s32 $_size__tile_overlayer_lowered;
	s6 =	simm.s32 $_tile_overlayer_lowered  }
0xa1: {  	s7 =	simm.s32 $0x1BFF;
	s21 =	sshll.u32 s6, $0x1;
	s4 =	sadd.s32 s20, s19  }
0xa2: {  	s22 =	simm.s32 $0x0;
	s5 =	sshll.u32 s5, $0x1;
	s6 =	sadd.s32 s21, s4  }
0xa3: {  	[timem:s22], [sflag:s7] =	dma.local [hbm:s6], s5  }
0xa4: {  	_ =	swait.ge [sflag:s7], s5  }
0xa5: {  	s5 =	ssub.s32 $0x0, s5;
	[sflag:s7] =	ssyncset.done $0x0  }
0xa6: {  	[sflag:s7] =	ssyncadd.s32 s5;
	_ =	sdelay $0x1  }
0xa7: {  	s23 =	simm.s32 $0x1B8B  }
0xa8: {  	_ =	swait.ge [sflag:s23], $0x1  }
0xa9: {  	[sflag:s23] =	ssyncset.done $0x0  }
0xaa: {  	[sflag:s23] =	ssyncadd.s32 $0xFFFFFFFF  }
0xab: {  	s5 =	sld [smem:$0x0]  }
0xac: {  	s6 =	sand.u32 $0xFFFFFFFE, s1  }
0xad: {  	p0 =	sne.s32 s1, s6  }
0xae: {  	s6 =	sshll.u32 @p0 s6, $0xE  }
0xaf: {  	s6 =	sadd.s32 @p0 $0x11B8D, s6;
	s7 =	sshll.u32 @p0 s5, $0x11  }
0xb0: {  	s6 =	sor.u32 @p0 s7, s6  }
0xb1: {  	[sflag:s6] =	ssyncadd.remote.s32 @p0 $0x1;
	_ =	sdelay $0x1  }
0xb2: {  	s6 =	simm.s32 @p0 $0x1B8D  }
0xb3: {  	_ =	swait.eq @p0 [sflag:s6], $0x1  }
0xb4: {  	[sflag:s6] =	ssyncadd.s32 @p0 $0xFFFFFFFF  }
0xb5: {  	s7 =	sshll.u32 @!p0 s1, $0xE  }
0xb6: {  	s7 =	sor.u32 @!p0 $0x4000, s7;
	s6 =	simm.s32 @!p0 $0x1B8D  }
0xb7: {  	s5 =	sshll.u32 @!p0 s5, $0x11;
	s7 =	sadd.s32 @!p0 $0x11B8D, s7;
	_ =	swait.eq @!p0 [sflag:s6], $0x1  }
0xb8: {  	s5 =	sor.u32 @!p0 s5, s7;
	[sflag:s6] =	ssyncadd.s32 @!p0 $0xFFFFFFFF  }
0xb9: {  	s25 =	simm.s32 $0x1B8E;
	s24 =	sld [smem:$0x3FFE];
	[sflag:s5] =	ssyncadd.remote.s32 @!p0 $0x1  }
0xba: {  	s26 =	simm.s32 $execute0_lowered;
	[smem:$0x3FD2] =	sst s25  }
0xbb: {  	s6 =	sshll.u32 s26, $0x1;
	_ =	strace $0x8000005E;
	[dreg:$0x1] =	wrdreg $0xFFFFFFFF  }
0xbc: {  	s28 =	simm.s32 $_size_execute0_lowered;
	s4 =	sadd.s32 s4, s6;
	[dreg:$0x0] =	wrdreg $0x0  }
0xbd: {  	s6 =	sshll.u32 s28, $0x1;
	[dreg:$0x2] =	wrdreg s4  }
0xbe: {  	[dreg:$0x3] =	wrdreg s6  }
0xbf: {  	[dreg:$0x4] =	wrdreg $0xC0  }
0xc0: {  	_ =	task [dreg:s22], $0x5FFFF  }
0xc1: {  	[dreg:$0x1] =	wrdreg $0xFFFFFFFF  }
0xc2: {  	[dreg:$0x0] =	wrdreg $0x60  }
0xc3: {  	[dreg:$0x2] =	wrdreg s24  }
0xc4: {  	[dreg:$0x3] =	wrdreg s17  }
0xc5: {  	[dreg:$0x4] =	wrdreg $0xB  }
0xc6: {  	_ =	task.clear_ibuf [dreg:s22], $0x5FFFF;
	_ =	strace $0x9000005E  }
0xc7: {  	s29 =	simm.s32 $0xB;
	_ =	strace $0x80000060  }
0xc8: {  	_ =	swait.ge [sflag:s29], $0x1  }
0xc9: {  	[sflag:s29] =	ssyncadd.s32 $0xFFFFFFFF  }
0xca: {  	_ =	strace $0x90000060  }
0xcb: {  	_ =	sfence  }
0xcc: {  	s30 =	sld [smem:$0x0];
	_ =	sdelay $0x2  }
0xcd: {  	s31 =	sshll.u32 s1, $0xD;
	s1 =	sshrl.u32 s1, $0x2  }
0xce: {  	s4 =	sand.u32 $0x4000, s31;
	s1 =	sadd.s32 s1, s30  }
0xcf: {  	s0 =	sor.u32 s4, s0;
	s1 =	sshll.u32 s1, $0x11  }
0xd0: {  	s0 =	sor.u32 s1, s0  }
0xd1: {  	s0 =	sadd.s32 $0x8F2B, s0  }
0xd2: {  	[sflag:s0] =	ssyncadd.remote.s32 $0x1  }
0xd3: {  	_ =	sfence.sel $0xFFFF  }
0xd4: {  	[dreg:$0x0] =	wrdreg $0xFFFFFFFF;
	(pc) =	sbr.abs _section_cstart, $3  }
0xd5: {  	[dreg:$0x1] =	wrdreg $0xFFFFFFFF  }
0xd6: {  	_ =	task.clear_ibuf [dreg:s22], $0x2FFFF;
	_ =	strace $0x9FFFFFFF  }
0xd7: {  	(tm) =	ssettm $0x7FFFFFFF  }
tec
execute0_lowered:
.L_overlay_start_1:
0x0: {  	(tag) =	ssettag $0x1  }
0x1: {  	s1 =	srdreg.scid  }
0x2: {  	s9 =	rddreg [dreg:$0x0];
	s0 =	stileid.u32  }
0x3: {  	s2 =	rddreg [dreg:$0x1];
	s5 =	simm.s32 $0x1;
	s6 =	simm.s32 $0x2  }
0x4: {  	s13 =	simm.s32 $0x0;
	s15 =	simm.s32 $0x0;
	s14 =	simm.s32 $0x0  }
0x5: {  	s1 =	sshll.u32 s1, $0x7;
	s3 =	sshll.u32 s0, $0x8;
	s11 =	sadd.s32 $0x1000, s2  }
0x6: {  	s12 =	sadd.s32 $0x1800, s2;
	s4 =	sand.u32 $0x80, s1;
	s1 =	rddreg [dreg:$0x2]  }
0x7: {  	_ =	strace $0x8000005F;
	s3 =	sor.u32 s3, s4;
	s4 =	sadd.s32 $0x3400, s9  }
0x8: {  	[sflag:s5] =	ssyncpa.u1 $0x0;
	s7 =	ssub.s32 $0x800, s3;
	s10 =	sshrl.u32 s3, $0x3  }
.Ltmp0:
0x9: {  	[sflag:s6] =	ssyncpa.u1 $0x0;
	p0 =	sgt.s32 s7, $0x0;
	(pc) =	sbr.rel .LBB2_1-.Ltmp0, $4  }
0xa: {  	s9 =	sadd.s32 s10, s9;
	s10 =	sadd.s32 $0x800, s2;
	s7 =	simm.s32 @!p0 $0x0  }
0xb: {  	s9 =	sadd.s32 $0xC69C00, s9;
	s8 =	sand.u32 $0xF80, s7;
	s7 =	simm.s32 $0x3  }
0xc: {  	p0 =	sne.s32 s8, $0x0;
	s8 =	simm.s32 $0x1;
	[sflag:s7] =	ssyncpa.u1 $0x0  }
0xd: {  	vm0 =	vmmov $0xffff;
	v0 =	vlaneseq.u32;
	s8 =	simm.s32 @!p0 $0x0;
	s7 =	simm.s32 @!p0 $0x2;
	p0 =	por $0x0, $0x0  }
.LBB2_4:
0xe: {  	_ =	sdelay $0x3  }
0xf: {  	[tilespmem:s20], [sflag:$0x1] =	stream.indirect_vreg.gather [hbm4b:s4+s13], $0x1, v1, vm0, $0x4038;
	[tilespmem:$0x2100] =	vst v63  }
0x10: {  	v1 =	vld.msk [tilespmem:s23+$0x0 ss:$0x1], $0xffff;
	_ =	sdelay $0x4  }
0x11: {  	vm1 =	vgt.s32 v1, $0x0  }
0x12: {  	p1 =	sgt.s32 s18, $0x0;
	v1 =	vnsel vm1, $0x0, v1  }
0x13: {  	s18 =	simm.s32 @!p1 $0x0;
	v1 =	vmin.u32 v1, $0xC3500  }
0x14: {  	s18 =	smin.u32 s18, $0x10;
	v2 =	vshll.u32 v1, $0x3  }
0x15: {  	v3 =	vmov s18;
	v1 =	vand.u32 $0x7F, v1;
	v2 =	vand.u32 $0x7FFC00, v2  }
0x16: {  	vm1 =	vgt.u32 v3, v0;
	v1 =	vor.u32 v1, v2  }
0x17: {  	v2 =	vnsel vm1, $0x7FFFFFFF, v1;
	_ =	sdelay $0x1  }
0x18: {  	v3 =	vor.u32 $0x80, v1  }
0x19: {  	(ifvalue) =	ssetifvalue $0x7FFFFFFF;
	s26 =	rddreg [dreg:$0x4];
	v3 =	vnsel vm1, $0x7FFFFFFF, v3  }
0x1a: {  	(ifvalue) =	ssetifvalue $0x7FFFFFFF;
	s18 =	sadd.s32 s22, s26  }
0x1b: {  	v4 =	vor.u32 $0x100, v1;
	[tilespmem:s18], [sflag:$0x1] =	stream.indirect_vreg.gather [hbm4b:s4+s13], $0x1, v2, vm0, $0x4038;
	[tilespmem:$0x2100] =	vst v63  }
0x1c: {  	(ifvalue) =	ssetifvalue $0x7FFFFFFF;
	v2 =	vnsel vm1, $0x7FFFFFFF, v4  }
0x1d: {  	s19 =	sadd.s32 $0x80, s18;
	(ifvalue) =	ssetifvalue $0x7FFFFFFF  }
0x1e: {  	v36 =	vor.u32 $0x180, v1;
	[tilespmem:s19], [sflag:$0x1] =	stream.indirect_vreg.gather [hbm4b:s4+s13], $0x1, v3, vm0, $0x4038;
	[tilespmem:$0x2100] =	vst v63  }
0x1f: {  	v3 =	vnsel vm1, $0x7FFFFFFF, v36;
	(ifvalue) =	ssetifvalue $0x7FFFFFFF  }
0x20: {  	s28 =	sadd.s32 $0x100, s18;
	(ifvalue) =	ssetifvalue $0x7FFFFFFF  }
0x21: {  	v37 =	vor.u32 $0x200, v1;
	[tilespmem:s28], [sflag:$0x1] =	stream.indirect_vreg.gather [hbm4b:s4+s13], $0x1, v2, vm0, $0x4038;
	[tilespmem:$0x2100] =	vst v63  }
0x22: {  	(ifvalue) =	ssetifvalue $0x7FFFFFFF;
	v2 =	vnsel vm1, $0x7FFFFFFF, v37  }
0x23: {  	s29 =	sadd.s32 $0x180, s18;
	(ifvalue) =	ssetifvalue $0x7FFFFFFF  }
0x24: {  	v38 =	vor.u32 $0x280, v1;
	[tilespmem:s29], [sflag:$0x1] =	stream.indirect_vreg.gather [hbm4b:s4+s13], $0x1, v3, vm0, $0x4038;
	[tilespmem:$0x2100] =	vst v63  }
0x25: {  	v3 =	vnsel vm1, $0x7FFFFFFF, v38;
	(ifvalue) =	ssetifvalue $0x7FFFFFFF  }
0x26: {  	s30 =	sadd.s32 $0x200, s18;
	(ifvalue) =	ssetifvalue $0x7FFFFFFF  }
0x27: {  	v39 =	vor.u32 $0x300, v1;
	[tilespmem:s30], [sflag:$0x1] =	stream.indirect_vreg.gather [hbm4b:s4+s13], $0x1, v2, vm0, $0x4038;
	[tilespmem:$0x2100] =	vst v63  }
0x28: {  	(ifvalue) =	ssetifvalue $0x7FFFFFFF;
	v2 =	vnsel vm1, $0x7FFFFFFF, v39  }
0x29: {  	s31 =	sadd.s32 $0x280, s18;
	(ifvalue) =	ssetifvalue $0x7FFFFFFF  }
0x2a: {  	v40 =	vor.u32 $0x380, v1;
	[tilespmem:s31], [sflag:$0x1] =	stream.indirect_vreg.gather [hbm4b:s4+s13], $0x1, v3, vm0, $0x4038;
	[tilespmem:$0x2100] =	vst v63  }
0x2b: {  	v3 =	vnsel vm1, $0x7FFFFFFF, v40;
	(ifvalue) =	ssetifvalue $0x7FFFFFFF  }
0x2c: {  	s20 =	sadd.s32 $0x300, s18;
	(ifvalue) =	ssetifvalue $0x7FFFFFFF  }
0x2d: {  	v41 =	vadd.s32 $0x61AC00, v1;
	[tilespmem:s20], [sflag:$0x1] =	stream.indirect_vreg.gather [hbm4b:s4+s13], $0x1, v2, vm0, $0x4038;
	[tilespmem:$0x2100] =	vst v63  }
0x2e: {  	(ifvalue) =	ssetifvalue $0x7FFFFFFF;
	v2 =	vnsel vm1, $0x7FFFFFFF, v41  }
0x2f: {  	s21 =	sadd.s32 $0x380, s18;
	(ifvalue) =	ssetifvalue $0x7FFFFFFF  }
0x30: {  	v42 =	vadd.s32 $0x61AC80, v1;
	[tilespmem:s21], [sflag:$0x1] =	stream.indirect_vreg.gather [hbm4b:s4+s13], $0x1, v3, vm0, $0x4038;
	[tilespmem:$0x2100] =	vst v63  }
0x31: {  	v3 =	vnsel vm1, $0x7FFFFFFF, v42;
	(ifvalue) =	ssetifvalue $0x7FFFFFFF  }
0x32: {  	s22 =	sadd.s32 $0x400, s18;
	(ifvalue) =	ssetifvalue $0x7FFFFFFF  }
0x33: {  	v43 =	vadd.s32 $0x61AD00, v1;
	[tilespmem:s22], [sflag:$0x1] =	stream.indirect_vreg.gather [hbm4b:s4+s13], $0x1, v2, vm0, $0x4038;
	[tilespmem:$0x2100] =	vst v63  }
0x34: {  	(ifvalue) =	ssetifvalue $0x7FFFFFFF;
	v2 =	vnsel vm1, $0x7FFFFFFF, v43  }
0x35: {  	s23 =	sadd.s32 $0x480, s18;
	(ifvalue) =	ssetifvalue $0x7FFFFFFF  }
0x36: {  	v44 =	vadd.s32 $0x61AD80, v1;
	[tilespmem:s23], [sflag:$0x1] =	stream.indirect_vreg.gather [hbm4b:s4+s13], $0x1, v3, vm0, $0x4038;
	[tilespmem:$0x2100] =	vst v63  }
0x37: {  	v3 =	vnsel vm1, $0x7FFFFFFF, v44;
	(ifvalue) =	ssetifvalue $0x7FFFFFFF  }
0x38: {  	s24 =	sadd.s32 $0x500, s18;
	(ifvalue) =	ssetifvalue $0x7FFFFFFF  }
0x39: {  	v45 =	vadd.s32 $0x61AE00, v1;
	[tilespmem:s24], [sflag:$0x1] =	stream.indirect_vreg.gather [hbm4b:s4+s13], $0x1, v2, vm0, $0x4038;
	[tilespmem:$0x2100] =	vst v63  }
0x3a: {  	(ifvalue) =	ssetifvalue $0x7FFFFFFF;
	v2 =	vnsel vm1, $0x7FFFFFFF, v45  }
0x3b: {  	s25 =	sadd.s32 $0x580, s18;
	(ifvalue) =	ssetifvalue $0x7FFFFFFF  }
0x3c: {  	v46 =	vadd.s32 $0x61AE80, v1;
	[tilespmem:s25], [sflag:$0x1] =	stream.indirect_vreg.gather [hbm4b:s4+s13], $0x1, v3, vm0, $0x4038;
	[tilespmem:$0x2100] =	vst v63  }
0x3d: {  	v3 =	vnsel vm1, $0x7FFFFFFF, v46;
	(ifvalue) =	ssetifvalue $0x7FFFFFFF  }
0x3e: {  	s26 =	sadd.s32 $0x600, s18;
	(ifvalue) =	ssetifvalue $0x7FFFFFFF  }
0x3f: {  	v47 =	vadd.s32 $0x61AF00, v1;
	[tilespmem:s26], [sflag:$0x1] =	stream.indirect_vreg.gather [hbm4b:s4+s13], $0x1, v2, vm0, $0x4038;
	[tilespmem:$0x2100] =	vst v63  }
0x40: {  	(ifvalue) =	ssetifvalue $0x7FFFFFFF;
	v2 =	vnsel vm1, $0x7FFFFFFF, v47  }
0x41: {  	s28 =	sadd.s32 $0x680, s18;
	(ifvalue) =	ssetifvalue $0x7FFFFFFF  }
0x42: {  	v48 =	vadd.s32 $0x61AF80, v1;
	[tilespmem:s28], [sflag:$0x1] =	stream.indirect_vreg.gather [hbm4b:s4+s13], $0x1, v3, vm0, $0x4038;
	[tilespmem:$0x2100] =	vst v63  }
0x43: {  	v3 =	vnsel vm1, $0x7FFFFFFF, v48;
	(ifvalue) =	ssetifvalue $0x7FFFFFFF  }
0x44: {  	s29 =	sadd.s32 $0x700, s18;
	(ifvalue) =	ssetifvalue $0x7FFFFFFF  }
0x45: {  	v49 =	vadd.s32 $0xC35800, v1;
	[tilespmem:s29], [sflag:$0x1] =	stream.indirect_vreg.gather [hbm4b:s4+s13], $0x1, v2, vm0, $0x4038;
	[tilespmem:$0x2100] =	vst v63  }
0x46: {  	(ifvalue) =	ssetifvalue $0x7FFFFFFF;
	v2 =	vnsel vm1, $0x7FFFFFFF, v49  }
0x47: {  	s30 =	sadd.s32 $0x780, s18;
	(ifvalue) =	ssetifvalue $0x7FFFFFFF  }
0x48: {  	v50 =	vadd.s32 $0xC35880, v1;
	[tilespmem:s30], [sflag:$0x1] =	stream.indirect_vreg.gather [hbm4b:s4+s13], $0x1, v3, vm0, $0x4038;
	[tilespmem:$0x2100] =	vst v63  }
0x49: {  	v3 =	vnsel vm1, $0x7FFFFFFF, v50;
	(ifvalue) =	ssetifvalue $0x7FFFFFFF  }
0x4a: {  	s31 =	sadd.s32 $0x800, s18;
	(ifvalue) =	ssetifvalue $0x7FFFFFFF  }
0x4b: {  	v51 =	vadd.s32 $0xC35900, v1;
	[tilespmem:s31], [sflag:$0x1] =	stream.indirect_vreg.gather [hbm4b:s4+s13], $0x1, v2, vm0, $0x4038;
	[tilespmem:$0x2100] =	vst v63  }
0x4c: {  	(ifvalue) =	ssetifvalue $0x7FFFFFFF;
	v2 =	vnsel vm1, $0x7FFFFFFF, v51  }
0x4d: {  	s20 =	sadd.s32 $0x880, s18;
	(ifvalue) =	ssetifvalue $0x7FFFFFFF  }
0x4e: {  	v52 =	vadd.s32 $0xC35980, v1;
	[tilespmem:s20], [sflag:$0x1] =	stream.indirect_vreg.gather [hbm4b:s4+s13], $0x1, v3, vm0, $0x4038;
	[tilespmem:$0x2100] =	vst v63  }
0x4f: {  	v3 =	vnsel vm1, $0x7FFFFFFF, v52;
	(ifvalue) =	ssetifvalue $0x7FFFFFFF  }
0x50: {  	s21 =	sadd.s32 $0x900, s18;
	(ifvalue) =	ssetifvalue $0x7FFFFFFF  }
0x51: {  	v53 =	vadd.s32 $0xC35A00, v1;
	[tilespmem:s21], [sflag:$0x1] =	stream.indirect_vreg.gather [hbm4b:s4+s13], $0x1, v2, vm0, $0x4038;
	[tilespmem:$0x2100] =	vst v63  }
0x52: {  	(ifvalue) =	ssetifvalue $0x7FFFFFFF;
	v2 =	vnsel vm1, $0x7FFFFFFF, v53  }
0x53: {  	s22 =	sadd.s32 $0x980, s18;
	(ifvalue) =	ssetifvalue $0x7FFFFFFF  }
0x54: {  	v54 =	vadd.s32 $0xC35A80, v1;
	[tilespmem:s22], [sflag:$0x1] =	stream.indirect_vreg.gather [hbm4b:s4+s13], $0x1, v3, vm0, $0x4038;
	[tilespmem:$0x2100] =	vst v63  }
0x55: {  	v3 =	vnsel vm1, $0x7FFFFFFF, v54;
	(ifvalue) =	ssetifvalue $0x7FFFFFFF  }
0x56: {  	s23 =	sadd.s32 $0xA00, s18;
	(ifvalue) =	ssetifvalue $0x7FFFFFFF  }
0x57: {  	v55 =	vadd.s32 $0xC35B00, v1;
	[tilespmem:s23], [sflag:$0x1] =	stream.indirect_vreg.gather [hbm4b:s4+s13], $0x1, v2, vm0, $0x4038;
	[tilespmem:$0x2100] =	vst v63  }
0x58: {  	(ifvalue) =	ssetifvalue $0x7FFFFFFF;
	v2 =	vnsel vm1, $0x7FFFFFFF, v55  }
0x59: {  	s24 =	sadd.s32 $0xA80, s18;
	(ifvalue) =	ssetifvalue $0x7FFFFFFF  }
0x5a: {  	v56 =	vadd.s32 $0xC35B80, v1;
	[tilespmem:s24], [sflag:$0x1] =	stream.indirect_vreg.gather [hbm4b:s4+s13], $0x1, v3, vm0, $0x4038;
	[tilespmem:$0x2100] =	vst v63  }
0x5b: {  	v3 =	vnsel vm1, $0x7FFFFFFF, v56;
	(ifvalue) =	ssetifvalue $0x7FFFFFFF  }
0x5c: {  	s25 =	sadd.s32 $0xB00, s18;
	(ifvalue) =	ssetifvalue $0x7FFFFFFF  }
0x5d: {  	v57 =	vadd.s32 $0x1250400, v1;
	[tilespmem:s25], [sflag:$0x1] =	stream.indirect_vreg.gather [hbm4b:s4+s13], $0x1, v2, vm0, $0x4038;
	[tilespmem:$0x2100] =	vst v63  }
0x5e: {  	(ifvalue) =	ssetifvalue $0x7FFFFFFF;
	v2 =	vnsel vm1, $0x7FFFFFFF, v57  }
0x5f: {  	s26 =	sadd.s32 $0xB80, s18;
	(ifvalue) =	ssetifvalue $0x7FFFFFFF  }
0x60: {  	v58 =	vadd.s32 $0x1250480, v1;
	[tilespmem:s26], [sflag:$0x1] =	stream.indirect_vreg.gather [hbm4b:s4+s13], $0x1, v3, vm0, $0x4038;
	[tilespmem:$0x2100] =	vst v63  }
0x61: {  	v3 =	vnsel vm1, $0x7FFFFFFF, v58;
	(ifvalue) =	ssetifvalue $0x7FFFFFFF  }
0x62: {  	s28 =	sadd.s32 $0xC00, s18;
	(ifvalue) =	ssetifvalue $0x7FFFFFFF  }
0x63: {  	v59 =	vadd.s32 $0x1250500, v1;
	[tilespmem:s28], [sflag:$0x1] =	stream.indirect_vreg.gather [hbm4b:s4+s13], $0x1, v2, vm0, $0x4038;
	[tilespmem:$0x2100] =	vst v63  }
0x64: {  	(ifvalue) =	ssetifvalue $0x7FFFFFFF;
	v2 =	vnsel vm1, $0x7FFFFFFF, v59  }
0x65: {  	s29 =	sadd.s32 $0xC80, s18;
	(ifvalue) =	ssetifvalue $0x7FFFFFFF  }
0x66: {  	v60 =	vadd.s32 $0x1250580, v1;
	[tilespmem:s29], [sflag:$0x1] =	stream.indirect_vreg.gather [hbm4b:s4+s13], $0x1, v3, vm0, $0x4038;
	[tilespmem:$0x2100] =	vst v63  }
0x67: {  	v3 =	vnsel vm1, $0x7FFFFFFF, v60;
	(ifvalue) =	ssetifvalue $0x7FFFFFFF  }
0x68: {  	s30 =	sadd.s32 $0xD00, s18;
	(ifvalue) =	ssetifvalue $0x7FFFFFFF  }
0x69: {  	v61 =	vadd.s32 $0x1250600, v1;
	[tilespmem:s30], [sflag:$0x1] =	stream.indirect_vreg.gather [hbm4b:s4+s13], $0x1, v2, vm0, $0x4038;
	[tilespmem:$0x2100] =	vst v63  }
0x6a: {  	(ifvalue) =	ssetifvalue $0x7FFFFFFF;
	v2 =	vnsel vm1, $0x7FFFFFFF, v61  }
0x6b: {  	s31 =	sadd.s32 $0xD80, s18;
	(ifvalue) =	ssetifvalue $0x7FFFFFFF  }
0x6c: {  	v62 =	vadd.s32 $0x1250680, v1;
	[tilespmem:s31], [sflag:$0x1] =	stream.indirect_vreg.gather [hbm4b:s4+s13], $0x1, v3, vm0, $0x4038;
	[tilespmem:$0x2100] =	vst v63  }
0x6d: {  	v3 =	vnsel vm1, $0x7FFFFFFF, v62;
	(ifvalue) =	ssetifvalue $0x7FFFFFFF  }
0x6e: {  	s20 =	sadd.s32 $0xE00, s18;
	(ifvalue) =	ssetifvalue $0x7FFFFFFF  }
0x6f: {  	v63 =	vadd.s32 $0x1250700, v1;
	[tilespmem:s20], [sflag:$0x1] =	stream.indirect_vreg.gather [hbm4b:s4+s13], $0x1, v2, vm0, $0x4038;
	[tilespmem:$0x2100] =	vst v63  }
0x70: {  	(ifvalue) =	ssetifvalue $0x7FFFFFFF;
	v2 =	vnsel vm1, $0x7FFFFFFF, v63  }
0x71: {  	s21 =	sadd.s32 $0xE80, s18;
	(ifvalue) =	ssetifvalue $0x7FFFFFFF  }
0x72: {  	v1 =	vadd.s32 $0x1250780, v1;
	[tilespmem:s21], [sflag:$0x1] =	stream.indirect_vreg.gather [hbm4b:s4+s13], $0x1, v3, vm0, $0x4038;
	[tilespmem:$0x2100] =	vst v63  }
0x73: {  	v1 =	vnsel vm1, $0x7FFFFFFF, v1;
	(ifvalue) =	ssetifvalue $0x7FFFFFFF  }
0x74: {  	s22 =	sadd.s32 $0xF00, s18;
	(ifvalue) =	ssetifvalue $0x7FFFFFFF  }
0x75: {  	[tilespmem:s22], [sflag:$0x1] =	stream.indirect_vreg.gather [hbm4b:s4+s13], $0x1, v2, vm0, $0x4038;
	[tilespmem:$0x2100] =	vst v63  }
0x76: {  	(ifvalue) =	ssetifvalue $0x7FFFFFFF  }
0x77: {  	s18 =	sadd.s32 $0xF80, s18;
	s23 =	sshll.u32 s15, $0x3;
	(ifvalue) =	ssetifvalue $0x7FFFFFFF  }
0x78: {  	[tilespmem:s18], [sflag:$0x1] =	stream.indirect_vreg.gather [hbm4b:s4+s13], $0x1, v1, vm0, $0x4038;
	[tilespmem:$0x2100] =	vst v63  }
0x79: {  	s24 =	sand.u32 $0x78, s15;
	s18 =	sand.u32 $0x7FFFFC00, s23  }
0x7a: {  	_ =	swait.ge [sflag:s5], $0x1000;
	s15 =	sor.u32 s24, s18  }
0x7b: {  	[sflag:s5] =	ssyncset.done $0x0;
	s15 =	sshrl.u32 s15, $0x3  }
0x7c: {  	[sflag:s5] =	ssyncadd.s32 $0xFFFFF000;
	s25 =	sadd.s32 s2, s15  }
0x7d: {  	[hbm:s25] =	stream.linear.scatter [tilespmem:s17], [sflag:$0x3], $0x400, $0x38;
	[tilespmem:$0x2100] =	vst v63  }
0x7e: {  	s26 =	sadd.s32 $0x500, s16;
	s28 =	sadd.s32 s15, s10  }
0x7f: {  	[hbm:s28] =	stream.linear.scatter [tilespmem:s26], [sflag:$0x3], $0x400, $0x38;
	[tilespmem:$0x2100] =	vst v63  }
0x80: {  	s29 =	sadd.s32 $0x900, s16;
	s30 =	sadd.s32 s15, s11  }
0x81: {  	[hbm:s30] =	stream.linear.scatter [tilespmem:s29], [sflag:$0x3], $0x400, $0x38;
	[tilespmem:$0x2100] =	vst v63  }
0x82: {  	s31 =	sadd.s32 $0xD00, s16;
	s15 =	sadd.s32 s15, s12  }
0x83: {  	[hbm:s15] =	stream.linear.scatter [tilespmem:s31], [sflag:$0x3], $0x400, $0x38;
	[tilespmem:$0x2100] =	vst v63  }
.LBB2_5:
0x84: {  	p1 =	slt.u32 s14, $0x2;
	s14 =	sadd.s32 $0x1, s14  }
0x85: {  	p2 =	sne.s32 s14, s7  }
.Ltmp1:
0x86: {  	_ = 	snop;
	(pc) =	sbr.rel @!p2 .LBB2_6-.Ltmp1, $4  }
0x87: {  	s15 =	simm.s32 @!p1 $0x3  }
0x88: {  	_ =	swait.ge @!p1 [sflag:s15], $0x1000  }
0x89: {  	[sflag:s15] =	ssyncset.done @!p1 $0x0  }
0x8a: {  	p0 =	por !p0, !p0;
	[sflag:s15] =	ssyncadd.s32 @!p1 $0xFFFFF000;
	s15 =	smov.u32 s3  }
.LBB2_1:
0x8b: {  	p1 =	sge.u32 s14, s8  }
0x8c: {  	s31 =	sadd.s32 $0xFFFFFFFF, s14;
	s16 =	simm.s32 @!p1 $0x0;
	s17 =	simm.s32 @!p1 $0x80  }
0x8d: {  	[tilespmem:s17], [sflag:$0x2] =	stream.linear.gather @!p1 [hbm4b:s9+s16], $0x80, $0x38;
	[tilespmem:$0x2100] =	vst v63  }
0x8e: {  	p1 =	sge.u32 s31, s8  }
.Ltmp2:
0x8f: {  	_ = 	snop;
	(pc) =	sbr.rel @p1 .LBB2_5-.Ltmp2, $1  }
0x90: {  	_ =	sdelay $0x3  }
0x91: {  	s16 =	simm.s32 $0x1  }
0x92: {  	s16 =	simm.s32 @!p0 $0x0  }
0x93: {  	s17 =	sshll.u32 s16, $0xC;
	s16 =	sshll.u32 s16, $0x7  }
0x94: {  	s17 =	sor.u32 $0x100, s17;
	[dreg:$0x3] =	wrdreg s16  }
0x95: {  	[dreg:$0x4] =	wrdreg s17  }
0x96: {  	_ =	swait.ge [sflag:s6], $0x80  }
0x97: {  	s24 =	rddreg [dreg:$0x3];
	[sflag:s6] =	ssyncset.done $0x0  }
0x98: {  	[sflag:s6] =	ssyncadd.s32 $0xFFFFFF80;
	s16 =	sadd.s32 $0x0, s24  }
0x99: {  	v1 =	vld.msk [tilespmem:s16+$0x0 ss:$0x1], $0xffff;
	_ =	sdelay $0x2  }
0x9a: {  	s18 =	ssub.s32 $0x7D0, s15  }
0x9b: {  	p1 =	slt.s32 s18, $0x80  }
0x9c: {  	s18 =	simm.s32 @!p1 $0x80;
	vm1 =	vgt.s32 v1, $0x0  }
0x9d: {  	p1 =	sgt.s32 s18, $0x0;
	s16 =	smov.u32 s18;
	v1 =	vnsel vm1, $0x0, v1  }
0x9e: {  	s16 =	simm.s32 @!p1 $0x0;
	v1 =	vmin.u32 v1, $0xC3500  }
0x9f: {  	s16 =	smin.u32 s16, $0x10;
	v2 =	vshll.u32 v1, $0x3  }
0xa0: {  	v3 =	vmov s16;
	v1 =	vand.u32 $0x7F, v1;
	v2 =	vand.u32 $0x7FFC00, v2  }
0xa1: {  	vm1 =	vgt.u32 v3, v0;
	v1 =	vor.u32 v1, v2  }
0xa2: {  	v2 =	vnsel vm1, $0x7FFFFFFF, v1;
	_ =	sdelay $0x1  }
0xa3: {  	v3 =	vor.u32 $0x80, v1  }
0xa4: {  	(ifvalue) =	ssetifvalue $0x7FFFFFFF;
	s25 =	rddreg [dreg:$0x4];
	v3 =	vnsel vm1, $0x7FFFFFFF, v3  }
0xa5: {  	s20 =	sadd.s32 $0x0, s25;
	(ifvalue) =	ssetifvalue $0x7FFFFFFF  }
0xa6: {  	v4 =	vor.u32 $0x100, v1;
	[tilespmem:s20], [sflag:$0x1] =	stream.indirect_vreg.gather [hbm4b:s4+s13], $0x1, v2, vm0, $0x4038;
	[tilespmem:$0x2100] =	vst v63  }
0xa7: {  	(ifvalue) =	ssetifvalue $0x7FFFFFFF;
	v2 =	vnsel vm1, $0x7FFFFFFF, v4  }
0xa8: {  	s16 =	sadd.s32 $0x80, s20;
	(ifvalue) =	ssetifvalue $0x7FFFFFFF  }
0xa9: {  	v37 =	vor.u32 $0x180, v1;
	[tilespmem:s16], [sflag:$0x1] =	stream.indirect_vreg.gather [hbm4b:s4+s13], $0x1, v3, vm0, $0x4038;
	[tilespmem:$0x2100] =	vst v63  }
0xaa: {  	v3 =	vnsel vm1, $0x7FFFFFFF, v37;
	(ifvalue) =	ssetifvalue $0x7FFFFFFF  }
0xab: {  	s26 =	sadd.s32 $0x100, s20;
	(ifvalue) =	ssetifvalue $0x7FFFFFFF  }
0xac: {  	v38 =	vor.u32 $0x200, v1;
	[tilespmem:s26], [sflag:$0x1] =	stream.indirect_vreg.gather [hbm4b:s4+s13], $0x1, v2, vm0, $0x4038;
	[tilespmem:$0x2100] =	vst v63  }
0xad: {  	(ifvalue) =	ssetifvalue $0x7FFFFFFF;
	v2 =	vnsel vm1, $0x7FFFFFFF, v38  }
0xae: {  	s28 =	sadd.s32 $0x180, s20;
	(ifvalue) =	ssetifvalue $0x7FFFFFFF  }
0xaf: {  	v39 =	vor.u32 $0x280, v1;
	[tilespmem:s28], [sflag:$0x1] =	stream.indirect_vreg.gather [hbm4b:s4+s13], $0x1, v3, vm0, $0x4038;
	[tilespmem:$0x2100] =	vst v63  }
0xb0: {  	v3 =	vnsel vm1, $0x7FFFFFFF, v39;
	(ifvalue) =	ssetifvalue $0x7FFFFFFF  }
0xb1: {  	s29 =	sadd.s32 $0x200, s20;
	(ifvalue) =	ssetifvalue $0x7FFFFFFF  }
0xb2: {  	v40 =	vor.u32 $0x300, v1;
	[tilespmem:s29], [sflag:$0x1] =	stream.indirect_vreg.gather [hbm4b:s4+s13], $0x1, v2, vm0, $0x4038;
	[tilespmem:$0x2100] =	vst v63  }
0xb3: {  	(ifvalue) =	ssetifvalue $0x7FFFFFFF;
	v2 =	vnsel vm1, $0x7FFFFFFF, v40  }
0xb4: {  	s30 =	sadd.s32 $0x280, s20;
	(ifvalue) =	ssetifvalue $0x7FFFFFFF  }
0xb5: {  	v41 =	vor.u32 $0x380, v1;
	[tilespmem:s30], [sflag:$0x1] =	stream.indirect_vreg.gather [hbm4b:s4+s13], $0x1, v3, vm0, $0x4038;
	[tilespmem:$0x2100] =	vst v63  }
0xb6: {  	v3 =	vnsel vm1, $0x7FFFFFFF, v41;
	(ifvalue) =	ssetifvalue $0x7FFFFFFF  }
0xb7: {  	s31 =	sadd.s32 $0x300, s20;
	(ifvalue) =	ssetifvalue $0x7FFFFFFF  }
0xb8: {  	v42 =	vadd.s32 $0x61AC00, v1;
	[tilespmem:s31], [sflag:$0x1] =	stream.indirect_vreg.gather [hbm4b:s4+s13], $0x1, v2, vm0, $0x4038;
	[tilespmem:$0x2100] =	vst v63  }
0xb9: {  	(ifvalue) =	ssetifvalue $0x7FFFFFFF;
	v2 =	vnsel vm1, $0x7FFFFFFF, v42  }
0xba: {  	s17 =	sadd.s32 $0x380, s20;
	(ifvalue) =	ssetifvalue $0x7FFFFFFF  }
0xbb: {  	v43 =	vadd.s32 $0x61AC80, v1;
	[tilespmem:s17], [sflag:$0x1] =	stream.indirect_vreg.gather [hbm4b:s4+s13], $0x1, v3, vm0, $0x4038;
	[tilespmem:$0x2100] =	vst v63  }
0xbc: {  	v3 =	vnsel vm1, $0x7FFFFFFF, v43;
	(ifvalue) =	ssetifvalue $0x7FFFFFFF  }
0xbd: {  	s19 =	sadd.s32 $0x400, s20;
	(ifvalue) =	ssetifvalue $0x7FFFFFFF  }
0xbe: {  	v44 =	vadd.s32 $0x61AD00, v1;
	[tilespmem:s19], [sflag:$0x1] =	stream.indirect_vreg.gather [hbm4b:s4+s13], $0x1, v2, vm0, $0x4038;
	[tilespmem:$0x2100] =	vst v63  }
0xbf: {  	(ifvalue) =	ssetifvalue $0x7FFFFFFF;
	v2 =	vnsel vm1, $0x7FFFFFFF, v44  }
0xc0: {  	s21 =	sadd.s32 $0x480, s20;
	(ifvalue) =	ssetifvalue $0x7FFFFFFF  }
0xc1: {  	v45 =	vadd.s32 $0x61AD80, v1;
	[tilespmem:s21], [sflag:$0x1] =	stream.indirect_vreg.gather [hbm4b:s4+s13], $0x1, v3, vm0, $0x4038;
	[tilespmem:$0x2100] =	vst v63  }
0xc2: {  	v3 =	vnsel vm1, $0x7FFFFFFF, v45;
	(ifvalue) =	ssetifvalue $0x7FFFFFFF  }
0xc3: {  	s22 =	sadd.s32 $0x500, s20;
	(ifvalue) =	ssetifvalue $0x7FFFFFFF  }
0xc4: {  	v46 =	vadd.s32 $0x61AE00, v1;
	[tilespmem:s22], [sflag:$0x1] =	stream.indirect_vreg.gather [hbm4b:s4+s13], $0x1, v2, vm0, $0x4038;
	[tilespmem:$0x2100] =	vst v63  }
0xc5: {  	(ifvalue) =	ssetifvalue $0x7FFFFFFF;
	v2 =	vnsel vm1, $0x7FFFFFFF, v46  }
0xc6: {  	s23 =	sadd.s32 $0x580, s20;
	(ifvalue) =	ssetifvalue $0x7FFFFFFF  }
0xc7: {  	v47 =	vadd.s32 $0x61AE80, v1;
	[tilespmem:s23], [sflag:$0x1] =	stream.indirect_vreg.gather [hbm4b:s4+s13], $0x1, v3, vm0, $0x4038;
	[tilespmem:$0x2100] =	vst v63  }
0xc8: {  	v3 =	vnsel vm1, $0x7FFFFFFF, v47;
	(ifvalue) =	ssetifvalue $0x7FFFFFFF  }
0xc9: {  	s24 =	sadd.s32 $0x600, s20;
	(ifvalue) =	ssetifvalue $0x7FFFFFFF  }
0xca: {  	v48 =	vadd.s32 $0x61AF00, v1;
	[tilespmem:s24], [sflag:$0x1] =	stream.indirect_vreg.gather [hbm4b:s4+s13], $0x1, v2, vm0, $0x4038;
	[tilespmem:$0x2100] =	vst v63  }
0xcb: {  	(ifvalue) =	ssetifvalue $0x7FFFFFFF;
	v2 =	vnsel vm1, $0x7FFFFFFF, v48  }
0xcc: {  	s25 =	sadd.s32 $0x680, s20;
	(ifvalue) =	ssetifvalue $0x7FFFFFFF  }
0xcd: {  	v49 =	vadd.s32 $0x61AF80, v1;
	[tilespmem:s25], [sflag:$0x1] =	stream.indirect_vreg.gather [hbm4b:s4+s13], $0x1, v3, vm0, $0x4038;
	[tilespmem:$0x2100] =	vst v63  }
0xce: {  	v3 =	vnsel vm1, $0x7FFFFFFF, v49;
	(ifvalue) =	ssetifvalue $0x7FFFFFFF  }
0xcf: {  	s26 =	sadd.s32 $0x700, s20;
	(ifvalue) =	ssetifvalue $0x7FFFFFFF  }
0xd0: {  	v50 =	vadd.s32 $0xC35800, v1;
	[tilespmem:s26], [sflag:$0x1] =	stream.indirect_vreg.gather [hbm4b:s4+s13], $0x1, v2, vm0, $0x4038;
	[tilespmem:$0x2100] =	vst v63  }
0xd1: {  	(ifvalue) =	ssetifvalue $0x7FFFFFFF;
	v2 =	vnsel vm1, $0x7FFFFFFF, v50  }
0xd2: {  	s28 =	sadd.s32 $0x780, s20;
	(ifvalue) =	ssetifvalue $0x7FFFFFFF  }
0xd3: {  	v51 =	vadd.s32 $0xC35880, v1;
	[tilespmem:s28], [sflag:$0x1] =	stream.indirect_vreg.gather [hbm4b:s4+s13], $0x1, v3, vm0, $0x4038;
	[tilespmem:$0x2100] =	vst v63  }
0xd4: {  	v3 =	vnsel vm1, $0x7FFFFFFF, v51;
	(ifvalue) =	ssetifvalue $0x7FFFFFFF  }
0xd5: {  	s29 =	sadd.s32 $0x800, s20;
	(ifvalue) =	ssetifvalue $0x7FFFFFFF  }
0xd6: {  	v52 =	vadd.s32 $0xC35900, v1;
	[tilespmem:s29], [sflag:$0x1] =	stream.indirect_vreg.gather [hbm4b:s4+s13], $0x1, v2, vm0, $0x4038;
	[tilespmem:$0x2100] =	vst v63  }
0xd7: {  	(ifvalue) =	ssetifvalue $0x7FFFFFFF;
	v2 =	vnsel vm1, $0x7FFFFFFF, v52  }
0xd8: {  	s30 =	sadd.s32 $0x880, s20;
	(ifvalue) =	ssetifvalue $0x7FFFFFFF  }
0xd9: {  	v53 =	vadd.s32 $0xC35980, v1;
	[tilespmem:s30], [sflag:$0x1] =	stream.indirect_vreg.gather [hbm4b:s4+s13], $0x1, v3, vm0, $0x4038;
	[tilespmem:$0x2100] =	vst v63  }
0xda: {  	v3 =	vnsel vm1, $0x7FFFFFFF, v53;
	(ifvalue) =	ssetifvalue $0x7FFFFFFF  }
0xdb: {  	s31 =	sadd.s32 $0x900, s20;
	(ifvalue) =	ssetifvalue $0x7FFFFFFF  }
0xdc: {  	v54 =	vadd.s32 $0xC35A00, v1;
	[tilespmem:s31], [sflag:$0x1] =	stream.indirect_vreg.gather [hbm4b:s4+s13], $0x1, v2, vm0, $0x4038;
	[tilespmem:$0x2100] =	vst v63  }
0xdd: {  	(ifvalue) =	ssetifvalue $0x7FFFFFFF;
	v2 =	vnsel vm1, $0x7FFFFFFF, v54  }
0xde: {  	s17 =	sadd.s32 $0x980, s20;
	(ifvalue) =	ssetifvalue $0x7FFFFFFF  }
0xdf: {  	v55 =	vadd.s32 $0xC35A80, v1;
	[tilespmem:s17], [sflag:$0x1] =	stream.indirect_vreg.gather [hbm4b:s4+s13], $0x1, v3, vm0, $0x4038;
	[tilespmem:$0x2100] =	vst v63  }
0xe0: {  	v3 =	vnsel vm1, $0x7FFFFFFF, v55;
	(ifvalue) =	ssetifvalue $0x7FFFFFFF  }
0xe1: {  	s19 =	sadd.s32 $0xA00, s20;
	(ifvalue) =	ssetifvalue $0x7FFFFFFF  }
0xe2: {  	v56 =	vadd.s32 $0xC35B00, v1;
	[tilespmem:s19], [sflag:$0x1] =	stream.indirect_vreg.gather [hbm4b:s4+s13], $0x1, v2, vm0, $0x4038;
	[tilespmem:$0x2100] =	vst v63  }
0xe3: {  	(ifvalue) =	ssetifvalue $0x7FFFFFFF;
	v2 =	vnsel vm1, $0x7FFFFFFF, v56  }
0xe4: {  	s21 =	sadd.s32 $0xA80, s20;
	(ifvalue) =	ssetifvalue $0x7FFFFFFF  }
0xe5: {  	v57 =	vadd.s32 $0xC35B80, v1;
	[tilespmem:s21], [sflag:$0x1] =	stream.indirect_vreg.gather [hbm4b:s4+s13], $0x1, v3, vm0, $0x4038;
	[tilespmem:$0x2100] =	vst v63  }
0xe6: {  	v3 =	vnsel vm1, $0x7FFFFFFF, v57;
	(ifvalue) =	ssetifvalue $0x7FFFFFFF  }
0xe7: {  	s22 =	sadd.s32 $0xB00, s20;
	(ifvalue) =	ssetifvalue $0x7FFFFFFF  }
0xe8: {  	v58 =	vadd.s32 $0x1250400, v1;
	[tilespmem:s22], [sflag:$0x1] =	stream.indirect_vreg.gather [hbm4b:s4+s13], $0x1, v2, vm0, $0x4038;
	[tilespmem:$0x2100] =	vst v63  }
0xe9: {  	(ifvalue) =	ssetifvalue $0x7FFFFFFF;
	v2 =	vnsel vm1, $0x7FFFFFFF, v58  }
0xea: {  	s23 =	sadd.s32 $0xB80, s20;
	(ifvalue) =	ssetifvalue $0x7FFFFFFF  }
0xeb: {  	v59 =	vadd.s32 $0x1250480, v1;
	[tilespmem:s23], [sflag:$0x1] =	stream.indirect_vreg.gather [hbm4b:s4+s13], $0x1, v3, vm0, $0x4038;
	[tilespmem:$0x2100] =	vst v63  }
0xec: {  	v3 =	vnsel vm1, $0x7FFFFFFF, v59;
	(ifvalue) =	ssetifvalue $0x7FFFFFFF  }
0xed: {  	s24 =	sadd.s32 $0xC00, s20;
	(ifvalue) =	ssetifvalue $0x7FFFFFFF  }
0xee: {  	v60 =	vadd.s32 $0x1250500, v1;
	[tilespmem:s24], [sflag:$0x1] =	stream.indirect_vreg.gather [hbm4b:s4+s13], $0x1, v2, vm0, $0x4038;
	[tilespmem:$0x2100] =	vst v63  }
0xef: {  	(ifvalue) =	ssetifvalue $0x7FFFFFFF;
	v2 =	vnsel vm1, $0x7FFFFFFF, v60  }
0xf0: {  	s25 =	sadd.s32 $0xC80, s20;
	(ifvalue) =	ssetifvalue $0x7FFFFFFF  }
0xf1: {  	v61 =	vadd.s32 $0x1250580, v1;
	[tilespmem:s25], [sflag:$0x1] =	stream.indirect_vreg.gather [hbm4b:s4+s13], $0x1, v3, vm0, $0x4038;
	[tilespmem:$0x2100] =	vst v63  }
0xf2: {  	v3 =	vnsel vm1, $0x7FFFFFFF, v61;
	(ifvalue) =	ssetifvalue $0x7FFFFFFF  }
0xf3: {  	s26 =	sadd.s32 $0xD00, s20;
	(ifvalue) =	ssetifvalue $0x7FFFFFFF  }
0xf4: {  	v62 =	vadd.s32 $0x1250600, v1;
	[tilespmem:s26], [sflag:$0x1] =	stream.indirect_vreg.gather [hbm4b:s4+s13], $0x1, v2, vm0, $0x4038;
	[tilespmem:$0x2100] =	vst v63  }
0xf5: {  	(ifvalue) =	ssetifvalue $0x7FFFFFFF;
	v2 =	vnsel vm1, $0x7FFFFFFF, v62  }
0xf6: {  	s28 =	sadd.s32 $0xD80, s20;
	(ifvalue) =	ssetifvalue $0x7FFFFFFF  }
0xf7: {  	v63 =	vadd.s32 $0x1250680, v1;
	[tilespmem:s28], [sflag:$0x1] =	stream.indirect_vreg.gather [hbm4b:s4+s13], $0x1, v3, vm0, $0x4038;
	[tilespmem:$0x2100] =	vst v63  }
0xf8: {  	v3 =	vnsel vm1, $0x7FFFFFFF, v63;
	(ifvalue) =	ssetifvalue $0x7FFFFFFF  }
0xf9: {  	s29 =	sadd.s32 $0xE00, s20;
	(ifvalue) =	ssetifvalue $0x7FFFFFFF  }
0xfa: {  	[tilespmem:s29], [sflag:$0x1] =	stream.indirect_vreg.gather [hbm4b:s4+s13], $0x1, v2, vm0, $0x4038;
	v2 =	vadd.s32 $0x1250700, v1;
	[tilespmem:$0x2100] =	vst v63  }
0xfb: {  	s30 =	sshll.u32 s14, $0xC;
	(ifvalue) =	ssetifvalue $0x7FFFFFFF;
	v2 =	vnsel vm1, $0x7FFFFFFF, v2  }
0xfc: {  	s16 =	sand.u32 $0x1000, s30;
	s31 =	sadd.s32 $0xE80, s20;
	(ifvalue) =	ssetifvalue $0x7FFFFFFF  }
0xfd: {  	v1 =	vadd.s32 $0x1250780, v1;
	[tilespmem:s31], [sflag:$0x1] =	stream.indirect_vreg.gather [hbm4b:s4+s13], $0x1, v3, vm0, $0x4038;
	[tilespmem:$0x2100] =	vst v63  }
0xfe: {  	s18 =	sadd.s32 $0xFFFFFFF0, s18;
	s17 =	sor.u32 $0x100, s16;
	v1 =	vnsel vm1, $0x7FFFFFFF, v1;
	(ifvalue) =	ssetifvalue $0x7FFFFFFF  }
0xff: {  	s22 =	sadd.s32 $0xF00, s20;
	s21 =	rddreg [dreg:$0x3];
	(ifvalue) =	ssetifvalue $0x7FFFFFFF  }
0x100: {  	[tilespmem:s22], [sflag:$0x1] =	stream.indirect_vreg.gather [hbm4b:s4+s13], $0x1, v2, vm0, $0x4038;
	[tilespmem:$0x2100] =	vst v63  }
0x101: {  	s19 =	simm.s32 $0x80;
	s20 =	sadd.s32 $0xF80, s20;
	(ifvalue) =	ssetifvalue $0x7FFFFFFF  }
0x102: {  	s23 =	sadd.s32 $0x10, s21;
	s22 =	simm.s32 $0x10;
	(ifvalue) =	ssetifvalue $0x7FFFFFFF  }
.LBB2_3:
0x103: {  	[tilespmem:s20], [sflag:$0x1] =	stream.indirect_vreg.gather [hbm4b:s4+s13], $0x1, v1, vm0, $0x4038;
	[tilespmem:$0x2100] =	vst v63  }
0x104: {  	v1 =	vld.msk [tilespmem:s23+$0x0 ss:$0x1], $0xffff;
	_ =	sdelay $0x4  }
0x105: {  	vm1 =	vgt.s32 v1, $0x0  }
0x106: {  	p2 =	sgt.s32 s18, $0x0;
	s23 =	smov.u32 s18;
	v1 =	vnsel vm1, $0x0, v1  }
0x107: {  	s23 =	simm.s32 @!p2 $0x0;
	v1 =	vmin.u32 v1, $0xC3500  }
0x108: {  	s23 =	smin.u32 s23, $0x10;
	v2 =	vshll.u32 v1, $0x3  }
0x109: {  	v3 =	vmov s23;
	v1 =	vand.u32 $0x7F, v1;
	v2 =	vand.u32 $0x7FFC00, v2  }
0x10a: {  	vm1 =	vgt.u32 v3, v0;
	v1 =	vor.u32 v1, v2  }
0x10b: {  	v2 =	vnsel vm1, $0x7FFFFFFF, v1;
	_ =	sdelay $0x1  }
0x10c: {  	v3 =	vor.u32 $0x80, v1  }
0x10d: {  	(ifvalue) =	ssetifvalue $0x7FFFFFFF;
	s21 =	rddreg [dreg:$0x4];
	v3 =	vnsel vm1, $0x7FFFFFFF, v3  }
0x10e: {  	s21 =	sadd.s32 s22, s21;
	(ifvalue) =	ssetifvalue $0x7FFFFFFF  }
0x10f: {  	v4 =	vor.u32 $0x100, v1;
	[tilespmem:s21], [sflag:$0x1] =	stream.indirect_vreg.gather [hbm4b:s4+s13], $0x1, v2, vm0, $0x4038;
	[tilespmem:$0x2100] =	vst v63  }
0x110: {  	(ifvalue) =	ssetifvalue $0x7FFFFFFF;
	v2 =	vnsel vm1, $0x7FFFFFFF, v4  }
0x111: {  	s22 =	sadd.s32 $0x80, s21;
	(ifvalue) =	ssetifvalue $0x7FFFFFFF  }
0x112: {  	v5 =	vor.u32 $0x180, v1;
	[tilespmem:s22], [sflag:$0x1] =	stream.indirect_vreg.gather [hbm4b:s4+s13], $0x1, v3, vm0, $0x4038;
	[tilespmem:$0x2100] =	vst v63  }
0x113: {  	v29 =	vnsel vm1, $0x7FFFFFFF, v5;
	(ifvalue) =	ssetifvalue $0x7FFFFFFF  }
0x114: {  	s25 =	sadd.s32 $0x100, s21;
	(ifvalue) =	ssetifvalue $0x7FFFFFFF  }
0x115: {  	v16 =	vor.u32 $0x200, v1;
	[tilespmem:s25], [sflag:$0x1] =	stream.indirect_vreg.gather [hbm4b:s4+s13], $0x1, v2, vm0, $0x4038;
	[tilespmem:$0x2100] =	vst v63  }
0x116: {  	v16 =	vnsel vm1, $0x7FFFFFFF, v16;
	(ifvalue) =	ssetifvalue $0x7FFFFFFF  }
0x117: {  	s26 =	sadd.s32 $0x180, s21;
	(ifvalue) =	ssetifvalue $0x7FFFFFFF  }
0x118: {  	v17 =	vor.u32 $0x280, v1;
	[tilespmem:s26], [sflag:$0x1] =	stream.indirect_vreg.gather [hbm4b:s4+s13], $0x1, v29, vm0, $0x4038;
	[tilespmem:$0x2100] =	vst v63  }
0x119: {  	v17 =	vnsel vm1, $0x7FFFFFFF, v17;
	(ifvalue) =	ssetifvalue $0x7FFFFFFF  }
0x11a: {  	s28 =	sadd.s32 $0x200, s21;
	(ifvalue) =	ssetifvalue $0x7FFFFFFF  }
0x11b: {  	v18 =	vor.u32 $0x300, v1;
	[tilespmem:s28], [sflag:$0x1] =	stream.indirect_vreg.gather [hbm4b:s4+s13], $0x1, v16, vm0, $0x4038;
	[tilespmem:$0x2100] =	vst v63  }
0x11c: {  	v53 =	vnsel vm1, $0x7FFFFFFF, v18;
	(ifvalue) =	ssetifvalue $0x7FFFFFFF  }
0x11d: {  	s29 =	sadd.s32 $0x280, s21;
	(ifvalue) =	ssetifvalue $0x7FFFFFFF  }
0x11e: {  	v19 =	vor.u32 $0x380, v1;
	[tilespmem:s29], [sflag:$0x1] =	stream.indirect_vreg.gather [hbm4b:s4+s13], $0x1, v17, vm0, $0x4038;
	[tilespmem:$0x2100] =	vst v63  }
0x11f: {  	v54 =	vnsel vm1, $0x7FFFFFFF, v19;
	(ifvalue) =	ssetifvalue $0x7FFFFFFF  }
0x120: {  	s30 =	sadd.s32 $0x300, s21;
	(ifvalue) =	ssetifvalue $0x7FFFFFFF  }
0x121: {  	v20 =	vadd.s32 $0x61AC00, v1;
	[tilespmem:s30], [sflag:$0x1] =	stream.indirect_vreg.gather [hbm4b:s4+s13], $0x1, v53, vm0, $0x4038;
	[tilespmem:$0x2100] =	vst v63  }
0x122: {  	v55 =	vnsel vm1, $0x7FFFFFFF, v20;
	(ifvalue) =	ssetifvalue $0x7FFFFFFF  }
0x123: {  	s31 =	sadd.s32 $0x380, s21;
	(ifvalue) =	ssetifvalue $0x7FFFFFFF  }
0x124: {  	v21 =	vadd.s32 $0x61AC80, v1;
	[tilespmem:s31], [sflag:$0x1] =	stream.indirect_vreg.gather [hbm4b:s4+s13], $0x1, v54, vm0, $0x4038;
	[tilespmem:$0x2100] =	vst v63  }
0x125: {  	v56 =	vnsel vm1, $0x7FFFFFFF, v21;
	(ifvalue) =	ssetifvalue $0x7FFFFFFF  }
0x126: {  	s23 =	sadd.s32 $0x400, s21;
	(ifvalue) =	ssetifvalue $0x7FFFFFFF  }
0x127: {  	v22 =	vadd.s32 $0x61AD00, v1;
	[tilespmem:s23], [sflag:$0x1] =	stream.indirect_vreg.gather [hbm4b:s4+s13], $0x1, v55, vm0, $0x4038;
	[tilespmem:$0x2100] =	vst v63  }
0x128: {  	v57 =	vnsel vm1, $0x7FFFFFFF, v22;
	(ifvalue) =	ssetifvalue $0x7FFFFFFF  }
0x129: {  	s24 =	sadd.s32 $0x480, s21;
	(ifvalue) =	ssetifvalue $0x7FFFFFFF  }
0x12a: {  	v23 =	vadd.s32 $0x61AD80, v1;
	[tilespmem:s24], [sflag:$0x1] =	stream.indirect_vreg.gather [hbm4b:s4+s13], $0x1, v56, vm0, $0x4038;
	[tilespmem:$0x2100] =	vst v63  }
0x12b: {  	v58 =	vnsel vm1, $0x7FFFFFFF, v23;
	(ifvalue) =	ssetifvalue $0x7FFFFFFF  }
0x12c: {  	s25 =	sadd.s32 $0x500, s21;
	(ifvalue) =	ssetifvalue $0x7FFFFFFF  }
0x12d: {  	v24 =	vadd.s32 $0x61AE00, v1;
	[tilespmem:s25], [sflag:$0x1] =	stream.indirect_vreg.gather [hbm4b:s4+s13], $0x1, v57, vm0, $0x4038;
	[tilespmem:$0x2100] =	vst v63  }
0x12e: {  	v59 =	vnsel vm1, $0x7FFFFFFF, v24;
	(ifvalue) =	ssetifvalue $0x7FFFFFFF  }
0x12f: {  	s26 =	sadd.s32 $0x580, s21;
	(ifvalue) =	ssetifvalue $0x7FFFFFFF  }
0x130: {  	v25 =	vadd.s32 $0x61AE80, v1;
	[tilespmem:s26], [sflag:$0x1] =	stream.indirect_vreg.gather [hbm4b:s4+s13], $0x1, v58, vm0, $0x4038;
	[tilespmem:$0x2100] =	vst v63  }
0x131: {  	v60 =	vnsel vm1, $0x7FFFFFFF, v25;
	(ifvalue) =	ssetifvalue $0x7FFFFFFF  }
0x132: {  	s28 =	sadd.s32 $0x600, s21;
	(ifvalue) =	ssetifvalue $0x7FFFFFFF  }
0x133: {  	v26 =	vadd.s32 $0x61AF00, v1;
	[tilespmem:s28], [sflag:$0x1] =	stream.indirect_vreg.gather [hbm4b:s4+s13], $0x1, v59, vm0, $0x4038;
	[tilespmem:$0x2100] =	vst v63  }
0x134: {  	v61 =	vnsel vm1, $0x7FFFFFFF, v26;
	(ifvalue) =	ssetifvalue $0x7FFFFFFF  }
0x135: {  	s29 =	sadd.s32 $0x680, s21;
	(ifvalue) =	ssetifvalue $0x7FFFFFFF  }
0x136: {  	v27 =	vadd.s32 $0x61AF80, v1;
	[tilespmem:s29], [sflag:$0x1] =	stream.indirect_vreg.gather [hbm4b:s4+s13], $0x1, v60, vm0, $0x4038;
	[tilespmem:$0x2100] =	vst v63  }
0x137: {  	v62 =	vnsel vm1, $0x7FFFFFFF, v27;
	(ifvalue) =	ssetifvalue $0x7FFFFFFF  }
0x138: {  	s30 =	sadd.s32 $0x700, s21;
	(ifvalue) =	ssetifvalue $0x7FFFFFFF  }
0x139: {  	v28 =	vadd.s32 $0xC35800, v1;
	[tilespmem:s30], [sflag:$0x1] =	stream.indirect_vreg.gather [hbm4b:s4+s13], $0x1, v61, vm0, $0x4038;
	[tilespmem:$0x2100] =	vst v63  }
0x13a: {  	v63 =	vnsel vm1, $0x7FFFFFFF, v28;
	(ifvalue) =	ssetifvalue $0x7FFFFFFF  }
0x13b: {  	s31 =	sadd.s32 $0x780, s21;
	(ifvalue) =	ssetifvalue $0x7FFFFFFF  }
0x13c: {  	v15 =	vadd.s32 $0xC35880, v1;
	[tilespmem:s31], [sflag:$0x1] =	stream.indirect_vreg.gather [hbm4b:s4+s13], $0x1, v62, vm0, $0x4038;
	[tilespmem:$0x2100] =	vst v63  }
0x13d: {  	v15 =	vnsel vm1, $0x7FFFFFFF, v15;
	(ifvalue) =	ssetifvalue $0x7FFFFFFF  }
0x13e: {  	s23 =	sadd.s32 $0x800, s21;
	(ifvalue) =	ssetifvalue $0x7FFFFFFF  }
0x13f: {  	v14 =	vadd.s32 $0xC35900, v1;
	[tilespmem:s23], [sflag:$0x1] =	stream.indirect_vreg.gather [hbm4b:s4+s13], $0x1, v63, vm0, $0x4038;
	[tilespmem:$0x2100] =	vst v63  }
0x140: {  	v14 =	vnsel vm1, $0x7FFFFFFF, v14;
	(ifvalue) =	ssetifvalue $0x7FFFFFFF  }
0x141: {  	s24 =	sadd.s32 $0x880, s21;
	(ifvalue) =	ssetifvalue $0x7FFFFFFF  }
0x142: {  	v13 =	vadd.s32 $0xC35980, v1;
	[tilespmem:s24], [sflag:$0x1] =	stream.indirect_vreg.gather [hbm4b:s4+s13], $0x1, v15, vm0, $0x4038;
	[tilespmem:$0x2100] =	vst v63  }
0x143: {  	v13 =	vnsel vm1, $0x7FFFFFFF, v13;
	(ifvalue) =	ssetifvalue $0x7FFFFFFF  }
0x144: {  	s25 =	sadd.s32 $0x900, s21;
	(ifvalue) =	ssetifvalue $0x7FFFFFFF  }
0x145: {  	v12 =	vadd.s32 $0xC35A00, v1;
	[tilespmem:s25], [sflag:$0x1] =	stream.indirect_vreg.gather [hbm4b:s4+s13], $0x1, v14, vm0, $0x4038;
	[tilespmem:$0x2100] =	vst v63  }
0x146: {  	v12 =	vnsel vm1, $0x7FFFFFFF, v12;
	(ifvalue) =	ssetifvalue $0x7FFFFFFF  }
0x147: {  	s26 =	sadd.s32 $0x980, s21;
	(ifvalue) =	ssetifvalue $0x7FFFFFFF  }
0x148: {  	v11 =	vadd.s32 $0xC35A80, v1;
	[tilespmem:s26], [sflag:$0x1] =	stream.indirect_vreg.gather [hbm4b:s4+s13], $0x1, v13, vm0, $0x4038;
	[tilespmem:$0x2100] =	vst v63  }
0x149: {  	v11 =	vnsel vm1, $0x7FFFFFFF, v11;
	(ifvalue) =	ssetifvalue $0x7FFFFFFF  }
0x14a: {  	s28 =	sadd.s32 $0xA00, s21;
	(ifvalue) =	ssetifvalue $0x7FFFFFFF  }
0x14b: {  	v10 =	vadd.s32 $0xC35B00, v1;
	[tilespmem:s28], [sflag:$0x1] =	stream.indirect_vreg.gather [hbm4b:s4+s13], $0x1, v12, vm0, $0x4038;
	[tilespmem:$0x2100] =	vst v63  }
0x14c: {  	v10 =	vnsel vm1, $0x7FFFFFFF, v10;
	(ifvalue) =	ssetifvalue $0x7FFFFFFF  }
0x14d: {  	s29 =	sadd.s32 $0xA80, s21;
	(ifvalue) =	ssetifvalue $0x7FFFFFFF  }
0x14e: {  	v9 =	vadd.s32 $0xC35B80, v1;
	[tilespmem:s29], [sflag:$0x1] =	stream.indirect_vreg.gather [hbm4b:s4+s13], $0x1, v11, vm0, $0x4038;
	[tilespmem:$0x2100] =	vst v63  }
0x14f: {  	v9 =	vnsel vm1, $0x7FFFFFFF, v9;
	(ifvalue) =	ssetifvalue $0x7FFFFFFF  }
0x150: {  	s30 =	sadd.s32 $0xB00, s21;
	(ifvalue) =	ssetifvalue $0x7FFFFFFF  }
0x151: {  	v8 =	vadd.s32 $0x1250400, v1;
	[tilespmem:s30], [sflag:$0x1] =	stream.indirect_vreg.gather [hbm4b:s4+s13], $0x1, v10, vm0, $0x4038;
	[tilespmem:$0x2100] =	vst v63  }
0x152: {  	v8 =	vnsel vm1, $0x7FFFFFFF, v8;
	(ifvalue) =	ssetifvalue $0x7FFFFFFF  }
0x153: {  	s31 =	sadd.s32 $0xB80, s21;
	(ifvalue) =	ssetifvalue $0x7FFFFFFF  }
0x154: {  	v7 =	vadd.s32 $0x1250480, v1;
	[tilespmem:s31], [sflag:$0x1] =	stream.indirect_vreg.gather [hbm4b:s4+s13], $0x1, v9, vm0, $0x4038;
	[tilespmem:$0x2100] =	vst v63  }
0x155: {  	v7 =	vnsel vm1, $0x7FFFFFFF, v7;
	(ifvalue) =	ssetifvalue $0x7FFFFFFF  }
0x156: {  	s23 =	sadd.s32 $0xC00, s21;
	(ifvalue) =	ssetifvalue $0x7FFFFFFF  }
0x157: {  	v6 =	vadd.s32 $0x1250500, v1;
	[tilespmem:s23], [sflag:$0x1] =	stream.indirect_vreg.gather [hbm4b:s4+s13], $0x1, v8, vm0, $0x4038;
	[tilespmem:$0x2100] =	vst v63  }
0x158: {  	v6 =	vnsel vm1, $0x7FFFFFFF, v6;
	(ifvalue) =	ssetifvalue $0x7FFFFFFF  }
0x159: {  	s24 =	sadd.s32 $0xC80, s21;
	(ifvalue) =	ssetifvalue $0x7FFFFFFF  }
0x15a: {  	v51 =	vadd.s32 $0x1250580, v1;
	[tilespmem:s24], [sflag:$0x1] =	stream.indirect_vreg.gather [hbm4b:s4+s13], $0x1, v7, vm0, $0x4038;
	[tilespmem:$0x2100] =	vst v63  }
0x15b: {  	v5 =	vnsel vm1, $0x7FFFFFFF, v51;
	(ifvalue) =	ssetifvalue $0x7FFFFFFF  }
0x15c: {  	s25 =	sadd.s32 $0xD00, s21;
	(ifvalue) =	ssetifvalue $0x7FFFFFFF  }
0x15d: {  	v52 =	vadd.s32 $0x1250600, v1;
	[tilespmem:s25], [sflag:$0x1] =	stream.indirect_vreg.gather [hbm4b:s4+s13], $0x1, v6, vm0, $0x4038;
	[tilespmem:$0x2100] =	vst v63  }
0x15e: {  	v4 =	vnsel vm1, $0x7FFFFFFF, v52;
	(ifvalue) =	ssetifvalue $0x7FFFFFFF  }
0x15f: {  	s26 =	sadd.s32 $0xD80, s21;
	(ifvalue) =	ssetifvalue $0x7FFFFFFF  }
0x160: {  	v3 =	vadd.s32 $0x1250680, v1;
	[tilespmem:s26], [sflag:$0x1] =	stream.indirect_vreg.gather [hbm4b:s4+s13], $0x1, v5, vm0, $0x4038;
	[tilespmem:$0x2100] =	vst v63  }
0x161: {  	v3 =	vnsel vm1, $0x7FFFFFFF, v3;
	(ifvalue) =	ssetifvalue $0x7FFFFFFF  }
0x162: {  	s28 =	sadd.s32 $0xE00, s21;
	(ifvalue) =	ssetifvalue $0x7FFFFFFF  }
0x163: {  	v2 =	vadd.s32 $0x1250700, v1;
	[tilespmem:s28], [sflag:$0x1] =	stream.indirect_vreg.gather [hbm4b:s4+s13], $0x1, v4, vm0, $0x4038;
	[tilespmem:$0x2100] =	vst v63  }
0x164: {  	p1 =	sne.s32 s19, $0x1C0;
	v2 =	vnsel vm1, $0x7FFFFFFF, v2;
	(ifvalue) =	ssetifvalue $0x7FFFFFFF  }
0x165: {  	s20 =	smov.u32 s19;
	s29 =	sadd.s32 $0xE80, s21;
	(ifvalue) =	ssetifvalue $0x7FFFFFFF  }
0x166: {  	[tilespmem:s29], [sflag:$0x1] =	stream.indirect_vreg.gather [hbm4b:s4+s13], $0x1, v3, vm0, $0x4038;
	[tilespmem:$0x2100] =	vst v63  }
.Ltmp3:
0x167: {  	s19 =	sadd.s32 $0x40, s19;
	(ifvalue) =	ssetifvalue $0x7FFFFFFF;
	(pc) =	sbr.rel @p1 .LBB2_3-.Ltmp3, $4  }
0x168: {  	s31 =	sadd.s32 $0xF00, s21;
	s30 =	rddreg [dreg:$0x3];
	(ifvalue) =	ssetifvalue $0x7FFFFFFF  }
0x169: {  	[tilespmem:s31], [sflag:$0x1] =	stream.indirect_vreg.gather [hbm4b:s4+s13], $0x1, v2, vm0, $0x4038;
	[tilespmem:$0x2100] =	vst v63  }
0x16a: {  	s18 =	sadd.s32 $0xFFFFFFF0, s18;
	s22 =	sshra.s32 s20, $0x2;
	v1 =	vadd.s32 $0x1250780, v1;
	(ifvalue) =	ssetifvalue $0x7FFFFFFF  }
0x16b: {  	s20 =	sadd.s32 $0xF80, s21;
	v1 =	vnsel vm1, $0x7FFFFFFF, v1;
	s23 =	sadd.s32 s22, s30;
	(ifvalue) =	ssetifvalue $0x7FFFFFFF  }
.Ltmp4:
0x16c: {  	_ = 	snop;
	(pc) =	sbr.rel .LBB2_4-.Ltmp4, $1  }
0x16d: {  	_ =	sdelay $0x3  }
.LBB2_6:
0x16e: {  	_ =	sfence.sel $0x180000  }
0x16f: {  	s2 =	simm.s32 $0x2;
	[bflag:$0x0] =	sbarrier.arrive $0xFFFF  }
0x170: {  	s30 =	simm.s32 $0x3;
	[sflag:s2] =	ssyncpa.u1 $0x1  }
0x171: {  	s31 =	simm.s32 $0x1;
	[sflag:s30] =	ssyncpa.u1 $0x1  }
0x172: {  	[sflag:s31] =	ssyncpa.u1 $0x1  }
0x173: {  	p0 =	sne.s32 s0, $0x0;
	_ =	strace $0x9000005F  }
0x174: {  	s0 =	sadd.s32 @!p0 $0x100000, s1;
	[bflag:$0x2] =	sbarrier.arrive $0xFFFF  }
0x175: {  	[sflag:s0] =	ssyncadd.tile.s32 @!p0 $0x1;
	_ =	shalt  }
.Lfunc_end2:
_tile_overlayer_lowered:
.L_overlay_start_2:
0x176: {  	(tag) =	ssettag $0x2  }
0x177: {  	s0 =	rddreg [dreg:$0x0];
	s2 =	stileid.u32  }
0x178: {  	s1 =	rddreg [dreg:$0x1];
	p0 =	sne.s32 s2, $0x0  }
0x179: {  	s3 =	rddreg [dreg:$0x2];
	[bflag:$0x3] =	sbarrier.arrive $0xFFFF;
	s2 =	simm.s32 @!p0 $0x1C01  }
0x17a: {  	[timem:s3], [sflag:s2] =	dma.local @!p0 [hbm:s0], s1  }
0x17b: {  	s0 =	simm.s32 @!p0 $0x1  }
0x17c: {  	_ =	swait.ge @!p0 [sflag:s0], s1  }
0x17d: {  	s1 =	ssub.s32 @!p0 $0x0, s1;
	[sflag:s0] =	ssyncset.done @!p0 $0x0  }
0x17e: {  	[sflag:s0] =	ssyncadd.s32 @!p0 s1  }
0x17f: {  	[bflag:$0x3] =	sbarrier.arrive $0xFFFF  }
0x180: {  	_ =	shalt  }

// kernel: gather_offload_async_start.3
scs
__scs_entry_jumppad:
0x0: {  	(pc) =	sbr.rel $0x88, $3  }
0x1: {  	(tag) =	ssettag $0x0;
	lr =	simm.s32 $0x1  }
0x2: {  	[smem:$0x3F89] =	sst lr;
	_ =	strace $0xD0000000  }
0x3: {  	_ = 	snop  }
0x4: {  	_ = 	snop  }
0x5: {  	_ = 	snop  }
0x6: {  	_ = 	snop  }
0x7: {  	_ = 	snop  }
__scs_overlays_trampoline_lowered:
0x8: {  	[smem:$0x3F98] =	sst s0  }
0x9: {  	[smem:$0x3F99] =	sst s1  }
0xa: {  	[smem:$0x3F9A] =	sst s2  }
0xb: {  	[smem:$0x3F9B] =	sst s3  }
0xc: {  	[smem:$0x3F9C] =	sst s4  }
0xd: {  	[smem:$0x3F9D] =	sst s5  }
0xe: {  	[smem:$0x3F9E] =	sst s6  }
0xf: {  	[smem:$0x3F9F] =	sst s7  }
0x10: {  	[smem:$0x3FA0] =	sst s8  }
0x11: {  	[smem:$0x3FA1] =	sst s9;
	s0 =	simm.s32 @!p0 $0x0  }
0x12: {  	s1 =	sld [smem:$0x3F87];
	s0 =	simm.s32 @p0 $0x1  }
0x13: {  	[smem:$0x3FA2] =	sst s0;
	s0 =	simm.s32 @!p1 $0x0  }
0x14: {  	s2 =	sld [smem:$0x3F86];
	s0 =	simm.s32 @p1 $0x1  }
0x15: {  	[smem:$0x3FA3] =	sst s0;
	s0 =	simm.s32 @!p2 $0x0  }
0x16: {  	s3 =	sld [smem:$0x3FDB];
	s0 =	simm.s32 @p2 $0x1  }
0x17: {  	s4 =	simm.s32 $0x1BF5;
	[smem:$0x3FA5] =	sst s0  }
0x18: {  	s0 =	sld [smem:$0x3F88];
	_ =	swait.ge [sflag:s4], $0x0  }
0x19: {  	s7 =	sld [smem:$0x3F89]  }
0x1a: {  	s8 =	sadd.s32 $0xFFFFE003, lr  }
0x1b: {  	s9 =	sadd.s32 $0xFFFFFEF7, lr;
	s5 =	simm.s32 $0xFFFFFFFF;
	p2 =	slt.u32 s8, $0xFFFFF086  }
0x1c: {  	p1 =	slt.u32 s9, $0xF7A;
	s5 =	simm.s32 @!p2 $0x0  }
0x1d: {  	s5 =	simm.s32 @p1 $0x1;
	p0 =	seq.s32 s7, s2  }
0x1e: {  	s7 =	smul.u32 @!p0 $0xF7A, s2;
	p2 =	seq.s32 @!p0 s5, $0x0  }
0x1f: {  	s9 =	smul.u32 $0xF7A, s1;
	s8 =	simm.s32 @!p0 $0x1BF5;
	p2 =	por !p2, p0  }
0x20: {  	[sflag:s8] =	ssyncset.s32 @!p0 $0xFFFFF086;
	s6 =	sadd.s32 @!p0 s3, s7;
	s7 =	simm.s32 @!p0 $0x108  }
0x21: {  	s3 =	sadd.s32 s3, s9;
	s6 =	sadd.s32 @!p0 $0x88, s6;
	s7 =	simm.s32 @p2 $0x1082  }
0x22: {  	[simem:s7], [sflag:s8] =	dma.local @!p0 [hbm:s6], $0xF7A  }
0x23: {  	s9 =	sor.u32 $0xD0000000, s2;
	s6 =	simm.s32 $0x108;
	_ =	swait.ge @!p0 [sflag:s8], $0x0  }
0x24: {  	s3 =	sadd.s32 $0x88, s3;
	s6 =	simm.s32 @!p1 $0x1082;
	[sflag:s4] =	ssyncset.s32 $0xFFFFF086  }
0x25: {  	[simem:s6], [sflag:s4] =	dma.local [hbm:s3], $0xF7A  }
0x26: {  	[smem:$0x3F89] =	sst s1;
	(tag) =	ssettag s2;
	_ =	strace s9  }
0x27: {  	s1 =	sld [smem:$0x3F99]  }
0x28: {  	s2 =	sld [smem:$0x3F9A]  }
0x29: {  	s4 =	sld [smem:$0x3F9C]  }
0x2a: {  	p0 =	seq.s32 s5, $0x0;
	s5 =	sld [smem:$0x3F9D]  }
0x2b: {  	s6 =	sld [smem:$0x3F9E]  }
0x2c: {  	s7 =	sld [smem:$0x3F9F]  }
0x2d: {  	s3 =	simm.s32 $0x108;
	s8 =	sld [smem:$0x3FA0]  }
0x2e: {  	s3 =	simm.s32 @!p0 $0x1082;
	s9 =	sld [smem:$0x3FA1]  }
0x2f: {  	lr =	sadd.s32 s0, s3;
	s0 =	sld [smem:$0x3F98]  }
0x30: {  	s3 =	sld [smem:$0x3F9B]  }
0x31: {  	[smem:$0x3FA4] =	sst s10  }
0x32: {  	s10 =	sld [smem:$0x3FA2];
	_ =	sdelay $0x3  }
0x33: {  	p0 =	seq.s32 s10, $0x1;
	s10 =	sld [smem:$0x3FA4];
	_ =	sdelay $0x3  }
0x34: {  	[smem:$0x3FA4] =	sst s10  }
0x35: {  	s10 =	sld [smem:$0x3FA3];
	_ =	sdelay $0x3  }
0x36: {  	p1 =	seq.s32 s10, $0x1;
	s10 =	sld [smem:$0x3FA4];
	_ =	sdelay $0x3  }
0x37: {  	[smem:$0x3FA4] =	sst s10  }
0x38: {  	s10 =	sld [smem:$0x3FA5]  }
0x39: {  	_ = 	snop;
	(pc) =	sbr.ind lr, $3  }
0x3a: {  	_ = 	snop  }
0x3b: {  	_ = 	snop  }
0x3c: {  	p2 =	seq.s32 s10, $0x1;
	s10 =	sld [smem:$0x3FA4]  }
0x3d: {  	_ =	shalt  }
0x3e: {  	_ =	shalt  }
0x3f: {  	_ =	shalt  }
0x40: {  	_ =	shalt  }
0x41: {  	_ =	shalt  }
0x42: {  	_ =	shalt  }
0x43: {  	_ =	shalt  }
0x44: {  	_ =	shalt  }
0x45: {  	_ =	shalt  }
0x46: {  	_ =	shalt  }
0x47: {  	_ =	shalt  }
0x48: {  	_ =	shalt  }
0x49: {  	_ =	shalt  }
0x4a: {  	_ =	shalt  }
0x4b: {  	_ =	shalt  }
0x4c: {  	_ =	shalt  }
0x4d: {  	_ =	shalt  }
0x4e: {  	_ =	shalt  }
0x4f: {  	_ =	shalt  }
0x50: {  	_ =	shalt  }
0x51: {  	_ =	shalt  }
0x52: {  	_ =	shalt  }
0x53: {  	_ =	shalt  }
0x54: {  	_ =	shalt  }
0x55: {  	_ =	shalt  }
0x56: {  	_ =	shalt  }
0x57: {  	_ =	shalt  }
0x58: {  	_ =	shalt  }
0x59: {  	_ =	shalt  }
0x5a: {  	_ =	shalt  }
0x5b: {  	_ =	shalt  }
0x5c: {  	_ =	shalt  }
0x5d: {  	_ =	shalt  }
0x5e: {  	_ =	shalt  }
0x5f: {  	_ =	shalt  }
0x60: {  	_ =	shalt  }
0x61: {  	_ =	shalt  }
0x62: {  	_ =	shalt  }
0x63: {  	_ =	shalt  }
0x64: {  	_ =	shalt  }
0x65: {  	_ =	shalt  }
0x66: {  	_ =	shalt  }
0x67: {  	_ =	shalt  }
0x68: {  	_ =	shalt  }
0x69: {  	_ =	shalt  }
0x6a: {  	_ =	shalt  }
0x6b: {  	_ =	shalt  }
0x6c: {  	_ =	shalt  }
0x6d: {  	_ =	shalt  }
0x6e: {  	_ =	shalt  }
0x6f: {  	_ =	shalt  }
0x70: {  	_ =	shalt  }
0x71: {  	_ =	shalt  }
0x72: {  	_ =	shalt  }
0x73: {  	_ =	shalt  }
0x74: {  	_ =	shalt  }
0x75: {  	_ =	shalt  }
0x76: {  	_ =	shalt  }
0x77: {  	_ =	shalt  }
0x78: {  	_ =	shalt  }
0x79: {  	_ =	shalt  }
0x7a: {  	_ =	shalt  }
0x7b: {  	_ =	shalt  }
0x7c: {  	_ =	shalt  }
0x7d: {  	_ =	shalt  }
0x7e: {  	_ =	shalt  }
0x7f: {  	_ =	shalt  }
0x80: {  	_ =	shalt  }
0x81: {  	_ =	shalt  }
0x82: {  	_ =	shalt  }
0x83: {  	_ =	shalt  }
0x84: {  	_ =	shalt  }
0x85: {  	_ =	shalt  }
0x86: {  	_ =	shalt  }
0x87: {  	_ =	shalt  }
.Lfunc_end0:
.L_simem_size_0:
called_computation.8_lowered:
.L_overlay_start_0:
0x88: {  	s2 =	sld [smem:$0x3FD9]  }
0x89: {  	s3 =	sld [smem:$0x3FFE];
	_ =	sdelay $0x1  }
0x8a: {  	s1 =	srdreg.scid  }
0x8b: {  	s0 =	sand.u32 $0x1, s1  }
0x8c: {  	s17 =	sshll.u32 s0, $0xA;
	s2 =	sadd.s32 s3, s2  }
0x8d: {  	s2 =	sadd.s32 s2, s17  }
0x8e: {  	[smem:$0x3FB0] =	sst s2  }
0x8f: {  	_ = 	snop  }
0x90: {  	(tm) =	ssettm $0x1  }
0x91: {  	s18 =	sld [smem:$0x3FFB];
	_ =	sdelay $0x3  }
0x92: {  	_ =	strace s18  }
0x93: {  	s2 =	sld [smem:$0x3FFC];
	_ =	sdelay $0x3  }
0x94: {  	_ =	strace s2  }
0x95: {  	s2 =	sld [smem:$0x3FFD];
	_ =	sdelay $0x3  }
0x96: {  	_ =	strace s2  }
0x97: {  	_ =	strace $0x8FFFFFFF  }
0x98: {  	s19 =	sld [smem:$0x3FDB];
	_ =	sdelay $0x1  }
0x99: {  	s20 =	simm.s32 $_scs_section_size  }
0x9a: {  	s4 =	simm.s32 $_size__tile_overlayer_lowered;
	s5 =	simm.s32 $_tile_overlayer_lowered  }
0x9b: {  	s6 =	simm.s32 $0x1BFF;
	s21 =	sshll.u32 s5, $0x1;
	s3 =	sadd.s32 s20, s19  }
0x9c: {  	s22 =	simm.s32 $0x0;
	s4 =	sshll.u32 s4, $0x1;
	s5 =	sadd.s32 s21, s3  }
0x9d: {  	[timem:s22], [sflag:s6] =	dma.local [hbm:s5], s4  }
0x9e: {  	_ =	swait.ge [sflag:s6], s4  }
0x9f: {  	s4 =	ssub.s32 $0x0, s4;
	[sflag:s6] =	ssyncset.done $0x0  }
0xa0: {  	[sflag:s6] =	ssyncadd.s32 s4;
	_ =	sdelay $0x1  }
0xa1: {  	s23 =	simm.s32 $0x1B8B  }
0xa2: {  	_ =	swait.ge [sflag:s23], $0x1  }
0xa3: {  	[sflag:s23] =	ssyncset.done $0x0  }
0xa4: {  	[sflag:s23] =	ssyncadd.s32 $0xFFFFFFFF  }
0xa5: {  	s4 =	sld [smem:$0x0]  }
0xa6: {  	s5 =	sand.u32 $0xFFFFFFFE, s1  }
0xa7: {  	p0 =	sne.s32 s1, s5  }
0xa8: {  	s5 =	sshll.u32 @p0 s5, $0xE  }
0xa9: {  	s5 =	sadd.s32 @p0 $0x11B8D, s5;
	s6 =	sshll.u32 @p0 s4, $0x11  }
0xaa: {  	s5 =	sor.u32 @p0 s6, s5  }
0xab: {  	[sflag:s5] =	ssyncadd.remote.s32 @p0 $0x1;
	_ =	sdelay $0x1  }
0xac: {  	s5 =	simm.s32 @p0 $0x1B8D  }
0xad: {  	_ =	swait.eq @p0 [sflag:s5], $0x1  }
0xae: {  	[sflag:s5] =	ssyncadd.s32 @p0 $0xFFFFFFFF  }
0xaf: {  	s6 =	sshll.u32 @!p0 s1, $0xE  }
0xb0: {  	s6 =	sor.u32 @!p0 $0x4000, s6;
	s5 =	simm.s32 @!p0 $0x1B8D  }
0xb1: {  	s4 =	sshll.u32 @!p0 s4, $0x11;
	s6 =	sadd.s32 @!p0 $0x11B8D, s6;
	_ =	swait.eq @!p0 [sflag:s5], $0x1  }
0xb2: {  	s4 =	sor.u32 @!p0 s4, s6;
	[sflag:s5] =	ssyncadd.s32 @!p0 $0xFFFFFFFF  }
0xb3: {  	s25 =	simm.s32 $0x1B8E;
	s24 =	sld [smem:$0x3FFE];
	[sflag:s4] =	ssyncadd.remote.s32 @!p0 $0x1  }
0xb4: {  	s26 =	simm.s32 $execute0_lowered;
	[smem:$0x3FD2] =	sst s25  }
0xb5: {  	s5 =	sshll.u32 s26, $0x1;
	_ =	strace $0x8000005B;
	[dreg:$0x1] =	wrdreg $0xFFFFFFFF  }
0xb6: {  	s28 =	simm.s32 $_size_execute0_lowered;
	s3 =	sadd.s32 s3, s5;
	[dreg:$0x0] =	wrdreg $0x0  }
0xb7: {  	s5 =	sshll.u32 s28, $0x1;
	[dreg:$0x2] =	wrdreg s3  }
0xb8: {  	[dreg:$0x3] =	wrdreg s5  }
0xb9: {  	[dreg:$0x4] =	wrdreg $0xC0  }
0xba: {  	_ =	task [dreg:s22], $0x5FFFF  }
0xbb: {  	[dreg:$0x1] =	wrdreg $0xFFFFFFFF  }
0xbc: {  	[dreg:$0x0] =	wrdreg $0x60  }
0xbd: {  	[dreg:$0x2] =	wrdreg s24  }
0xbe: {  	[dreg:$0x3] =	wrdreg $0xC  }
0xbf: {  	_ =	task.clear_ibuf [dreg:s22], $0x4FFFF;
	_ =	strace $0x9000005B  }
0xc0: {  	s29 =	simm.s32 $0xC;
	_ =	strace $0x8000005D  }
0xc1: {  	_ =	swait.ge [sflag:s29], $0x1  }
0xc2: {  	[sflag:s29] =	ssyncadd.s32 $0xFFFFFFFF  }
0xc3: {  	_ =	strace $0x9000005D  }
0xc4: {  	_ =	sfence  }
0xc5: {  	s30 =	sld [smem:$0x0];
	_ =	sdelay $0x2  }
0xc6: {  	s31 =	sshll.u32 s1, $0xD;
	s1 =	sshrl.u32 s1, $0x2  }
0xc7: {  	s4 =	sand.u32 $0x4000, s31;
	s1 =	sadd.s32 s1, s30  }
0xc8: {  	s0 =	sor.u32 s4, s0;
	s1 =	sshll.u32 s1, $0x11  }
0xc9: {  	s0 =	sor.u32 s1, s0  }
0xca: {  	s0 =	sadd.s32 $0x8F2B, s0  }
0xcb: {  	[sflag:s0] =	ssyncadd.remote.s32 $0x1  }
0xcc: {  	_ =	sfence.sel $0xFFFF  }
0xcd: {  	[dreg:$0x0] =	wrdreg $0xFFFFFFFF;
	(pc) =	sbr.abs _section_cstart, $3  }
0xce: {  	[dreg:$0x1] =	wrdreg $0xFFFFFFFF  }
0xcf: {  	_ =	task.clear_ibuf [dreg:s22], $0x2FFFF;
	_ =	strace $0x9FFFFFFF  }
0xd0: {  	(tm) =	ssettm $0x7FFFFFFF  }
0xd1: {  	_ =	shalt  }
tec
execute0_lowered:
.L_overlay_start_1:
0x0: {  	(tag) =	ssettag $0x1  }
0x1: {  	s1 =	srdreg.scid  }
0x2: {  	s0 =	stileid.u32;
	s12 =	rddreg [dreg:$0x0]  }
0x3: {  	s4 =	simm.s32 $0x1;
	s5 =	simm.s32 $0x2;
	s13 =	simm.s32 $0x0  }
0x4: {  	s15 =	simm.s32 $0x0;
	s14 =	simm.s32 $0x0;
	s1 =	sshll.u32 s1, $0x7  }
0x5: {  	s2 =	sshll.u32 s0, $0x8;
	s8 =	sadd.s32 $0xC69E00, s12;
	s10 =	sadd.s32 $0xC6A600, s12  }
0x6: {  	s11 =	sadd.s32 $0xC6AE00, s12;
	s3 =	sand.u32 $0x80, s1;
	s1 =	rddreg [dreg:$0x1]  }
0x7: {  	_ =	strace $0x8000005C;
	s2 =	sor.u32 s2, s3;
	s3 =	sadd.s32 $0x3400, s12  }
0x8: {  	[sflag:s4] =	ssyncpa.u1 $0x0;
	s6 =	ssub.s32 $0x800, s2;
	s7 =	sshrl.u32 s2, $0x3  }
.Ltmp0:
0x9: {  	[sflag:s5] =	ssyncpa.u1 $0x0;
	p0 =	sgt.s32 s6, $0x0;
	(pc) =	sbr.rel .LBB2_1-.Ltmp0, $4  }
0xa: {  	s9 =	sadd.s32 s7, s12;
	s7 =	simm.s32 $0x1;
	s6 =	simm.s32 @!p0 $0x0  }
0xb: {  	s12 =	sadd.s32 $0xC6B600, s12;
	s31 =	sand.u32 $0xF80, s6;
	s6 =	simm.s32 $0x3  }
0xc: {  	s9 =	sadd.s32 $0xC69A00, s9;
	p0 =	sne.s32 s31, $0x0;
	[sflag:s6] =	ssyncpa.u1 $0x0  }
0xd: {  	vm0 =	vmmov $0xffff;
	v0 =	vlaneseq.u32;
	s7 =	simm.s32 @!p0 $0x0;
	s6 =	simm.s32 @!p0 $0x2;
	p0 =	por $0x0, $0x0  }
.LBB2_4:
0xe: {  	_ =	sdelay $0x3  }
0xf: {  	[tilespmem:s20], [sflag:$0x1] =	stream.indirect_vreg.gather [hbm4b:s3+s13], $0x1, v1, vm0, $0x4038;
	[tilespmem:$0x2100] =	vst v63  }
0x10: {  	v1 =	vld.msk [tilespmem:s23+$0x0 ss:$0x1], $0xffff;
	_ =	sdelay $0x4  }
0x11: {  	vm1 =	vgt.s32 v1, $0x0  }
0x12: {  	p1 =	sgt.s32 s18, $0x0;
	v1 =	vnsel vm1, $0x0, v1  }
0x13: {  	s18 =	simm.s32 @!p1 $0x0;
	v1 =	vmin.u32 v1, $0xC3500  }
0x14: {  	s18 =	smin.u32 s18, $0x10;
	v2 =	vshll.u32 v1, $0x3  }
0x15: {  	v3 =	vmov s18;
	v1 =	vand.u32 $0x7F, v1;
	v2 =	vand.u32 $0x7FFC00, v2  }
0x16: {  	vm1 =	vgt.u32 v3, v0;
	v1 =	vor.u32 v1, v2  }
0x17: {  	v2 =	vnsel vm1, $0x7FFFFFFF, v1;
	_ =	sdelay $0x1  }
0x18: {  	v3 =	vor.u32 $0x80, v1  }
0x19: {  	(ifvalue) =	ssetifvalue $0x7FFFFFFF;
	s26 =	rddreg [dreg:$0x3];
	v3 =	vnsel vm1, $0x7FFFFFFF, v3  }
0x1a: {  	(ifvalue) =	ssetifvalue $0x7FFFFFFF;
	s18 =	sadd.s32 s22, s26  }
0x1b: {  	v4 =	vor.u32 $0x100, v1;
	[tilespmem:s18], [sflag:$0x1] =	stream.indirect_vreg.gather [hbm4b:s3+s13], $0x1, v2, vm0, $0x4038;
	[tilespmem:$0x2100] =	vst v63  }
0x1c: {  	(ifvalue) =	ssetifvalue $0x7FFFFFFF;
	v2 =	vnsel vm1, $0x7FFFFFFF, v4  }
0x1d: {  	s19 =	sadd.s32 $0x80, s18;
	(ifvalue) =	ssetifvalue $0x7FFFFFFF  }
0x1e: {  	v36 =	vor.u32 $0x180, v1;
	[tilespmem:s19], [sflag:$0x1] =	stream.indirect_vreg.gather [hbm4b:s3+s13], $0x1, v3, vm0, $0x4038;
	[tilespmem:$0x2100] =	vst v63  }
0x1f: {  	v3 =	vnsel vm1, $0x7FFFFFFF, v36;
	(ifvalue) =	ssetifvalue $0x7FFFFFFF  }
0x20: {  	s28 =	sadd.s32 $0x100, s18;
	(ifvalue) =	ssetifvalue $0x7FFFFFFF  }
0x21: {  	v37 =	vor.u32 $0x200, v1;
	[tilespmem:s28], [sflag:$0x1] =	stream.indirect_vreg.gather [hbm4b:s3+s13], $0x1, v2, vm0, $0x4038;
	[tilespmem:$0x2100] =	vst v63  }
0x22: {  	(ifvalue) =	ssetifvalue $0x7FFFFFFF;
	v2 =	vnsel vm1, $0x7FFFFFFF, v37  }
0x23: {  	s29 =	sadd.s32 $0x180, s18;
	(ifvalue) =	ssetifvalue $0x7FFFFFFF  }
0x24: {  	v38 =	vor.u32 $0x280, v1;
	[tilespmem:s29], [sflag:$0x1] =	stream.indirect_vreg.gather [hbm4b:s3+s13], $0x1, v3, vm0, $0x4038;
	[tilespmem:$0x2100] =	vst v63  }
0x25: {  	v3 =	vnsel vm1, $0x7FFFFFFF, v38;
	(ifvalue) =	ssetifvalue $0x7FFFFFFF  }
0x26: {  	s30 =	sadd.s32 $0x200, s18;
	(ifvalue) =	ssetifvalue $0x7FFFFFFF  }
0x27: {  	v39 =	vor.u32 $0x300, v1;
	[tilespmem:s30], [sflag:$0x1] =	stream.indirect_vreg.gather [hbm4b:s3+s13], $0x1, v2, vm0, $0x4038;
	[tilespmem:$0x2100] =	vst v63  }
0x28: {  	(ifvalue) =	ssetifvalue $0x7FFFFFFF;
	v2 =	vnsel vm1, $0x7FFFFFFF, v39  }
0x29: {  	s31 =	sadd.s32 $0x280, s18;
	(ifvalue) =	ssetifvalue $0x7FFFFFFF  }
0x2a: {  	v40 =	vor.u32 $0x380, v1;
	[tilespmem:s31], [sflag:$0x1] =	stream.indirect_vreg.gather [hbm4b:s3+s13], $0x1, v3, vm0, $0x4038;
	[tilespmem:$0x2100] =	vst v63  }
0x2b: {  	v3 =	vnsel vm1, $0x7FFFFFFF, v40;
	(ifvalue) =	ssetifvalue $0x7FFFFFFF  }
0x2c: {  	s20 =	sadd.s32 $0x300, s18;
	(ifvalue) =	ssetifvalue $0x7FFFFFFF  }
0x2d: {  	v41 =	vadd.s32 $0x61AC00, v1;
	[tilespmem:s20], [sflag:$0x1] =	stream.indirect_vreg.gather [hbm4b:s3+s13], $0x1, v2, vm0, $0x4038;
	[tilespmem:$0x2100] =	vst v63  }
0x2e: {  	(ifvalue) =	ssetifvalue $0x7FFFFFFF;
	v2 =	vnsel vm1, $0x7FFFFFFF, v41  }
0x2f: {  	s21 =	sadd.s32 $0x380, s18;
	(ifvalue) =	ssetifvalue $0x7FFFFFFF  }
0x30: {  	v42 =	vadd.s32 $0x61AC80, v1;
	[tilespmem:s21], [sflag:$0x1] =	stream.indirect_vreg.gather [hbm4b:s3+s13], $0x1, v3, vm0, $0x4038;
	[tilespmem:$0x2100] =	vst v63  }
0x31: {  	v3 =	vnsel vm1, $0x7FFFFFFF, v42;
	(ifvalue) =	ssetifvalue $0x7FFFFFFF  }
0x32: {  	s22 =	sadd.s32 $0x400, s18;
	(ifvalue) =	ssetifvalue $0x7FFFFFFF  }
0x33: {  	v43 =	vadd.s32 $0x61AD00, v1;
	[tilespmem:s22], [sflag:$0x1] =	stream.indirect_vreg.gather [hbm4b:s3+s13], $0x1, v2, vm0, $0x4038;
	[tilespmem:$0x2100] =	vst v63  }
0x34: {  	(ifvalue) =	ssetifvalue $0x7FFFFFFF;
	v2 =	vnsel vm1, $0x7FFFFFFF, v43  }
0x35: {  	s23 =	sadd.s32 $0x480, s18;
	(ifvalue) =	ssetifvalue $0x7FFFFFFF  }
0x36: {  	v44 =	vadd.s32 $0x61AD80, v1;
	[tilespmem:s23], [sflag:$0x1] =	stream.indirect_vreg.gather [hbm4b:s3+s13], $0x1, v3, vm0, $0x4038;
	[tilespmem:$0x2100] =	vst v63  }
0x37: {  	v3 =	vnsel vm1, $0x7FFFFFFF, v44;
	(ifvalue) =	ssetifvalue $0x7FFFFFFF  }
0x38: {  	s24 =	sadd.s32 $0x500, s18;
	(ifvalue) =	ssetifvalue $0x7FFFFFFF  }
0x39: {  	v45 =	vadd.s32 $0x61AE00, v1;
	[tilespmem:s24], [sflag:$0x1] =	stream.indirect_vreg.gather [hbm4b:s3+s13], $0x1, v2, vm0, $0x4038;
	[tilespmem:$0x2100] =	vst v63  }
0x3a: {  	(ifvalue) =	ssetifvalue $0x7FFFFFFF;
	v2 =	vnsel vm1, $0x7FFFFFFF, v45  }
0x3b: {  	s25 =	sadd.s32 $0x580, s18;
	(ifvalue) =	ssetifvalue $0x7FFFFFFF  }
0x3c: {  	v46 =	vadd.s32 $0x61AE80, v1;
	[tilespmem:s25], [sflag:$0x1] =	stream.indirect_vreg.gather [hbm4b:s3+s13], $0x1, v3, vm0, $0x4038;
	[tilespmem:$0x2100] =	vst v63  }
0x3d: {  	v3 =	vnsel vm1, $0x7FFFFFFF, v46;
	(ifvalue) =	ssetifvalue $0x7FFFFFFF  }
0x3e: {  	s26 =	sadd.s32 $0x600, s18;
	(ifvalue) =	ssetifvalue $0x7FFFFFFF  }
0x3f: {  	v47 =	vadd.s32 $0x61AF00, v1;
	[tilespmem:s26], [sflag:$0x1] =	stream.indirect_vreg.gather [hbm4b:s3+s13], $0x1, v2, vm0, $0x4038;
	[tilespmem:$0x2100] =	vst v63  }
0x40: {  	(ifvalue) =	ssetifvalue $0x7FFFFFFF;
	v2 =	vnsel vm1, $0x7FFFFFFF, v47  }
0x41: {  	s28 =	sadd.s32 $0x680, s18;
	(ifvalue) =	ssetifvalue $0x7FFFFFFF  }
0x42: {  	v48 =	vadd.s32 $0x61AF80, v1;
	[tilespmem:s28], [sflag:$0x1] =	stream.indirect_vreg.gather [hbm4b:s3+s13], $0x1, v3, vm0, $0x4038;
	[tilespmem:$0x2100] =	vst v63  }
0x43: {  	v3 =	vnsel vm1, $0x7FFFFFFF, v48;
	(ifvalue) =	ssetifvalue $0x7FFFFFFF  }
0x44: {  	s29 =	sadd.s32 $0x700, s18;
	(ifvalue) =	ssetifvalue $0x7FFFFFFF  }
0x45: {  	v49 =	vadd.s32 $0xC35800, v1;
	[tilespmem:s29], [sflag:$0x1] =	stream.indirect_vreg.gather [hbm4b:s3+s13], $0x1, v2, vm0, $0x4038;
	[tilespmem:$0x2100] =	vst v63  }
0x46: {  	(ifvalue) =	ssetifvalue $0x7FFFFFFF;
	v2 =	vnsel vm1, $0x7FFFFFFF, v49  }
0x47: {  	s30 =	sadd.s32 $0x780, s18;
	(ifvalue) =	ssetifvalue $0x7FFFFFFF  }
0x48: {  	v50 =	vadd.s32 $0xC35880, v1;
	[tilespmem:s30], [sflag:$0x1] =	stream.indirect_vreg.gather [hbm4b:s3+s13], $0x1, v3, vm0, $0x4038;
	[tilespmem:$0x2100] =	vst v63  }
0x49: {  	v3 =	vnsel vm1, $0x7FFFFFFF, v50;
	(ifvalue) =	ssetifvalue $0x7FFFFFFF  }
0x4a: {  	s31 =	sadd.s32 $0x800, s18;
	(ifvalue) =	ssetifvalue $0x7FFFFFFF  }
0x4b: {  	v51 =	vadd.s32 $0xC35900, v1;
	[tilespmem:s31], [sflag:$0x1] =	stream.indirect_vreg.gather [hbm4b:s3+s13], $0x1, v2, vm0, $0x4038;
	[tilespmem:$0x2100] =	vst v63  }
0x4c: {  	(ifvalue) =	ssetifvalue $0x7FFFFFFF;
	v2 =	vnsel vm1, $0x7FFFFFFF, v51  }
0x4d: {  	s20 =	sadd.s32 $0x880, s18;
	(ifvalue) =	ssetifvalue $0x7FFFFFFF  }
0x4e: {  	v52 =	vadd.s32 $0xC35980, v1;
	[tilespmem:s20], [sflag:$0x1] =	stream.indirect_vreg.gather [hbm4b:s3+s13], $0x1, v3, vm0, $0x4038;
	[tilespmem:$0x2100] =	vst v63  }
0x4f: {  	v3 =	vnsel vm1, $0x7FFFFFFF, v52;
	(ifvalue) =	ssetifvalue $0x7FFFFFFF  }
0x50: {  	s21 =	sadd.s32 $0x900, s18;
	(ifvalue) =	ssetifvalue $0x7FFFFFFF  }
0x51: {  	v53 =	vadd.s32 $0xC35A00, v1;
	[tilespmem:s21], [sflag:$0x1] =	stream.indirect_vreg.gather [hbm4b:s3+s13], $0x1, v2, vm0, $0x4038;
	[tilespmem:$0x2100] =	vst v63  }
0x52: {  	(ifvalue) =	ssetifvalue $0x7FFFFFFF;
	v2 =	vnsel vm1, $0x7FFFFFFF, v53  }
0x53: {  	s22 =	sadd.s32 $0x980, s18;
	(ifvalue) =	ssetifvalue $0x7FFFFFFF  }
0x54: {  	v54 =	vadd.s32 $0xC35A80, v1;
	[tilespmem:s22], [sflag:$0x1] =	stream.indirect_vreg.gather [hbm4b:s3+s13], $0x1, v3, vm0, $0x4038;
	[tilespmem:$0x2100] =	vst v63  }
0x55: {  	v3 =	vnsel vm1, $0x7FFFFFFF, v54;
	(ifvalue) =	ssetifvalue $0x7FFFFFFF  }
0x56: {  	s23 =	sadd.s32 $0xA00, s18;
	(ifvalue) =	ssetifvalue $0x7FFFFFFF  }
0x57: {  	v55 =	vadd.s32 $0xC35B00, v1;
	[tilespmem:s23], [sflag:$0x1] =	stream.indirect_vreg.gather [hbm4b:s3+s13], $0x1, v2, vm0, $0x4038;
	[tilespmem:$0x2100] =	vst v63  }
0x58: {  	(ifvalue) =	ssetifvalue $0x7FFFFFFF;
	v2 =	vnsel vm1, $0x7FFFFFFF, v55  }
0x59: {  	s24 =	sadd.s32 $0xA80, s18;
	(ifvalue) =	ssetifvalue $0x7FFFFFFF  }
0x5a: {  	v56 =	vadd.s32 $0xC35B80, v1;
	[tilespmem:s24], [sflag:$0x1] =	stream.indirect_vreg.gather [hbm4b:s3+s13], $0x1, v3, vm0, $0x4038;
	[tilespmem:$0x2100] =	vst v63  }
0x5b: {  	v3 =	vnsel vm1, $0x7FFFFFFF, v56;
	(ifvalue) =	ssetifvalue $0x7FFFFFFF  }
0x5c: {  	s25 =	sadd.s32 $0xB00, s18;
	(ifvalue) =	ssetifvalue $0x7FFFFFFF  }
0x5d: {  	v57 =	vadd.s32 $0x1250400, v1;
	[tilespmem:s25], [sflag:$0x1] =	stream.indirect_vreg.gather [hbm4b:s3+s13], $0x1, v2, vm0, $0x4038;
	[tilespmem:$0x2100] =	vst v63  }
0x5e: {  	(ifvalue) =	ssetifvalue $0x7FFFFFFF;
	v2 =	vnsel vm1, $0x7FFFFFFF, v57  }
0x5f: {  	s26 =	sadd.s32 $0xB80, s18;
	(ifvalue) =	ssetifvalue $0x7FFFFFFF  }
0x60: {  	v58 =	vadd.s32 $0x1250480, v1;
	[tilespmem:s26], [sflag:$0x1] =	stream.indirect_vreg.gather [hbm4b:s3+s13], $0x1, v3, vm0, $0x4038;
	[tilespmem:$0x2100] =	vst v63  }
0x61: {  	v3 =	vnsel vm1, $0x7FFFFFFF, v58;
	(ifvalue) =	ssetifvalue $0x7FFFFFFF  }
0x62: {  	s28 =	sadd.s32 $0xC00, s18;
	(ifvalue) =	ssetifvalue $0x7FFFFFFF  }
0x63: {  	v59 =	vadd.s32 $0x1250500, v1;
	[tilespmem:s28], [sflag:$0x1] =	stream.indirect_vreg.gather [hbm4b:s3+s13], $0x1, v2, vm0, $0x4038;
	[tilespmem:$0x2100] =	vst v63  }
0x64: {  	(ifvalue) =	ssetifvalue $0x7FFFFFFF;
	v2 =	vnsel vm1, $0x7FFFFFFF, v59  }
0x65: {  	s29 =	sadd.s32 $0xC80, s18;
	(ifvalue) =	ssetifvalue $0x7FFFFFFF  }
0x66: {  	v60 =	vadd.s32 $0x1250580, v1;
	[tilespmem:s29], [sflag:$0x1] =	stream.indirect_vreg.gather [hbm4b:s3+s13], $0x1, v3, vm0, $0x4038;
	[tilespmem:$0x2100] =	vst v63  }
0x67: {  	v3 =	vnsel vm1, $0x7FFFFFFF, v60;
	(ifvalue) =	ssetifvalue $0x7FFFFFFF  }
0x68: {  	s30 =	sadd.s32 $0xD00, s18;
	(ifvalue) =	ssetifvalue $0x7FFFFFFF  }
0x69: {  	v61 =	vadd.s32 $0x1250600, v1;
	[tilespmem:s30], [sflag:$0x1] =	stream.indirect_vreg.gather [hbm4b:s3+s13], $0x1, v2, vm0, $0x4038;
	[tilespmem:$0x2100] =	vst v63  }
0x6a: {  	(ifvalue) =	ssetifvalue $0x7FFFFFFF;
	v2 =	vnsel vm1, $0x7FFFFFFF, v61  }
0x6b: {  	s31 =	sadd.s32 $0xD80, s18;
	(ifvalue) =	ssetifvalue $0x7FFFFFFF  }
0x6c: {  	v62 =	vadd.s32 $0x1250680, v1;
	[tilespmem:s31], [sflag:$0x1] =	stream.indirect_vreg.gather [hbm4b:s3+s13], $0x1, v3, vm0, $0x4038;
	[tilespmem:$0x2100] =	vst v63  }
0x6d: {  	v3 =	vnsel vm1, $0x7FFFFFFF, v62;
	(ifvalue) =	ssetifvalue $0x7FFFFFFF  }
0x6e: {  	s20 =	sadd.s32 $0xE00, s18;
	(ifvalue) =	ssetifvalue $0x7FFFFFFF  }
0x6f: {  	v63 =	vadd.s32 $0x1250700, v1;
	[tilespmem:s20], [sflag:$0x1] =	stream.indirect_vreg.gather [hbm4b:s3+s13], $0x1, v2, vm0, $0x4038;
	[tilespmem:$0x2100] =	vst v63  }
0x70: {  	(ifvalue) =	ssetifvalue $0x7FFFFFFF;
	v2 =	vnsel vm1, $0x7FFFFFFF, v63  }
0x71: {  	s21 =	sadd.s32 $0xE80, s18;
	(ifvalue) =	ssetifvalue $0x7FFFFFFF  }
0x72: {  	v1 =	vadd.s32 $0x1250780, v1;
	[tilespmem:s21], [sflag:$0x1] =	stream.indirect_vreg.gather [hbm4b:s3+s13], $0x1, v3, vm0, $0x4038;
	[tilespmem:$0x2100] =	vst v63  }
0x73: {  	v1 =	vnsel vm1, $0x7FFFFFFF, v1;
	(ifvalue) =	ssetifvalue $0x7FFFFFFF  }
0x74: {  	s22 =	sadd.s32 $0xF00, s18;
	(ifvalue) =	ssetifvalue $0x7FFFFFFF  }
0x75: {  	[tilespmem:s22], [sflag:$0x1] =	stream.indirect_vreg.gather [hbm4b:s3+s13], $0x1, v2, vm0, $0x4038;
	[tilespmem:$0x2100] =	vst v63  }
0x76: {  	(ifvalue) =	ssetifvalue $0x7FFFFFFF  }
0x77: {  	s18 =	sadd.s32 $0xF80, s18;
	s23 =	sshll.u32 s15, $0x3;
	(ifvalue) =	ssetifvalue $0x7FFFFFFF  }
0x78: {  	[tilespmem:s18], [sflag:$0x1] =	stream.indirect_vreg.gather [hbm4b:s3+s13], $0x1, v1, vm0, $0x4038;
	[tilespmem:$0x2100] =	vst v63  }
0x79: {  	s24 =	sand.u32 $0x78, s15;
	s18 =	sand.u32 $0x7FFFFC00, s23  }
0x7a: {  	_ =	swait.ge [sflag:s4], $0x1000;
	s15 =	sor.u32 s24, s18  }
0x7b: {  	[sflag:s4] =	ssyncset.done $0x0;
	s15 =	sshrl.u32 s15, $0x3  }
0x7c: {  	[sflag:s4] =	ssyncadd.s32 $0xFFFFF000;
	s25 =	sadd.s32 s8, s15  }
0x7d: {  	[hbm:s25] =	stream.linear.scatter [tilespmem:s17], [sflag:$0x3], $0x400, $0x38;
	[tilespmem:$0x2100] =	vst v63  }
0x7e: {  	s26 =	sadd.s32 $0x500, s16;
	s28 =	sadd.s32 s15, s10  }
0x7f: {  	[hbm:s28] =	stream.linear.scatter [tilespmem:s26], [sflag:$0x3], $0x400, $0x38;
	[tilespmem:$0x2100] =	vst v63  }
0x80: {  	s29 =	sadd.s32 $0x900, s16;
	s30 =	sadd.s32 s15, s11  }
0x81: {  	[hbm:s30] =	stream.linear.scatter [tilespmem:s29], [sflag:$0x3], $0x400, $0x38;
	[tilespmem:$0x2100] =	vst v63  }
0x82: {  	s31 =	sadd.s32 $0xD00, s16;
	s15 =	sadd.s32 s15, s12  }
0x83: {  	[hbm:s15] =	stream.linear.scatter [tilespmem:s31], [sflag:$0x3], $0x400, $0x38;
	[tilespmem:$0x2100] =	vst v63  }
.LBB2_5:
0x84: {  	p1 =	slt.u32 s14, $0x2;
	s14 =	sadd.s32 $0x1, s14  }
0x85: {  	p2 =	sne.s32 s14, s6  }
.Ltmp1:
0x86: {  	_ = 	snop;
	(pc) =	sbr.rel @!p2 .LBB2_6-.Ltmp1, $4  }
0x87: {  	s15 =	simm.s32 @!p1 $0x3  }
0x88: {  	_ =	swait.ge @!p1 [sflag:s15], $0x1000  }
0x89: {  	[sflag:s15] =	ssyncset.done @!p1 $0x0  }
0x8a: {  	p0 =	por !p0, !p0;
	[sflag:s15] =	ssyncadd.s32 @!p1 $0xFFFFF000;
	s15 =	smov.u32 s2  }
.LBB2_1:
0x8b: {  	p1 =	sge.u32 s14, s7  }
0x8c: {  	s31 =	sadd.s32 $0xFFFFFFFF, s14;
	s16 =	simm.s32 @!p1 $0x0;
	s17 =	simm.s32 @!p1 $0x80  }
0x8d: {  	[tilespmem:s17], [sflag:$0x2] =	stream.linear.gather @!p1 [hbm4b:s9+s16], $0x80, $0x38;
	[tilespmem:$0x2100] =	vst v63  }
0x8e: {  	p1 =	sge.u32 s31, s7  }
.Ltmp2:
0x8f: {  	_ = 	snop;
	(pc) =	sbr.rel @p1 .LBB2_5-.Ltmp2, $1  }
0x90: {  	_ =	sdelay $0x3  }
0x91: {  	s16 =	simm.s32 $0x1  }
0x92: {  	s16 =	simm.s32 @!p0 $0x0  }
0x93: {  	s17 =	sshll.u32 s16, $0xC;
	s16 =	sshll.u32 s16, $0x7  }
0x94: {  	s17 =	sor.u32 $0x100, s17;
	[dreg:$0x2] =	wrdreg s16  }
0x95: {  	[dreg:$0x3] =	wrdreg s17  }
0x96: {  	_ =	swait.ge [sflag:s5], $0x80  }
0x97: {  	s24 =	rddreg [dreg:$0x2];
	[sflag:s5] =	ssyncset.done $0x0  }
0x98: {  	[sflag:s5] =	ssyncadd.s32 $0xFFFFFF80;
	s16 =	sadd.s32 $0x0, s24  }
0x99: {  	v1 =	vld.msk [tilespmem:s16+$0x0 ss:$0x1], $0xffff;
	_ =	sdelay $0x2  }
0x9a: {  	s18 =	ssub.s32 $0x7D0, s15  }
0x9b: {  	p1 =	slt.s32 s18, $0x80  }
0x9c: {  	s18 =	simm.s32 @!p1 $0x80;
	vm1 =	vgt.s32 v1, $0x0  }
0x9d: {  	p1 =	sgt.s32 s18, $0x0;
	s16 =	smov.u32 s18;
	v1 =	vnsel vm1, $0x0, v1  }
0x9e: {  	s16 =	simm.s32 @!p1 $0x0;
	v1 =	vmin.u32 v1, $0xC3500  }
0x9f: {  	s16 =	smin.u32 s16, $0x10;
	v2 =	vshll.u32 v1, $0x3  }
0xa0: {  	v3 =	vmov s16;
	v1 =	vand.u32 $0x7F, v1;
	v2 =	vand.u32 $0x7FFC00, v2  }
0xa1: {  	vm1 =	vgt.u32 v3, v0;
	v1 =	vor.u32 v1, v2  }
0xa2: {  	v2 =	vnsel vm1, $0x7FFFFFFF, v1;
	_ =	sdelay $0x1  }
0xa3: {  	v3 =	vor.u32 $0x80, v1  }
0xa4: {  	(ifvalue) =	ssetifvalue $0x7FFFFFFF;
	s25 =	rddreg [dreg:$0x3];
	v3 =	vnsel vm1, $0x7FFFFFFF, v3  }
0xa5: {  	s20 =	sadd.s32 $0x0, s25;
	(ifvalue) =	ssetifvalue $0x7FFFFFFF  }
0xa6: {  	v4 =	vor.u32 $0x100, v1;
	[tilespmem:s20], [sflag:$0x1] =	stream.indirect_vreg.gather [hbm4b:s3+s13], $0x1, v2, vm0, $0x4038;
	[tilespmem:$0x2100] =	vst v63  }
0xa7: {  	(ifvalue) =	ssetifvalue $0x7FFFFFFF;
	v2 =	vnsel vm1, $0x7FFFFFFF, v4  }
0xa8: {  	s16 =	sadd.s32 $0x80, s20;
	(ifvalue) =	ssetifvalue $0x7FFFFFFF  }
0xa9: {  	v37 =	vor.u32 $0x180, v1;
	[tilespmem:s16], [sflag:$0x1] =	stream.indirect_vreg.gather [hbm4b:s3+s13], $0x1, v3, vm0, $0x4038;
	[tilespmem:$0x2100] =	vst v63  }
0xaa: {  	v3 =	vnsel vm1, $0x7FFFFFFF, v37;
	(ifvalue) =	ssetifvalue $0x7FFFFFFF  }
0xab: {  	s26 =	sadd.s32 $0x100, s20;
	(ifvalue) =	ssetifvalue $0x7FFFFFFF  }
0xac: {  	v38 =	vor.u32 $0x200, v1;
	[tilespmem:s26], [sflag:$0x1] =	stream.indirect_vreg.gather [hbm4b:s3+s13], $0x1, v2, vm0, $0x4038;
	[tilespmem:$0x2100] =	vst v63  }
0xad: {  	(ifvalue) =	ssetifvalue $0x7FFFFFFF;
	v2 =	vnsel vm1, $0x7FFFFFFF, v38  }
0xae: {  	s28 =	sadd.s32 $0x180, s20;
	(ifvalue) =	ssetifvalue $0x7FFFFFFF  }
0xaf: {  	v39 =	vor.u32 $0x280, v1;
	[tilespmem:s28], [sflag:$0x1] =	stream.indirect_vreg.gather [hbm4b:s3+s13], $0x1, v3, vm0, $0x4038;
	[tilespmem:$0x2100] =	vst v63  }
0xb0: {  	v3 =	vnsel vm1, $0x7FFFFFFF, v39;
	(ifvalue) =	ssetifvalue $0x7FFFFFFF  }
0xb1: {  	s29 =	sadd.s32 $0x200, s20;
	(ifvalue) =	ssetifvalue $0x7FFFFFFF  }
0xb2: {  	v40 =	vor.u32 $0x300, v1;
	[tilespmem:s29], [sflag:$0x1] =	stream.indirect_vreg.gather [hbm4b:s3+s13], $0x1, v2, vm0, $0x4038;
	[tilespmem:$0x2100] =	vst v63  }
0xb3: {  	(ifvalue) =	ssetifvalue $0x7FFFFFFF;
	v2 =	vnsel vm1, $0x7FFFFFFF, v40  }
0xb4: {  	s30 =	sadd.s32 $0x280, s20;
	(ifvalue) =	ssetifvalue $0x7FFFFFFF  }
0xb5: {  	v41 =	vor.u32 $0x380, v1;
	[tilespmem:s30], [sflag:$0x1] =	stream.indirect_vreg.gather [hbm4b:s3+s13], $0x1, v3, vm0, $0x4038;
	[tilespmem:$0x2100] =	vst v63  }
0xb6: {  	v3 =	vnsel vm1, $0x7FFFFFFF, v41;
	(ifvalue) =	ssetifvalue $0x7FFFFFFF  }
0xb7: {  	s31 =	sadd.s32 $0x300, s20;
	(ifvalue) =	ssetifvalue $0x7FFFFFFF  }
0xb8: {  	v42 =	vadd.s32 $0x61AC00, v1;
	[tilespmem:s31], [sflag:$0x1] =	stream.indirect_vreg.gather [hbm4b:s3+s13], $0x1, v2, vm0, $0x4038;
	[tilespmem:$0x2100] =	vst v63  }
0xb9: {  	(ifvalue) =	ssetifvalue $0x7FFFFFFF;
	v2 =	vnsel vm1, $0x7FFFFFFF, v42  }
0xba: {  	s17 =	sadd.s32 $0x380, s20;
	(ifvalue) =	ssetifvalue $0x7FFFFFFF  }
0xbb: {  	v43 =	vadd.s32 $0x61AC80, v1;
	[tilespmem:s17], [sflag:$0x1] =	stream.indirect_vreg.gather [hbm4b:s3+s13], $0x1, v3, vm0, $0x4038;
	[tilespmem:$0x2100] =	vst v63  }
0xbc: {  	v3 =	vnsel vm1, $0x7FFFFFFF, v43;
	(ifvalue) =	ssetifvalue $0x7FFFFFFF  }
0xbd: {  	s19 =	sadd.s32 $0x400, s20;
	(ifvalue) =	ssetifvalue $0x7FFFFFFF  }
0xbe: {  	v44 =	vadd.s32 $0x61AD00, v1;
	[tilespmem:s19], [sflag:$0x1] =	stream.indirect_vreg.gather [hbm4b:s3+s13], $0x1, v2, vm0, $0x4038;
	[tilespmem:$0x2100] =	vst v63  }
0xbf: {  	(ifvalue) =	ssetifvalue $0x7FFFFFFF;
	v2 =	vnsel vm1, $0x7FFFFFFF, v44  }
0xc0: {  	s21 =	sadd.s32 $0x480, s20;
	(ifvalue) =	ssetifvalue $0x7FFFFFFF  }
0xc1: {  	v45 =	vadd.s32 $0x61AD80, v1;
	[tilespmem:s21], [sflag:$0x1] =	stream.indirect_vreg.gather [hbm4b:s3+s13], $0x1, v3, vm0, $0x4038;
	[tilespmem:$0x2100] =	vst v63  }
0xc2: {  	v3 =	vnsel vm1, $0x7FFFFFFF, v45;
	(ifvalue) =	ssetifvalue $0x7FFFFFFF  }
0xc3: {  	s22 =	sadd.s32 $0x500, s20;
	(ifvalue) =	ssetifvalue $0x7FFFFFFF  }
0xc4: {  	v46 =	vadd.s32 $0x61AE00, v1;
	[tilespmem:s22], [sflag:$0x1] =	stream.indirect_vreg.gather [hbm4b:s3+s13], $0x1, v2, vm0, $0x4038;
	[tilespmem:$0x2100] =	vst v63  }
0xc5: {  	(ifvalue) =	ssetifvalue $0x7FFFFFFF;
	v2 =	vnsel vm1, $0x7FFFFFFF, v46  }
0xc6: {  	s23 =	sadd.s32 $0x580, s20;
	(ifvalue) =	ssetifvalue $0x7FFFFFFF  }
0xc7: {  	v47 =	vadd.s32 $0x61AE80, v1;
	[tilespmem:s23], [sflag:$0x1] =	stream.indirect_vreg.gather [hbm4b:s3+s13], $0x1, v3, vm0, $0x4038;
	[tilespmem:$0x2100] =	vst v63  }
0xc8: {  	v3 =	vnsel vm1, $0x7FFFFFFF, v47;
	(ifvalue) =	ssetifvalue $0x7FFFFFFF  }
0xc9: {  	s24 =	sadd.s32 $0x600, s20;
	(ifvalue) =	ssetifvalue $0x7FFFFFFF  }
0xca: {  	v48 =	vadd.s32 $0x61AF00, v1;
	[tilespmem:s24], [sflag:$0x1] =	stream.indirect_vreg.gather [hbm4b:s3+s13], $0x1, v2, vm0, $0x4038;
	[tilespmem:$0x2100] =	vst v63  }
0xcb: {  	(ifvalue) =	ssetifvalue $0x7FFFFFFF;
	v2 =	vnsel vm1, $0x7FFFFFFF, v48  }
0xcc: {  	s25 =	sadd.s32 $0x680, s20;
	(ifvalue) =	ssetifvalue $0x7FFFFFFF  }
0xcd: {  	v49 =	vadd.s32 $0x61AF80, v1;
	[tilespmem:s25], [sflag:$0x1] =	stream.indirect_vreg.gather [hbm4b:s3+s13], $0x1, v3, vm0, $0x4038;
	[tilespmem:$0x2100] =	vst v63  }
0xce: {  	v3 =	vnsel vm1, $0x7FFFFFFF, v49;
	(ifvalue) =	ssetifvalue $0x7FFFFFFF  }
0xcf: {  	s26 =	sadd.s32 $0x700, s20;
	(ifvalue) =	ssetifvalue $0x7FFFFFFF  }
0xd0: {  	v50 =	vadd.s32 $0xC35800, v1;
	[tilespmem:s26], [sflag:$0x1] =	stream.indirect_vreg.gather [hbm4b:s3+s13], $0x1, v2, vm0, $0x4038;
	[tilespmem:$0x2100] =	vst v63  }
0xd1: {  	(ifvalue) =	ssetifvalue $0x7FFFFFFF;
	v2 =	vnsel vm1, $0x7FFFFFFF, v50  }
0xd2: {  	s28 =	sadd.s32 $0x780, s20;
	(ifvalue) =	ssetifvalue $0x7FFFFFFF  }
0xd3: {  	v51 =	vadd.s32 $0xC35880, v1;
	[tilespmem:s28], [sflag:$0x1] =	stream.indirect_vreg.gather [hbm4b:s3+s13], $0x1, v3, vm0, $0x4038;
	[tilespmem:$0x2100] =	vst v63  }
0xd4: {  	v3 =	vnsel vm1, $0x7FFFFFFF, v51;
	(ifvalue) =	ssetifvalue $0x7FFFFFFF  }
0xd5: {  	s29 =	sadd.s32 $0x800, s20;
	(ifvalue) =	ssetifvalue $0x7FFFFFFF  }
0xd6: {  	v52 =	vadd.s32 $0xC35900, v1;
	[tilespmem:s29], [sflag:$0x1] =	stream.indirect_vreg.gather [hbm4b:s3+s13], $0x1, v2, vm0, $0x4038;
	[tilespmem:$0x2100] =	vst v63  }
0xd7: {  	(ifvalue) =	ssetifvalue $0x7FFFFFFF;
	v2 =	vnsel vm1, $0x7FFFFFFF, v52  }
0xd8: {  	s30 =	sadd.s32 $0x880, s20;
	(ifvalue) =	ssetifvalue $0x7FFFFFFF  }
0xd9: {  	v53 =	vadd.s32 $0xC35980, v1;
	[tilespmem:s30], [sflag:$0x1] =	stream.indirect_vreg.gather [hbm4b:s3+s13], $0x1, v3, vm0, $0x4038;
	[tilespmem:$0x2100] =	vst v63  }
0xda: {  	v3 =	vnsel vm1, $0x7FFFFFFF, v53;
	(ifvalue) =	ssetifvalue $0x7FFFFFFF  }
0xdb: {  	s31 =	sadd.s32 $0x900, s20;
	(ifvalue) =	ssetifvalue $0x7FFFFFFF  }
0xdc: {  	v54 =	vadd.s32 $0xC35A00, v1;
	[tilespmem:s31], [sflag:$0x1] =	stream.indirect_vreg.gather [hbm4b:s3+s13], $0x1, v2, vm0, $0x4038;
	[tilespmem:$0x2100] =	vst v63  }
0xdd: {  	(ifvalue) =	ssetifvalue $0x7FFFFFFF;
	v2 =	vnsel vm1, $0x7FFFFFFF, v54  }
0xde: {  	s17 =	sadd.s32 $0x980, s20;
	(ifvalue) =	ssetifvalue $0x7FFFFFFF  }
0xdf: {  	v55 =	vadd.s32 $0xC35A80, v1;
	[tilespmem:s17], [sflag:$0x1] =	stream.indirect_vreg.gather [hbm4b:s3+s13], $0x1, v3, vm0, $0x4038;
	[tilespmem:$0x2100] =	vst v63  }
0xe0: {  	v3 =	vnsel vm1, $0x7FFFFFFF, v55;
	(ifvalue) =	ssetifvalue $0x7FFFFFFF  }
0xe1: {  	s19 =	sadd.s32 $0xA00, s20;
	(ifvalue) =	ssetifvalue $0x7FFFFFFF  }
0xe2: {  	v56 =	vadd.s32 $0xC35B00, v1;
	[tilespmem:s19], [sflag:$0x1] =	stream.indirect_vreg.gather [hbm4b:s3+s13], $0x1, v2, vm0, $0x4038;
	[tilespmem:$0x2100] =	vst v63  }
0xe3: {  	(ifvalue) =	ssetifvalue $0x7FFFFFFF;
	v2 =	vnsel vm1, $0x7FFFFFFF, v56  }
0xe4: {  	s21 =	sadd.s32 $0xA80, s20;
	(ifvalue) =	ssetifvalue $0x7FFFFFFF  }
0xe5: {  	v57 =	vadd.s32 $0xC35B80, v1;
	[tilespmem:s21], [sflag:$0x1] =	stream.indirect_vreg.gather [hbm4b:s3+s13], $0x1, v3, vm0, $0x4038;
	[tilespmem:$0x2100] =	vst v63  }
0xe6: {  	v3 =	vnsel vm1, $0x7FFFFFFF, v57;
	(ifvalue) =	ssetifvalue $0x7FFFFFFF  }
0xe7: {  	s22 =	sadd.s32 $0xB00, s20;
	(ifvalue) =	ssetifvalue $0x7FFFFFFF  }
0xe8: {  	v58 =	vadd.s32 $0x1250400, v1;
	[tilespmem:s22], [sflag:$0x1] =	stream.indirect_vreg.gather [hbm4b:s3+s13], $0x1, v2, vm0, $0x4038;
	[tilespmem:$0x2100] =	vst v63  }
0xe9: {  	(ifvalue) =	ssetifvalue $0x7FFFFFFF;
	v2 =	vnsel vm1, $0x7FFFFFFF, v58  }
0xea: {  	s23 =	sadd.s32 $0xB80, s20;
	(ifvalue) =	ssetifvalue $0x7FFFFFFF  }
0xeb: {  	v59 =	vadd.s32 $0x1250480, v1;
	[tilespmem:s23], [sflag:$0x1] =	stream.indirect_vreg.gather [hbm4b:s3+s13], $0x1, v3, vm0, $0x4038;
	[tilespmem:$0x2100] =	vst v63  }
0xec: {  	v3 =	vnsel vm1, $0x7FFFFFFF, v59;
	(ifvalue) =	ssetifvalue $0x7FFFFFFF  }
0xed: {  	s24 =	sadd.s32 $0xC00, s20;
	(ifvalue) =	ssetifvalue $0x7FFFFFFF  }
0xee: {  	v60 =	vadd.s32 $0x1250500, v1;
	[tilespmem:s24], [sflag:$0x1] =	stream.indirect_vreg.gather [hbm4b:s3+s13], $0x1, v2, vm0, $0x4038;
	[tilespmem:$0x2100] =	vst v63  }
0xef: {  	(ifvalue) =	ssetifvalue $0x7FFFFFFF;
	v2 =	vnsel vm1, $0x7FFFFFFF, v60  }
0xf0: {  	s25 =	sadd.s32 $0xC80, s20;
	(ifvalue) =	ssetifvalue $0x7FFFFFFF  }
0xf1: {  	v61 =	vadd.s32 $0x1250580, v1;
	[tilespmem:s25], [sflag:$0x1] =	stream.indirect_vreg.gather [hbm4b:s3+s13], $0x1, v3, vm0, $0x4038;
	[tilespmem:$0x2100] =	vst v63  }
0xf2: {  	v3 =	vnsel vm1, $0x7FFFFFFF, v61;
	(ifvalue) =	ssetifvalue $0x7FFFFFFF  }
0xf3: {  	s26 =	sadd.s32 $0xD00, s20;
	(ifvalue) =	ssetifvalue $0x7FFFFFFF  }
0xf4: {  	v62 =	vadd.s32 $0x1250600, v1;
	[tilespmem:s26], [sflag:$0x1] =	stream.indirect_vreg.gather [hbm4b:s3+s13], $0x1, v2, vm0, $0x4038;
	[tilespmem:$0x2100] =	vst v63  }
0xf5: {  	(ifvalue) =	ssetifvalue $0x7FFFFFFF;
	v2 =	vnsel vm1, $0x7FFFFFFF, v62  }
0xf6: {  	s28 =	sadd.s32 $0xD80, s20;
	(ifvalue) =	ssetifvalue $0x7FFFFFFF  }
0xf7: {  	v63 =	vadd.s32 $0x1250680, v1;
	[tilespmem:s28], [sflag:$0x1] =	stream.indirect_vreg.gather [hbm4b:s3+s13], $0x1, v3, vm0, $0x4038;
	[tilespmem:$0x2100] =	vst v63  }
0xf8: {  	v3 =	vnsel vm1, $0x7FFFFFFF, v63;
	(ifvalue) =	ssetifvalue $0x7FFFFFFF  }
0xf9: {  	s29 =	sadd.s32 $0xE00, s20;
	(ifvalue) =	ssetifvalue $0x7FFFFFFF  }
0xfa: {  	[tilespmem:s29], [sflag:$0x1] =	stream.indirect_vreg.gather [hbm4b:s3+s13], $0x1, v2, vm0, $0x4038;
	v2 =	vadd.s32 $0x1250700, v1;
	[tilespmem:$0x2100] =	vst v63  }
0xfb: {  	s30 =	sshll.u32 s14, $0xC;
	(ifvalue) =	ssetifvalue $0x7FFFFFFF;
	v2 =	vnsel vm1, $0x7FFFFFFF, v2  }
0xfc: {  	s16 =	sand.u32 $0x1000, s30;
	s31 =	sadd.s32 $0xE80, s20;
	(ifvalue) =	ssetifvalue $0x7FFFFFFF  }
0xfd: {  	v1 =	vadd.s32 $0x1250780, v1;
	[tilespmem:s31], [sflag:$0x1] =	stream.indirect_vreg.gather [hbm4b:s3+s13], $0x1, v3, vm0, $0x4038;
	[tilespmem:$0x2100] =	vst v63  }
0xfe: {  	s18 =	sadd.s32 $0xFFFFFFF0, s18;
	s17 =	sor.u32 $0x100, s16;
	v1 =	vnsel vm1, $0x7FFFFFFF, v1;
	(ifvalue) =	ssetifvalue $0x7FFFFFFF  }
0xff: {  	s22 =	sadd.s32 $0xF00, s20;
	s21 =	rddreg [dreg:$0x2];
	(ifvalue) =	ssetifvalue $0x7FFFFFFF  }
0x100: {  	[tilespmem:s22], [sflag:$0x1] =	stream.indirect_vreg.gather [hbm4b:s3+s13], $0x1, v2, vm0, $0x4038;
	[tilespmem:$0x2100] =	vst v63  }
0x101: {  	s19 =	simm.s32 $0x80;
	s20 =	sadd.s32 $0xF80, s20;
	(ifvalue) =	ssetifvalue $0x7FFFFFFF  }
0x102: {  	s23 =	sadd.s32 $0x10, s21;
	s22 =	simm.s32 $0x10;
	(ifvalue) =	ssetifvalue $0x7FFFFFFF  }
.LBB2_3:
0x103: {  	[tilespmem:s20], [sflag:$0x1] =	stream.indirect_vreg.gather [hbm4b:s3+s13], $0x1, v1, vm0, $0x4038;
	[tilespmem:$0x2100] =	vst v63  }
0x104: {  	v1 =	vld.msk [tilespmem:s23+$0x0 ss:$0x1], $0xffff;
	_ =	sdelay $0x4  }
0x105: {  	vm1 =	vgt.s32 v1, $0x0  }
0x106: {  	p2 =	sgt.s32 s18, $0x0;
	s23 =	smov.u32 s18;
	v1 =	vnsel vm1, $0x0, v1  }
0x107: {  	s23 =	simm.s32 @!p2 $0x0;
	v1 =	vmin.u32 v1, $0xC3500  }
0x108: {  	s23 =	smin.u32 s23, $0x10;
	v2 =	vshll.u32 v1, $0x3  }
0x109: {  	v3 =	vmov s23;
	v1 =	vand.u32 $0x7F, v1;
	v2 =	vand.u32 $0x7FFC00, v2  }
0x10a: {  	vm1 =	vgt.u32 v3, v0;
	v1 =	vor.u32 v1, v2  }
0x10b: {  	v2 =	vnsel vm1, $0x7FFFFFFF, v1;
	_ =	sdelay $0x1  }
0x10c: {  	v3 =	vor.u32 $0x80, v1  }
0x10d: {  	(ifvalue) =	ssetifvalue $0x7FFFFFFF;
	s21 =	rddreg [dreg:$0x3];
	v3 =	vnsel vm1, $0x7FFFFFFF, v3  }
0x10e: {  	s21 =	sadd.s32 s22, s21;
	(ifvalue) =	ssetifvalue $0x7FFFFFFF  }
0x10f: {  	v4 =	vor.u32 $0x100, v1;
	[tilespmem:s21], [sflag:$0x1] =	stream.indirect_vreg.gather [hbm4b:s3+s13], $0x1, v2, vm0, $0x4038;
	[tilespmem:$0x2100] =	vst v63  }
0x110: {  	(ifvalue) =	ssetifvalue $0x7FFFFFFF;
	v2 =	vnsel vm1, $0x7FFFFFFF, v4  }
0x111: {  	s22 =	sadd.s32 $0x80, s21;
	(ifvalue) =	ssetifvalue $0x7FFFFFFF  }
0x112: {  	v5 =	vor.u32 $0x180, v1;
	[tilespmem:s22], [sflag:$0x1] =	stream.indirect_vreg.gather [hbm4b:s3+s13], $0x1, v3, vm0, $0x4038;
	[tilespmem:$0x2100] =	vst v63  }
0x113: {  	v29 =	vnsel vm1, $0x7FFFFFFF, v5;
	(ifvalue) =	ssetifvalue $0x7FFFFFFF  }
0x114: {  	s25 =	sadd.s32 $0x100, s21;
	(ifvalue) =	ssetifvalue $0x7FFFFFFF  }
0x115: {  	v16 =	vor.u32 $0x200, v1;
	[tilespmem:s25], [sflag:$0x1] =	stream.indirect_vreg.gather [hbm4b:s3+s13], $0x1, v2, vm0, $0x4038;
	[tilespmem:$0x2100] =	vst v63  }
0x116: {  	v16 =	vnsel vm1, $0x7FFFFFFF, v16;
	(ifvalue) =	ssetifvalue $0x7FFFFFFF  }
0x117: {  	s26 =	sadd.s32 $0x180, s21;
	(ifvalue) =	ssetifvalue $0x7FFFFFFF  }
0x118: {  	v17 =	vor.u32 $0x280, v1;
	[tilespmem:s26], [sflag:$0x1] =	stream.indirect_vreg.gather [hbm4b:s3+s13], $0x1, v29, vm0, $0x4038;
	[tilespmem:$0x2100] =	vst v63  }
0x119: {  	v17 =	vnsel vm1, $0x7FFFFFFF, v17;
	(ifvalue) =	ssetifvalue $0x7FFFFFFF  }
0x11a: {  	s28 =	sadd.s32 $0x200, s21;
	(ifvalue) =	ssetifvalue $0x7FFFFFFF  }
0x11b: {  	v18 =	vor.u32 $0x300, v1;
	[tilespmem:s28], [sflag:$0x1] =	stream.indirect_vreg.gather [hbm4b:s3+s13], $0x1, v16, vm0, $0x4038;
	[tilespmem:$0x2100] =	vst v63  }
0x11c: {  	v53 =	vnsel vm1, $0x7FFFFFFF, v18;
	(ifvalue) =	ssetifvalue $0x7FFFFFFF  }
0x11d: {  	s29 =	sadd.s32 $0x280, s21;
	(ifvalue) =	ssetifvalue $0x7FFFFFFF  }
0x11e: {  	v19 =	vor.u32 $0x380, v1;
	[tilespmem:s29], [sflag:$0x1] =	stream.indirect_vreg.gather [hbm4b:s3+s13], $0x1, v17, vm0, $0x4038;
	[tilespmem:$0x2100] =	vst v63  }
0x11f: {  	v54 =	vnsel vm1, $0x7FFFFFFF, v19;
	(ifvalue) =	ssetifvalue $0x7FFFFFFF  }
0x120: {  	s30 =	sadd.s32 $0x300, s21;
	(ifvalue) =	ssetifvalue $0x7FFFFFFF  }
0x121: {  	v20 =	vadd.s32 $0x61AC00, v1;
	[tilespmem:s30], [sflag:$0x1] =	stream.indirect_vreg.gather [hbm4b:s3+s13], $0x1, v53, vm0, $0x4038;
	[tilespmem:$0x2100] =	vst v63  }
0x122: {  	v55 =	vnsel vm1, $0x7FFFFFFF, v20;
	(ifvalue) =	ssetifvalue $0x7FFFFFFF  }
0x123: {  	s31 =	sadd.s32 $0x380, s21;
	(ifvalue) =	ssetifvalue $0x7FFFFFFF  }
0x124: {  	v21 =	vadd.s32 $0x61AC80, v1;
	[tilespmem:s31], [sflag:$0x1] =	stream.indirect_vreg.gather [hbm4b:s3+s13], $0x1, v54, vm0, $0x4038;
	[tilespmem:$0x2100] =	vst v63  }
0x125: {  	v56 =	vnsel vm1, $0x7FFFFFFF, v21;
	(ifvalue) =	ssetifvalue $0x7FFFFFFF  }
0x126: {  	s23 =	sadd.s32 $0x400, s21;
	(ifvalue) =	ssetifvalue $0x7FFFFFFF  }
0x127: {  	v22 =	vadd.s32 $0x61AD00, v1;
	[tilespmem:s23], [sflag:$0x1] =	stream.indirect_vreg.gather [hbm4b:s3+s13], $0x1, v55, vm0, $0x4038;
	[tilespmem:$0x2100] =	vst v63  }
0x128: {  	v57 =	vnsel vm1, $0x7FFFFFFF, v22;
	(ifvalue) =	ssetifvalue $0x7FFFFFFF  }
0x129: {  	s24 =	sadd.s32 $0x480, s21;
	(ifvalue) =	ssetifvalue $0x7FFFFFFF  }
0x12a: {  	v23 =	vadd.s32 $0x61AD80, v1;
	[tilespmem:s24], [sflag:$0x1] =	stream.indirect_vreg.gather [hbm4b:s3+s13], $0x1, v56, vm0, $0x4038;
	[tilespmem:$0x2100] =	vst v63  }
0x12b: {  	v58 =	vnsel vm1, $0x7FFFFFFF, v23;
	(ifvalue) =	ssetifvalue $0x7FFFFFFF  }
0x12c: {  	s25 =	sadd.s32 $0x500, s21;
	(ifvalue) =	ssetifvalue $0x7FFFFFFF  }
0x12d: {  	v24 =	vadd.s32 $0x61AE00, v1;
	[tilespmem:s25], [sflag:$0x1] =	stream.indirect_vreg.gather [hbm4b:s3+s13], $0x1, v57, vm0, $0x4038;
	[tilespmem:$0x2100] =	vst v63  }
0x12e: {  	v59 =	vnsel vm1, $0x7FFFFFFF, v24;
	(ifvalue) =	ssetifvalue $0x7FFFFFFF  }
0x12f: {  	s26 =	sadd.s32 $0x580, s21;
	(ifvalue) =	ssetifvalue $0x7FFFFFFF  }
0x130: {  	v25 =	vadd.s32 $0x61AE80, v1;
	[tilespmem:s26], [sflag:$0x1] =	stream.indirect_vreg.gather [hbm4b:s3+s13], $0x1, v58, vm0, $0x4038;
	[tilespmem:$0x2100] =	vst v63  }
0x131: {  	v60 =	vnsel vm1, $0x7FFFFFFF, v25;
	(ifvalue) =	ssetifvalue $0x7FFFFFFF  }
0x132: {  	s28 =	sadd.s32 $0x600, s21;
	(ifvalue) =	ssetifvalue $0x7FFFFFFF  }
0x133: {  	v26 =	vadd.s32 $0x61AF00, v1;
	[tilespmem:s28], [sflag:$0x1] =	stream.indirect_vreg.gather [hbm4b:s3+s13], $0x1, v59, vm0, $0x4038;
	[tilespmem:$0x2100] =	vst v63  }
0x134: {  	v61 =	vnsel vm1, $0x7FFFFFFF, v26;
	(ifvalue) =	ssetifvalue $0x7FFFFFFF  }
0x135: {  	s29 =	sadd.s32 $0x680, s21;
	(ifvalue) =	ssetifvalue $0x7FFFFFFF  }
0x136: {  	v27 =	vadd.s32 $0x61AF80, v1;
	[tilespmem:s29], [sflag:$0x1] =	stream.indirect_vreg.gather [hbm4b:s3+s13], $0x1, v60, vm0, $0x4038;
	[tilespmem:$0x2100] =	vst v63  }
0x137: {  	v62 =	vnsel vm1, $0x7FFFFFFF, v27;
	(ifvalue) =	ssetifvalue $0x7FFFFFFF  }
0x138: {  	s30 =	sadd.s32 $0x700, s21;
	(ifvalue) =	ssetifvalue $0x7FFFFFFF  }
0x139: {  	v28 =	vadd.s32 $0xC35800, v1;
	[tilespmem:s30], [sflag:$0x1] =	stream.indirect_vreg.gather [hbm4b:s3+s13], $0x1, v61, vm0, $0x4038;
	[tilespmem:$0x2100] =	vst v63  }
0x13a: {  	v63 =	vnsel vm1, $0x7FFFFFFF, v28;
	(ifvalue) =	ssetifvalue $0x7FFFFFFF  }
0x13b: {  	s31 =	sadd.s32 $0x780, s21;
	(ifvalue) =	ssetifvalue $0x7FFFFFFF  }
0x13c: {  	v15 =	vadd.s32 $0xC35880, v1;
	[tilespmem:s31], [sflag:$0x1] =	stream.indirect_vreg.gather [hbm4b:s3+s13], $0x1, v62, vm0, $0x4038;
	[tilespmem:$0x2100] =	vst v63  }
0x13d: {  	v15 =	vnsel vm1, $0x7FFFFFFF, v15;
	(ifvalue) =	ssetifvalue $0x7FFFFFFF  }
0x13e: {  	s23 =	sadd.s32 $0x800, s21;
	(ifvalue) =	ssetifvalue $0x7FFFFFFF  }
0x13f: {  	v14 =	vadd.s32 $0xC35900, v1;
	[tilespmem:s23], [sflag:$0x1] =	stream.indirect_vreg.gather [hbm4b:s3+s13], $0x1, v63, vm0, $0x4038;
	[tilespmem:$0x2100] =	vst v63  }
0x140: {  	v14 =	vnsel vm1, $0x7FFFFFFF, v14;
	(ifvalue) =	ssetifvalue $0x7FFFFFFF  }
0x141: {  	s24 =	sadd.s32 $0x880, s21;
	(ifvalue) =	ssetifvalue $0x7FFFFFFF  }
0x142: {  	v13 =	vadd.s32 $0xC35980, v1;
	[tilespmem:s24], [sflag:$0x1] =	stream.indirect_vreg.gather [hbm4b:s3+s13], $0x1, v15, vm0, $0x4038;
	[tilespmem:$0x2100] =	vst v63  }
0x143: {  	v13 =	vnsel vm1, $0x7FFFFFFF, v13;
	(ifvalue) =	ssetifvalue $0x7FFFFFFF  }
0x144: {  	s25 =	sadd.s32 $0x900, s21;
	(ifvalue) =	ssetifvalue $0x7FFFFFFF  }
0x145: {  	v12 =	vadd.s32 $0xC35A00, v1;
	[tilespmem:s25], [sflag:$0x1] =	stream.indirect_vreg.gather [hbm4b:s3+s13], $0x1, v14, vm0, $0x4038;
	[tilespmem:$0x2100] =	vst v63  }
0x146: {  	v12 =	vnsel vm1, $0x7FFFFFFF, v12;
	(ifvalue) =	ssetifvalue $0x7FFFFFFF  }
0x147: {  	s26 =	sadd.s32 $0x980, s21;
	(ifvalue) =	ssetifvalue $0x7FFFFFFF  }
0x148: {  	v11 =	vadd.s32 $0xC35A80, v1;
	[tilespmem:s26], [sflag:$0x1] =	stream.indirect_vreg.gather [hbm4b:s3+s13], $0x1, v13, vm0, $0x4038;
	[tilespmem:$0x2100] =	vst v63  }
0x149: {  	v11 =	vnsel vm1, $0x7FFFFFFF, v11;
	(ifvalue) =	ssetifvalue $0x7FFFFFFF  }
0x14a: {  	s28 =	sadd.s32 $0xA00, s21;
	(ifvalue) =	ssetifvalue $0x7FFFFFFF  }
0x14b: {  	v10 =	vadd.s32 $0xC35B00, v1;
	[tilespmem:s28], [sflag:$0x1] =	stream.indirect_vreg.gather [hbm4b:s3+s13], $0x1, v12, vm0, $0x4038;
	[tilespmem:$0x2100] =	vst v63  }
0x14c: {  	v10 =	vnsel vm1, $0x7FFFFFFF, v10;
	(ifvalue) =	ssetifvalue $0x7FFFFFFF  }
0x14d: {  	s29 =	sadd.s32 $0xA80, s21;
	(ifvalue) =	ssetifvalue $0x7FFFFFFF  }
0x14e: {  	v9 =	vadd.s32 $0xC35B80, v1;
	[tilespmem:s29], [sflag:$0x1] =	stream.indirect_vreg.gather [hbm4b:s3+s13], $0x1, v11, vm0, $0x4038;
	[tilespmem:$0x2100] =	vst v63  }
0x14f: {  	v9 =	vnsel vm1, $0x7FFFFFFF, v9;
	(ifvalue) =	ssetifvalue $0x7FFFFFFF  }
0x150: {  	s30 =	sadd.s32 $0xB00, s21;
	(ifvalue) =	ssetifvalue $0x7FFFFFFF  }
0x151: {  	v8 =	vadd.s32 $0x1250400, v1;
	[tilespmem:s30], [sflag:$0x1] =	stream.indirect_vreg.gather [hbm4b:s3+s13], $0x1, v10, vm0, $0x4038;
	[tilespmem:$0x2100] =	vst v63  }
0x152: {  	v8 =	vnsel vm1, $0x7FFFFFFF, v8;
	(ifvalue) =	ssetifvalue $0x7FFFFFFF  }
0x153: {  	s31 =	sadd.s32 $0xB80, s21;
	(ifvalue) =	ssetifvalue $0x7FFFFFFF  }
0x154: {  	v7 =	vadd.s32 $0x1250480, v1;
	[tilespmem:s31], [sflag:$0x1] =	stream.indirect_vreg.gather [hbm4b:s3+s13], $0x1, v9, vm0, $0x4038;
	[tilespmem:$0x2100] =	vst v63  }
0x155: {  	v7 =	vnsel vm1, $0x7FFFFFFF, v7;
	(ifvalue) =	ssetifvalue $0x7FFFFFFF  }
0x156: {  	s23 =	sadd.s32 $0xC00, s21;
	(ifvalue) =	ssetifvalue $0x7FFFFFFF  }
0x157: {  	v6 =	vadd.s32 $0x1250500, v1;
	[tilespmem:s23], [sflag:$0x1] =	stream.indirect_vreg.gather [hbm4b:s3+s13], $0x1, v8, vm0, $0x4038;
	[tilespmem:$0x2100] =	vst v63  }
0x158: {  	v6 =	vnsel vm1, $0x7FFFFFFF, v6;
	(ifvalue) =	ssetifvalue $0x7FFFFFFF  }
0x159: {  	s24 =	sadd.s32 $0xC80, s21;
	(ifvalue) =	ssetifvalue $0x7FFFFFFF  }
0x15a: {  	v51 =	vadd.s32 $0x1250580, v1;
	[tilespmem:s24], [sflag:$0x1] =	stream.indirect_vreg.gather [hbm4b:s3+s13], $0x1, v7, vm0, $0x4038;
	[tilespmem:$0x2100] =	vst v63  }
0x15b: {  	v5 =	vnsel vm1, $0x7FFFFFFF, v51;
	(ifvalue) =	ssetifvalue $0x7FFFFFFF  }
0x15c: {  	s25 =	sadd.s32 $0xD00, s21;
	(ifvalue) =	ssetifvalue $0x7FFFFFFF  }
0x15d: {  	v52 =	vadd.s32 $0x1250600, v1;
	[tilespmem:s25], [sflag:$0x1] =	stream.indirect_vreg.gather [hbm4b:s3+s13], $0x1, v6, vm0, $0x4038;
	[tilespmem:$0x2100] =	vst v63  }
0x15e: {  	v4 =	vnsel vm1, $0x7FFFFFFF, v52;
	(ifvalue) =	ssetifvalue $0x7FFFFFFF  }
0x15f: {  	s26 =	sadd.s32 $0xD80, s21;
	(ifvalue) =	ssetifvalue $0x7FFFFFFF  }
0x160: {  	v3 =	vadd.s32 $0x1250680, v1;
	[tilespmem:s26], [sflag:$0x1] =	stream.indirect_vreg.gather [hbm4b:s3+s13], $0x1, v5, vm0, $0x4038;
	[tilespmem:$0x2100] =	vst v63  }
0x161: {  	v3 =	vnsel vm1, $0x7FFFFFFF, v3;
	(ifvalue) =	ssetifvalue $0x7FFFFFFF  }
0x162: {  	s28 =	sadd.s32 $0xE00, s21;
	(ifvalue) =	ssetifvalue $0x7FFFFFFF  }
0x163: {  	v2 =	vadd.s32 $0x1250700, v1;
	[tilespmem:s28], [sflag:$0x1] =	stream.indirect_vreg.gather [hbm4b:s3+s13], $0x1, v4, vm0, $0x4038;
	[tilespmem:$0x2100] =	vst v63  }
0x164: {  	p1 =	sne.s32 s19, $0x1C0;
	v2 =	vnsel vm1, $0x7FFFFFFF, v2;
	(ifvalue) =	ssetifvalue $0x7FFFFFFF  }
0x165: {  	s20 =	smov.u32 s19;
	s29 =	sadd.s32 $0xE80, s21;
	(ifvalue) =	ssetifvalue $0x7FFFFFFF  }
0x166: {  	[tilespmem:s29], [sflag:$0x1] =	stream.indirect_vreg.gather [hbm4b:s3+s13], $0x1, v3, vm0, $0x4038;
	[tilespmem:$0x2100] =	vst v63  }
.Ltmp3:
0x167: {  	s19 =	sadd.s32 $0x40, s19;
	(ifvalue) =	ssetifvalue $0x7FFFFFFF;
	(pc) =	sbr.rel @p1 .LBB2_3-.Ltmp3, $4  }
0x168: {  	s31 =	sadd.s32 $0xF00, s21;
	s30 =	rddreg [dreg:$0x2];
	(ifvalue) =	ssetifvalue $0x7FFFFFFF  }
0x169: {  	[tilespmem:s31], [sflag:$0x1] =	stream.indirect_vreg.gather [hbm4b:s3+s13], $0x1, v2, vm0, $0x4038;
	[tilespmem:$0x2100] =	vst v63  }
0x16a: {  	s18 =	sadd.s32 $0xFFFFFFF0, s18;
	s22 =	sshra.s32 s20, $0x2;
	v1 =	vadd.s32 $0x1250780, v1;
	(ifvalue) =	ssetifvalue $0x7FFFFFFF  }
0x16b: {  	s20 =	sadd.s32 $0xF80, s21;
	v1 =	vnsel vm1, $0x7FFFFFFF, v1;
	s23 =	sadd.s32 s22, s30;
	(ifvalue) =	ssetifvalue $0x7FFFFFFF  }
.Ltmp4:
0x16c: {  	_ = 	snop;
	(pc) =	sbr.rel .LBB2_4-.Ltmp4, $1  }
0x16d: {  	_ =	sdelay $0x3  }
.LBB2_6:
0x16e: {  	_ =	sfence.sel $0x180000  }
0x16f: {  	s2 =	simm.s32 $0x2;
	[bflag:$0x0] =	sbarrier.arrive $0xFFFF  }
0x170: {  	s30 =	simm.s32 $0x3;
	[sflag:s2] =	ssyncpa.u1 $0x1  }
0x171: {  	s31 =	simm.s32 $0x1;
	[sflag:s30] =	ssyncpa.u1 $0x1  }
0x172: {  	[sflag:s31] =	ssyncpa.u1 $0x1  }
0x173: {  	p0 =	sne.s32 s0, $0x0;
	_ =	strace $0x9000005C  }
0x174: {  	s0 =	sadd.s32 @!p0 $0x100000, s1;
	[bflag:$0x2] =	sbarrier.arrive $0xFFFF  }
0x175: {  	[sflag:s0] =	ssyncadd.tile.s32 @!p0 $0x1;
	_ =	shalt  }
.Lfunc_end2:
_tile_overlayer_lowered:
.L_overlay_start_2:
0x176: {  	(tag) =	ssettag $0x2  }
0x177: {  	s0 =	rddreg [dreg:$0x0];
	s2 =	stileid.u32  }
0x178: {  	s1 =	rddreg [dreg:$0x1];
	p0 =	sne.s32 s2, $0x0  }
0x179: {  	s3 =	rddreg [dreg:$0x2];
	[bflag:$0x3] =	sbarrier.arrive $0xFFFF;
	s2 =	simm.s32 @!p0 $0x1C01  }
0x17a: {  	[timem:s3], [sflag:s2] =	dma.local @!p0 [hbm:s0], s1  }
0x17b: {  	s0 =	simm.s32 @!p0 $0x1  }
0x17c: {  	_ =	swait.ge @!p0 [sflag:s0], s1  }
0x17d: {  	s1 =	ssub.s32 @!p0 $0x0, s1;
	[sflag:s0] =	ssyncset.done @!p0 $0x0  }
0x17e: {  	[sflag:s0] =	ssyncadd.s32 @!p0 s1  }
0x17f: {  	[bflag:$0x3] =	sbarrier.arrive $0xFFFF  }
0x180: {  	_ =	shalt  }

// kernel: gather_offload_async_start
scs
__scs_entry_jumppad:
0x0: {  	(pc) =	sbr.rel $0x88, $3  }
0x1: {  	(tag) =	ssettag $0x0;
	lr =	simm.s32 $0x1  }
0x2: {  	[smem:$0x3F89] =	sst lr;
	_ =	strace $0xD0000000  }
0x3: {  	_ = 	snop  }
0x4: {  	_ = 	snop  }
0x5: {  	_ = 	snop  }
0x6: {  	_ = 	snop  }
0x7: {  	_ = 	snop  }
__scs_overlays_trampoline_lowered:
0x8: {  	[smem:$0x3F98] =	sst s0  }
0x9: {  	[smem:$0x3F99] =	sst s1  }
0xa: {  	[smem:$0x3F9A] =	sst s2  }
0xb: {  	[smem:$0x3F9B] =	sst s3  }
0xc: {  	[smem:$0x3F9C] =	sst s4  }
0xd: {  	[smem:$0x3F9D] =	sst s5  }
0xe: {  	[smem:$0x3F9E] =	sst s6  }
0xf: {  	[smem:$0x3F9F] =	sst s7  }
0x10: {  	[smem:$0x3FA0] =	sst s8  }
0x11: {  	[smem:$0x3FA1] =	sst s9;
	s0 =	simm.s32 @!p0 $0x0  }
0x12: {  	s1 =	sld [smem:$0x3F87];
	s0 =	simm.s32 @p0 $0x1  }
0x13: {  	[smem:$0x3FA2] =	sst s0;
	s0 =	simm.s32 @!p1 $0x0  }
0x14: {  	s2 =	sld [smem:$0x3F86];
	s0 =	simm.s32 @p1 $0x1  }
0x15: {  	[smem:$0x3FA3] =	sst s0;
	s0 =	simm.s32 @!p2 $0x0  }
0x16: {  	s3 =	sld [smem:$0x3FDB];
	s0 =	simm.s32 @p2 $0x1  }
0x17: {  	s4 =	simm.s32 $0x1BF5;
	[smem:$0x3FA5] =	sst s0  }
0x18: {  	s0 =	sld [smem:$0x3F88];
	_ =	swait.ge [sflag:s4], $0x0  }
0x19: {  	s7 =	sld [smem:$0x3F89]  }
0x1a: {  	s8 =	sadd.s32 $0xFFFFE003, lr  }
0x1b: {  	s9 =	sadd.s32 $0xFFFFFEF7, lr;
	s5 =	simm.s32 $0xFFFFFFFF;
	p2 =	slt.u32 s8, $0xFFFFF086  }
0x1c: {  	p1 =	slt.u32 s9, $0xF7A;
	s5 =	simm.s32 @!p2 $0x0  }
0x1d: {  	s5 =	simm.s32 @p1 $0x1;
	p0 =	seq.s32 s7, s2  }
0x1e: {  	s7 =	smul.u32 @!p0 $0xF7A, s2;
	p2 =	seq.s32 @!p0 s5, $0x0  }
0x1f: {  	s9 =	smul.u32 $0xF7A, s1;
	s8 =	simm.s32 @!p0 $0x1BF5;
	p2 =	por !p2, p0  }
0x20: {  	[sflag:s8] =	ssyncset.s32 @!p0 $0xFFFFF086;
	s6 =	sadd.s32 @!p0 s3, s7;
	s7 =	simm.s32 @!p0 $0x108  }
0x21: {  	s3 =	sadd.s32 s3, s9;
	s6 =	sadd.s32 @!p0 $0x88, s6;
	s7 =	simm.s32 @p2 $0x1082  }
0x22: {  	[simem:s7], [sflag:s8] =	dma.local @!p0 [hbm:s6], $0xF7A  }
0x23: {  	s9 =	sor.u32 $0xD0000000, s2;
	s6 =	simm.s32 $0x108;
	_ =	swait.ge @!p0 [sflag:s8], $0x0  }
0x24: {  	s3 =	sadd.s32 $0x88, s3;
	s6 =	simm.s32 @!p1 $0x1082;
	[sflag:s4] =	ssyncset.s32 $0xFFFFF086  }
0x25: {  	[simem:s6], [sflag:s4] =	dma.local [hbm:s3], $0xF7A  }
0x26: {  	[smem:$0x3F89] =	sst s1;
	(tag) =	ssettag s2;
	_ =	strace s9  }
0x27: {  	s1 =	sld [smem:$0x3F99]  }
0x28: {  	s2 =	sld [smem:$0x3F9A]  }
0x29: {  	s4 =	sld [smem:$0x3F9C]  }
0x2a: {  	p0 =	seq.s32 s5, $0x0;
	s5 =	sld [smem:$0x3F9D]  }
0x2b: {  	s6 =	sld [smem:$0x3F9E]  }
0x2c: {  	s7 =	sld [smem:$0x3F9F]  }
0x2d: {  	s3 =	simm.s32 $0x108;
	s8 =	sld [smem:$0x3FA0]  }
0x2e: {  	s3 =	simm.s32 @!p0 $0x1082;
	s9 =	sld [smem:$0x3FA1]  }
0x2f: {  	lr =	sadd.s32 s0, s3;
	s0 =	sld [smem:$0x3F98]  }
0x30: {  	s3 =	sld [smem:$0x3F9B]  }
0x31: {  	[smem:$0x3FA4] =	sst s10  }
0x32: {  	s10 =	sld [smem:$0x3FA2];
	_ =	sdelay $0x3  }
0x33: {  	p0 =	seq.s32 s10, $0x1;
	s10 =	sld [smem:$0x3FA4];
	_ =	sdelay $0x3  }
0x34: {  	[smem:$0x3FA4] =	sst s10  }
0x35: {  	s10 =	sld [smem:$0x3FA3];
	_ =	sdelay $0x3  }
0x36: {  	p1 =	seq.s32 s10, $0x1;
	s10 =	sld [smem:$0x3FA4];
	_ =	sdelay $0x3  }
0x37: {  	[smem:$0x3FA4] =	sst s10  }
0x38: {  	s10 =	sld [smem:$0x3FA5]  }
0x39: {  	_ = 	snop;
	(pc) =	sbr.ind lr, $3  }
0x3a: {  	_ = 	snop  }
0x3b: {  	_ = 	snop  }
0x3c: {  	p2 =	seq.s32 s10, $0x1;
	s10 =	sld [smem:$0x3FA4]  }
0x3d: {  	_ =	shalt  }
0x3e: {  	_ =	shalt  }
0x3f: {  	_ =	shalt  }
0x40: {  	_ =	shalt  }
0x41: {  	_ =	shalt  }
0x42: {  	_ =	shalt  }
0x43: {  	_ =	shalt  }
0x44: {  	_ =	shalt  }
0x45: {  	_ =	shalt  }
0x46: {  	_ =	shalt  }
0x47: {  	_ =	shalt  }
0x48: {  	_ =	shalt  }
0x49: {  	_ =	shalt  }
0x4a: {  	_ =	shalt  }
0x4b: {  	_ =	shalt  }
0x4c: {  	_ =	shalt  }
0x4d: {  	_ =	shalt  }
0x4e: {  	_ =	shalt  }
0x4f: {  	_ =	shalt  }
0x50: {  	_ =	shalt  }
0x51: {  	_ =	shalt  }
0x52: {  	_ =	shalt  }
0x53: {  	_ =	shalt  }
0x54: {  	_ =	shalt  }
0x55: {  	_ =	shalt  }
0x56: {  	_ =	shalt  }
0x57: {  	_ =	shalt  }
0x58: {  	_ =	shalt  }
0x59: {  	_ =	shalt  }
0x5a: {  	_ =	shalt  }
0x5b: {  	_ =	shalt  }
0x5c: {  	_ =	shalt  }
0x5d: {  	_ =	shalt  }
0x5e: {  	_ =	shalt  }
0x5f: {  	_ =	shalt  }
0x60: {  	_ =	shalt  }
0x61: {  	_ =	shalt  }
0x62: {  	_ =	shalt  }
0x63: {  	_ =	shalt  }
0x64: {  	_ =	shalt  }
0x65: {  	_ =	shalt  }
0x66: {  	_ =	shalt  }
0x67: {  	_ =	shalt  }
0x68: {  	_ =	shalt  }
0x69: {  	_ =	shalt  }
0x6a: {  	_ =	shalt  }
0x6b: {  	_ =	shalt  }
0x6c: {  	_ =	shalt  }
0x6d: {  	_ =	shalt  }
0x6e: {  	_ =	shalt  }
0x6f: {  	_ =	shalt  }
0x70: {  	_ =	shalt  }
0x71: {  	_ =	shalt  }
0x72: {  	_ =	shalt  }
0x73: {  	_ =	shalt  }
0x74: {  	_ =	shalt  }
0x75: {  	_ =	shalt  }
0x76: {  	_ =	shalt  }
0x77: {  	_ =	shalt  }
0x78: {  	_ =	shalt  }
0x79: {  	_ =	shalt  }
0x7a: {  	_ =	shalt  }
0x7b: {  	_ =	shalt  }
0x7c: {  	_ =	shalt  }
0x7d: {  	_ =	shalt  }
0x7e: {  	_ =	shalt  }
0x7f: {  	_ =	shalt  }
0x80: {  	_ =	shalt  }
0x81: {  	_ =	shalt  }
0x82: {  	_ =	shalt  }
0x83: {  	_ =	shalt  }
0x84: {  	_ =	shalt  }
0x85: {  	_ =	shalt  }
0x86: {  	_ =	shalt  }
0x87: {  	_ =	shalt  }
.Lfunc_end0:
.L_simem_size_0:
called_computation.5_lowered:
.L_overlay_start_0:
0x88: {  	s0 =	sld [smem:$0x3FD9]  }
0x89: {  	s1 =	sld [smem:$0x3FFE];
	_ =	sdelay $0x3  }
0x8a: {  	s0 =	sadd.s32 s1, s0  }
0x8b: {  	[smem:$0x3FB0] =	sst s0  }
0x8c: {  	_ = 	snop  }
0x8d: {  	(tm) =	ssettm $0x1  }
0x8e: {  	s15 =	sld [smem:$0x3FFB];
	_ =	sdelay $0x3  }
0x8f: {  	_ =	strace s15  }
0x90: {  	s0 =	sld [smem:$0x3FFC];
	_ =	sdelay $0x3  }
0x91: {  	_ =	strace s0  }
0x92: {  	s0 =	sld [smem:$0x3FFD];
	_ =	sdelay $0x3  }
0x93: {  	_ =	strace s0  }
0x94: {  	_ =	strace $0x8FFFFFFF  }
0x95: {  	s16 =	sld [smem:$0x3FDB];
	_ =	sdelay $0x1  }
0x96: {  	s17 =	simm.s32 $_scs_section_size  }
0x97: {  	s2 =	simm.s32 $_size__tile_overlayer_lowered;
	s3 =	simm.s32 $_tile_overlayer_lowered  }
0x98: {  	s20 =	simm.s32 $0x1BFF;
	s19 =	sshll.u32 s3, $0x1;
	s0 =	sadd.s32 s17, s16  }
0x99: {  	s4 =	simm.s32 $0x0;
	s18 =	sshll.u32 s2, $0x1;
	s2 =	sadd.s32 s19, s0  }
0x9a: {  	[timem:s4], [sflag:s20] =	dma.local [hbm:s2], s18  }
0x9b: {  	_ =	swait.ge [sflag:s20], s18  }
0x9c: {  	s1 =	ssub.s32 $0x0, s18;
	[sflag:s20] =	ssyncset.done $0x0  }
0x9d: {  	[sflag:s20] =	ssyncadd.s32 s1;
	_ =	sdelay $0x1  }
0x9e: {  	s21 =	simm.s32 $0x1B8B  }
0x9f: {  	_ =	swait.ge [sflag:s21], $0x1  }
0xa0: {  	[sflag:s21] =	ssyncset.done $0x0  }
0xa1: {  	s23 =	simm.s32 $0x1B8E;
	s22 =	sld [smem:$0x3FFE];
	[sflag:s21] =	ssyncadd.s32 $0xFFFFFFFF  }
0xa2: {  	s24 =	simm.s32 $execute0_lowered;
	[smem:$0x3FD2] =	sst s23  }
0xa3: {  	s2 =	sshll.u32 s24, $0x1;
	_ =	strace $0x80000058;
	[dreg:$0x1] =	wrdreg $0xFFFFFFFF  }
0xa4: {  	s25 =	simm.s32 $_size_execute0_lowered;
	s0 =	sadd.s32 s0, s2;
	[dreg:$0x0] =	wrdreg $0x0  }
0xa5: {  	s2 =	sshll.u32 s25, $0x1;
	[dreg:$0x2] =	wrdreg s0  }
0xa6: {  	[dreg:$0x3] =	wrdreg s2  }
0xa7: {  	[dreg:$0x4] =	wrdreg $0xC0  }
0xa8: {  	_ =	task [dreg:s4], $0x5FFFF  }
0xa9: {  	[dreg:$0x1] =	wrdreg $0xFFFFFFFF  }
0xaa: {  	[dreg:$0x0] =	wrdreg $0x60  }
0xab: {  	[dreg:$0x2] =	wrdreg s22  }
0xac: {  	[dreg:$0x3] =	wrdreg $0x9  }
0xad: {  	_ =	task.clear_ibuf [dreg:s4], $0x4FFFF;
	_ =	strace $0x90000058  }
0xae: {  	s26 =	simm.s32 $0x9;
	_ =	strace $0x8000005A  }
0xaf: {  	_ =	swait.ge [sflag:s26], $0x1  }
0xb0: {  	[sflag:s26] =	ssyncadd.s32 $0xFFFFFFFF  }
0xb1: {  	_ =	strace $0x9000005A  }
0xb2: {  	_ =	sfence  }
0xb3: {  	s28 =	sld [smem:$0x0];
	_ =	sdelay $0x1  }
0xb4: {  	s29 =	srdreg.scid  }
0xb5: {  	s30 =	sshll.u32 s29, $0xD;
	s31 =	sshrl.u32 s29, $0x2  }
0xb6: {  	s1 =	sand.u32 $0x1, s29;
	s2 =	sand.u32 $0x4000, s30;
	s0 =	sadd.s32 s31, s28  }
0xb7: {  	s1 =	sor.u32 s2, s1;
	s0 =	sshll.u32 s0, $0x11  }
0xb8: {  	s0 =	sor.u32 s0, s1  }
0xb9: {  	s0 =	sadd.s32 $0x8F2B, s0  }
0xba: {  	[sflag:s0] =	ssyncadd.remote.s32 $0x1  }
0xbb: {  	_ =	sfence.sel $0xFFFF  }
0xbc: {  	[dreg:$0x0] =	wrdreg $0xFFFFFFFF;
	(pc) =	sbr.abs _section_cstart, $3  }
0xbd: {  	[dreg:$0x1] =	wrdreg $0xFFFFFFFF  }
0xbe: {  	_ =	task.clear_ibuf [dreg:s4], $0x2FFFF;
	_ =	strace $0x9FFFFFFF  }
0xbf: {  	(tm) =	ssettm $0x7FFFFFFF  }
tec
execute0_lowered:
.L_overlay_start_1:
0x0: {  	(tag) =	ssettag $0x1  }
0x1: {  	s0 =	stileid.u32  }
0x2: {  	s1 =	smin.u32 s0, $0x9  }
0x3: {  	s1 =	sadd.s32 s0, s1  }
0x4: {  	p0 =	slt.u32 s0, $0x9;
	s2 =	smul.u32 $0x50, s1;
	s1 =	simm.s32 $0xA0  }
0x5: {  	s1 =	simm.s32 @!p0 $0x50  }
0x6: {  	s1 =	sadd.s32 s1, s2  }
0x7: {  	s3 =	smin.u32 s1, $0x7D0  }
0x8: {  	s7 =	ssub.s32 s3, s2  }
0x9: {  	p0 =	sgt.s32 s7, $0x0  }
0xa: {  	s7 =	simm.s32 @!p0 $0x0  }
0xb: {  	s4 =	smul.u32 $0xCCCD, s7  }
0xc: {  	s9 =	rddreg [dreg:$0x0];
	s6 =	simm.s32 $0x1;
	s11 =	simm.s32 $0x3  }
0xd: {  	s13 =	simm.s32 $0x0;
	s12 =	simm.s32 $0x0;
	s8 =	sshrl.u32 s4, $0x16  }
0xe: {  	s1 =	rddreg [dreg:$0x1];
	_ =	strace $0x80000059;
	s10 =	smul.u32 $0x50, s8  }
.Ltmp0:
0xf: {  	s5 =	sadd.s32 $0xC59A00, s9;
	[sflag:s6] =	ssyncpa.u1 $0x0;
	(pc) =	sbr.rel .LBB2_1-.Ltmp0, $4  }
0x10: {  	s4 =	sadd.s32 $0x311400, s9;
	p0 =	sne.s32 s7, s10;
	s10 =	simm.s32 $0x1  }
0x11: {  	s9 =	sadd.s32 $0xC61C00, s9;
	s7 =	simm.s32 $0x2;
	s10 =	simm.s32 @!p0 $0x0  }
0x12: {  	[sflag:s7] =	ssyncpa.u1 $0x0;
	p0 =	por $0x0, $0x0;
	s8 =	sadd.s32 s8, s10  }
0x13: {  	vm0 =	vmmov $0xff;
	vm1 =	vcmask $0x3F20;
	[sflag:s11] =	ssyncpa.u1 $0x0;
	s11 =	smov.u32 s2;
	s10 =	sadd.s32 $0x1, s8  }
.LBB2_6:
0x14: {  	[hbm:s17] =	stream.linear.scatter [tilespmem:s14], [sflag:$0x3], $0x400, $0x38;
	[tilespmem:$0x50A0] =	vst v63  }
.LBB2_7:
0x15: {  	s13 =	sadd.s32 $0x50, s11  }
0x16: {  	s15 =	smov.u32 s2;
	p2 =	slt.s32 s13, s3  }
0x17: {  	s15 =	smov.u32 @p2 s13;
	p2 =	sne.s32 s12, s10  }
.Ltmp1:
0x18: {  	p1 =	slt.u32 s12, $0x2;
	(pc) =	sbr.rel @!p2 .LBB2_8-.Ltmp1, $4  }
0x19: {  	s14 =	simm.s32 @!p1 $0x3  }
0x1a: {  	s16 =	sadd.s32 $0x1, s12;
	_ =	swait.ge @!p1 [sflag:s14], $0x2800  }
0x1b: {  	p0 =	por !p0, !p0;
	s13 =	smov.u32 s11;
	[sflag:s14] =	ssyncset.done @!p1 $0x0  }
0x1c: {  	s12 =	smov.u32 s16;
	s11 =	smov.u32 s15;
	[sflag:s14] =	ssyncadd.s32 @!p1 $0xFFFFD800  }
.LBB2_1:
0x1d: {  	p1 =	sge.u32 s12, s8  }
0x1e: {  	s14 =	sxor.u32 @!p1 $0xFFFFFFFF, s12  }
0x1f: {  	s14 =	sand.u32 @!p1 $0x1, s14  }
0x20: {  	s14 =	smul.u32 @!p1 $0x140, s14  }
0x21: {  	s31 =	sadd.s32 $0xFFFFFFFF, s12;
	s15 =	sshrl.u32 @!p1 s11, $0x3  }
0x22: {  	s16 =	sand.u32 @!p1 $0x7, s11;
	s15 =	sadd.s32 @!p1 s5, s15;
	s14 =	sshrl.u32 @!p1 s14, $0x2  }
0x23: {  	[tilespmem:s14], [sflag:$0x2] =	stream.linear.gather @!p1 [hbm4b:s15+s16], $0x50, $0x38;
	[tilespmem:$0x50A0] =	vst v63  }
0x24: {  	p1 =	sge.u32 s31, s8  }
.Ltmp2:
0x25: {  	_ = 	snop;
	(pc) =	sbr.rel @p1 .LBB2_7-.Ltmp2, $1  }
0x26: {  	_ =	sdelay $0x3  }
0x27: {  	s14 =	simm.s32 $0x1  }
0x28: {  	s14 =	simm.s32 @!p0 $0x0  }
0x29: {  	s15 =	smul.u32 $0x140, s14  }
0x2a: {  	_ =	swait.ge [sflag:s7], $0x50  }
0x2b: {  	[sflag:s7] =	ssyncset.done $0x0;
	s16 =	sshrl.u32 s15, $0x2  }
0x2c: {  	[sflag:s7] =	ssyncadd.s32 $0xFFFFFFB0;
	s15 =	sadd.s32 $0x0, s16  }
0x2d: {  	v0 =	vld.msk [tilespmem:s15+$0x0 ss:$0x1], $0xffff;
	_ =	sdelay $0x4  }
0x2e: {  	vm2 =	vgt.s32 v0, $0x0  }
0x2f: {  	v0 =	vnsel vm2, $0x0, v0  }
0x30: {  	v0 =	vmin.u32 v0, $0x186A0  }
0x31: {  	v0 =	vshll.u32 v0, $0x4  }
0x32: {  	s14 =	smul.u32 $0xA000, s14;
	_ =	sdelay $0x1  }
0x33: {  	s14 =	sshrl.u32 s14, $0x2  }
0x34: {  	s14 =	sor.u32 $0xA0, s14  }
0x35: {  	[tilespmem:s14], [sflag:$0x1] =	stream.indirect_vreg.gather [hbm:s4], $0x80, v0, vm0, $0x38;
	[tilespmem:$0x50A0] =	vst v63  }
0x36: {  	s17 =	sadd.s32 $0x10, s16;
	s15 =	sadd.s32 $0x400, s14  }
0x37: {  	[tilespmem:s15], [sflag:$0x1] =	stream.indirect_vreg.gather [hbm:s4], $0x80, v0, vm1, $0x38;
	[tilespmem:$0x50A0] =	vst v63  }
0x38: {  	s18 =	simm.s32 $0x80;
	v0 =	vld.msk [tilespmem:s17+$0x0 ss:$0x1], $0xffff;
	s17 =	smov.u32 s14  }
.LBB2_3:
0x39: {  	p1 =	sne.s32 s18, $0x100;
	_ =	sdelay $0x4  }
0x3a: {  	vm2 =	vgt.s32 v0, $0x0  }
0x3b: {  	v0 =	vnsel vm2, $0x0, v0  }
0x3c: {  	v0 =	vmin.u32 v0, $0x186A0  }
0x3d: {  	v0 =	vshll.u32 v0, $0x4;
	_ =	sdelay $0x3  }
.Ltmp3:
0x3e: {  	s19 =	sshra.s32 s18, $0x2;
	s17 =	sadd.s32 $0x800, s17;
	(pc) =	sbr.rel @p1 .LBB2_3-.Ltmp3, $4  }
0x3f: {  	[tilespmem:s17], [sflag:$0x1] =	stream.indirect_vreg.gather [hbm:s4], $0x80, v0, vm0, $0x38;
	[tilespmem:$0x50A0] =	vst v63  }
0x40: {  	s19 =	sadd.s32 s19, s16;
	s20 =	sadd.s32 $0x400, s17  }
0x41: {  	[tilespmem:s20], [sflag:$0x1] =	stream.indirect_vreg.gather [hbm:s4], $0x80, v0, vm1, $0x38;
	[tilespmem:$0x50A0] =	vst v63  }
0x42: {  	s18 =	sadd.s32 $0x40, s18;
	v0 =	vld.msk [tilespmem:s19+$0x0 ss:$0x1], $0xffff  }
0x43: {  	_ =	sdelay $0x3  }
0x44: {  	vm2 =	vgt.s32 v0, $0x0  }
0x45: {  	v0 =	vnsel vm2, $0x0, v0  }
0x46: {  	v0 =	vmin.u32 v0, $0x186A0  }
0x47: {  	v0 =	vshll.u32 v0, $0x4;
	_ =	sdelay $0x3  }
0x48: {  	s16 =	sadd.s32 $0x800, s17  }
0x49: {  	[tilespmem:s16], [sflag:$0x1] =	stream.indirect_vreg.gather [hbm:s4], $0x80, v0, vm0, $0x38;
	[tilespmem:$0x50A0] =	vst v63  }
0x4a: {  	s16 =	sadd.s32 $0x400, s16  }
0x4b: {  	[tilespmem:s16], [sflag:$0x1] =	stream.indirect_vreg.gather [hbm:s4], $0x80, v0, vm1, $0x38;
	[tilespmem:$0x50A0] =	vst v63  }
0x4c: {  	s13 =	sshll.u32 s13, $0x4;
	_ =	swait.ge [sflag:s6], $0x2800  }
0x4d: {  	s13 =	sadd.s32 s13, s9;
	[sflag:s6] =	ssyncset.done $0x0  }
0x4e: {  	s17 =	sadd.s32 $0x0, s13;
	s16 =	simm.s32 $0x80;
	[sflag:s6] =	ssyncadd.s32 $0xFFFFD800  }
.LBB2_5:
0x4f: {  	[hbm:s17] =	stream.linear.scatter [tilespmem:s14], [sflag:$0x3], $0x400, $0x38;
	[tilespmem:$0x50A0] =	vst v63  }
0x50: {  	s17 =	smov.u32 s16;
	s14 =	smov.u32 s15;
	p1 =	sne.s32 s16, $0x480  }
.Ltmp4:
0x51: {  	s16 =	sadd.s32 $0x80, s16;
	(pc) =	sbr.rel @p1 .LBB2_5-.Ltmp4, $2  }
0x52: {  	_ =	sdelay $0x2  }
0x53: {  	s15 =	sadd.s32 $0x400, s15;
	s17 =	sadd.s32 s17, s13  }
.Ltmp5:
0x54: {  	_ = 	snop;
	(pc) =	sbr.rel .LBB2_6-.Ltmp5, $1  }
0x55: {  	_ =	sdelay $0x3  }
.LBB2_8:
0x56: {  	_ =	sfence.sel $0x180000  }
0x57: {  	s2 =	simm.s32 $0x2;
	[bflag:$0x0] =	sbarrier.arrive $0xFFFF  }
0x58: {  	s30 =	simm.s32 $0x3;
	[sflag:s2] =	ssyncpa.u1 $0x1  }
0x59: {  	s31 =	simm.s32 $0x1;
	[sflag:s30] =	ssyncpa.u1 $0x1  }
0x5a: {  	[sflag:s31] =	ssyncpa.u1 $0x1  }
0x5b: {  	p0 =	sne.s32 s0, $0x0;
	_ =	strace $0x90000059  }
0x5c: {  	s0 =	sadd.s32 @!p0 $0x100000, s1;
	[bflag:$0x2] =	sbarrier.arrive $0xFFFF  }
0x5d: {  	[sflag:s0] =	ssyncadd.tile.s32 @!p0 $0x1;
	_ =	shalt  }
.Lfunc_end2:
_tile_overlayer_lowered:
.L_overlay_start_2:
0x5e: {  	(tag) =	ssettag $0x2  }
0x5f: {  	s0 =	rddreg [dreg:$0x0];
	s2 =	stileid.u32  }
0x60: {  	s1 =	rddreg [dreg:$0x1];
	p0 =	sne.s32 s2, $0x0  }
0x61: {  	s3 =	rddreg [dreg:$0x2];
	[bflag:$0x3] =	sbarrier.arrive $0xFFFF;
	s2 =	simm.s32 @!p0 $0x1C01  }
0x62: {  	[timem:s3], [sflag:s2] =	dma.local @!p0 [hbm:s0], s1  }
0x63: {  	s0 =	simm.s32 @!p0 $0x1  }
0x64: {  	_ =	swait.ge @!p0 [sflag:s0], s1  }
0x65: {  	s1 =	ssub.s32 @!p0 $0x0, s1;
	[sflag:s0] =	ssyncset.done @!p0 $0x0  }
0x66: {  	[sflag:s0] =	ssyncadd.s32 @!p0 s1  }
0x67: {  	[bflag:$0x3] =	sbarrier.arrive $0xFFFF  }
0x68: {  	_ =	shalt  }

// kernel: scatter_offload_async_start.1
scs
__scs_entry_jumppad:
0x0: {  	(pc) =	sbr.rel $0x88, $3  }
0x1: {  	(tag) =	ssettag $0x0;
	lr =	simm.s32 $0x1  }
0x2: {  	[smem:$0x3F89] =	sst lr;
	_ =	strace $0xD0000000  }
0x3: {  	_ = 	snop  }
0x4: {  	_ = 	snop  }
0x5: {  	_ = 	snop  }
0x6: {  	_ = 	snop  }
0x7: {  	_ = 	snop  }
__scs_overlays_trampoline_lowered:
0x8: {  	[smem:$0x3F98] =	sst s0  }
0x9: {  	[smem:$0x3F99] =	sst s1  }
0xa: {  	[smem:$0x3F9A] =	sst s2  }
0xb: {  	[smem:$0x3F9B] =	sst s3  }
0xc: {  	[smem:$0x3F9C] =	sst s4  }
0xd: {  	[smem:$0x3F9D] =	sst s5  }
0xe: {  	[smem:$0x3F9E] =	sst s6  }
0xf: {  	[smem:$0x3F9F] =	sst s7  }
0x10: {  	[smem:$0x3FA0] =	sst s8  }
0x11: {  	[smem:$0x3FA1] =	sst s9;
	s0 =	simm.s32 @!p0 $0x0  }
0x12: {  	s1 =	sld [smem:$0x3F87];
	s0 =	simm.s32 @p0 $0x1  }
0x13: {  	[smem:$0x3FA2] =	sst s0;
	s0 =	simm.s32 @!p1 $0x0  }
0x14: {  	s2 =	sld [smem:$0x3F86];
	s0 =	simm.s32 @p1 $0x1  }
0x15: {  	[smem:$0x3FA3] =	sst s0;
	s0 =	simm.s32 @!p2 $0x0  }
0x16: {  	s3 =	sld [smem:$0x3FDB];
	s0 =	simm.s32 @p2 $0x1  }
0x17: {  	s4 =	simm.s32 $0x1BF5;
	[smem:$0x3FA5] =	sst s0  }
0x18: {  	s0 =	sld [smem:$0x3F88];
	_ =	swait.ge [sflag:s4], $0x0  }
0x19: {  	s7 =	sld [smem:$0x3F89]  }
0x1a: {  	s8 =	sadd.s32 $0xFFFFE003, lr  }
0x1b: {  	s9 =	sadd.s32 $0xFFFFFEF7, lr;
	s5 =	simm.s32 $0xFFFFFFFF;
	p2 =	slt.u32 s8, $0xFFFFF086  }
0x1c: {  	p1 =	slt.u32 s9, $0xF7A;
	s5 =	simm.s32 @!p2 $0x0  }
0x1d: {  	s5 =	simm.s32 @p1 $0x1;
	p0 =	seq.s32 s7, s2  }
0x1e: {  	s7 =	smul.u32 @!p0 $0xF7A, s2;
	p2 =	seq.s32 @!p0 s5, $0x0  }
0x1f: {  	s9 =	smul.u32 $0xF7A, s1;
	s8 =	simm.s32 @!p0 $0x1BF5;
	p2 =	por !p2, p0  }
0x20: {  	[sflag:s8] =	ssyncset.s32 @!p0 $0xFFFFF086;
	s6 =	sadd.s32 @!p0 s3, s7;
	s7 =	simm.s32 @!p0 $0x108  }
0x21: {  	s3 =	sadd.s32 s3, s9;
	s6 =	sadd.s32 @!p0 $0x88, s6;
	s7 =	simm.s32 @p2 $0x1082  }
0x22: {  	[simem:s7], [sflag:s8] =	dma.local @!p0 [hbm:s6], $0xF7A  }
0x23: {  	s9 =	sor.u32 $0xD0000000, s2;
	s6 =	simm.s32 $0x108;
	_ =	swait.ge @!p0 [sflag:s8], $0x0  }
0x24: {  	s3 =	sadd.s32 $0x88, s3;
	s6 =	simm.s32 @!p1 $0x1082;
	[sflag:s4] =	ssyncset.s32 $0xFFFFF086  }
0x25: {  	[simem:s6], [sflag:s4] =	dma.local [hbm:s3], $0xF7A  }
0x26: {  	[smem:$0x3F89] =	sst s1;
	(tag) =	ssettag s2;
	_ =	strace s9  }
0x27: {  	s1 =	sld [smem:$0x3F99]  }
0x28: {  	s2 =	sld [smem:$0x3F9A]  }
0x29: {  	s4 =	sld [smem:$0x3F9C]  }
0x2a: {  	p0 =	seq.s32 s5, $0x0;
	s5 =	sld [smem:$0x3F9D]  }
0x2b: {  	s6 =	sld [smem:$0x3F9E]  }
0x2c: {  	s7 =	sld [smem:$0x3F9F]  }
0x2d: {  	s3 =	simm.s32 $0x108;
	s8 =	sld [smem:$0x3FA0]  }
0x2e: {  	s3 =	simm.s32 @!p0 $0x1082;
	s9 =	sld [smem:$0x3FA1]  }
0x2f: {  	lr =	sadd.s32 s0, s3;
	s0 =	sld [smem:$0x3F98]  }
0x30: {  	s3 =	sld [smem:$0x3F9B]  }
0x31: {  	[smem:$0x3FA4] =	sst s10  }
0x32: {  	s10 =	sld [smem:$0x3FA2];
	_ =	sdelay $0x3  }
0x33: {  	p0 =	seq.s32 s10, $0x1;
	s10 =	sld [smem:$0x3FA4];
	_ =	sdelay $0x3  }
0x34: {  	[smem:$0x3FA4] =	sst s10  }
0x35: {  	s10 =	sld [smem:$0x3FA3];
	_ =	sdelay $0x3  }
0x36: {  	p1 =	seq.s32 s10, $0x1;
	s10 =	sld [smem:$0x3FA4];
	_ =	sdelay $0x3  }
0x37: {  	[smem:$0x3FA4] =	sst s10  }
0x38: {  	s10 =	sld [smem:$0x3FA5]  }
0x39: {  	_ = 	snop;
	(pc) =	sbr.ind lr, $3  }
0x3a: {  	_ = 	snop  }
0x3b: {  	_ = 	snop  }
0x3c: {  	p2 =	seq.s32 s10, $0x1;
	s10 =	sld [smem:$0x3FA4]  }
0x3d: {  	_ =	shalt  }
0x3e: {  	_ =	shalt  }
0x3f: {  	_ =	shalt  }
0x40: {  	_ =	shalt  }
0x41: {  	_ =	shalt  }
0x42: {  	_ =	shalt  }
0x43: {  	_ =	shalt  }
0x44: {  	_ =	shalt  }
0x45: {  	_ =	shalt  }
0x46: {  	_ =	shalt  }
0x47: {  	_ =	shalt  }
0x48: {  	_ =	shalt  }
0x49: {  	_ =	shalt  }
0x4a: {  	_ =	shalt  }
0x4b: {  	_ =	shalt  }
0x4c: {  	_ =	shalt  }
0x4d: {  	_ =	shalt  }
0x4e: {  	_ =	shalt  }
0x4f: {  	_ =	shalt  }
0x50: {  	_ =	shalt  }
0x51: {  	_ =	shalt  }
0x52: {  	_ =	shalt  }
0x53: {  	_ =	shalt  }
0x54: {  	_ =	shalt  }
0x55: {  	_ =	shalt  }
0x56: {  	_ =	shalt  }
0x57: {  	_ =	shalt  }
0x58: {  	_ =	shalt  }
0x59: {  	_ =	shalt  }
0x5a: {  	_ =	shalt  }
0x5b: {  	_ =	shalt  }
0x5c: {  	_ =	shalt  }
0x5d: {  	_ =	shalt  }
0x5e: {  	_ =	shalt  }
0x5f: {  	_ =	shalt  }
0x60: {  	_ =	shalt  }
0x61: {  	_ =	shalt  }
0x62: {  	_ =	shalt  }
0x63: {  	_ =	shalt  }
0x64: {  	_ =	shalt  }
0x65: {  	_ =	shalt  }
0x66: {  	_ =	shalt  }
0x67: {  	_ =	shalt  }
0x68: {  	_ =	shalt  }
0x69: {  	_ =	shalt  }
0x6a: {  	_ =	shalt  }
0x6b: {  	_ =	shalt  }
0x6c: {  	_ =	shalt  }
0x6d: {  	_ =	shalt  }
0x6e: {  	_ =	shalt  }
0x6f: {  	_ =	shalt  }
0x70: {  	_ =	shalt  }
0x71: {  	_ =	shalt  }
0x72: {  	_ =	shalt  }
0x73: {  	_ =	shalt  }
0x74: {  	_ =	shalt  }
0x75: {  	_ =	shalt  }
0x76: {  	_ =	shalt  }
0x77: {  	_ =	shalt  }
0x78: {  	_ =	shalt  }
0x79: {  	_ =	shalt  }
0x7a: {  	_ =	shalt  }
0x7b: {  	_ =	shalt  }
0x7c: {  	_ =	shalt  }
0x7d: {  	_ =	shalt  }
0x7e: {  	_ =	shalt  }
0x7f: {  	_ =	shalt  }
0x80: {  	_ =	shalt  }
0x81: {  	_ =	shalt  }
0x82: {  	_ =	shalt  }
0x83: {  	_ =	shalt  }
0x84: {  	_ =	shalt  }
0x85: {  	_ =	shalt  }
0x86: {  	_ =	shalt  }
0x87: {  	_ =	shalt  }
.Lfunc_end0:
.L_simem_size_0:
called_computation.1_lowered:
.L_overlay_start_0:
0x88: {  	s2 =	sld [smem:$0x3FD9]  }
0x89: {  	s3 =	sld [smem:$0x3FFE];
	_ =	sdelay $0x1  }
0x8a: {  	s1 =	srdreg.scid  }
0x8b: {  	s0 =	sand.u32 $0x1, s1  }
0x8c: {  	s15 =	sshll.u32 s0, $0xA;
	s2 =	sadd.s32 s3, s2  }
0x8d: {  	s2 =	sadd.s32 s2, s15  }
0x8e: {  	[smem:$0x3FB0] =	sst s2  }
0x8f: {  	_ = 	snop  }
0x90: {  	(tm) =	ssettm $0x1  }
0x91: {  	s16 =	sld [smem:$0x3FFB];
	_ =	sdelay $0x3  }
0x92: {  	_ =	strace s16  }
0x93: {  	s2 =	sld [smem:$0x3FFC];
	_ =	sdelay $0x3  }
0x94: {  	_ =	strace s2  }
0x95: {  	s2 =	sld [smem:$0x3FFD];
	_ =	sdelay $0x3  }
0x96: {  	_ =	strace s2  }
0x97: {  	_ =	strace $0x8FFFFFFF  }
0x98: {  	s17 =	sld [smem:$0x3FDB];
	_ =	sdelay $0x1  }
0x99: {  	s18 =	simm.s32 $_scs_section_size  }
0x9a: {  	s4 =	simm.s32 $_size__tile_overlayer_lowered;
	s5 =	simm.s32 $_tile_overlayer_lowered  }
0x9b: {  	s21 =	simm.s32 $0x1BFF;
	s20 =	sshll.u32 s5, $0x1;
	s2 =	sadd.s32 s18, s17  }
0x9c: {  	s6 =	simm.s32 $0x0;
	s19 =	sshll.u32 s4, $0x1;
	s4 =	sadd.s32 s20, s2  }
0x9d: {  	[timem:s6], [sflag:s21] =	dma.local [hbm:s4], s19  }
0x9e: {  	_ =	swait.ge [sflag:s21], s19  }
0x9f: {  	s3 =	ssub.s32 $0x0, s19;
	[sflag:s21] =	ssyncset.done $0x0  }
0xa0: {  	[sflag:s21] =	ssyncadd.s32 s3;
	_ =	sdelay $0x1  }
0xa1: {  	s22 =	simm.s32 $0x1B8B  }
0xa2: {  	_ =	swait.ge [sflag:s22], $0x1  }
0xa3: {  	[sflag:s22] =	ssyncset.done $0x0  }
0xa4: {  	s23 =	sld [smem:$0x3FFE];
	[sflag:s22] =	ssyncadd.s32 $0xFFFFFFFF  }
0xa5: {  	s25 =	simm.s32 $0x1B8E;
	s24 =	sld [smem:$0x0]  }
0xa6: {  	s26 =	simm.s32 $execute0_lowered;
	[smem:$0x3FD2] =	sst s25  }
0xa7: {  	s5 =	sshll.u32 s26, $0x1;
	_ =	strace $0x80000049;
	[dreg:$0x1] =	wrdreg $0xFFFFFFFF  }
0xa8: {  	s28 =	simm.s32 $_size_execute0_lowered;
	s2 =	sadd.s32 s2, s5;
	[dreg:$0x0] =	wrdreg $0x0  }
0xa9: {  	s5 =	sshll.u32 s28, $0x1;
	[dreg:$0x2] =	wrdreg s2  }
0xaa: {  	[dreg:$0x3] =	wrdreg s5  }
0xab: {  	[dreg:$0x4] =	wrdreg $0xC0  }
0xac: {  	_ =	task [dreg:s6], $0x5FFFF  }
0xad: {  	[dreg:$0x1] =	wrdreg $0xFFFFFFFF  }
0xae: {  	[dreg:$0x0] =	wrdreg $0x60  }
0xaf: {  	[dreg:$0x2] =	wrdreg s23  }
0xb0: {  	[dreg:$0x3] =	wrdreg s1  }
0xb1: {  	[dreg:$0x4] =	wrdreg s24  }
0xb2: {  	[dreg:$0x5] =	wrdreg $0x9  }
0xb3: {  	_ =	task.clear_ibuf [dreg:s6], $0x6FFFF;
	_ =	strace $0x90000049  }
0xb4: {  	s29 =	simm.s32 $0x9;
	_ =	strace $0x8000004B  }
0xb5: {  	_ =	swait.ge [sflag:s29], $0x1  }
0xb6: {  	[sflag:s29] =	ssyncadd.s32 $0xFFFFFFFF  }
0xb7: {  	_ =	strace $0x9000004B  }
0xb8: {  	_ =	sfence  }
0xb9: {  	s30 =	sld [smem:$0x0];
	_ =	sdelay $0x2  }
0xba: {  	s31 =	sshll.u32 s1, $0xD;
	s1 =	sshrl.u32 s1, $0x2  }
0xbb: {  	s3 =	sand.u32 $0x4000, s31;
	s1 =	sadd.s32 s1, s30  }
0xbc: {  	s0 =	sor.u32 s3, s0;
	s1 =	sshll.u32 s1, $0x11  }
0xbd: {  	s0 =	sor.u32 s1, s0  }
0xbe: {  	s0 =	sadd.s32 $0x8F2B, s0  }
0xbf: {  	[sflag:s0] =	ssyncadd.remote.s32 $0x1  }
0xc0: {  	_ =	sfence.sel $0xFFFF  }
0xc1: {  	[dreg:$0x0] =	wrdreg $0xFFFFFFFF;
	(pc) =	sbr.abs _section_cstart, $3  }
0xc2: {  	[dreg:$0x1] =	wrdreg $0xFFFFFFFF  }
0xc3: {  	_ =	task.clear_ibuf [dreg:s6], $0x2FFFF;
	_ =	strace $0x9FFFFFFF  }
0xc4: {  	(tm) =	ssettm $0x7FFFFFFF  }
0xc5: {  	_ =	shalt  }
tec
execute0_lowered:
.L_overlay_start_1:
0x0: {  	(tag) =	ssettag $0x1  }
0x1: {  	s4 =	rddreg [dreg:$0x0]  }
0x2: {  	s2 =	rddreg [dreg:$0x1];
	_ =	strace $0x8000004A;
	s3 =	simm.s32 $0x1  }
0x3: {  	v0 =	vimm.s32 $0x0;
	[sflag:s3] =	ssyncpa.u1 $0x0  }
0x4: {  	[tilespmem:$0x68] =	vst v0  }
0x5: {  	[tilespmem:$0x78] =	vst v0  }
0x6: {  	[tilespmem:$0x88] =	vst v0  }
0x7: {  	[tilespmem:$0x98] =	vst v0  }
0x8: {  	[tilespmem:$0xA8] =	vst v0  }
0x9: {  	[tilespmem:$0xB8] =	vst v0  }
0xa: {  	[tilespmem:$0xC8] =	vst v0  }
0xb: {  	[tilespmem:$0xD8] =	vst v0  }
0xc: {  	[tilespmem:$0xE8] =	vst v0  }
0xd: {  	[tilespmem:$0xF8] =	vst v0  }
0xe: {  	[tilespmem:$0x108] =	vst v0  }
0xf: {  	[tilespmem:$0x118] =	vst v0  }
0x10: {  	[tilespmem:$0x128] =	vst v0  }
0x11: {  	[tilespmem:$0x138] =	vst v0  }
0x12: {  	[tilespmem:$0x148] =	vst v0  }
0x13: {  	[tilespmem:$0x158] =	vst v0  }
0x14: {  	[tilespmem:$0x168] =	vst v0  }
0x15: {  	[tilespmem:$0x178] =	vst v0  }
0x16: {  	[tilespmem:$0x188] =	vst v0  }
0x17: {  	[tilespmem:$0x198] =	vst v0  }
0x18: {  	[tilespmem:$0x1A8] =	vst v0  }
0x19: {  	[tilespmem:$0x1B8] =	vst v0  }
0x1a: {  	[tilespmem:$0x1C8] =	vst v0  }
0x1b: {  	[tilespmem:$0x1D8] =	vst v0  }
0x1c: {  	[tilespmem:$0x1E8] =	vst v0  }
0x1d: {  	[tilespmem:$0x1F8] =	vst v0  }
0x1e: {  	[tilespmem:$0x208] =	vst v0  }
0x1f: {  	[tilespmem:$0x218] =	vst v0  }
0x20: {  	[tilespmem:$0x228] =	vst v0  }
0x21: {  	[tilespmem:$0x238] =	vst v0  }
0x22: {  	[tilespmem:$0x248] =	vst v0  }
0x23: {  	[tilespmem:$0x258] =	vst v0  }
0x24: {  	[tilespmem:$0x268] =	vst v0  }
0x25: {  	[tilespmem:$0x278] =	vst v0  }
0x26: {  	[tilespmem:$0x288] =	vst v0  }
0x27: {  	[tilespmem:$0x298] =	vst v0  }
0x28: {  	[tilespmem:$0x2A8] =	vst v0  }
0x29: {  	[tilespmem:$0x2B8] =	vst v0  }
0x2a: {  	[tilespmem:$0x2C8] =	vst v0  }
0x2b: {  	[tilespmem:$0x2D8] =	vst v0  }
0x2c: {  	[tilespmem:$0x2E8] =	vst v0  }
0x2d: {  	[tilespmem:$0x2F8] =	vst v0  }
0x2e: {  	[tilespmem:$0x308] =	vst v0  }
0x2f: {  	[tilespmem:$0x318] =	vst v0  }
0x30: {  	[tilespmem:$0x328] =	vst v0  }
0x31: {  	[tilespmem:$0x338] =	vst v0  }
0x32: {  	[tilespmem:$0x348] =	vst v0  }
0x33: {  	[tilespmem:$0x358] =	vst v0  }
0x34: {  	[tilespmem:$0x368] =	vst v0  }
0x35: {  	[tilespmem:$0x378] =	vst v0  }
0x36: {  	[tilespmem:$0x388] =	vst v0  }
0x37: {  	[tilespmem:$0x398] =	vst v0  }
0x38: {  	[tilespmem:$0x3A8] =	vst v0  }
0x39: {  	[tilespmem:$0x3B8] =	vst v0  }
0x3a: {  	[tilespmem:$0x3C8] =	vst v0  }
0x3b: {  	[tilespmem:$0x3D8] =	vst v0  }
0x3c: {  	[tilespmem:$0x3E8] =	vst v0  }
0x3d: {  	[tilespmem:$0x3F8] =	vst v0  }
0x3e: {  	[tilespmem:$0x408] =	vst v0  }
0x3f: {  	[tilespmem:$0x418] =	vst v0  }
0x40: {  	[tilespmem:$0x428] =	vst v0  }
0x41: {  	[tilespmem:$0x438] =	vst v0  }
0x42: {  	[tilespmem:$0x448] =	vst v0  }
0x43: {  	[tilespmem:$0x458] =	vst v0  }
0x44: {  	[tilespmem:$0x468] =	vst v0  }
0x45: {  	[tilespmem:$0x478] =	vst v0  }
0x46: {  	[tilespmem:$0x488] =	vst v0  }
0x47: {  	[tilespmem:$0x498] =	vst v0  }
0x48: {  	[tilespmem:$0x4A8] =	vst v0  }
0x49: {  	[tilespmem:$0x4B8] =	vst v0  }
0x4a: {  	[tilespmem:$0x4C8] =	vst v0  }
0x4b: {  	[tilespmem:$0x4D8] =	vst v0  }
0x4c: {  	[tilespmem:$0x4E8] =	vst v0  }
0x4d: {  	[tilespmem:$0x4F8] =	vst v0  }
0x4e: {  	[tilespmem:$0x508] =	vst v0  }
0x4f: {  	[tilespmem:$0x518] =	vst v0  }
0x50: {  	[tilespmem:$0x528] =	vst v0  }
0x51: {  	[tilespmem:$0x538] =	vst v0  }
0x52: {  	[tilespmem:$0x548] =	vst v0  }
0x53: {  	[tilespmem:$0x558] =	vst v0  }
0x54: {  	[tilespmem:$0x568] =	vst v0  }
0x55: {  	[tilespmem:$0x578] =	vst v0  }
0x56: {  	[tilespmem:$0x588] =	vst v0  }
0x57: {  	[tilespmem:$0x598] =	vst v0  }
0x58: {  	[tilespmem:$0x5A8] =	vst v0  }
0x59: {  	[tilespmem:$0x5B8] =	vst v0  }
0x5a: {  	[tilespmem:$0x5C8] =	vst v0  }
0x5b: {  	[tilespmem:$0x5D8] =	vst v0  }
0x5c: {  	[tilespmem:$0x5E8] =	vst v0  }
0x5d: {  	[tilespmem:$0x5F8] =	vst v0  }
0x5e: {  	[tilespmem:$0x608] =	vst v0  }
0x5f: {  	[tilespmem:$0x618] =	vst v0  }
0x60: {  	[tilespmem:$0x628] =	vst v0  }
0x61: {  	[tilespmem:$0x638] =	vst v0  }
0x62: {  	[tilespmem:$0x648] =	vst v0  }
0x63: {  	[tilespmem:$0x658] =	vst v0  }
0x64: {  	[tilespmem:$0x668] =	vst v0  }
0x65: {  	[tilespmem:$0x678] =	vst v0  }
0x66: {  	[tilespmem:$0x688] =	vst v0  }
0x67: {  	[tilespmem:$0x698] =	vst v0  }
0x68: {  	[tilespmem:$0x6A8] =	vst v0  }
0x69: {  	[tilespmem:$0x6B8] =	vst v0  }
0x6a: {  	[tilespmem:$0x6C8] =	vst v0  }
0x6b: {  	[tilespmem:$0x6D8] =	vst v0  }
0x6c: {  	[tilespmem:$0x6E8] =	vst v0  }
0x6d: {  	[tilespmem:$0x6F8] =	vst v0  }
0x6e: {  	[tilespmem:$0x708] =	vst v0  }
0x6f: {  	[tilespmem:$0x718] =	vst v0  }
0x70: {  	[tilespmem:$0x728] =	vst v0  }
0x71: {  	[tilespmem:$0x738] =	vst v0  }
0x72: {  	[tilespmem:$0x748] =	vst v0  }
0x73: {  	[tilespmem:$0x758] =	vst v0  }
0x74: {  	[tilespmem:$0x768] =	vst v0  }
0x75: {  	[tilespmem:$0x778] =	vst v0  }
0x76: {  	[tilespmem:$0x788] =	vst v0  }
0x77: {  	[tilespmem:$0x798] =	vst v0  }
0x78: {  	[tilespmem:$0x7A8] =	vst v0  }
0x79: {  	[tilespmem:$0x7B8] =	vst v0  }
0x7a: {  	[tilespmem:$0x7C8] =	vst v0  }
0x7b: {  	[tilespmem:$0x7D8] =	vst v0  }
0x7c: {  	[tilespmem:$0x7E8] =	vst v0  }
0x7d: {  	[tilespmem:$0x7F8] =	vst v0  }
0x7e: {  	[tilespmem:$0x808] =	vst v0  }
0x7f: {  	[tilespmem:$0x818] =	vst v0  }
0x80: {  	[tilespmem:$0x828] =	vst v0  }
0x81: {  	[tilespmem:$0x838] =	vst v0  }
0x82: {  	[tilespmem:$0x848] =	vst v0  }
0x83: {  	[tilespmem:$0x858] =	vst v0  }
0x84: {  	[tilespmem:$0x868] =	vst v0  }
0x85: {  	[tilespmem:$0x878] =	vst v0  }
0x86: {  	[tilespmem:$0x888] =	vst v0  }
0x87: {  	[tilespmem:$0x898] =	vst v0  }
0x88: {  	[tilespmem:$0x8A8] =	vst v0  }
0x89: {  	[tilespmem:$0x8B8] =	vst v0  }
0x8a: {  	[tilespmem:$0x8C8] =	vst v0  }
0x8b: {  	[tilespmem:$0x8D8] =	vst v0  }
0x8c: {  	[tilespmem:$0x8E8] =	vst v0  }
0x8d: {  	[tilespmem:$0x8F8] =	vst v0  }
0x8e: {  	[tilespmem:$0x908] =	vst v0  }
0x8f: {  	[tilespmem:$0x918] =	vst v0  }
0x90: {  	[tilespmem:$0x928] =	vst v0  }
0x91: {  	[tilespmem:$0x938] =	vst v0  }
0x92: {  	[tilespmem:$0x948] =	vst v0  }
0x93: {  	[tilespmem:$0x958] =	vst v0  }
0x94: {  	[tilespmem:$0x968] =	vst v0  }
0x95: {  	[tilespmem:$0x978] =	vst v0  }
0x96: {  	[tilespmem:$0x988] =	vst v0  }
0x97: {  	[tilespmem:$0x998] =	vst v0  }
0x98: {  	[tilespmem:$0x9A8] =	vst v0  }
0x99: {  	[tilespmem:$0x9B8] =	vst v0  }
0x9a: {  	[tilespmem:$0x9C8] =	vst v0  }
0x9b: {  	[tilespmem:$0x9D8] =	vst v0  }
0x9c: {  	[tilespmem:$0x9E8] =	vst v0  }
0x9d: {  	[tilespmem:$0x9F8] =	vst v0  }
0x9e: {  	[tilespmem:$0xA08] =	vst v0  }
0x9f: {  	[tilespmem:$0xA18] =	vst v0  }
0xa0: {  	[tilespmem:$0xA28] =	vst v0  }
0xa1: {  	[tilespmem:$0xA38] =	vst v0  }
0xa2: {  	[tilespmem:$0xA48] =	vst v0  }
0xa3: {  	[tilespmem:$0xA58] =	vst v0  }
0xa4: {  	[tilespmem:$0xA68] =	vst v0  }
0xa5: {  	[tilespmem:$0xA78] =	vst v0  }
0xa6: {  	[tilespmem:$0xA88] =	vst v0  }
0xa7: {  	[tilespmem:$0xA98] =	vst v0  }
0xa8: {  	[tilespmem:$0xAA8] =	vst v0  }
0xa9: {  	[tilespmem:$0xAB8] =	vst v0  }
0xaa: {  	[tilespmem:$0xAC8] =	vst v0  }
0xab: {  	[tilespmem:$0xAD8] =	vst v0  }
0xac: {  	[tilespmem:$0xAE8] =	vst v0  }
0xad: {  	[tilespmem:$0xAF8] =	vst v0  }
0xae: {  	[tilespmem:$0xB08] =	vst v0  }
0xaf: {  	[tilespmem:$0xB18] =	vst v0  }
0xb0: {  	[tilespmem:$0xB28] =	vst v0  }
0xb1: {  	[tilespmem:$0xB38] =	vst v0  }
0xb2: {  	[tilespmem:$0xB48] =	vst v0  }
0xb3: {  	[tilespmem:$0xB58] =	vst v0  }
0xb4: {  	[tilespmem:$0xB68] =	vst v0  }
0xb5: {  	[tilespmem:$0xB78] =	vst v0  }
0xb6: {  	[tilespmem:$0xB88] =	vst v0  }
0xb7: {  	[tilespmem:$0xB98] =	vst v0  }
0xb8: {  	[tilespmem:$0xBA8] =	vst v0  }
0xb9: {  	[tilespmem:$0xBB8] =	vst v0  }
0xba: {  	[tilespmem:$0xBC8] =	vst v0  }
0xbb: {  	[tilespmem:$0xBD8] =	vst v0  }
0xbc: {  	[tilespmem:$0xBE8] =	vst v0  }
0xbd: {  	[tilespmem:$0xBF8] =	vst v0  }
0xbe: {  	[tilespmem:$0xC08] =	vst v0  }
0xbf: {  	[tilespmem:$0xC18] =	vst v0  }
0xc0: {  	[tilespmem:$0xC28] =	vst v0  }
0xc1: {  	[tilespmem:$0xC38] =	vst v0  }
0xc2: {  	[tilespmem:$0xC48] =	vst v0  }
0xc3: {  	[tilespmem:$0xC58] =	vst v0  }
0xc4: {  	[tilespmem:$0xC68] =	vst v0  }
0xc5: {  	[tilespmem:$0xC78] =	vst v0  }
0xc6: {  	[tilespmem:$0xC88] =	vst v0  }
0xc7: {  	[tilespmem:$0xC98] =	vst v0  }
0xc8: {  	[tilespmem:$0xCA8] =	vst v0  }
0xc9: {  	[tilespmem:$0xCB8] =	vst v0  }
0xca: {  	[tilespmem:$0xCC8] =	vst v0  }
0xcb: {  	[tilespmem:$0xCD8] =	vst v0  }
0xcc: {  	[tilespmem:$0xCE8] =	vst v0  }
0xcd: {  	[tilespmem:$0xCF8] =	vst v0  }
0xce: {  	[tilespmem:$0xD08] =	vst v0  }
0xcf: {  	[tilespmem:$0xD18] =	vst v0  }
0xd0: {  	[tilespmem:$0xD28] =	vst v0  }
0xd1: {  	[tilespmem:$0xD38] =	vst v0  }
0xd2: {  	[tilespmem:$0xD48] =	vst v0  }
0xd3: {  	[tilespmem:$0xD58] =	vst v0  }
0xd4: {  	[tilespmem:$0xD68] =	vst v0  }
0xd5: {  	[tilespmem:$0xD78] =	vst v0  }
0xd6: {  	[tilespmem:$0xD88] =	vst v0  }
0xd7: {  	[tilespmem:$0xD98] =	vst v0  }
0xd8: {  	[tilespmem:$0xDA8] =	vst v0  }
0xd9: {  	[tilespmem:$0xDB8] =	vst v0  }
0xda: {  	[tilespmem:$0xDC8] =	vst v0  }
0xdb: {  	[tilespmem:$0xDD8] =	vst v0  }
0xdc: {  	[tilespmem:$0xDE8] =	vst v0  }
0xdd: {  	[tilespmem:$0xDF8] =	vst v0  }
0xde: {  	[tilespmem:$0xE08] =	vst v0  }
0xdf: {  	[tilespmem:$0xE18] =	vst v0  }
0xe0: {  	[tilespmem:$0xE28] =	vst v0  }
0xe1: {  	[tilespmem:$0xE38] =	vst v0  }
0xe2: {  	[tilespmem:$0xE48] =	vst v0  }
0xe3: {  	[tilespmem:$0xE58] =	vst v0  }
0xe4: {  	[tilespmem:$0xE68] =	vst v0  }
0xe5: {  	[tilespmem:$0xE78] =	vst v0  }
0xe6: {  	[tilespmem:$0xE88] =	vst v0  }
0xe7: {  	[tilespmem:$0xE98] =	vst v0  }
0xe8: {  	[tilespmem:$0xEA8] =	vst v0  }
0xe9: {  	[tilespmem:$0xEB8] =	vst v0  }
0xea: {  	[tilespmem:$0xEC8] =	vst v0  }
0xeb: {  	[tilespmem:$0xED8] =	vst v0  }
0xec: {  	[tilespmem:$0xEE8] =	vst v0  }
0xed: {  	[tilespmem:$0xEF8] =	vst v0  }
0xee: {  	[tilespmem:$0xF08] =	vst v0  }
0xef: {  	[tilespmem:$0xF18] =	vst v0  }
0xf0: {  	[tilespmem:$0xF28] =	vst v0  }
0xf1: {  	[tilespmem:$0xF38] =	vst v0  }
0xf2: {  	[tilespmem:$0xF48] =	vst v0  }
0xf3: {  	[tilespmem:$0xF58] =	vst v0  }
0xf4: {  	[tilespmem:$0xF68] =	vst v0  }
0xf5: {  	[tilespmem:$0xF78] =	vst v0  }
0xf6: {  	[tilespmem:$0xF88] =	vst v0  }
0xf7: {  	[tilespmem:$0xF98] =	vst v0  }
0xf8: {  	[tilespmem:$0xFA8] =	vst v0  }
0xf9: {  	[tilespmem:$0xFB8] =	vst v0  }
0xfa: {  	[tilespmem:$0xFC8] =	vst v0  }
0xfb: {  	[tilespmem:$0xFD8] =	vst v0  }
0xfc: {  	[tilespmem:$0xFE8] =	vst v0  }
0xfd: {  	[tilespmem:$0xFF8] =	vst v0  }
0xfe: {  	[tilespmem:$0x1008] =	vst v0  }
0xff: {  	[tilespmem:$0x1018] =	vst v0  }
0x100: {  	[tilespmem:$0x1028] =	vst v0  }
0x101: {  	[tilespmem:$0x1038] =	vst v0  }
0x102: {  	[tilespmem:$0x1048] =	vst v0  }
0x103: {  	[tilespmem:$0x1058] =	vst v0  }
0x104: {  	[tilespmem:$0x1068] =	vst v0  }
0x105: {  	[tilespmem:$0x1078] =	vst v0  }
0x106: {  	[tilespmem:$0x1088] =	vst v0  }
0x107: {  	[tilespmem:$0x1098] =	vst v0  }
0x108: {  	[tilespmem:$0x10A8] =	vst v0  }
0x109: {  	[tilespmem:$0x10B8] =	vst v0  }
0x10a: {  	[tilespmem:$0x10C8] =	vst v0  }
0x10b: {  	[tilespmem:$0x10D8] =	vst v0  }
0x10c: {  	[tilespmem:$0x10E8] =	vst v0  }
0x10d: {  	[tilespmem:$0x10F8] =	vst v0  }
0x10e: {  	[tilespmem:$0x1108] =	vst v0  }
0x10f: {  	[tilespmem:$0x1118] =	vst v0  }
0x110: {  	[tilespmem:$0x1128] =	vst v0  }
0x111: {  	[tilespmem:$0x1138] =	vst v0  }
0x112: {  	[tilespmem:$0x1148] =	vst v0  }
0x113: {  	[tilespmem:$0x1158] =	vst v0  }
0x114: {  	[tilespmem:$0x1168] =	vst v0  }
0x115: {  	[tilespmem:$0x1178] =	vst v0  }
0x116: {  	[tilespmem:$0x1188] =	vst v0  }
0x117: {  	[tilespmem:$0x1198] =	vst v0  }
0x118: {  	[tilespmem:$0x11A8] =	vst v0  }
0x119: {  	[tilespmem:$0x11B8] =	vst v0  }
0x11a: {  	[tilespmem:$0x11C8] =	vst v0  }
0x11b: {  	[tilespmem:$0x11D8] =	vst v0  }
0x11c: {  	[tilespmem:$0x11E8] =	vst v0  }
0x11d: {  	[tilespmem:$0x11F8] =	vst v0  }
0x11e: {  	[tilespmem:$0x1208] =	vst v0  }
0x11f: {  	[tilespmem:$0x1218] =	vst v0  }
0x120: {  	[tilespmem:$0x1228] =	vst v0  }
0x121: {  	[tilespmem:$0x1238] =	vst v0  }
0x122: {  	[tilespmem:$0x1248] =	vst v0  }
0x123: {  	[tilespmem:$0x1258] =	vst v0  }
0x124: {  	[tilespmem:$0x1268] =	vst v0  }
0x125: {  	[tilespmem:$0x1278] =	vst v0  }
0x126: {  	[tilespmem:$0x1288] =	vst v0  }
0x127: {  	[tilespmem:$0x1298] =	vst v0  }
0x128: {  	[tilespmem:$0x12A8] =	vst v0  }
0x129: {  	[tilespmem:$0x12B8] =	vst v0  }
0x12a: {  	[tilespmem:$0x12C8] =	vst v0  }
0x12b: {  	[tilespmem:$0x12D8] =	vst v0  }
0x12c: {  	[tilespmem:$0x12E8] =	vst v0  }
0x12d: {  	[tilespmem:$0x12F8] =	vst v0  }
0x12e: {  	[tilespmem:$0x1308] =	vst v0  }
0x12f: {  	[tilespmem:$0x1318] =	vst v0  }
0x130: {  	[tilespmem:$0x1328] =	vst v0  }
0x131: {  	[tilespmem:$0x1338] =	vst v0  }
0x132: {  	[tilespmem:$0x1348] =	vst v0  }
0x133: {  	[tilespmem:$0x1358] =	vst v0  }
0x134: {  	[tilespmem:$0x1368] =	vst v0  }
0x135: {  	[tilespmem:$0x1378] =	vst v0  }
0x136: {  	[tilespmem:$0x1388] =	vst v0  }
0x137: {  	[tilespmem:$0x1398] =	vst v0  }
0x138: {  	[tilespmem:$0x13A8] =	vst v0  }
0x139: {  	[tilespmem:$0x13B8] =	vst v0  }
0x13a: {  	[tilespmem:$0x13C8] =	vst v0  }
0x13b: {  	[tilespmem:$0x13D8] =	vst v0  }
0x13c: {  	[tilespmem:$0x13E8] =	vst v0  }
0x13d: {  	[tilespmem:$0x13F8] =	vst v0  }
0x13e: {  	[tilespmem:$0x1408] =	vst v0  }
0x13f: {  	[tilespmem:$0x1418] =	vst v0  }
0x140: {  	[tilespmem:$0x1428] =	vst v0  }
0x141: {  	[tilespmem:$0x1438] =	vst v0  }
0x142: {  	[tilespmem:$0x1448] =	vst v0  }
0x143: {  	[tilespmem:$0x1458] =	vst v0  }
0x144: {  	[tilespmem:$0x2388] =	vst v0  }
0x145: {  	[tilespmem:$0x2398] =	vst v0  }
0x146: {  	[tilespmem:$0x1468] =	vst v0  }
0x147: {  	[tilespmem:$0x1478] =	vst v0  }
0x148: {  	[tilespmem:$0x1488] =	vst v0  }
0x149: {  	[tilespmem:$0x1498] =	vst v0  }
0x14a: {  	[tilespmem:$0x14A8] =	vst v0  }
0x14b: {  	[tilespmem:$0x14B8] =	vst v0  }
0x14c: {  	[tilespmem:$0x14C8] =	vst v0  }
0x14d: {  	[tilespmem:$0x14D8] =	vst v0  }
0x14e: {  	[tilespmem:$0x14E8] =	vst v0  }
0x14f: {  	[tilespmem:$0x14F8] =	vst v0  }
0x150: {  	[tilespmem:$0x1508] =	vst v0  }
0x151: {  	[tilespmem:$0x1518] =	vst v0  }
0x152: {  	[tilespmem:$0x1528] =	vst v0  }
0x153: {  	[tilespmem:$0x1538] =	vst v0  }
0x154: {  	[tilespmem:$0x1548] =	vst v0  }
0x155: {  	[tilespmem:$0x1558] =	vst v0  }
0x156: {  	[tilespmem:$0x1568] =	vst v0  }
0x157: {  	[tilespmem:$0x1578] =	vst v0  }
0x158: {  	[tilespmem:$0x1588] =	vst v0  }
0x159: {  	[tilespmem:$0x1598] =	vst v0  }
0x15a: {  	[tilespmem:$0x15A8] =	vst v0  }
0x15b: {  	[tilespmem:$0x15B8] =	vst v0  }
0x15c: {  	[tilespmem:$0x15C8] =	vst v0  }
0x15d: {  	[tilespmem:$0x15D8] =	vst v0  }
0x15e: {  	[tilespmem:$0x15E8] =	vst v0  }
0x15f: {  	[tilespmem:$0x15F8] =	vst v0  }
0x160: {  	[tilespmem:$0x1608] =	vst v0  }
0x161: {  	[tilespmem:$0x1618] =	vst v0  }
0x162: {  	[tilespmem:$0x1628] =	vst v0  }
0x163: {  	[tilespmem:$0x1638] =	vst v0  }
0x164: {  	[tilespmem:$0x1648] =	vst v0  }
0x165: {  	[tilespmem:$0x1658] =	vst v0  }
0x166: {  	[tilespmem:$0x1668] =	vst v0  }
0x167: {  	[tilespmem:$0x1678] =	vst v0  }
0x168: {  	[tilespmem:$0x1688] =	vst v0  }
0x169: {  	[tilespmem:$0x1698] =	vst v0  }
0x16a: {  	[tilespmem:$0x16A8] =	vst v0  }
0x16b: {  	[tilespmem:$0x16B8] =	vst v0  }
0x16c: {  	[tilespmem:$0x16C8] =	vst v0  }
0x16d: {  	[tilespmem:$0x16D8] =	vst v0  }
0x16e: {  	[tilespmem:$0x16E8] =	vst v0  }
0x16f: {  	[tilespmem:$0x16F8] =	vst v0  }
0x170: {  	[tilespmem:$0x1708] =	vst v0  }
0x171: {  	[tilespmem:$0x1718] =	vst v0  }
0x172: {  	[tilespmem:$0x1728] =	vst v0  }
0x173: {  	[tilespmem:$0x1738] =	vst v0  }
0x174: {  	[tilespmem:$0x1748] =	vst v0  }
0x175: {  	[tilespmem:$0x1758] =	vst v0  }
0x176: {  	[tilespmem:$0x1768] =	vst v0  }
0x177: {  	[tilespmem:$0x1778] =	vst v0  }
0x178: {  	[tilespmem:$0x1788] =	vst v0  }
0x179: {  	[tilespmem:$0x1798] =	vst v0  }
0x17a: {  	[tilespmem:$0x17A8] =	vst v0  }
0x17b: {  	[tilespmem:$0x17B8] =	vst v0  }
0x17c: {  	[tilespmem:$0x17C8] =	vst v0  }
0x17d: {  	[tilespmem:$0x17D8] =	vst v0  }
0x17e: {  	[tilespmem:$0x17E8] =	vst v0  }
0x17f: {  	[tilespmem:$0x17F8] =	vst v0  }
0x180: {  	[tilespmem:$0x1808] =	vst v0  }
0x181: {  	[tilespmem:$0x1818] =	vst v0  }
0x182: {  	[tilespmem:$0x1828] =	vst v0  }
0x183: {  	[tilespmem:$0x1838] =	vst v0  }
0x184: {  	[tilespmem:$0x1848] =	vst v0  }
0x185: {  	[tilespmem:$0x1858] =	vst v0  }
0x186: {  	[tilespmem:$0x1868] =	vst v0  }
0x187: {  	[tilespmem:$0x1878] =	vst v0  }
0x188: {  	[tilespmem:$0x1888] =	vst v0  }
0x189: {  	[tilespmem:$0x1898] =	vst v0  }
0x18a: {  	[tilespmem:$0x18A8] =	vst v0  }
0x18b: {  	[tilespmem:$0x18B8] =	vst v0  }
0x18c: {  	[tilespmem:$0x18C8] =	vst v0  }
0x18d: {  	[tilespmem:$0x18D8] =	vst v0  }
0x18e: {  	[tilespmem:$0x18E8] =	vst v0  }
0x18f: {  	[tilespmem:$0x18F8] =	vst v0  }
0x190: {  	[tilespmem:$0x1908] =	vst v0  }
0x191: {  	[tilespmem:$0x1918] =	vst v0  }
0x192: {  	[tilespmem:$0x1928] =	vst v0  }
0x193: {  	[tilespmem:$0x1938] =	vst v0  }
0x194: {  	[tilespmem:$0x1948] =	vst v0  }
0x195: {  	[tilespmem:$0x1958] =	vst v0  }
0x196: {  	[tilespmem:$0x1968] =	vst v0  }
0x197: {  	[tilespmem:$0x1978] =	vst v0  }
0x198: {  	[tilespmem:$0x1988] =	vst v0  }
0x199: {  	[tilespmem:$0x1998] =	vst v0  }
0x19a: {  	[tilespmem:$0x19A8] =	vst v0  }
0x19b: {  	[tilespmem:$0x19B8] =	vst v0  }
0x19c: {  	[tilespmem:$0x19C8] =	vst v0  }
0x19d: {  	[tilespmem:$0x19D8] =	vst v0  }
0x19e: {  	[tilespmem:$0x19E8] =	vst v0  }
0x19f: {  	[tilespmem:$0x19F8] =	vst v0  }
0x1a0: {  	[tilespmem:$0x1A08] =	vst v0  }
0x1a1: {  	[tilespmem:$0x1A18] =	vst v0  }
0x1a2: {  	[tilespmem:$0x1A28] =	vst v0  }
0x1a3: {  	[tilespmem:$0x1A38] =	vst v0  }
0x1a4: {  	[tilespmem:$0x1A48] =	vst v0  }
0x1a5: {  	[tilespmem:$0x1A58] =	vst v0  }
0x1a6: {  	[tilespmem:$0x1A68] =	vst v0  }
0x1a7: {  	[tilespmem:$0x1A78] =	vst v0  }
0x1a8: {  	[tilespmem:$0x1A88] =	vst v0  }
0x1a9: {  	[tilespmem:$0x1A98] =	vst v0  }
0x1aa: {  	[tilespmem:$0x1AA8] =	vst v0  }
0x1ab: {  	[tilespmem:$0x1AB8] =	vst v0  }
0x1ac: {  	[tilespmem:$0x1AC8] =	vst v0  }
0x1ad: {  	[tilespmem:$0x1AD8] =	vst v0  }
0x1ae: {  	[tilespmem:$0x1AE8] =	vst v0  }
0x1af: {  	[tilespmem:$0x1AF8] =	vst v0  }
0x1b0: {  	[tilespmem:$0x1B08] =	vst v0  }
0x1b1: {  	[tilespmem:$0x1B18] =	vst v0  }
0x1b2: {  	[tilespmem:$0x1B28] =	vst v0  }
0x1b3: {  	[tilespmem:$0x1B38] =	vst v0  }
0x1b4: {  	[tilespmem:$0x1B48] =	vst v0  }
0x1b5: {  	[tilespmem:$0x1B58] =	vst v0  }
0x1b6: {  	[tilespmem:$0x1B68] =	vst v0  }
0x1b7: {  	[tilespmem:$0x1B78] =	vst v0  }
0x1b8: {  	[tilespmem:$0x1B88] =	vst v0  }
0x1b9: {  	[tilespmem:$0x1B98] =	vst v0  }
0x1ba: {  	[tilespmem:$0x1BA8] =	vst v0  }
0x1bb: {  	[tilespmem:$0x1BB8] =	vst v0  }
0x1bc: {  	[tilespmem:$0x1BC8] =	vst v0  }
0x1bd: {  	[tilespmem:$0x1BD8] =	vst v0  }
0x1be: {  	[tilespmem:$0x1BE8] =	vst v0  }
0x1bf: {  	[tilespmem:$0x1BF8] =	vst v0  }
0x1c0: {  	[tilespmem:$0x1C08] =	vst v0  }
0x1c1: {  	[tilespmem:$0x1C18] =	vst v0  }
0x1c2: {  	[tilespmem:$0x1C28] =	vst v0  }
0x1c3: {  	[tilespmem:$0x1C38] =	vst v0  }
0x1c4: {  	[tilespmem:$0x1C48] =	vst v0  }
0x1c5: {  	[tilespmem:$0x1C58] =	vst v0  }
0x1c6: {  	[tilespmem:$0x1C68] =	vst v0  }
0x1c7: {  	[tilespmem:$0x1C78] =	vst v0  }
0x1c8: {  	[tilespmem:$0x1C88] =	vst v0  }
0x1c9: {  	[tilespmem:$0x1C98] =	vst v0  }
0x1ca: {  	[tilespmem:$0x1CA8] =	vst v0  }
0x1cb: {  	[tilespmem:$0x1CB8] =	vst v0  }
0x1cc: {  	[tilespmem:$0x1CC8] =	vst v0  }
0x1cd: {  	[tilespmem:$0x1CD8] =	vst v0  }
0x1ce: {  	[tilespmem:$0x1CE8] =	vst v0  }
0x1cf: {  	[tilespmem:$0x1CF8] =	vst v0  }
0x1d0: {  	[tilespmem:$0x1D08] =	vst v0  }
0x1d1: {  	[tilespmem:$0x1D18] =	vst v0  }
0x1d2: {  	[tilespmem:$0x1D28] =	vst v0  }
0x1d3: {  	[tilespmem:$0x1D38] =	vst v0  }
0x1d4: {  	[tilespmem:$0x1D48] =	vst v0  }
0x1d5: {  	[tilespmem:$0x1D58] =	vst v0  }
0x1d6: {  	[tilespmem:$0x1D68] =	vst v0  }
0x1d7: {  	[tilespmem:$0x1D78] =	vst v0  }
0x1d8: {  	[tilespmem:$0x1D88] =	vst v0  }
0x1d9: {  	[tilespmem:$0x1D98] =	vst v0  }
0x1da: {  	[tilespmem:$0x1DA8] =	vst v0  }
0x1db: {  	[tilespmem:$0x1DB8] =	vst v0  }
0x1dc: {  	[tilespmem:$0x1DC8] =	vst v0  }
0x1dd: {  	[tilespmem:$0x1DD8] =	vst v0  }
0x1de: {  	[tilespmem:$0x1DE8] =	vst v0  }
0x1df: {  	[tilespmem:$0x1DF8] =	vst v0  }
0x1e0: {  	[tilespmem:$0x1E08] =	vst v0  }
0x1e1: {  	[tilespmem:$0x1E18] =	vst v0  }
0x1e2: {  	[tilespmem:$0x1E28] =	vst v0  }
0x1e3: {  	[tilespmem:$0x1E38] =	vst v0  }
0x1e4: {  	[tilespmem:$0x1E48] =	vst v0  }
0x1e5: {  	[tilespmem:$0x1E58] =	vst v0  }
0x1e6: {  	[tilespmem:$0x1E68] =	vst v0  }
0x1e7: {  	[tilespmem:$0x1E78] =	vst v0  }
0x1e8: {  	[tilespmem:$0x1E88] =	vst v0  }
0x1e9: {  	[tilespmem:$0x1E98] =	vst v0  }
0x1ea: {  	[tilespmem:$0x1EA8] =	vst v0  }
0x1eb: {  	[tilespmem:$0x1EB8] =	vst v0  }
0x1ec: {  	[tilespmem:$0x1EC8] =	vst v0  }
0x1ed: {  	[tilespmem:$0x1ED8] =	vst v0  }
0x1ee: {  	[tilespmem:$0x1EE8] =	vst v0  }
0x1ef: {  	[tilespmem:$0x1EF8] =	vst v0  }
0x1f0: {  	[tilespmem:$0x1F08] =	vst v0  }
0x1f1: {  	[tilespmem:$0x1F18] =	vst v0  }
0x1f2: {  	[tilespmem:$0x1F28] =	vst v0  }
0x1f3: {  	[tilespmem:$0x1F38] =	vst v0  }
0x1f4: {  	[tilespmem:$0x1F48] =	vst v0  }
0x1f5: {  	[tilespmem:$0x1F58] =	vst v0  }
0x1f6: {  	[tilespmem:$0x1F68] =	vst v0  }
0x1f7: {  	[tilespmem:$0x1F78] =	vst v0  }
0x1f8: {  	[tilespmem:$0x1F88] =	vst v0  }
0x1f9: {  	[tilespmem:$0x1F98] =	vst v0  }
0x1fa: {  	[tilespmem:$0x1FA8] =	vst v0  }
0x1fb: {  	[tilespmem:$0x1FB8] =	vst v0  }
0x1fc: {  	[tilespmem:$0x1FC8] =	vst v0  }
0x1fd: {  	[tilespmem:$0x1FD8] =	vst v0  }
0x1fe: {  	[tilespmem:$0x1FE8] =	vst v0  }
0x1ff: {  	[tilespmem:$0x1FF8] =	vst v0  }
0x200: {  	[tilespmem:$0x2008] =	vst v0  }
0x201: {  	[tilespmem:$0x2018] =	vst v0  }
0x202: {  	[tilespmem:$0x2028] =	vst v0  }
0x203: {  	[tilespmem:$0x2038] =	vst v0  }
0x204: {  	[tilespmem:$0x2048] =	vst v0  }
0x205: {  	[tilespmem:$0x2058] =	vst v0  }
0x206: {  	[tilespmem:$0x2068] =	vst v0  }
0x207: {  	[tilespmem:$0x2078] =	vst v0  }
0x208: {  	[tilespmem:$0x2088] =	vst v0  }
0x209: {  	[tilespmem:$0x2098] =	vst v0  }
0x20a: {  	[tilespmem:$0x20A8] =	vst v0  }
0x20b: {  	[tilespmem:$0x20B8] =	vst v0  }
0x20c: {  	[tilespmem:$0x20C8] =	vst v0  }
0x20d: {  	[tilespmem:$0x20D8] =	vst v0  }
0x20e: {  	[tilespmem:$0x20E8] =	vst v0  }
0x20f: {  	[tilespmem:$0x20F8] =	vst v0  }
0x210: {  	[tilespmem:$0x2108] =	vst v0  }
0x211: {  	[tilespmem:$0x2118] =	vst v0  }
0x212: {  	[tilespmem:$0x2128] =	vst v0  }
0x213: {  	[tilespmem:$0x2138] =	vst v0  }
0x214: {  	[tilespmem:$0x2148] =	vst v0  }
0x215: {  	[tilespmem:$0x2158] =	vst v0  }
0x216: {  	[tilespmem:$0x2168] =	vst v0  }
0x217: {  	[tilespmem:$0x2178] =	vst v0  }
0x218: {  	[tilespmem:$0x2188] =	vst v0  }
0x219: {  	[tilespmem:$0x2198] =	vst v0  }
0x21a: {  	[tilespmem:$0x21A8] =	vst v0  }
0x21b: {  	[tilespmem:$0x21B8] =	vst v0  }
0x21c: {  	[tilespmem:$0x21C8] =	vst v0  }
0x21d: {  	[tilespmem:$0x21D8] =	vst v0  }
0x21e: {  	[tilespmem:$0x21E8] =	vst v0  }
0x21f: {  	[tilespmem:$0x21F8] =	vst v0  }
0x220: {  	[tilespmem:$0x2208] =	vst v0  }
0x221: {  	[tilespmem:$0x2218] =	vst v0  }
0x222: {  	[tilespmem:$0x2228] =	vst v0  }
0x223: {  	[tilespmem:$0x2238] =	vst v0  }
0x224: {  	[tilespmem:$0x2248] =	vst v0  }
0x225: {  	[tilespmem:$0x2258] =	vst v0  }
0x226: {  	[tilespmem:$0x2268] =	vst v0  }
0x227: {  	[tilespmem:$0x2278] =	vst v0  }
0x228: {  	[tilespmem:$0x2288] =	vst v0  }
0x229: {  	[tilespmem:$0x2298] =	vst v0  }
0x22a: {  	[tilespmem:$0x22A8] =	vst v0  }
0x22b: {  	[tilespmem:$0x22B8] =	vst v0  }
0x22c: {  	[tilespmem:$0x22C8] =	vst v0  }
0x22d: {  	[tilespmem:$0x22D8] =	vst v0  }
0x22e: {  	[tilespmem:$0x22E8] =	vst v0  }
0x22f: {  	[tilespmem:$0x22F8] =	vst v0  }
0x230: {  	[tilespmem:$0x2308] =	vst v0  }
0x231: {  	[tilespmem:$0x2318] =	vst v0  }
0x232: {  	[tilespmem:$0x2328] =	vst v0  }
0x233: {  	[tilespmem:$0x2338] =	vst v0  }
0x234: {  	[tilespmem:$0x2348] =	vst v0  }
0x235: {  	[tilespmem:$0x2358] =	vst v0  }
0x236: {  	[tilespmem:$0x2368] =	vst v0  }
0x237: {  	[tilespmem:$0x2378] =	vst v0  }
0x238: {  	[tilespmem:$0x23A8] =	vst v0  }
0x239: {  	[tilespmem:$0x23B8] =	vst v0  }
0x23a: {  	[tilespmem:$0x23C8] =	vst v0  }
0x23b: {  	[tilespmem:$0x23D8] =	vst v0  }
0x23c: {  	[tilespmem:$0x23E8] =	vst v0  }
0x23d: {  	[tilespmem:$0x23F8] =	vst v0  }
0x23e: {  	[tilespmem:$0x2408] =	vst v0  }
0x23f: {  	[tilespmem:$0x2418] =	vst v0  }
0x240: {  	[tilespmem:$0x2428] =	vst v0  }
0x241: {  	[tilespmem:$0x2438] =	vst v0  }
0x242: {  	[tilespmem:$0x2448] =	vst v0  }
0x243: {  	[tilespmem:$0x2458] =	vst v0  }
0x244: {  	[tilespmem:$0x2468] =	vst v0  }
0x245: {  	[tilespmem:$0x2478] =	vst v0  }
0x246: {  	[tilespmem:$0x2488] =	vst v0  }
0x247: {  	[tilespmem:$0x2498] =	vst v0  }
0x248: {  	[tilespmem:$0x24A8] =	vst v0  }
0x249: {  	[tilespmem:$0x24B8] =	vst v0  }
0x24a: {  	[tilespmem:$0x24C8] =	vst v0  }
0x24b: {  	[tilespmem:$0x24D8] =	vst v0  }
0x24c: {  	[tilespmem:$0x24E8] =	vst v0  }
0x24d: {  	[tilespmem:$0x24F8] =	vst v0  }
0x24e: {  	[tilespmem:$0x2508] =	vst v0  }
0x24f: {  	[tilespmem:$0x2518] =	vst v0  }
0x250: {  	[tilespmem:$0x2528] =	vst v0  }
0x251: {  	[tilespmem:$0x2538] =	vst v0  }
0x252: {  	[tilespmem:$0x2548] =	vst v0  }
0x253: {  	[tilespmem:$0x2558] =	vst v0  }
0x254: {  	[tilespmem:$0x2568] =	vst v0  }
0x255: {  	[tilespmem:$0x2578] =	vst v0  }
0x256: {  	[tilespmem:$0x2588] =	vst v0  }
0x257: {  	[tilespmem:$0x2598] =	vst v0  }
0x258: {  	[tilespmem:$0x25A8] =	vst v0  }
0x259: {  	[tilespmem:$0x25B8] =	vst v0  }
0x25a: {  	[tilespmem:$0x25C8] =	vst v0  }
0x25b: {  	[tilespmem:$0x25D8] =	vst v0  }
0x25c: {  	[tilespmem:$0x25E8] =	vst v0  }
0x25d: {  	[tilespmem:$0x25F8] =	vst v0  }
0x25e: {  	[tilespmem:$0x2608] =	vst v0  }
0x25f: {  	[tilespmem:$0x2618] =	vst v0  }
0x260: {  	[tilespmem:$0x2628] =	vst v0  }
0x261: {  	[tilespmem:$0x2638] =	vst v0  }
0x262: {  	[tilespmem:$0x2648] =	vst v0  }
0x263: {  	[tilespmem:$0x2658] =	vst v0  }
0x264: {  	[tilespmem:$0x2668] =	vst v0  }
0x265: {  	[tilespmem:$0x2678] =	vst v0  }
0x266: {  	[tilespmem:$0x2688] =	vst v0  }
0x267: {  	[tilespmem:$0x2698] =	vst v0  }
0x268: {  	[tilespmem:$0x26A8] =	vst v0  }
0x269: {  	[tilespmem:$0x26B8] =	vst v0  }
0x26a: {  	[tilespmem:$0x26C8] =	vst v0  }
0x26b: {  	[tilespmem:$0x26D8] =	vst v0  }
0x26c: {  	[tilespmem:$0x26E8] =	vst v0  }
0x26d: {  	[tilespmem:$0x26F8] =	vst v0  }
0x26e: {  	[tilespmem:$0x2708] =	vst v0  }
0x26f: {  	[tilespmem:$0x2718] =	vst v0  }
0x270: {  	[tilespmem:$0x2728] =	vst v0  }
0x271: {  	[tilespmem:$0x2738] =	vst v0  }
0x272: {  	[tilespmem:$0x2748] =	vst v0  }
0x273: {  	[tilespmem:$0x2758] =	vst v0  }
0x274: {  	[tilespmem:$0x2768] =	vst v0  }
0x275: {  	[tilespmem:$0x2778] =	vst v0  }
0x276: {  	[tilespmem:$0x2788] =	vst v0  }
0x277: {  	[tilespmem:$0x2798] =	vst v0  }
0x278: {  	[tilespmem:$0x27A8] =	vst v0  }
0x279: {  	[tilespmem:$0x27B8] =	vst v0  }
0x27a: {  	[tilespmem:$0x27C8] =	vst v0  }
0x27b: {  	[tilespmem:$0x27D8] =	vst v0  }
0x27c: {  	[tilespmem:$0x27E8] =	vst v0  }
0x27d: {  	[tilespmem:$0x27F8] =	vst v0  }
0x27e: {  	[tilespmem:$0x2808] =	vst v0  }
0x27f: {  	[tilespmem:$0x2818] =	vst v0  }
0x280: {  	[tilespmem:$0x2828] =	vst v0  }
0x281: {  	[tilespmem:$0x2838] =	vst v0  }
0x282: {  	[tilespmem:$0x2848] =	vst v0  }
0x283: {  	[tilespmem:$0x2858] =	vst v0  }
0x284: {  	[tilespmem:$0x2868] =	vst v0  }
0x285: {  	[tilespmem:$0x2878] =	vst v0  }
0x286: {  	[tilespmem:$0x2888] =	vst v0  }
0x287: {  	[tilespmem:$0x2898] =	vst v0  }
0x288: {  	[tilespmem:$0x28A8] =	vst v0  }
0x289: {  	[tilespmem:$0x28B8] =	vst v0  }
0x28a: {  	[tilespmem:$0x28C8] =	vst v0  }
0x28b: {  	[tilespmem:$0x28D8] =	vst v0  }
0x28c: {  	[tilespmem:$0x28E8] =	vst v0  }
0x28d: {  	[tilespmem:$0x28F8] =	vst v0  }
0x28e: {  	[tilespmem:$0x2908] =	vst v0  }
0x28f: {  	[tilespmem:$0x2918] =	vst v0  }
0x290: {  	[tilespmem:$0x2928] =	vst v0  }
0x291: {  	[tilespmem:$0x2938] =	vst v0  }
0x292: {  	[tilespmem:$0x2948] =	vst v0  }
0x293: {  	[tilespmem:$0x2958] =	vst v0  }
0x294: {  	[tilespmem:$0x2968] =	vst v0  }
0x295: {  	[tilespmem:$0x2978] =	vst v0  }
0x296: {  	[tilespmem:$0x2988] =	vst v0  }
0x297: {  	[tilespmem:$0x2998] =	vst v0  }
0x298: {  	[tilespmem:$0x29A8] =	vst v0  }
0x299: {  	[tilespmem:$0x29B8] =	vst v0  }
0x29a: {  	[tilespmem:$0x29C8] =	vst v0  }
0x29b: {  	[tilespmem:$0x29D8] =	vst v0  }
0x29c: {  	[tilespmem:$0x29E8] =	vst v0  }
0x29d: {  	[tilespmem:$0x29F8] =	vst v0  }
0x29e: {  	[tilespmem:$0x2A08] =	vst v0  }
0x29f: {  	[tilespmem:$0x2A18] =	vst v0  }
0x2a0: {  	[tilespmem:$0x2A28] =	vst v0  }
0x2a1: {  	[tilespmem:$0x2A38] =	vst v0  }
0x2a2: {  	[tilespmem:$0x2A48] =	vst v0  }
0x2a3: {  	[tilespmem:$0x2A58] =	vst v0  }
0x2a4: {  	[tilespmem:$0x2A68] =	vst v0  }
0x2a5: {  	[tilespmem:$0x2A78] =	vst v0  }
0x2a6: {  	[tilespmem:$0x2A88] =	vst v0  }
0x2a7: {  	[tilespmem:$0x2A98] =	vst v0  }
0x2a8: {  	[tilespmem:$0x2AA8] =	vst v0  }
0x2a9: {  	[tilespmem:$0x2AB8] =	vst v0  }
0x2aa: {  	[tilespmem:$0x2AC8] =	vst v0  }
0x2ab: {  	[tilespmem:$0x2AD8] =	vst v0  }
0x2ac: {  	[tilespmem:$0x2AE8] =	vst v0  }
0x2ad: {  	[tilespmem:$0x2AF8] =	vst v0  }
0x2ae: {  	[tilespmem:$0x2B08] =	vst v0  }
0x2af: {  	[tilespmem:$0x2B18] =	vst v0  }
0x2b0: {  	[tilespmem:$0x2B28] =	vst v0  }
0x2b1: {  	[tilespmem:$0x2B38] =	vst v0  }
0x2b2: {  	[tilespmem:$0x2B48] =	vst v0  }
0x2b3: {  	[tilespmem:$0x2B58] =	vst v0  }
0x2b4: {  	[tilespmem:$0x2B68] =	vst v0  }
0x2b5: {  	[tilespmem:$0x2B78] =	vst v0  }
0x2b6: {  	[tilespmem:$0x2B88] =	vst v0  }
0x2b7: {  	[tilespmem:$0x2B98] =	vst v0  }
0x2b8: {  	[tilespmem:$0x2BA8] =	vst v0  }
0x2b9: {  	[tilespmem:$0x2BB8] =	vst v0  }
0x2ba: {  	[tilespmem:$0x2BC8] =	vst v0  }
0x2bb: {  	[tilespmem:$0x2BD8] =	vst v0  }
0x2bc: {  	[tilespmem:$0x2BE8] =	vst v0  }
0x2bd: {  	[tilespmem:$0x2BF8] =	vst v0  }
0x2be: {  	[tilespmem:$0x2C08] =	vst v0  }
0x2bf: {  	[tilespmem:$0x2C18] =	vst v0  }
0x2c0: {  	[tilespmem:$0x2C28] =	vst v0  }
0x2c1: {  	[tilespmem:$0x2C38] =	vst v0  }
0x2c2: {  	[tilespmem:$0x2C48] =	vst v0  }
0x2c3: {  	[tilespmem:$0x2C58] =	vst v0  }
0x2c4: {  	[tilespmem:$0x2C68] =	vst v0  }
0x2c5: {  	[tilespmem:$0x2C78] =	vst v0  }
0x2c6: {  	[tilespmem:$0x2C88] =	vst v0  }
0x2c7: {  	[tilespmem:$0x2C98] =	vst v0  }
0x2c8: {  	[tilespmem:$0x2CA8] =	vst v0  }
0x2c9: {  	[tilespmem:$0x2CB8] =	vst v0  }
0x2ca: {  	[tilespmem:$0x2CC8] =	vst v0  }
0x2cb: {  	[tilespmem:$0x2CD8] =	vst v0  }
0x2cc: {  	[tilespmem:$0x2CE8] =	vst v0  }
0x2cd: {  	[tilespmem:$0x2CF8] =	vst v0  }
0x2ce: {  	[tilespmem:$0x2D08] =	vst v0  }
0x2cf: {  	[tilespmem:$0x2D18] =	vst v0  }
0x2d0: {  	[tilespmem:$0x2D28] =	vst v0  }
0x2d1: {  	[tilespmem:$0x2D38] =	vst v0  }
0x2d2: {  	[tilespmem:$0x2D48] =	vst v0  }
0x2d3: {  	[tilespmem:$0x2D58] =	vst v0  }
0x2d4: {  	[tilespmem:$0x2D68] =	vst v0  }
0x2d5: {  	[tilespmem:$0x2D78] =	vst v0  }
0x2d6: {  	[tilespmem:$0x2D88] =	vst v0  }
0x2d7: {  	[tilespmem:$0x2D98] =	vst v0  }
0x2d8: {  	[tilespmem:$0x2DA8] =	vst v0  }
0x2d9: {  	[tilespmem:$0x2DB8] =	vst v0  }
0x2da: {  	[tilespmem:$0x2DC8] =	vst v0  }
0x2db: {  	[tilespmem:$0x2DD8] =	vst v0  }
0x2dc: {  	[tilespmem:$0x2DE8] =	vst v0  }
0x2dd: {  	[tilespmem:$0x2DF8] =	vst v0  }
0x2de: {  	[tilespmem:$0x2E08] =	vst v0  }
0x2df: {  	[tilespmem:$0x2E18] =	vst v0  }
0x2e0: {  	[tilespmem:$0x2E28] =	vst v0  }
0x2e1: {  	[tilespmem:$0x2E38] =	vst v0  }
0x2e2: {  	[tilespmem:$0x2E48] =	vst v0  }
0x2e3: {  	[tilespmem:$0x2E58] =	vst v0  }
0x2e4: {  	[tilespmem:$0x2E68] =	vst v0  }
0x2e5: {  	[tilespmem:$0x2E78] =	vst v0  }
0x2e6: {  	[tilespmem:$0x2E88] =	vst v0  }
0x2e7: {  	[tilespmem:$0x2E98] =	vst v0  }
0x2e8: {  	[tilespmem:$0x2EA8] =	vst v0  }
0x2e9: {  	[tilespmem:$0x2EB8] =	vst v0  }
0x2ea: {  	[tilespmem:$0x2EC8] =	vst v0  }
0x2eb: {  	[tilespmem:$0x2ED8] =	vst v0  }
0x2ec: {  	[tilespmem:$0x2EE8] =	vst v0  }
0x2ed: {  	[tilespmem:$0x2EF8] =	vst v0  }
0x2ee: {  	[tilespmem:$0x2F08] =	vst v0  }
0x2ef: {  	[tilespmem:$0x2F18] =	vst v0  }
0x2f0: {  	[tilespmem:$0x2F28] =	vst v0  }
0x2f1: {  	[tilespmem:$0x2F38] =	vst v0  }
0x2f2: {  	[tilespmem:$0x2F48] =	vst v0  }
0x2f3: {  	[tilespmem:$0x2F58] =	vst v0  }
0x2f4: {  	[tilespmem:$0x2F68] =	vst v0  }
0x2f5: {  	[tilespmem:$0x2F78] =	vst v0  }
0x2f6: {  	[tilespmem:$0x2F88] =	vst v0  }
0x2f7: {  	[tilespmem:$0x2F98] =	vst v0  }
0x2f8: {  	[tilespmem:$0x2FA8] =	vst v0  }
0x2f9: {  	[tilespmem:$0x2FB8] =	vst v0  }
0x2fa: {  	[tilespmem:$0x2FC8] =	vst v0  }
0x2fb: {  	[tilespmem:$0x2FD8] =	vst v0  }
0x2fc: {  	[tilespmem:$0x2FE8] =	vst v0  }
0x2fd: {  	[tilespmem:$0x2FF8] =	vst v0  }
0x2fe: {  	[tilespmem:$0x3008] =	vst v0  }
0x2ff: {  	[tilespmem:$0x3018] =	vst v0  }
0x300: {  	[tilespmem:$0x3028] =	vst v0  }
0x301: {  	[tilespmem:$0x3038] =	vst v0  }
0x302: {  	[tilespmem:$0x3048] =	vst v0  }
0x303: {  	[tilespmem:$0x3058] =	vst v0  }
0x304: {  	[tilespmem:$0x3068] =	vst v0  }
0x305: {  	[tilespmem:$0x3078] =	vst v0  }
0x306: {  	[tilespmem:$0x3088] =	vst v0  }
0x307: {  	[tilespmem:$0x3098] =	vst v0  }
0x308: {  	[tilespmem:$0x30A8] =	vst v0  }
0x309: {  	[tilespmem:$0x30B8] =	vst v0  }
0x30a: {  	[tilespmem:$0x30C8] =	vst v0  }
0x30b: {  	[tilespmem:$0x30D8] =	vst v0  }
0x30c: {  	[tilespmem:$0x30E8] =	vst v0  }
0x30d: {  	[tilespmem:$0x30F8] =	vst v0  }
0x30e: {  	[tilespmem:$0x3108] =	vst v0  }
0x30f: {  	[tilespmem:$0x3118] =	vst v0  }
0x310: {  	[tilespmem:$0x3128] =	vst v0  }
0x311: {  	[tilespmem:$0x3138] =	vst v0  }
0x312: {  	[tilespmem:$0x3148] =	vst v0  }
0x313: {  	[tilespmem:$0x3158] =	vst v0  }
0x314: {  	[tilespmem:$0x3168] =	vst v0  }
0x315: {  	[tilespmem:$0x3178] =	vst v0  }
0x316: {  	[tilespmem:$0x3188] =	vst v0  }
0x317: {  	[tilespmem:$0x3198] =	vst v0  }
0x318: {  	[tilespmem:$0x31A8] =	vst v0  }
0x319: {  	[tilespmem:$0x31B8] =	vst v0  }
0x31a: {  	[tilespmem:$0x31C8] =	vst v0  }
0x31b: {  	[tilespmem:$0x31D8] =	vst v0  }
0x31c: {  	[tilespmem:$0x31E8] =	vst v0  }
0x31d: {  	[tilespmem:$0x31F8] =	vst v0  }
0x31e: {  	[tilespmem:$0x3208] =	vst v0  }
0x31f: {  	[tilespmem:$0x3218] =	vst v0  }
0x320: {  	[tilespmem:$0x3228] =	vst v0  }
0x321: {  	[tilespmem:$0x3238] =	vst v0  }
0x322: {  	[tilespmem:$0x3248] =	vst v0  }
0x323: {  	[tilespmem:$0x3258] =	vst v0  }
0x324: {  	[tilespmem:$0x3268] =	vst v0  }
0x325: {  	[tilespmem:$0x3278] =	vst v0  }
0x326: {  	[tilespmem:$0x3288] =	vst v0  }
0x327: {  	[tilespmem:$0x3298] =	vst v0  }
0x328: {  	[tilespmem:$0x32A8] =	vst v0  }
0x329: {  	[tilespmem:$0x32B8] =	vst v0  }
0x32a: {  	[tilespmem:$0x32C8] =	vst v0  }
0x32b: {  	[tilespmem:$0x32D8] =	vst v0  }
0x32c: {  	[tilespmem:$0x32E8] =	vst v0  }
0x32d: {  	[tilespmem:$0x32F8] =	vst v0  }
0x32e: {  	[tilespmem:$0x3308] =	vst v0  }
0x32f: {  	[tilespmem:$0x3318] =	vst v0  }
0x330: {  	[tilespmem:$0x3328] =	vst v0  }
0x331: {  	[tilespmem:$0x3338] =	vst v0  }
0x332: {  	[tilespmem:$0x3348] =	vst v0  }
0x333: {  	[tilespmem:$0x3358] =	vst v0  }
0x334: {  	[tilespmem:$0x3368] =	vst v0  }
0x335: {  	[tilespmem:$0x3378] =	vst v0  }
0x336: {  	[tilespmem:$0x3388] =	vst v0  }
0x337: {  	[tilespmem:$0x3398] =	vst v0  }
0x338: {  	[tilespmem:$0x3448] =	vst v0  }
0x339: {  	[tilespmem:$0x4288] =	vst v0  }
0x33a: {  	[tilespmem:$0x4278] =	vst v0  }
0x33b: {  	[tilespmem:$0x4268] =	vst v0  }
0x33c: {  	[tilespmem:$0x4258] =	vst v0  }
0x33d: {  	[tilespmem:$0x4248] =	vst v0  }
0x33e: {  	[tilespmem:$0x4238] =	vst v0  }
0x33f: {  	[tilespmem:$0x4228] =	vst v0  }
0x340: {  	[tilespmem:$0x4218] =	vst v0  }
0x341: {  	[tilespmem:$0x4208] =	vst v0  }
0x342: {  	[tilespmem:$0x41F8] =	vst v0  }
0x343: {  	[tilespmem:$0x41E8] =	vst v0  }
0x344: {  	[tilespmem:$0x41D8] =	vst v0  }
0x345: {  	[tilespmem:$0x41C8] =	vst v0  }
0x346: {  	[tilespmem:$0x41B8] =	vst v0  }
0x347: {  	[tilespmem:$0x41A8] =	vst v0  }
0x348: {  	[tilespmem:$0x4198] =	vst v0  }
0x349: {  	[tilespmem:$0x4188] =	vst v0  }
0x34a: {  	[tilespmem:$0x4178] =	vst v0  }
0x34b: {  	[tilespmem:$0x4168] =	vst v0  }
0x34c: {  	[tilespmem:$0x4158] =	vst v0  }
0x34d: {  	[tilespmem:$0x4148] =	vst v0  }
0x34e: {  	[tilespmem:$0x4138] =	vst v0  }
0x34f: {  	[tilespmem:$0x4128] =	vst v0  }
0x350: {  	[tilespmem:$0x4118] =	vst v0  }
0x351: {  	[tilespmem:$0x4108] =	vst v0  }
0x352: {  	[tilespmem:$0x40F8] =	vst v0  }
0x353: {  	[tilespmem:$0x40E8] =	vst v0  }
0x354: {  	[tilespmem:$0x40D8] =	vst v0  }
0x355: {  	[tilespmem:$0x40C8] =	vst v0  }
0x356: {  	[tilespmem:$0x40B8] =	vst v0  }
0x357: {  	[tilespmem:$0x40A8] =	vst v0  }
0x358: {  	[tilespmem:$0x4098] =	vst v0  }
0x359: {  	[tilespmem:$0x4088] =	vst v0  }
0x35a: {  	[tilespmem:$0x4078] =	vst v0  }
0x35b: {  	[tilespmem:$0x4068] =	vst v0  }
0x35c: {  	[tilespmem:$0x4058] =	vst v0  }
0x35d: {  	[tilespmem:$0x4048] =	vst v0  }
0x35e: {  	[tilespmem:$0x4038] =	vst v0  }
0x35f: {  	[tilespmem:$0x4028] =	vst v0  }
0x360: {  	[tilespmem:$0x4018] =	vst v0  }
0x361: {  	[tilespmem:$0x4008] =	vst v0  }
0x362: {  	[tilespmem:$0x3FF8] =	vst v0  }
0x363: {  	[tilespmem:$0x3FE8] =	vst v0  }
0x364: {  	[tilespmem:$0x3FD8] =	vst v0  }
0x365: {  	[tilespmem:$0x3FC8] =	vst v0  }
0x366: {  	[tilespmem:$0x3FB8] =	vst v0  }
0x367: {  	[tilespmem:$0x3FA8] =	vst v0  }
0x368: {  	[tilespmem:$0x3F98] =	vst v0  }
0x369: {  	[tilespmem:$0x3F88] =	vst v0  }
0x36a: {  	[tilespmem:$0x3F78] =	vst v0  }
0x36b: {  	[tilespmem:$0x3F68] =	vst v0  }
0x36c: {  	[tilespmem:$0x3F58] =	vst v0  }
0x36d: {  	[tilespmem:$0x3F48] =	vst v0  }
0x36e: {  	[tilespmem:$0x3F38] =	vst v0  }
0x36f: {  	[tilespmem:$0x3F28] =	vst v0  }
0x370: {  	[tilespmem:$0x3F18] =	vst v0  }
0x371: {  	[tilespmem:$0x3F08] =	vst v0  }
0x372: {  	[tilespmem:$0x3EF8] =	vst v0  }
0x373: {  	[tilespmem:$0x3EE8] =	vst v0  }
0x374: {  	[tilespmem:$0x3ED8] =	vst v0  }
0x375: {  	[tilespmem:$0x3EC8] =	vst v0  }
0x376: {  	[tilespmem:$0x3EB8] =	vst v0  }
0x377: {  	[tilespmem:$0x3EA8] =	vst v0  }
0x378: {  	[tilespmem:$0x3E98] =	vst v0  }
0x379: {  	[tilespmem:$0x3E88] =	vst v0  }
0x37a: {  	[tilespmem:$0x3E78] =	vst v0  }
0x37b: {  	[tilespmem:$0x3E68] =	vst v0  }
0x37c: {  	[tilespmem:$0x3E58] =	vst v0  }
0x37d: {  	[tilespmem:$0x3E48] =	vst v0  }
0x37e: {  	[tilespmem:$0x3E38] =	vst v0  }
0x37f: {  	[tilespmem:$0x3E28] =	vst v0  }
0x380: {  	[tilespmem:$0x3E18] =	vst v0  }
0x381: {  	[tilespmem:$0x3E08] =	vst v0  }
0x382: {  	[tilespmem:$0x3DF8] =	vst v0  }
0x383: {  	[tilespmem:$0x3DE8] =	vst v0  }
0x384: {  	[tilespmem:$0x3DD8] =	vst v0  }
0x385: {  	[tilespmem:$0x3DC8] =	vst v0  }
0x386: {  	[tilespmem:$0x3DB8] =	vst v0  }
0x387: {  	[tilespmem:$0x3DA8] =	vst v0  }
0x388: {  	[tilespmem:$0x3D98] =	vst v0  }
0x389: {  	[tilespmem:$0x3D88] =	vst v0  }
0x38a: {  	[tilespmem:$0x3D78] =	vst v0  }
0x38b: {  	[tilespmem:$0x3D68] =	vst v0  }
0x38c: {  	[tilespmem:$0x3D58] =	vst v0  }
0x38d: {  	[tilespmem:$0x3D48] =	vst v0  }
0x38e: {  	[tilespmem:$0x3D38] =	vst v0  }
0x38f: {  	[tilespmem:$0x3D28] =	vst v0  }
0x390: {  	[tilespmem:$0x3D18] =	vst v0  }
0x391: {  	[tilespmem:$0x3D08] =	vst v0  }
0x392: {  	[tilespmem:$0x3CF8] =	vst v0  }
0x393: {  	[tilespmem:$0x3CE8] =	vst v0  }
0x394: {  	[tilespmem:$0x3CD8] =	vst v0  }
0x395: {  	[tilespmem:$0x3CC8] =	vst v0  }
0x396: {  	[tilespmem:$0x3CB8] =	vst v0  }
0x397: {  	[tilespmem:$0x3CA8] =	vst v0  }
0x398: {  	[tilespmem:$0x3C98] =	vst v0  }
0x399: {  	[tilespmem:$0x3C88] =	vst v0  }
0x39a: {  	[tilespmem:$0x3C78] =	vst v0  }
0x39b: {  	[tilespmem:$0x3C68] =	vst v0  }
0x39c: {  	[tilespmem:$0x3C58] =	vst v0  }
0x39d: {  	[tilespmem:$0x3C48] =	vst v0  }
0x39e: {  	[tilespmem:$0x3C38] =	vst v0  }
0x39f: {  	[tilespmem:$0x3C28] =	vst v0  }
0x3a0: {  	[tilespmem:$0x3C18] =	vst v0  }
0x3a1: {  	[tilespmem:$0x3C08] =	vst v0  }
0x3a2: {  	[tilespmem:$0x3BF8] =	vst v0  }
0x3a3: {  	[tilespmem:$0x3BE8] =	vst v0  }
0x3a4: {  	[tilespmem:$0x3BD8] =	vst v0  }
0x3a5: {  	[tilespmem:$0x3BC8] =	vst v0  }
0x3a6: {  	[tilespmem:$0x3BB8] =	vst v0  }
0x3a7: {  	[tilespmem:$0x3BA8] =	vst v0  }
0x3a8: {  	[tilespmem:$0x3B98] =	vst v0  }
0x3a9: {  	[tilespmem:$0x3B88] =	vst v0  }
0x3aa: {  	[tilespmem:$0x3B78] =	vst v0  }
0x3ab: {  	[tilespmem:$0x3B68] =	vst v0  }
0x3ac: {  	[tilespmem:$0x3B58] =	vst v0  }
0x3ad: {  	[tilespmem:$0x3B48] =	vst v0  }
0x3ae: {  	[tilespmem:$0x3B38] =	vst v0  }
0x3af: {  	[tilespmem:$0x3B28] =	vst v0  }
0x3b0: {  	[tilespmem:$0x3B18] =	vst v0  }
0x3b1: {  	[tilespmem:$0x3B08] =	vst v0  }
0x3b2: {  	[tilespmem:$0x3AF8] =	vst v0  }
0x3b3: {  	[tilespmem:$0x3AE8] =	vst v0  }
0x3b4: {  	[tilespmem:$0x3AD8] =	vst v0  }
0x3b5: {  	[tilespmem:$0x3AC8] =	vst v0  }
0x3b6: {  	[tilespmem:$0x3AB8] =	vst v0  }
0x3b7: {  	[tilespmem:$0x3AA8] =	vst v0  }
0x3b8: {  	[tilespmem:$0x3A98] =	vst v0  }
0x3b9: {  	[tilespmem:$0x3A88] =	vst v0  }
0x3ba: {  	[tilespmem:$0x3A78] =	vst v0  }
0x3bb: {  	[tilespmem:$0x3A68] =	vst v0  }
0x3bc: {  	[tilespmem:$0x3A58] =	vst v0  }
0x3bd: {  	[tilespmem:$0x3A48] =	vst v0  }
0x3be: {  	[tilespmem:$0x3A38] =	vst v0  }
0x3bf: {  	[tilespmem:$0x3A28] =	vst v0  }
0x3c0: {  	[tilespmem:$0x3A18] =	vst v0  }
0x3c1: {  	[tilespmem:$0x3A08] =	vst v0  }
0x3c2: {  	[tilespmem:$0x39F8] =	vst v0  }
0x3c3: {  	[tilespmem:$0x39E8] =	vst v0  }
0x3c4: {  	[tilespmem:$0x39D8] =	vst v0  }
0x3c5: {  	[tilespmem:$0x39C8] =	vst v0  }
0x3c6: {  	[tilespmem:$0x39B8] =	vst v0  }
0x3c7: {  	[tilespmem:$0x39A8] =	vst v0  }
0x3c8: {  	[tilespmem:$0x3998] =	vst v0  }
0x3c9: {  	[tilespmem:$0x3988] =	vst v0  }
0x3ca: {  	[tilespmem:$0x3978] =	vst v0  }
0x3cb: {  	[tilespmem:$0x3968] =	vst v0  }
0x3cc: {  	[tilespmem:$0x3958] =	vst v0  }
0x3cd: {  	[tilespmem:$0x3948] =	vst v0  }
0x3ce: {  	[tilespmem:$0x3938] =	vst v0  }
0x3cf: {  	[tilespmem:$0x3928] =	vst v0  }
0x3d0: {  	[tilespmem:$0x3918] =	vst v0  }
0x3d1: {  	[tilespmem:$0x3908] =	vst v0  }
0x3d2: {  	[tilespmem:$0x38F8] =	vst v0  }
0x3d3: {  	[tilespmem:$0x38E8] =	vst v0  }
0x3d4: {  	[tilespmem:$0x38D8] =	vst v0  }
0x3d5: {  	[tilespmem:$0x38C8] =	vst v0  }
0x3d6: {  	[tilespmem:$0x38B8] =	vst v0  }
0x3d7: {  	[tilespmem:$0x38A8] =	vst v0  }
0x3d8: {  	[tilespmem:$0x3898] =	vst v0  }
0x3d9: {  	[tilespmem:$0x3888] =	vst v0  }
0x3da: {  	[tilespmem:$0x3878] =	vst v0  }
0x3db: {  	[tilespmem:$0x3868] =	vst v0  }
0x3dc: {  	[tilespmem:$0x3858] =	vst v0  }
0x3dd: {  	[tilespmem:$0x3848] =	vst v0  }
0x3de: {  	[tilespmem:$0x3838] =	vst v0  }
0x3df: {  	[tilespmem:$0x3828] =	vst v0  }
0x3e0: {  	[tilespmem:$0x3818] =	vst v0  }
0x3e1: {  	[tilespmem:$0x3808] =	vst v0  }
0x3e2: {  	[tilespmem:$0x37F8] =	vst v0  }
0x3e3: {  	[tilespmem:$0x37E8] =	vst v0  }
0x3e4: {  	[tilespmem:$0x37D8] =	vst v0  }
0x3e5: {  	[tilespmem:$0x37C8] =	vst v0  }
0x3e6: {  	[tilespmem:$0x37B8] =	vst v0  }
0x3e7: {  	[tilespmem:$0x37A8] =	vst v0  }
0x3e8: {  	[tilespmem:$0x3798] =	vst v0  }
0x3e9: {  	[tilespmem:$0x3788] =	vst v0  }
0x3ea: {  	[tilespmem:$0x3778] =	vst v0  }
0x3eb: {  	[tilespmem:$0x3768] =	vst v0  }
0x3ec: {  	[tilespmem:$0x3758] =	vst v0  }
0x3ed: {  	[tilespmem:$0x3748] =	vst v0  }
0x3ee: {  	[tilespmem:$0x3738] =	vst v0  }
0x3ef: {  	[tilespmem:$0x3728] =	vst v0  }
0x3f0: {  	[tilespmem:$0x3718] =	vst v0  }
0x3f1: {  	[tilespmem:$0x3708] =	vst v0  }
0x3f2: {  	[tilespmem:$0x36F8] =	vst v0  }
0x3f3: {  	[tilespmem:$0x36E8] =	vst v0  }
0x3f4: {  	[tilespmem:$0x36D8] =	vst v0  }
0x3f5: {  	[tilespmem:$0x36C8] =	vst v0  }
0x3f6: {  	[tilespmem:$0x36B8] =	vst v0  }
0x3f7: {  	[tilespmem:$0x36A8] =	vst v0  }
0x3f8: {  	[tilespmem:$0x3698] =	vst v0  }
0x3f9: {  	[tilespmem:$0x3688] =	vst v0  }
0x3fa: {  	[tilespmem:$0x3678] =	vst v0  }
0x3fb: {  	[tilespmem:$0x3668] =	vst v0  }
0x3fc: {  	[tilespmem:$0x3658] =	vst v0  }
0x3fd: {  	[tilespmem:$0x3648] =	vst v0  }
0x3fe: {  	[tilespmem:$0x3638] =	vst v0  }
0x3ff: {  	[tilespmem:$0x3628] =	vst v0  }
0x400: {  	[tilespmem:$0x3618] =	vst v0  }
0x401: {  	[tilespmem:$0x3608] =	vst v0  }
0x402: {  	[tilespmem:$0x35F8] =	vst v0  }
0x403: {  	[tilespmem:$0x35E8] =	vst v0  }
0x404: {  	[tilespmem:$0x35D8] =	vst v0  }
0x405: {  	[tilespmem:$0x35C8] =	vst v0  }
0x406: {  	[tilespmem:$0x35B8] =	vst v0  }
0x407: {  	[tilespmem:$0x35A8] =	vst v0  }
0x408: {  	[tilespmem:$0x3598] =	vst v0  }
0x409: {  	[tilespmem:$0x3588] =	vst v0  }
0x40a: {  	[tilespmem:$0x3578] =	vst v0  }
0x40b: {  	[tilespmem:$0x3568] =	vst v0  }
0x40c: {  	[tilespmem:$0x3558] =	vst v0  }
0x40d: {  	[tilespmem:$0x3548] =	vst v0  }
0x40e: {  	[tilespmem:$0x3538] =	vst v0  }
0x40f: {  	[tilespmem:$0x3528] =	vst v0  }
0x410: {  	[tilespmem:$0x3518] =	vst v0  }
0x411: {  	[tilespmem:$0x3508] =	vst v0  }
0x412: {  	[tilespmem:$0x34F8] =	vst v0  }
0x413: {  	[tilespmem:$0x34E8] =	vst v0  }
0x414: {  	[tilespmem:$0x34D8] =	vst v0  }
0x415: {  	[tilespmem:$0x34C8] =	vst v0  }
0x416: {  	[tilespmem:$0x34B8] =	vst v0  }
0x417: {  	[tilespmem:$0x34A8] =	vst v0  }
0x418: {  	[tilespmem:$0x3498] =	vst v0  }
0x419: {  	[tilespmem:$0x3488] =	vst v0  }
0x41a: {  	s10 =	stileid.u32;
	[tilespmem:$0x3478] =	vst v0  }
0x41b: {  	s0 =	simm.s32 $0x1;
	p0 =	sne.s32 s10, $0x0;
	s1 =	smul.u32 $0x47, s10;
	[tilespmem:$0x3468] =	vst v0  }
0x41c: {  	s0 =	simm.s32 @!p0 $0x0;
	[tilespmem:$0x3458] =	vst v0  }
0x41d: {  	[tilespmem:$0x3428] =	vst v0;
	s0 =	sadd.s32 s0, s1  }
0x41e: {  	p1 =	seq.s32 s10, $0x0;
	[tilespmem:$0x3438] =	vst v0;
	s1 =	simm.s32 $0x6300;
	s8 =	smul.u32 $0x160, s0  }
0x41f: {  	s1 =	simm.s32 @!p1 $0x61A0;
	[tilespmem:$0x3418] =	vst v0  }
0x420: {  	[tilespmem:$0x33B8] =	vst v0;
	s0 =	sadd.s32 s1, s8  }
0x421: {  	s6 =	simm.s32 $0x2;
	s29 =	simm.s32 $0x9;
	[tilespmem:$0x3408] =	vst v0;
	s9 =	smin.u32 s0, $0x61A80  }
0x422: {  	s30 =	simm.s32 $0xA;
	s12 =	simm.s32 $0xB;
	[tilespmem:$0x33F8] =	vst v0;
	s0 =	ssub.s32 s9, s8  }
0x423: {  	s18 =	simm.s32 $0x0;
	p2 =	por $0x0, $0x0;
	[tilespmem:$0x33E8] =	vst v0;
	p1 =	sgt.s32 s0, $0x0  }
0x424: {  	s19 =	simm.s32 $0xC;
	s23 =	simm.s32 $0x0;
	[tilespmem:$0x33D8] =	vst v0;
	s0 =	simm.s32 @!p1 $0x0  }
0x425: {  	s20 =	simm.s32 $0x0;
	s22 =	simm.s32 $0x0;
	[tilespmem:$0x33C8] =	vst v0;
	s28 =	smulhi.u32 $0x2E8BA2E9, s0  }
0x426: {  	s2 =	sand.u32 $0x1, s2;
	s31 =	smul.u32 $0x180, s10;
	[tilespmem:$0x33A8] =	vst v0;
	[sflag:s6] =	ssyncpa.u1 $0x0  }
0x427: {  	v0 =	vimm.s32 $0xFFFFFFFF;
	[dreg:$0x4] =	wrdreg s2;
	s2 =	smul.u32 $0xC350, s2;
	s1 =	sshrl.u32 s28, $0x6  }
0x428: {  	s5 =	sadd.s32 $0x189E400, s4;
	[tilespmem:$0x84C8] =	vst v0;
	[sflag:s29] =	ssyncpa.u1 $0x0;
	s7 =	smul.u32 $0x160, s1  }
.Ltmp0:
0x429: {  	s16 =	sshrl.u32 s31, $0x2;
	s2 =	sadd.s32 s2, s4;
	(pc) =	sbr.rel .LBB2_1-.Ltmp0, $4  }
0x42a: {  	[sflag:s30] =	ssyncpa.u1 $0x0;
	p1 =	sne.s32 s0, s7;
	s0 =	simm.s32 $0x1  }
0x42b: {  	s4 =	sadd.s32 $0xC69400, s4;
	[sflag:s12] =	ssyncpa.u1 $0x0;
	s0 =	simm.s32 @!p1 $0x0  }
0x42c: {  	s14 =	sadd.s32 $0x1A3D600, s2;
	s15 =	sadd.s32 $0x1A24E00, s2;
	s13 =	sadd.s32 s0, s1  }
0x42d: {  	v0 =	vlaneseq.u32;
	s21 =	smov.u32 s8;
	p1 =	por $0x1, $0x1;
	s17 =	sadd.s32 $0x1, s13  }
.LBB2_22:
0x42e: {  	s0 =	sshrl.u32 s0, $0x2  }
.LBB2_24:
0x42f: {  	_ =	swait.ge [sflag:s19], s0  }
0x430: {  	s30 =	ssub.s32 $0x0, s0;
	v1 =	vmov s25;
	vm0 =	veq.s32 v0, $0x0;
	[sflag:s19] =	ssyncset.done $0x0  }
0x431: {  	vm15 =	veq.s32 v0, $0x2;
	v1 =	vsel vm0, s31, v1;
	[sflag:s19] =	ssyncadd.s32 s30  }
0x432: {  	v1 =	vsel vm15, s23, v1;
	[sflag:s19] =	ssyncpa.u1 $0x1  }
0x433: {  	[tilespmem:$0x84C8] =	vst v1  }
.LBB2_25:
0x434: {  	s0 =	sadd.s32 $0x160, s21  }
0x435: {  	s1 =	smov.u32 s8;
	p3 =	slt.s32 s0, s9  }
0x436: {  	s1 =	smov.u32 @p3 s0;
	p3 =	sne.s32 s22, s17  }
.Ltmp1:
0x437: {  	_ = 	snop;
	(pc) =	sbr.rel @!p3 .LBB2_26-.Ltmp1, $4  }
0x438: {  	_ = 	snop  }
0x439: {  	s23 =	smov.u32 s20  }
0x43a: {  	s31 =	sadd.s32 $0x1, s22;
	s20 =	smov.u32 s21;
	p1 =	por !p1, !p1  }
0x43b: {  	p2 =	por !p2, !p2;
	s22 =	smov.u32 s31;
	s21 =	smov.u32 s1  }
.LBB2_1:
0x43c: {  	p3 =	sge.u32 s22, s13  }
0x43d: {  	s0 =	smulhi.u32 @!p3 $0xAAAAAAAB, s22  }
0x43e: {  	s1 =	smov.u32 s21;
	p4 =	sgt.s32 @!p3 s21, $0x61920  }
0x43f: {  	s2 =	sshra.s32 @!p3 s21, $0x1F;
	p4 =	por !p4, p3;
	s0 =	sshrl.u32 @!p3 s0, $0x1  }
0x440: {  	s2 =	sand.u32 @!p3 s2, s21;
	s1 =	simm.s32 @p4 $0x61920;
	s0 =	smul.u32 @!p3 $0x3, s0  }
0x441: {  	s1 =	ssub.s32 @!p3 s1, s2  }
0x442: {  	s1 =	sadd.s32 @!p3 $0xFFF9E6E0, s1;
	s0 =	ssub.s32 @!p3 s22, s0  }
0x443: {  	s2 =	sshll.u32 @!p3 s1, $0x2;
	p4 =	sgt.s32 @!p3 s1, $0x15F;
	s0 =	smul.u32 @!p3 $0x580, s0  }
0x444: {  	s6 =	sand.u32 @!p3 $0x7, s21;
	s1 =	ssub.s32 @!p3 $0x580, s2;
	p4 =	por !p4, p3  }
0x445: {  	s2 =	sshrl.u32 @!p3 s21, $0x3;
	s1 =	sshrl.u32 @!p3 s1, $0x2;
	s0 =	sshrl.u32 @!p3 s0, $0x2  }
0x446: {  	s2 =	sadd.s32 @!p3 s2, s14;
	s1 =	simm.s32 @!p4 $0x0;
	s0 =	sadd.s32 @!p3 $0x8B08, s0  }
0x447: {  	[tilespmem:s0], [sflag:$0xA] =	stream.linear.gather @!p3 [hbm4b:s2+s6], s1, $0x38;
	[tilespmem:$0x1F1E8] =	vst v63  }
0x448: {  	s1 =	sadd.s32 $0xFFFFFFFF, s22  }
0x449: {  	p3 =	sge.u32 s1, s13  }
0x44a: {  	p4 =	sgt.s32 @!p3 s20, $0x61920  }
0x44b: {  	s0 =	smov.u32 s20;
	s2 =	sshra.s32 @!p3 s20, $0x1F;
	p4 =	por !p4, p3  }
0x44c: {  	s2 =	sand.u32 @!p3 s2, s20;
	s0 =	simm.s32 @p4 $0x61920  }
0x44d: {  	s0 =	ssub.s32 @!p3 s0, s2  }
0x44e: {  	s0 =	sadd.s32 @!p3 $0xFFF9E6E0, s0  }
0x44f: {  	s2 =	sshll.u32 @!p3 s0, $0x2  }
0x450: {  	p4 =	sgt.s32 @!p3 s0, $0x15F;
	s0 =	ssub.s32 @!p3 $0x580, s2  }
0x451: {  	p4 =	por !p4, p3;
	s0 =	sshrl.u32 @!p3 s0, $0x2  }
0x452: {  	s6 =	simm.s32 @!p3 $0xA;
	s2 =	sand.u32 @!p3 $0x1, s1;
	s0 =	simm.s32 @!p4 $0x0  }
0x453: {  	s2 =	smul.u32 @!p3 $0x580, s2;
	_ =	swait.ge @!p3 [sflag:s6], s0  }
0x454: {  	s7 =	ssub.s32 @!p3 $0x0, s0;
	[sflag:s6] =	ssyncset.done @!p3 $0x0  }
0x455: {  	s2 =	sshrl.u32 @!p3 s2, $0x2;
	[sflag:s6] =	ssyncadd.s32 @!p3 s7;
	s6 =	sshrl.u32 @!p3 s20, $0x3  }
0x456: {  	s2 =	sadd.s32 @!p3 $0x8F28, s2;
	s7 =	sand.u32 @!p3 $0x7, s20;
	s6 =	sadd.s32 @!p3 s6, s15  }
0x457: {  	[tilespmem:s2], [sflag:$0xB] =	stream.linear.gather @!p3 [hbm4b:s6+s7], s0, $0x38;
	[tilespmem:$0x1F1E8] =	vst v63  }
0x458: {  	s0 =	ssub.s32 @!p3 $0x61A80, s20  }
0x459: {  	p4 =	slt.s32 @!p3 s0, $0x1  }
0x45a: {  	p4 =	por p3, p4  }
.Ltmp2:
0x45b: {  	_ = 	snop;
	(pc) =	sbr.rel @p4 .LBB2_7-.Ltmp2, $1  }
0x45c: {  	_ =	sdelay $0x3  }
0x45d: {  	s2 =	smulhi.u32 $0xAAAAAAAB, s1;
	_ =	sdelay $0x1  }
0x45e: {  	s2 =	sshrl.u32 s2, $0x1  }
0x45f: {  	s2 =	smul.u32 $0x3, s2;
	_ =	sdelay $0x1  }
0x460: {  	s29 =	ssub.s32 s1, s2  }
0x461: {  	s6 =	simm.s32 $0x1;
	s1 =	smul.u32 $0x580, s29  }
.Ltmp3:
0x462: {  	s6 =	simm.s32 @!p1 $0x0;
	(pc) =	sbr.rel .LBB2_4-.Ltmp3, $4  }
0x463: {  	s30 =	smul.u32 $0x2C000, s6  }
0x464: {  	p4 =	slt.s32 @!p3 s0, $0x160;
	s1 =	sshrl.u32 s1, $0x2  }
0x465: {  	p3 =	por !p4, p3;
	s2 =	sshrl.u32 s30, $0x2;
	s31 =	sadd.s32 $0x8B08, s1  }
0x466: {  	s24 =	simm.s32 $0x0;
	s0 =	simm.s32 @p3 $0x160;
	s1 =	sadd.s32 $0x91E8, s2;
	v1 =	vmov s31  }
.LBB2_3:
0x467: {  	p3 =	sge.s32 s24, s0  }
.Ltmp4:
0x468: {  	_ = 	snop;
	(pc) =	sbr.rel @p3 .LBB2_7-.Ltmp4, $2  }
0x469: {  	_ =	sdelay $0x2  }
0x46a: {  	s1 =	sadd.s32 $0x800, s1  }
.LBB2_4:
0x46b: {  	p3 =	sle.s32 s0, s24  }
.Ltmp5:
0x46c: {  	_ = 	snop;
	(pc) =	sbr.rel @p3 .LBB2_3-.Ltmp5, $2  }
0x46d: {  	_ =	sdelay $0x2  }
0x46e: {  	s2 =	smov.u32 s24;
	s24 =	sadd.s32 $0x10, s24  }
0x46f: {  	s6 =	ssub.s32 s0, s2  }
0x470: {  	p3 =	slt.s32 s6, $0x10  }
0x471: {  	s6 =	simm.s32 @!p3 $0x10  }
0x472: {  	v2 =	vmov s6  }
0x473: {  	vm0 =	vgt.s32 v2, v0;
	_ =	sdelay $0x5  }
0x474: {  	v2 =	vld.idx.msk [tilespmem:v1+s2+$0x0 ss:$0x1], vm0;
	_ =	sdelay $0x2  }
0x475: {  	s7 =	smov.u32 s0;
	p3 =	slt.s32 s24, s0  }
0x476: {  	s25 =	simm.s32 $0x0;
	s7 =	smov.u32 @p3 s24;
	s6 =	smov.u32 s1  }
.LBB2_6:
0x477: {  	(v2sf) =	vpush v2, s25;
	_ =	sdelay $0xc  }
0x478: {  	s25 =	sadd.s32 $0x1, s25  }
0x479: {  	s31 =	sadd.s32 s25, s2  }
0x47a: {  	p3 =	slt.s32 s31, s7;
	s10 =	spop (v2sf)  }
.Ltmp6:
0x47b: {  	s10 =	sshll.u32 s10, $0x4;
	(pc) =	sbr.rel @p3 .LBB2_6-.Ltmp6, $4  }
0x47c: {  	s10 =	sand.u32 $0x1FFFFFF0, s10  }
0x47d: {  	s10 =	sadd.s32 s4, s10  }
0x47e: {  	[tilespmem:s6], [sflag:$0x9] =	stream.linear.gather [hbm4b:s10+s18], $0x21, $0x38;
	[tilespmem:$0x1F1E8] =	vst v63  }
0x47f: {  	s6 =	sadd.s32 $0x80, s6  }
.Ltmp7:
0x480: {  	_ = 	snop;
	(pc) =	sbr.rel .LBB2_3-.Ltmp7, $1  }
0x481: {  	_ =	sdelay $0x3  }
.LBB2_7:
0x482: {  	p3 =	slt.u32 s22, $0x2  }
.Ltmp8:
0x483: {  	_ = 	snop;
	(pc) =	sbr.rel @p3 .LBB2_25-.Ltmp8, $1  }
0x484: {  	_ =	sdelay $0x3  }
0x485: {  	s0 =	ssub.s32 $0x61A80, s23;
	p3 =	sgt.s32 s23, $0x61920  }
0x486: {  	s1 =	smov.u32 s23;
	s2 =	sshra.s32 s23, $0x1F;
	p4 =	slt.s32 s0, $0x160  }
0x487: {  	s1 =	simm.s32 @!p3 $0x61920;
	s2 =	sand.u32 s2, s23;
	s0 =	simm.s32 @!p4 $0x160  }
0x488: {  	s1 =	ssub.s32 s1, s2;
	s0 =	smul.u32 $0x84, s0  }
0x489: {  	s1 =	sadd.s32 $0xFFF9E6E0, s1  }
0x48a: {  	s29 =	simm.s32 $0x9;
	s25 =	sshll.u32 s1, $0x2;
	s0 =	sshrl.u32 s0, $0x2  }
0x48b: {  	p3 =	sgt.s32 s1, $0x15F;
	s26 =	ssub.s32 $0x580, s25;
	_ =	swait.ge [sflag:s29], s0  }
0x48c: {  	s0 =	ssub.s32 $0x0, s0;
	s1 =	sshrl.u32 s26, $0x2;
	[sflag:s29] =	ssyncset.done $0x0  }
0x48d: {  	s1 =	simm.s32 @p3 $0x0;
	[sflag:s29] =	ssyncadd.s32 s0  }
0x48e: {  	_ =	swait.ge [sflag:s12], s1  }
0x48f: {  	s30 =	ssub.s32 $0x0, s1;
	[sflag:s12] =	ssyncset.done $0x0  }
0x490: {  	[sflag:s12] =	ssyncadd.s32 s30  }
0x491: {  	v1 =	vld [tilespmem:$0x84C8];
	_ =	sdelay $0x4  }
0x492: {  	(v2sf) =	vpush v1, $0x0  }
0x493: {  	(v2sf) =	vpush v1, $0x1  }
0x494: {  	(v2sf) =	vpush v1, $0x2;
	_ =	sdelay $0x3  }
0x495: {  	s0 =	sadd.s32 $0x160, s23  }
0x496: {  	p3 =	slt.s32 s9, s0;
	s1 =	ssub.s32 $0xC3500, s23  }
0x497: {  	s0 =	smov.u32 @p3 s9;
	p3 =	sgt.s32 s1, $0x0  }
0x498: {  	s0 =	ssub.s32 s0, s23;
	s1 =	simm.s32 @!p3 $0x0  }
0x499: {  	p3 =	slt.s32 s1, s0  }
0x49a: {  	s0 =	smov.u32 @p3 s1  }
0x49b: {  	s26 =	simm.s32 $0x1;
	p3 =	slt.s32 s0, $0x1  }
.Ltmp9:
0x49c: {  	s26 =	simm.s32 @!p2 $0x0;
	(pc) =	sbr.rel @p3 .LBB2_12-.Ltmp9, $4  }
0x49d: {  	s31 =	smul.u32 $0x580, s26  }
0x49e: {  	s28 =	spop (v2sf)  }
0x49f: {  	s2 =	sshrl.u32 s31, $0x2;
	s1 =	spop (v2sf)  }
0x4a0: {  	s24 =	sadd.s32 $0x8F28, s2;
	s23 =	spop (v2sf)  }
0x4a1: {  	s2 =	smin.u32 s0, $0x10  }
0x4a2: {  	v1 =	vmov s2  }
0x4a3: {  	p4 =	sgt.s32 s0, $0x10;
	vm1 =	vgt.u32 v1, v0  }
.Ltmp10:
0x4a4: {  	_ = 	snop;
	(pc) =	sbr.rel @!p4 .LBB2_11-.Ltmp10, $2  }
0x4a5: {  	_ =	sdelay $0x2  }
0x4a6: {  	s25 =	simm.s32 $0x10;
	s29 =	sadd.s32 $0xFFFFFFF0, s0;
	s2 =	smov.u32 s24;
	vm0 =	vmmov vm1  }
.LBB2_10:
0x4a7: {  	s6 =	smin.u32 s29, $0x10;
	s25 =	sadd.s32 $0x10, s25;
	v1 =	vld.msk [tilespmem:s2+$0x0 ss:$0x1], vm1  }
0x4a8: {  	v2 =	vmov s6;
	p4 =	slt.s32 s25, s0  }
0x4a9: {  	vm1 =	vgt.u32 v2, v0  }
.Ltmp11:
0x4aa: {  	(pc) =	sbr.rel @p4 .LBB2_10-.Ltmp11, $3  }
0x4ab: {  	_ =	sdelay $0x1  }
0x4ac: {  	v1 =	vshll.u32 v1, $0x4  }
0x4ad: {  	s29 =	sadd.s32 $0xFFFFFFF0, s29;
	[tilespmem:s2+$0x0] =	vst.msk vm0, v1;
	s2 =	sadd.s32 $0x10, s2;
	vm0 =	vmmov vm1  }
.LBB2_11:
0x4ae: {  	_ =	sdelay $0x4  }
0x4af: {  	v1 =	vld.msk [tilespmem:s2+$0x0 ss:$0x1], vm1;
	_ =	sdelay $0x4  }
0x4b0: {  	v1 =	vshll.u32 v1, $0x4  }
0x4b1: {  	[tilespmem:s2+$0x0] =	vst.msk vm0, v1  }
.LBB2_12:
0x4b2: {  	s2 =	sand.u32 $0x1, s22  }
0x4b3: {  	s2 =	smul.u32 $0x160, s2  }
0x4b4: {  	p4 =	sne.s32 s1, $0xFFFFFFFF  }
0x4b5: {  	v1 =	vld.msk @!p4 [tilespmem:s2+$0x8F28], $0x1;
	_ =	sdelay $0x4  }
0x4b6: {  	(v2sf) =	vpush @!p4 v1, $0x0;
	_ =	sdelay $0xc  }
.Ltmp12:
0x4b7: {  	_ = 	snop;
	(pc) =	sbr.rel @p3 .LBB2_23-.Ltmp12, $4  }
0x4b8: {  	_ = 	snop  }
0x4b9: {  	s30 =	spop @!p4 (v2sf)  }
0x4ba: {  	s23 =	simm.s32 @!p4 $0x0;
	s25 =	smov.u32 s30  }
0x4bb: {  	[sflag:s19] =	ssyncpa.u1 $0x0;
	s30 =	smov.u32 @p4 s28;
	s25 =	smov.u32 @p4 s1  }
0x4bc: {  	v1 =	vld.msk [tilespmem:s24+$0x0], $0x1;
	_ =	sdelay $0x4  }
0x4bd: {  	(v2sf) =	vpush v1, $0x0;
	_ =	sdelay $0xd  }
0x4be: {  	s2 =	smul.u32 $0x2C000, s26  }
0x4bf: {  	s26 =	ssub.s32 $0x0, s0;
	s28 =	simm.s32 $0x0;
	s1 =	spop (v2sf)  }
0x4c0: {  	s7 =	smov.u32 s30;
	s0 =	sadd.s32 $0x1, s26;
	p3 =	seq.s32 s30, s1  }
0x4c1: {  	p5 =	seq.s32 s0, $0x0;
	p4 =	sgt.s32 @!p3 s30, $0x0;
	s6 =	smul.u32 @!p3 $0xC0, s28  }
.Ltmp13:
0x4c2: {  	s2 =	sshrl.u32 s2, $0x2;
	p4 =	por !p4, p3;
	(pc) =	sbr.rel @p5 .LBB2_15-.Ltmp13, $4  }
0x4c3: {  	s29 =	sadd.s32 $0x91F8, s2;
	s7 =	simm.s32 @p4 $0x0  }
0x4c4: {  	s2 =	simm.s32 @!p3 $0x1;
	s6 =	sshra.s32 @!p3 s6, $0x2;
	s10 =	smin.u32 @!p3 s7, $0x1869FB  }
0x4c5: {  	s2 =	smov.u32 @p3 s28;
	s7 =	sadd.s32 @!p3 $0x4298, s6;
	s31 =	sand.u32 @!p3 $0x1FFFF8, s10  }
0x4c6: {  	s6 =	sand.u32 @!p3 $0x7, s10;
	s10 =	sadd.s32 @!p3 s5, s31;
	s31 =	sadd.s32 $0x1, s24  }
.LBB2_14:
0x4c7: {  	s11 =	smov.u32 s2  }
0x4c8: {  	[tilespmem:s7], [sflag:$0x2] =	stream.linear.gather @!p3 [hbm4b:s10+s6], $0x21, $0x38;
	[tilespmem:$0x1F1E8] =	vst v63  }
0x4c9: {  	s0 =	sadd.s32 $0x1, s0;
	s6 =	smov.u32 s1;
	v1 =	vld.msk [tilespmem:s31+$0x0], $0x1  }
0x4ca: {  	p4 =	seq.s32 s0, $0x0;
	_ =	sdelay $0x3  }
0x4cb: {  	(v2sf) =	vpush v1, $0x0;
	_ =	sdelay $0xe  }
0x4cc: {  	s1 =	spop (v2sf)  }
0x4cd: {  	p3 =	seq.s32 s6, s1  }
0x4ce: {  	p5 =	sgt.s32 @!p3 s6, $0x0;
	s7 =	smul.u32 @!p3 $0xC0, s2;
	s2 =	sadd.s32 @!p3 $0x1, s2  }
.Ltmp14:
0x4cf: {  	p5 =	por !p5, p3;
	s2 =	smov.u32 @p3 s11;
	(pc) =	sbr.rel @!p4 .LBB2_14-.Ltmp14, $4  }
0x4d0: {  	s6 =	simm.s32 @p5 $0x0;
	s7 =	sshra.s32 @!p3 s7, $0x2  }
0x4d1: {  	s6 =	smin.u32 @!p3 s6, $0x1869FB;
	s7 =	sadd.s32 @!p3 $0x4298, s7  }
0x4d2: {  	s10 =	sand.u32 @!p3 $0x1FFFF8, s6;
	s6 =	sand.u32 @!p3 $0x7, s6  }
0x4d3: {  	s31 =	sadd.s32 $0x1, s31;
	s10 =	sadd.s32 @!p3 s5, s10  }
.LBB2_15:
0x4d4: {  	s0 =	smul.u32 $0x84, s2  }
0x4d5: {  	[tilespmem:s7], [sflag:$0x2] =	stream.linear.gather @!p3 [hbm4b:s10+s6], $0x21, $0x38;
	[tilespmem:$0x1F1E8] =	vst v63  }
.Ltmp15:
0x4d6: {  	_ = 	snop;
	(pc) =	sbr.rel .LBB2_16-.Ltmp15, $4  }
0x4d7: {  	s1 =	simm.s32 $0x2;
	s0 =	sshrl.u32 s0, $0x2  }
0x4d8: {  	_ =	swait.ge [sflag:s1], s0  }
0x4d9: {  	s0 =	ssub.s32 $0x0, s0;
	[sflag:s1] =	ssyncset.done $0x0  }
0x4da: {  	[sflag:s1] =	ssyncadd.s32 s0;
	s0 =	simm.s32 $0x0  }
.LBB2_17:
0x4db: {  	v1 =	vld [tilespmem:s29+$0xFFFFFFF0];
	_ =	sdelay $0x4  }
0x4dc: {  	[tilespmem:s1+$0x68] =	vst.add.f32.msk $0xffff, v1  }
0x4dd: {  	v1 =	vld [tilespmem:s29+$0x0];
	_ =	sdelay $0x4  }
0x4de: {  	[tilespmem:s1+$0x78] =	vst.add.f32.msk $0xffff, v1  }
0x4df: {  	v1 =	vld.msk [tilespmem:s29+$0x10], $0x1;
	_ =	sdelay $0x4  }
0x4e0: {  	[tilespmem:s1+$0x88] =	vst.add.f32.msk $0x1, v1  }
.LBB2_21:
0x4e1: {  	s26 =	sadd.s32 $0x1, s26  }
0x4e2: {  	p3 =	seq.s32 s26, $0x0  }
.Ltmp16:
0x4e3: {  	_ = 	snop;
	(pc) =	sbr.rel @p3 .LBB2_22-.Ltmp16, $2  }
0x4e4: {  	_ =	sdelay $0x2  }
0x4e5: {  	s29 =	sadd.s32 $0x80, s29;
	s24 =	sadd.s32 $0x1, s24;
	s30 =	smov.u32 s31  }
.LBB2_16:
0x4e6: {  	v1 =	vld.msk [tilespmem:s24+$0x0], $0x1;
	_ =	sdelay $0x4  }
0x4e7: {  	(v2sf) =	vpush v1, $0x0;
	_ =	sdelay $0xe  }
0x4e8: {  	s31 =	spop (v2sf)  }
0x4e9: {  	p3 =	sne.s32 s30, s31  }
.Ltmp17:
0x4ea: {  	_ = 	snop;
	(pc) =	sbr.rel @!p3 .LBB2_17-.Ltmp17, $3  }
0x4eb: {  	_ = 	snop  }
0x4ec: {  	s1 =	smul.u32 $0xC0, s23;
	_ =	sdelay $0x1  }
0x4ed: {  	s1 =	sshra.s32 s1, $0x2  }
0x4ee: {  	p3 =	seq.s32 s30, s25  }
.Ltmp18:
0x4ef: {  	_ = 	snop;
	(pc) =	sbr.rel @!p3 .LBB2_19-.Ltmp18, $1  }
0x4f0: {  	_ =	sdelay $0x3  }
.Ltmp19:
0x4f1: {  	s1 =	sadd.s32 $0x68, s1;
	(pc) =	sbr.rel .LBB2_20-.Ltmp19, $4  }
0x4f2: {  	[spmem:s16] =	stream.linear.scatter [tilespmem:s1], [sflag:$0x1], $0x21, $0x38;
	[tilespmem:$0x1F1E8] =	vst v63  }
0x4f3: {  	_ =	swait.ge [sflag:s3], $0x21  }
0x4f4: {  	[sflag:s3] =	ssyncset.done $0x0  }
0x4f5: {  	[sflag:s3] =	ssyncadd.s32 $0xFFFFFFDF  }
.LBB2_19:
0x4f6: {  	s2 =	smul.u32 $0xC0, s28;
	_ =	sdelay $0x1  }
0x4f7: {  	s2 =	sshra.s32 s2, $0x2  }
0x4f8: {  	v1 =	vld [tilespmem:s2+$0x4298];
	_ =	sdelay $0x4  }
0x4f9: {  	[tilespmem:s1+$0x68] =	vst.add.f32.msk $0xffff, v1  }
0x4fa: {  	v1 =	vld [tilespmem:s2+$0x42A8];
	_ =	sdelay $0x4  }
0x4fb: {  	[tilespmem:s1+$0x78] =	vst.add.f32.msk $0xffff, v1  }
0x4fc: {  	v1 =	vld.msk [tilespmem:s2+$0x42B8], $0x1;
	_ =	sdelay $0x2  }
0x4fd: {  	p3 =	sgt.u32 s30, $0x1869FB  }
0x4fe: {  	s2 =	sand.u32 @!p3 $0x1FFFF8, s30  }
0x4ff: {  	s6 =	sadd.s32 $0x68, s1;
	[tilespmem:s1+$0x88] =	vst.add.f32.msk $0x1, v1;
	s1 =	sadd.s32 @!p3 s5, s2;
	s2 =	sand.u32 @!p3 $0x7, s30  }
0x500: {  	[hbm4b:s1+s2] =	stream.linear.scatter @!p3 [tilespmem:s6], [sflag:$0xC], $0x21, $0x38;
	[tilespmem:$0x1F1E8] =	vst v63  }
0x501: {  	s1 =	simm.s32 $0x0  }
0x502: {  	s1 =	simm.s32 @!p3 $0x84  }
0x503: {  	s0 =	sadd.s32 s1, s0  }
.LBB2_20:
0x504: {  	s1 =	sadd.s32 $0x1, s23  }
0x505: {  	s2 =	smulhi.u32 $0xBA2E8BA3, s1;
	_ =	sdelay $0x1  }
0x506: {  	s2 =	sshrl.u32 s2, $0x8  }
0x507: {  	s2 =	smul.u32 $0x160, s2  }
0x508: {  	v1 =	vld [tilespmem:s29+$0xFFFFFFF0]  }
0x509: {  	s23 =	ssub.s32 s1, s2  }
0x50a: {  	s1 =	smul.u32 $0xC0, s23;
	_ =	sdelay $0x1  }
0x50b: {  	s1 =	sshrl.u32 s1, $0x2  }
0x50c: {  	[tilespmem:s1+$0x68] =	vst v1  }
0x50d: {  	v1 =	vld [tilespmem:s29+$0x0];
	_ =	sdelay $0x4  }
0x50e: {  	[tilespmem:s1+$0x78] =	vst v1  }
0x50f: {  	v1 =	vld.msk [tilespmem:s29+$0x10], $0x1  }
.Ltmp20:
0x510: {  	_ = 	snop;
	(pc) =	sbr.rel .LBB2_21-.Ltmp20, $2  }
0x511: {  	_ =	sdelay $0x2  }
0x512: {  	s28 =	sadd.s32 $0x1, s28;
	[tilespmem:s1+$0x88] =	vst.msk $0x1, v1  }
.LBB2_23:
.Ltmp21:
0x513: {  	(pc) =	sbr.rel .LBB2_24-.Ltmp21, $4  }
0x514: {  	_ = 	snop  }
0x515: {  	s0 =	simm.s32 $0x2  }
0x516: {  	_ =	swait.ge [sflag:s0], $0x0  }
0x517: {  	s31 =	smov.u32 s30;
	[sflag:s0] =	ssyncset.done $0x0;
	s0 =	simm.s32 $0x0  }
.LBB2_26:
0x518: {  	_ =	sfence.sel $0x180000  }
0x519: {  	s0 =	simm.s32 $0x9;
	[bflag:$0x0] =	sbarrier.arrive $0xFFFF  }
0x51a: {  	s24 =	simm.s32 $0xA;
	[sflag:s0] =	ssyncpa.u1 $0x1  }
0x51b: {  	s25 =	simm.s32 $0xB;
	[sflag:s24] =	ssyncpa.u1 $0x1  }
0x51c: {  	s26 =	simm.s32 $0x2;
	[sflag:s25] =	ssyncpa.u1 $0x1  }
0x51d: {  	[sflag:s26] =	ssyncpa.u1 $0x1  }
0x51e: {  	v0 =	vld [tilespmem:$0x84C8];
	_ =	sdelay $0x4  }
0x51f: {  	(v2sf) =	vpush v0, $0x0  }
0x520: {  	(v2sf) =	vpush v0, $0x1  }
0x521: {  	(v2sf) =	vpush v0, $0x2;
	_ =	sdelay $0xc  }
0x522: {  	s0 =	spop (v2sf)  }
0x523: {  	s1 =	spop (v2sf)  }
0x524: {  	s2 =	smov.u32 s0;
	p1 =	sne.s32 s0, s1;
	s3 =	spop (v2sf)  }
0x525: {  	s2 =	simm.s32 @!p1 $0xFFFFFFFF;
	p1 =	seq.s32 s3, $0xFFFFFFFF  }
0x526: {  	v2 =	vimm.s32 $0x1;
	v3 =	vlaneseq.u32;
	v1 =	vmov s2;
	p2 =	sne.s32 @!p1 s0, s1  }
0x527: {  	s14 =	stileid.u32;
	v0 =	vperm.xlane v0, v2;
	s0 =	simm.s32 @!p1 $0x1;
	v1 =	vperm.xlane v1, v3;
	p2 =	por !p2, p1  }
0x528: {  	vm0 =	vcmask $0x3F04;
	s2 =	sshll.u32 s14, $0x1;
	s1 =	smul.u32 @!p1 $0xC0, s3;
	s0 =	simm.s32 @p2 $0x0  }
0x529: {  	s6 =	simm.s32 $0x84C8;
	v0 =	vsel vm0, v1, v0;
	s0 =	sor.u32 @!p1 s0, s2  }
0x52a: {  	s4 =	sor.u32 $0x600, s2;
	s1 =	sshra.s32 @!p1 s1, $0x2;
	[tilespmem:$0x84C8] =	vst v0;
	s0 =	smul.u32 @!p1 $0xC0, s0  }
0x52b: {  	[spmem:s4] =	stream.linear.scatter [tilespmem:s6], [sflag:$0x1], $0x2, $0x38;
	[tilespmem:$0x1F1E8] =	vst v63  }
0x52c: {  	s1 =	sadd.s32 @!p1 $0x68, s1;
	s0 =	sshrl.u32 @!p1 s0, $0x2  }
0x52d: {  	[spmem:s0] =	stream.linear.scatter @!p1 [tilespmem:s1], [sflag:$0x1], $0x30, $0x38;
	[tilespmem:$0x1F1E8] =	vst v63  }
0x52e: {  	s0 =	simm.s32 @!p1 $0x32  }
0x52f: {  	s28 =	simm.s32 $0x1;
	s0 =	simm.s32 @p1 $0x2  }
0x530: {  	_ =	swait.ge [sflag:s28], s0  }
0x531: {  	s0 =	ssub.s32 $0x0, s0;
	[sflag:s28] =	ssyncset.done $0x0  }
0x532: {  	[sflag:s28] =	ssyncadd.s32 s0  }
.Ltmp22:
0x533: {  	_ =	sfence.stream.spmem;
	(pc) =	sbr.rel @p0 .LBB2_43-.Ltmp22, $4  }
0x534: {  	s29 =	simm.s32 $0x3;
	[bflag:$0x0] =	sbarrier.arrive $0xFFFF  }
0x535: {  	s30 =	simm.s32 $0x4;
	[sflag:s29] =	ssyncpa.u1 $0x1  }
0x536: {  	s31 =	simm.s32 $0x3C;
	[sflag:s30] =	ssyncpa.u1 $0x1  }
0x537: {  	s15 =	rddreg [dreg:$0x4];
	[sflag:s31] =	ssyncpa.u1 $0x1  }
0x538: {  	_ =	sfence.stream.spmem;
	s0 =	simm.s32 $0x5  }
0x539: {  	s1 =	simm.s32 $0x600;
	s2 =	simm.s32 $0x84D8;
	[sflag:s0] =	ssyncpa.u1 $0x0  }
0x53a: {  	[tilespmem:s2], [sflag:$0x5] =	stream.linear.gather [spmem:s1], $0x20, $0x38;
	[tilespmem:$0x1F1E8] =	vst v63  }
0x53b: {  	s26 =	simm.s32 $0x0;
	s28 =	simm.s32 $0x84F8  }
0x53c: {  	[tilespmem:s28], [sflag:$0x5] =	stream.linear.gather [spmem:s26], $0x600, $0x38;
	[tilespmem:$0x1F1E8] =	vst v63  }
0x53d: {  	_ =	swait.ge [sflag:s0], $0x620  }
0x53e: {  	[sflag:s0] =	ssyncset.done $0x0  }
0x53f: {  	s29 =	simm.s32 $0x0;
	[sflag:s0] =	ssyncadd.s32 $0xFFFFF9E0  }
0x540: {  	v0 =	vld.msk [tilespmem:s29+$0x84D8], $0x1;
	_ =	sdelay $0x1  }
0x541: {  	s30 =	simm.s32 $0x1  }
0x542: {  	v1 =	vld.msk [tilespmem:s30+$0x84D8], $0x1;
	_ =	sdelay $0x1  }
0x543: {  	(v2sf) =	vpush v0, $0x0;
	_ =	sdelay $0x2  }
0x544: {  	(v2sf) =	vpush v1, $0x0;
	_ =	sdelay $0x2  }
0x545: {  	s31 =	simm.s32 $0x2  }
0x546: {  	v0 =	vld.msk [tilespmem:s31+$0x84D8], $0x1;
	_ =	sdelay $0x2  }
0x547: {  	s1 =	simm.s32 $0xFFFFFFFF;
	s2 =	simm.s32 $0xFFFFFFFF;
	s0 =	simm.s32 $0xC  }
.LBB2_28:
0x548: {  	s3 =	smov.u32 s2;
	s4 =	smov.u32 s1  }
0x549: {  	s1 =	sshra.s32 s0, $0x2;
	p1 =	sne.s32 s0, $0x7C;
	s0 =	sadd.s32 $0x4, s0;
	(v2sf) =	vpush v0, $0x0  }
0x54a: {  	v0 =	vld.msk [tilespmem:s1+$0x84D8], $0x1  }
.Ltmp23:
0x54b: {  	(pc) =	sbr.rel @p1 .LBB2_28-.Ltmp23, $4  }
0x54c: {  	s2 =	spop (v2sf)  }
0x54d: {  	p2 =	sne.s32 s4, $0xFFFFFFFF;
	s1 =	smov.u32 s2  }
0x54e: {  	p3 =	seq.s32 s2, $0xFFFFFFFF;
	s1 =	smov.u32 @p2 s4  }
0x54f: {  	s2 =	smov.u32 @p3 s3;
	s1 =	smov.u32 @p3 s4  }
0x550: {  	(v2sf) =	vpush v0, $0x0;
	_ =	sdelay $0x8  }
0x551: {  	s0 =	spop (v2sf)  }
0x552: {  	p1 =	sne.s32 s1, $0xFFFFFFFF;
	s3 =	smov.u32 s0  }
0x553: {  	s9 =	simm.s32 $0x6;
	p2 =	seq.s32 s0, $0xFFFFFFFF;
	s3 =	smov.u32 @p1 s1  }
0x554: {  	s10 =	simm.s32 $0x8498;
	s3 =	smov.u32 @p2 s1;
	s1 =	spop (v2sf)  }
0x555: {  	s0 =	smov.u32 @p2 s2;
	p1 =	sne.s32 s3, $0xFFFFFFFF;
	s6 =	smov.u32 s1  }
.Ltmp24:
0x556: {  	p2 =	seq.s32 s1, $0xFFFFFFFF;
	s6 =	smov.u32 @p1 s3;
	(pc) =	sbr.rel .LBB2_30-.Ltmp24, $4  }
0x557: {  	s11 =	simm.s32 $0x0;
	s6 =	smov.u32 @p2 s3;
	s4 =	spop (v2sf)  }
0x558: {  	[sflag:s9] =	ssyncpa.u1 $0x0;
	p1 =	sne.s32 s6, $0xFFFFFFFF;
	s8 =	smov.u32 s4  }
0x559: {  	s1 =	smov.u32 @p2 s0;
	p2 =	seq.s32 s4, $0xFFFFFFFF;
	s8 =	smov.u32 @p1 s6  }
0x55a: {  	s3 =	simm.s32 $0x0;
	s4 =	smov.u32 @p2 s1;
	s8 =	smov.u32 @p2 s6  }
.LBB2_36:
0x55b: {  	p1 =	sgt.u32 s12, $0x1869FB  }
0x55c: {  	p2 =	seq.s32 @!p1 s12, s8  }
0x55d: {  	p1 =	por p1, p2  }
0x55e: {  	p2 =	sne.s32 @!p1 s12, s4  }
0x55f: {  	p1 =	por p1, !p2  }
0x560: {  	s0 =	smul.u32 @p1 $0xC0, s11;
	_ =	sdelay $0x1  }
0x561: {  	s0 =	sand.u32 @!p1 $0x1FFFF8, s12  }
0x562: {  	s1 =	sand.u32 @!p1 $0x7, s12;
	s0 =	sadd.s32 @!p1 s5, s0  }
0x563: {  	[tilespmem:s10], [sflag:$0x6] =	stream.linear.gather @!p1 [hbm4b:s0+s1], $0x21, $0x38;
	[tilespmem:$0x1F1E8] =	vst v63  }
0x564: {  	_ =	swait.ge @!p1 [sflag:s9], $0x21  }
0x565: {  	[sflag:s9] =	ssyncset.done @!p1 $0x0  }
0x566: {  	[sflag:s9] =	ssyncadd.s32 @!p1 $0xFFFFFFDF  }
0x567: {  	v1 =	vld @!p1 [tilespmem:$0x8498];
	_ =	sdelay $0x1  }
0x568: {  	s0 =	smul.u32 @!p1 $0xC0, s11;
	_ =	sdelay $0x1  }
0x569: {  	s1 =	sshra.s32 @!p1 s0, $0x2  }
0x56a: {  	[tilespmem:s1+$0x84F8] =	vst.add.f32.msk @!p1 $0xffff, v1  }
0x56b: {  	v1 =	vld @!p1 [tilespmem:$0x84A8];
	_ =	sdelay $0x4  }
0x56c: {  	[tilespmem:s1+$0x8508] =	vst.add.f32.msk @!p1 $0xffff, v1  }
0x56d: {  	v1 =	vld @!p1 [tilespmem:$0x84B8];
	_ =	sdelay $0x4  }
0x56e: {  	[tilespmem:s1+$0x8518] =	vst.add.f32.msk @!p1 $0xffff, v1  }
0x56f: {  	s0 =	sshra.s32 s0, $0x2;
	[tilespmem:s3+$0x84D8] =	vst.msk $0x1, v0  }
0x570: {  	v0 =	vld [tilespmem:s0+$0x84F8];
	_ =	sdelay $0x1  }
0x571: {  	s31 =	smul.u32 $0xC0, s3;
	_ =	sdelay $0x1  }
0x572: {  	s1 =	sshra.s32 s31, $0x2  }
0x573: {  	[tilespmem:s1+$0x84F8] =	vst v0  }
0x574: {  	v0 =	vld [tilespmem:s0+$0x8508];
	_ =	sdelay $0x4  }
0x575: {  	[tilespmem:s1+$0x8508] =	vst v0  }
0x576: {  	v0 =	vld [tilespmem:s0+$0x8518];
	_ =	sdelay $0x4  }
0x577: {  	s3 =	sadd.s32 $0x1, s3;
	[tilespmem:s1+$0x8518] =	vst v0  }
.LBB2_37:
0x578: {  	s11 =	sadd.s32 $0x1, s11  }
0x579: {  	p1 =	sne.s32 s11, $0x20  }
.Ltmp25:
0x57a: {  	_ = 	snop;
	(pc) =	sbr.rel @!p1 .LBB2_38-.Ltmp25, $1  }
0x57b: {  	_ =	sdelay $0x3  }
.LBB2_30:
0x57c: {  	v0 =	vld.msk [tilespmem:s11+$0x84D8], $0x1;
	_ =	sdelay $0x4  }
0x57d: {  	(v2sf) =	vpush v0, $0x0;
	_ =	sdelay $0xe  }
0x57e: {  	s12 =	spop (v2sf)  }
0x57f: {  	p1 =	seq.s32 s12, $0xFFFFFFFF  }
.Ltmp26:
0x580: {  	_ = 	snop;
	(pc) =	sbr.rel @p1 .LBB2_37-.Ltmp26, $1  }
0x581: {  	_ =	sdelay $0x3  }
0x582: {  	p1 =	slt.s32 s3, $0x1  }
.Ltmp27:
0x583: {  	_ = 	snop;
	(pc) =	sbr.rel @p1 .LBB2_36-.Ltmp27, $1  }
0x584: {  	_ =	sdelay $0x3  }
0x585: {  	s0 =	simm.s32 $0x84D8;
	p1 =	por $0x0, $0x0  }
0x586: {  	v1 =	vld.msk @!p1 [tilespmem:s0+$0x0], $0x1;
	_ =	sdelay $0x4  }
0x587: {  	(v2sf) =	vpush @!p1 v1, $0x0;
	_ =	sdelay $0xd  }
0x588: {  	p3 =	sne.s32 s3, $0x1  }
.Ltmp28:
0x589: {  	s1 =	spop @!p1 (v2sf);
	(pc) =	sbr.rel @!p3 .LBB2_34-.Ltmp28, $4  }
0x58a: {  	p2 =	seq.s32 @!p1 s12, s1  }
0x58b: {  	s13 =	simm.s32 $0x0;
	p2 =	por !p2, p1  }
0x58c: {  	s2 =	simm.s32 $0xFFFFFFFF;
	s13 =	simm.s32 @p2 $0xFFFFFFFF  }
0x58d: {  	s1 =	simm.s32 $0x1;
	s13 =	smov.u32 @p1 s2  }
.LBB2_33:
0x58e: {  	s2 =	smov.u32 s13;
	p1 =	sne.s32 s13, $0xFFFFFFFF  }
0x58f: {  	s0 =	sadd.s32 $0x1, s0;
	s13 =	smov.u32 s1;
	s1 =	sadd.s32 $0x1, s1  }
0x590: {  	p2 =	sne.s32 s3, s1;
	v1 =	vld.msk @!p1 [tilespmem:s0+$0x0], $0x1;
	_ =	sdelay $0x4  }
0x591: {  	(v2sf) =	vpush @!p1 v1, $0x0;
	_ =	sdelay $0xe  }
.Ltmp29:
0x592: {  	s6 =	spop @!p1 (v2sf);
	(pc) =	sbr.rel @p2 .LBB2_33-.Ltmp29, $4  }
0x593: {  	p3 =	seq.s32 @!p1 s12, s6  }
0x594: {  	p3 =	por !p3, p1  }
0x595: {  	s13 =	simm.s32 @p3 $0xFFFFFFFF  }
0x596: {  	s13 =	smov.u32 @p1 s2  }
.LBB2_34:
0x597: {  	p1 =	seq.s32 s13, $0xFFFFFFFF  }
.Ltmp30:
0x598: {  	_ = 	snop;
	(pc) =	sbr.rel @p1 .LBB2_36-.Ltmp30, $1  }
0x599: {  	_ =	sdelay $0x3  }
0x59a: {  	s0 =	smul.u32 $0xC0, s11;
	_ =	sdelay $0x1  }
0x59b: {  	s0 =	sshra.s32 s0, $0x2  }
0x59c: {  	v0 =	vld [tilespmem:s0+$0x84F8];
	_ =	sdelay $0x1  }
0x59d: {  	s1 =	smul.u32 $0xC0, s13;
	_ =	sdelay $0x1  }
0x59e: {  	s1 =	sshra.s32 s1, $0x2  }
0x59f: {  	[tilespmem:s1+$0x84F8] =	vst.add.f32.msk $0xffff, v0  }
0x5a0: {  	v0 =	vld [tilespmem:s0+$0x8508];
	_ =	sdelay $0x4  }
0x5a1: {  	[tilespmem:s1+$0x8508] =	vst.add.f32.msk $0xffff, v0  }
0x5a2: {  	v0 =	vld [tilespmem:s0+$0x8518]  }
.Ltmp31:
0x5a3: {  	_ = 	snop;
	(pc) =	sbr.rel .LBB2_37-.Ltmp31, $2  }
0x5a4: {  	_ =	sdelay $0x2  }
0x5a5: {  	[tilespmem:s1+$0x8518] =	vst.add.f32.msk $0xffff, v0  }
.LBB2_38:
0x5a6: {  	s0 =	simm.s32 $0x6;
	p1 =	seq.s32 s3, $0x0  }
0x5a7: {  	[sflag:s0] =	ssyncpa.u1 $0x1;
	v0 =	vimm.s32 @p1 $0xFFFFFFFF  }
0x5a8: {  	s9 =	sadd.s32 $0xFFFFFFFF, s3;
	[tilespmem:$0x8AF8] =	vst @p1 v0  }
0x5a9: {  	v0 =	vld.msk @!p1 [tilespmem:s9+$0x84D8], $0x1;
	_ =	sdelay $0x1  }
0x5aa: {  	v1 =	vld.msk @!p1 [tilespmem:$0x84D8], $0x1;
	_ =	sdelay $0x2  }
0x5ab: {  	p2 =	seq.s32 @!p1 s9, $0x0;
	v0 =	vbroadcast @!p1 v0, $0x0  }
0x5ac: {  	vm0 =	vmmov @!p1 $0x1;
	p3 =	por !p2, p1  }
0x5ad: {  	p2 =	sne.s32 @!p1 s8, s4;
	v1 =	vnsel @!p1 vm0, $0xFFFFFFFF, v1;
	vm0 =	vcmask @!p1 $0x308;
	v0 =	vpsel !p3, $0xFFFFFFFF, v0  }
0x5ae: {  	p3 =	por !p2, p1;
	v0 =	vsel @!p1 vm0, v1, v0  }
0x5af: {  	s0 =	simm.s32 @!p1 $0x84F8;
	s1 =	simm.s32 @!p1 $0x0;
	s2 =	smul.u32 @!p3 $0xC0, s9;
	[tilespmem:$0x8AF8] =	vst @!p1 v0  }
0x5b0: {  	[spmem:s1] =	stream.linear.scatter @!p1 [tilespmem:s0], [sflag:$0x1], $0x30, $0x38;
	[tilespmem:$0x1F1E8] =	vst v63  }
0x5b1: {  	s0 =	sshra.s32 @!p3 s2, $0x2  }
0x5b2: {  	s1 =	simm.s32 @!p3 $0x30;
	s0 =	sadd.s32 @!p3 $0x84F8, s0  }
0x5b3: {  	[spmem:s1] =	stream.linear.scatter @!p3 [tilespmem:s0], [sflag:$0x1], $0x30, $0x38;
	[tilespmem:$0x1F1E8] =	vst v63  }
0x5b4: {  	s0 =	simm.s32 @!p3 $0x1  }
0x5b5: {  	_ =	swait.ge @!p3 [sflag:s0], $0x60  }
0x5b6: {  	p1 =	por p2, p1;
	[sflag:s0] =	ssyncset.done @!p3 $0x0  }
0x5b7: {  	[sflag:s0] =	ssyncadd.s32 @!p3 $0xFFFFFFA0;
	s0 =	simm.s32 @!p1 $0x1  }
0x5b8: {  	_ =	swait.ge @!p1 [sflag:s0], $0x30  }
0x5b9: {  	s29 =	simm.s32 $0x8AF8;
	[sflag:s0] =	ssyncset.done @!p1 $0x0  }
0x5ba: {  	s30 =	simm.s32 $0x600;
	s31 =	simm.s32 $0x1;
	[sflag:s0] =	ssyncadd.s32 @!p1 $0xFFFFFFD0  }
0x5bb: {  	[spmem:s30] =	stream.linear.scatter [tilespmem:s29], [sflag:$0x1], $0x10, $0x38;
	[tilespmem:$0x1F1E8] =	vst v63  }
0x5bc: {  	_ =	swait.ge [sflag:s31], $0x10  }
0x5bd: {  	[sflag:s31] =	ssyncset.done $0x0  }
0x5be: {  	p1 =	seq.s32 s15, $0x0;
	s8 =	rddreg [dreg:$0x1];
	[sflag:s31] =	ssyncadd.s32 $0xFFFFFFF0  }
0x5bf: {  	s1 =	sshll.u32 @p1 s8, $0xE;
	s7 =	rddreg [dreg:$0x2]  }
0x5c0: {  	s0 =	sadd.s32 @p1 $0x15C3C, s1;
	s1 =	sshll.u32 @p1 s7, $0x11  }
0x5c1: {  	_ =	sfence.stream.spmem;
	s0 =	sor.u32 @p1 s1, s0  }
0x5c2: {  	[sflag:s0] =	ssyncadd.remote.s32 @p1 $0x1;
	s0 =	simm.s32 @p1 $0x4  }
0x5c3: {  	s2 =	simm.s32 @!p1 $0x3C;
	s1 =	sand.u32 $0xFFFFFFFE, s8;
	_ =	swait.ge @p1 [sflag:s0], $0xE  }
0x5c4: {  	s4 =	simm.s32 @!p1 $0x0;
	s1 =	sadd.s32 @!p1 $0x4, s1;
	[sflag:s0] =	ssyncset.done @p1 $0x0  }
0x5c5: {  	s6 =	simm.s32 @!p1 $0x60;
	[sflag:s0] =	ssyncadd.s32 @p1 $0xFFFFFFF2;
	s0 =	sshll.u32 @!p1 s1, $0x1A  }
0x5c6: {  	s1 =	sshll.u32 @!p1 s1, $0xD;
	s0 =	sor.u32 @!p1 s0, s7;
	_ =	swait.eq @!p1 [sflag:s2], $0x1  }
0x5c7: {  	s1 =	sor.u32 @!p1 $0x1C04, s1;
	s2 =	simm.s32 @!p1 $0x1C03;
	s0 =	sor.u32 @!p1 $0x80004000, s0  }
0x5c8: {  	[spmem:s6], [sflag:s1] =	dma.general @!p1 [spmem:s4], [sflag:s2], length:$0xC, [dreg:$0x0], stride_count:$0x0, ici_dest:s0, dma_misc:DstOpCode:WRITE  }
0x5c9: {  	p2 =	slt.s32 s9, $0x2;
	s4 =	simm.s32 @!p1 $0xC0;
	s6 =	simm.s32 @!p1 $0xC2  }
0x5ca: {  	[spmem:s6], [sflag:s1] =	dma.general @!p1 [spmem:s4], [sflag:s2], length:$0x2, [dreg:$0x0], stride_count:$0x0, ici_dest:s0, dma_misc:DstOpCode:WRITE  }
.Ltmp32:
0x5cb: {  	s0 =	simm.s32 @!p1 $0x3;
	(pc) =	sbr.rel @p2 .LBB2_42-.Ltmp32, $4  }
0x5cc: {  	s1 =	sshll.u32 @!p1 s8, $0xE;
	_ =	swait.ge @!p1 [sflag:s0], $0xE  }
0x5cd: {  	s2 =	sshll.u32 @!p1 s7, $0x11;
	s1 =	sadd.s32 @!p1 $0x11C3C, s1;
	[sflag:s0] =	ssyncset.done @!p1 $0x0  }
0x5ce: {  	[sflag:s0] =	ssyncadd.s32 @!p1 $0xFFFFFFF2;
	s0 =	sor.u32 @!p1 s2, s1  }
0x5cf: {  	[sflag:s0] =	ssyncadd.remote.s32 @!p1 $0xFFFFFFFF;
	s0 =	simm.s32 $0x0  }
0x5d0: {  	s0 =	simm.s32 $0x84D9  }
0x5d1: {  	v0 =	vld.msk [tilespmem:s0+$0x0], $0x1;
	_ =	sdelay $0x4  }
0x5d2: {  	(v2sf) =	vpush v0, $0x0;
	_ =	sdelay $0xc  }
0x5d3: {  	s1 =	sadd.s32 $0xFFFFFFFE, s3  }
0x5d4: {  	s1 =	sadd.s32 $0xFFFFFFFF, s1  }
0x5d5: {  	p2 =	sne.s32 s1, $0x0;
	s2 =	spop (v2sf)  }
.Ltmp33:
0x5d6: {  	p1 =	sgt.u32 s2, $0x1869FB;
	(pc) =	sbr.rel @!p2 .LBB2_41-.Ltmp33, $4  }
0x5d7: {  	s4 =	simm.s32 $0x0;
	s3 =	sand.u32 @!p1 $0x1FFFF8, s2  }
0x5d8: {  	s0 =	simm.s32 $0x8528;
	s2 =	sand.u32 @!p1 $0x7, s2;
	s3 =	sadd.s32 @!p1 s5, s3  }
0x5d9: {  	[hbm4b:s3+s2] =	stream.linear.scatter @!p1 [tilespmem:s0], [sflag:$0x5], $0x21, $0x38;
	[tilespmem:$0x1F1E8] =	vst v63  }
0x5da: {  	s4 =	simm.s32 @!p1 $0x84;
	s2 =	simm.s32 $0x0;
	s3 =	simm.s32 $0x84DA  }
.LBB2_40:
0x5db: {  	v0 =	vld.msk [tilespmem:s3+$0x0], $0x1;
	s1 =	sadd.s32 $0xFFFFFFFF, s1;
	s2 =	sadd.s32 s2, s4  }
0x5dc: {  	p1 =	sne.s32 s1, $0x0;
	_ =	sdelay $0x3  }
0x5dd: {  	(v2sf) =	vpush v0, $0x0;
	_ =	sdelay $0xe  }
.Ltmp34:
0x5de: {  	s6 =	spop (v2sf);
	(pc) =	sbr.rel @p1 .LBB2_40-.Ltmp34, $4  }
0x5df: {  	s4 =	simm.s32 $0x0;
	p2 =	sgt.u32 s6, $0x1869FB  }
0x5e0: {  	s0 =	sadd.s32 $0x30, s0;
	s4 =	simm.s32 @!p2 $0x84;
	s7 =	sand.u32 @!p2 $0x1FFFF8, s6  }
0x5e1: {  	s3 =	sadd.s32 $0x1, s3;
	s6 =	sand.u32 @!p2 $0x7, s6;
	s7 =	sadd.s32 @!p2 s5, s7  }
0x5e2: {  	[hbm4b:s7+s6] =	stream.linear.scatter @!p2 [tilespmem:s0], [sflag:$0x5], $0x21, $0x38;
	[tilespmem:$0x1F1E8] =	vst v63  }
.LBB2_41:
0x5e3: {  	s0 =	sadd.s32 s2, s4  }
0x5e4: {  	s0 =	sshrl.u32 s0, $0x2  }
.LBB2_42:
0x5e5: {  	s1 =	simm.s32 $0x5  }
0x5e6: {  	_ =	swait.ge [sflag:s1], s0  }
0x5e7: {  	s31 =	ssub.s32 $0x0, s0;
	[sflag:s1] =	ssyncset.done $0x0  }
0x5e8: {  	[sflag:s1] =	ssyncadd.s32 s31  }
0x5e9: {  	[sflag:s1] =	ssyncpa.u1 $0x1  }
.LBB2_43:
0x5ea: {  	s0 =	sor.u32 s15, s14  }
0x5eb: {  	p1 =	sne.s32 s0, $0x0  }
.Ltmp35:
0x5ec: {  	_ = 	snop;
	(pc) =	sbr.rel @p1 .LBB2_58-.Ltmp35, $3  }
0x5ed: {  	_ =	sdelay $0x1  }
0x5ee: {  	[bflag:$0x0] =	sbarrier.arrive $0xFFFF  }
0x5ef: {  	_ =	sfence  }
0x5f0: {  	s0 =	simm.s32 $0x7  }
0x5f1: {  	s1 =	simm.s32 $0x600;
	s2 =	simm.s32 $0x84D8;
	[sflag:s0] =	ssyncpa.u1 $0x0  }
0x5f2: {  	[tilespmem:s2], [sflag:$0x7] =	stream.linear.gather [spmem:s1], $0x20, $0x38;
	[tilespmem:$0x1F1E8] =	vst v63  }
0x5f3: {  	s30 =	simm.s32 $0x84F8;
	s1 =	simm.s32 $0x0  }
0x5f4: {  	[tilespmem:s30], [sflag:$0x7] =	stream.linear.gather [spmem:s1], $0x600, $0x38;
	[tilespmem:$0x1F1E8] =	vst v63  }
.Ltmp36:
0x5f5: {  	_ = 	snop;
	(pc) =	sbr.rel .LBB2_45-.Ltmp36, $4  }
0x5f6: {  	_ =	swait.ge [sflag:s0], $0x620  }
0x5f7: {  	[sflag:s0] =	ssyncset.done $0x0  }
0x5f8: {  	s31 =	simm.s32 $0x8;
	[sflag:s0] =	ssyncadd.s32 $0xFFFFF9E0  }
0x5f9: {  	s2 =	simm.s32 $0x0;
	[sflag:s31] =	ssyncpa.u1 $0x0  }
.LBB2_51:
0x5fa: {  	p1 =	slt.u32 s0, $0x1869FC  }
0x5fb: {  	s3 =	sand.u32 @p1 $0x1FFFF8, s0  }
0x5fc: {  	s0 =	sand.u32 @p1 $0x7, s0;
	s4 =	simm.s32 @p1 $0x8498;
	s3 =	sadd.s32 @p1 s5, s3  }
0x5fd: {  	[tilespmem:s4], [sflag:$0x8] =	stream.linear.gather @p1 [hbm4b:s3+s0], $0x21, $0x38;
	[tilespmem:$0x1F1E8] =	vst v63  }
0x5fe: {  	s0 =	simm.s32 @p1 $0x8  }
0x5ff: {  	_ =	swait.ge @p1 [sflag:s0], $0x21  }
0x600: {  	[sflag:s0] =	ssyncset.done @p1 $0x0  }
0x601: {  	[sflag:s0] =	ssyncadd.s32 @p1 $0xFFFFFFDF  }
0x602: {  	v1 =	vld @p1 [tilespmem:$0x8498];
	_ =	sdelay $0x1  }
0x603: {  	s0 =	smul.u32 @p1 $0xC0, s2;
	_ =	sdelay $0x1  }
0x604: {  	s3 =	sshra.s32 @p1 s0, $0x2  }
0x605: {  	[tilespmem:s3+$0x84F8] =	vst.add.f32.msk @p1 $0xffff, v1  }
0x606: {  	v1 =	vld @p1 [tilespmem:$0x84A8];
	_ =	sdelay $0x4  }
0x607: {  	[tilespmem:s3+$0x8508] =	vst.add.f32.msk @p1 $0xffff, v1  }
0x608: {  	v1 =	vld @p1 [tilespmem:$0x84B8];
	_ =	sdelay $0x2  }
0x609: {  	s4 =	smul.u32 @!p1 $0xC0, s2;
	_ =	sdelay $0x1  }
0x60a: {  	s4 =	smov.u32 @p1 s0;
	[tilespmem:s3+$0x8518] =	vst.add.f32.msk @p1 $0xffff, v1  }
0x60b: {  	s0 =	sshra.s32 s4, $0x2;
	[tilespmem:s1+$0x84D8] =	vst.msk $0x1, v0  }
0x60c: {  	v0 =	vld [tilespmem:s0+$0x84F8];
	_ =	sdelay $0x1  }
0x60d: {  	s31 =	smul.u32 $0xC0, s1;
	_ =	sdelay $0x1  }
0x60e: {  	s3 =	sshra.s32 s31, $0x2  }
0x60f: {  	[tilespmem:s3+$0x84F8] =	vst v0  }
0x610: {  	v0 =	vld [tilespmem:s0+$0x8508];
	_ =	sdelay $0x4  }
0x611: {  	[tilespmem:s3+$0x8508] =	vst v0  }
0x612: {  	v0 =	vld [tilespmem:s0+$0x8518];
	_ =	sdelay $0x4  }
0x613: {  	s1 =	sadd.s32 $0x1, s1;
	[tilespmem:s3+$0x8518] =	vst v0  }
.LBB2_52:
0x614: {  	s2 =	sadd.s32 $0x1, s2  }
0x615: {  	p1 =	sne.s32 s2, $0x20  }
.Ltmp37:
0x616: {  	_ = 	snop;
	(pc) =	sbr.rel @!p1 .LBB2_53-.Ltmp37, $1  }
0x617: {  	_ =	sdelay $0x3  }
.LBB2_45:
0x618: {  	v0 =	vld.msk [tilespmem:s2+$0x84D8], $0x1;
	_ =	sdelay $0x4  }
0x619: {  	(v2sf) =	vpush v0, $0x0;
	_ =	sdelay $0xe  }
0x61a: {  	s0 =	spop (v2sf)  }
0x61b: {  	p1 =	seq.s32 s0, $0xFFFFFFFF  }
.Ltmp38:
0x61c: {  	_ = 	snop;
	(pc) =	sbr.rel @p1 .LBB2_52-.Ltmp38, $1  }
0x61d: {  	_ =	sdelay $0x3  }
0x61e: {  	p1 =	slt.s32 s1, $0x1  }
.Ltmp39:
0x61f: {  	_ = 	snop;
	(pc) =	sbr.rel @p1 .LBB2_51-.Ltmp39, $1  }
0x620: {  	_ =	sdelay $0x3  }
0x621: {  	s3 =	simm.s32 $0x84D8;
	p1 =	por $0x0, $0x0  }
0x622: {  	v1 =	vld.msk @!p1 [tilespmem:s3+$0x0], $0x1;
	_ =	sdelay $0x4  }
0x623: {  	(v2sf) =	vpush @!p1 v1, $0x0;
	_ =	sdelay $0xd  }
0x624: {  	p3 =	sne.s32 s1, $0x1  }
.Ltmp40:
0x625: {  	s4 =	spop @!p1 (v2sf);
	(pc) =	sbr.rel @!p3 .LBB2_49-.Ltmp40, $4  }
0x626: {  	p2 =	seq.s32 @!p1 s0, s4  }
0x627: {  	s4 =	simm.s32 $0x0;
	p2 =	por !p2, p1  }
0x628: {  	s7 =	simm.s32 $0xFFFFFFFF;
	s4 =	simm.s32 @p2 $0xFFFFFFFF  }
0x629: {  	s6 =	simm.s32 $0x1;
	s4 =	smov.u32 @p1 s7  }
.LBB2_48:
0x62a: {  	s7 =	smov.u32 s4;
	p1 =	sne.s32 s4, $0xFFFFFFFF  }
0x62b: {  	s3 =	sadd.s32 $0x1, s3;
	s4 =	smov.u32 s6;
	s6 =	sadd.s32 $0x1, s6  }
0x62c: {  	p2 =	sne.s32 s1, s6;
	v1 =	vld.msk @!p1 [tilespmem:s3+$0x0], $0x1;
	_ =	sdelay $0x4  }
0x62d: {  	(v2sf) =	vpush @!p1 v1, $0x0;
	_ =	sdelay $0xe  }
.Ltmp41:
0x62e: {  	s8 =	spop @!p1 (v2sf);
	(pc) =	sbr.rel @p2 .LBB2_48-.Ltmp41, $4  }
0x62f: {  	p3 =	seq.s32 @!p1 s0, s8  }
0x630: {  	p3 =	por !p3, p1  }
0x631: {  	s4 =	simm.s32 @p3 $0xFFFFFFFF  }
0x632: {  	s4 =	smov.u32 @p1 s7  }
.LBB2_49:
0x633: {  	p1 =	seq.s32 s4, $0xFFFFFFFF  }
.Ltmp42:
0x634: {  	_ = 	snop;
	(pc) =	sbr.rel @p1 .LBB2_51-.Ltmp42, $1  }
0x635: {  	_ =	sdelay $0x3  }
0x636: {  	s0 =	smul.u32 $0xC0, s2;
	_ =	sdelay $0x1  }
0x637: {  	s0 =	sshra.s32 s0, $0x2  }
0x638: {  	v0 =	vld [tilespmem:s0+$0x84F8];
	_ =	sdelay $0x1  }
0x639: {  	s3 =	smul.u32 $0xC0, s4;
	_ =	sdelay $0x1  }
0x63a: {  	s3 =	sshra.s32 s3, $0x2  }
0x63b: {  	[tilespmem:s3+$0x84F8] =	vst.add.f32.msk $0xffff, v0  }
0x63c: {  	v0 =	vld [tilespmem:s0+$0x8508];
	_ =	sdelay $0x4  }
0x63d: {  	[tilespmem:s3+$0x8508] =	vst.add.f32.msk $0xffff, v0  }
0x63e: {  	v0 =	vld [tilespmem:s0+$0x8518]  }
.Ltmp43:
0x63f: {  	_ = 	snop;
	(pc) =	sbr.rel .LBB2_52-.Ltmp43, $2  }
0x640: {  	_ =	sdelay $0x2  }
0x641: {  	[tilespmem:s3+$0x8518] =	vst.add.f32.msk $0xffff, v0  }
.LBB2_53:
0x642: {  	p1 =	slt.s32 s1, $0x1  }
.Ltmp44:
0x643: {  	_ = 	snop;
	(pc) =	sbr.rel @p1 .LBB2_57-.Ltmp44, $3  }
0x644: {  	_ =	sdelay $0x1  }
0x645: {  	s0 =	simm.s32 $0x8  }
0x646: {  	[sflag:s0] =	ssyncpa.u1 $0x1;
	s0 =	simm.s32 $0x0  }
0x647: {  	s2 =	simm.s32 $0x84D8  }
0x648: {  	v0 =	vld.msk [tilespmem:s2+$0x0], $0x1;
	_ =	sdelay $0x4  }
0x649: {  	(v2sf) =	vpush v0, $0x0;
	_ =	sdelay $0xe  }
0x64a: {  	s1 =	sadd.s32 $0xFFFFFFFF, s1;
	s3 =	spop (v2sf)  }
0x64b: {  	p2 =	sne.s32 s1, $0x0;
	p1 =	sgt.u32 s3, $0x1869FB  }
.Ltmp45:
0x64c: {  	s4 =	sand.u32 @!p1 $0x1FFFF8, s3;
	(pc) =	sbr.rel @!p2 .LBB2_56-.Ltmp45, $4  }
0x64d: {  	s2 =	simm.s32 $0x84F8;
	s3 =	sand.u32 @!p1 $0x7, s3;
	s4 =	sadd.s32 @!p1 s5, s4  }
0x64e: {  	[hbm4b:s4+s3] =	stream.linear.scatter @!p1 [tilespmem:s2], [sflag:$0x7], $0x21, $0x38;
	[tilespmem:$0x1F1E8] =	vst v63  }
0x64f: {  	s4 =	simm.s32 $0x0  }
0x650: {  	s3 =	simm.s32 $0x84D9;
	s4 =	simm.s32 @!p1 $0x84  }
.LBB2_55:
0x651: {  	v0 =	vld.msk [tilespmem:s3+$0x0], $0x1;
	s1 =	sadd.s32 $0xFFFFFFFF, s1;
	s0 =	sadd.s32 s0, s4  }
0x652: {  	p1 =	sne.s32 s1, $0x0;
	_ =	sdelay $0x3  }
0x653: {  	(v2sf) =	vpush v0, $0x0;
	_ =	sdelay $0xe  }
.Ltmp46:
0x654: {  	s6 =	spop (v2sf);
	(pc) =	sbr.rel @p1 .LBB2_55-.Ltmp46, $4  }
0x655: {  	s4 =	simm.s32 $0x0;
	p2 =	sgt.u32 s6, $0x1869FB  }
0x656: {  	s2 =	sadd.s32 $0x30, s2;
	s4 =	simm.s32 @!p2 $0x84;
	s7 =	sand.u32 @!p2 $0x1FFFF8, s6  }
0x657: {  	s3 =	sadd.s32 $0x1, s3;
	s6 =	sand.u32 @!p2 $0x7, s6;
	s7 =	sadd.s32 @!p2 s5, s7  }
0x658: {  	[hbm4b:s7+s6] =	stream.linear.scatter @!p2 [tilespmem:s2], [sflag:$0x7], $0x21, $0x38;
	[tilespmem:$0x1F1E8] =	vst v63  }
.LBB2_56:
0x659: {  	s0 =	sadd.s32 s0, s4  }
0x65a: {  	s0 =	sshrl.u32 s0, $0x2  }
.LBB2_57:
0x65b: {  	s1 =	simm.s32 $0x7  }
0x65c: {  	_ =	swait.ge [sflag:s1], s0  }
0x65d: {  	s31 =	ssub.s32 $0x0, s0;
	[sflag:s1] =	ssyncset.done $0x0  }
0x65e: {  	[sflag:s1] =	ssyncadd.s32 s31  }
0x65f: {  	[sflag:s1] =	ssyncpa.u1 $0x1  }
.LBB2_58:
0x660: {  	_ =	sfence;
	s0 =	simm.s32 $0x1  }
0x661: {  	[sflag:s0] =	ssyncpa.u1 $0x1  }
0x662: {  	_ =	strace $0x9000004A  }
0x663: {  	[bflag:$0x2] =	sbarrier.arrive $0xFFFF  }
0x664: {  	s0 =	rddreg [dreg:$0x3]  }
0x665: {  	s0 =	sadd.s32 @!p0 $0x100000, s0  }
0x666: {  	[sflag:s0] =	ssyncadd.tile.s32 @!p0 $0x1;
	_ =	shalt  }
.Lfunc_end2:
_tile_overlayer_lowered:
.L_overlay_start_2:
0x667: {  	(tag) =	ssettag $0x2  }
0x668: {  	s0 =	rddreg [dreg:$0x0];
	s2 =	stileid.u32  }
0x669: {  	s1 =	rddreg [dreg:$0x1];
	p0 =	sne.s32 s2, $0x0  }
0x66a: {  	s3 =	rddreg [dreg:$0x2];
	[bflag:$0x3] =	sbarrier.arrive $0xFFFF;
	s2 =	simm.s32 @!p0 $0x1C01  }
0x66b: {  	[timem:s3], [sflag:s2] =	dma.local @!p0 [hbm:s0], s1  }
0x66c: {  	s0 =	simm.s32 @!p0 $0x1  }
0x66d: {  	_ =	swait.ge @!p0 [sflag:s0], s1  }
0x66e: {  	s1 =	ssub.s32 @!p0 $0x0, s1;
	[sflag:s0] =	ssyncset.done @!p0 $0x0  }
0x66f: {  	[sflag:s0] =	ssyncadd.s32 @!p0 s1  }
0x670: {  	[bflag:$0x3] =	sbarrier.arrive $0xFFFF  }
0x671: {  	_ =	shalt  }

// kernel: scatter_offload_async_start
scs
__scs_entry_jumppad:
0x0: {  	(pc) =	sbr.rel $0x88, $3  }
0x1: {  	(tag) =	ssettag $0x0;
	lr =	simm.s32 $0x1  }
0x2: {  	[smem:$0x3F89] =	sst lr;
	_ =	strace $0xD0000000  }
0x3: {  	_ = 	snop  }
0x4: {  	_ = 	snop  }
0x5: {  	_ = 	snop  }
0x6: {  	_ = 	snop  }
0x7: {  	_ = 	snop  }
__scs_overlays_trampoline_lowered:
0x8: {  	[smem:$0x3F98] =	sst s0  }
0x9: {  	[smem:$0x3F99] =	sst s1  }
0xa: {  	[smem:$0x3F9A] =	sst s2  }
0xb: {  	[smem:$0x3F9B] =	sst s3  }
0xc: {  	[smem:$0x3F9C] =	sst s4  }
0xd: {  	[smem:$0x3F9D] =	sst s5  }
0xe: {  	[smem:$0x3F9E] =	sst s6  }
0xf: {  	[smem:$0x3F9F] =	sst s7  }
0x10: {  	[smem:$0x3FA0] =	sst s8  }
0x11: {  	[smem:$0x3FA1] =	sst s9;
	s0 =	simm.s32 @!p0 $0x0  }
0x12: {  	s1 =	sld [smem:$0x3F87];
	s0 =	simm.s32 @p0 $0x1  }
0x13: {  	[smem:$0x3FA2] =	sst s0;
	s0 =	simm.s32 @!p1 $0x0  }
0x14: {  	s2 =	sld [smem:$0x3F86];
	s0 =	simm.s32 @p1 $0x1  }
0x15: {  	[smem:$0x3FA3] =	sst s0;
	s0 =	simm.s32 @!p2 $0x0  }
0x16: {  	s3 =	sld [smem:$0x3FDB];
	s0 =	simm.s32 @p2 $0x1  }
0x17: {  	s4 =	simm.s32 $0x1BF5;
	[smem:$0x3FA5] =	sst s0  }
0x18: {  	s0 =	sld [smem:$0x3F88];
	_ =	swait.ge [sflag:s4], $0x0  }
0x19: {  	s7 =	sld [smem:$0x3F89]  }
0x1a: {  	s8 =	sadd.s32 $0xFFFFE003, lr  }
0x1b: {  	s9 =	sadd.s32 $0xFFFFFEF7, lr;
	s5 =	simm.s32 $0xFFFFFFFF;
	p2 =	slt.u32 s8, $0xFFFFF086  }
0x1c: {  	p1 =	slt.u32 s9, $0xF7A;
	s5 =	simm.s32 @!p2 $0x0  }
0x1d: {  	s5 =	simm.s32 @p1 $0x1;
	p0 =	seq.s32 s7, s2  }
0x1e: {  	s7 =	smul.u32 @!p0 $0xF7A, s2;
	p2 =	seq.s32 @!p0 s5, $0x0  }
0x1f: {  	s9 =	smul.u32 $0xF7A, s1;
	s8 =	simm.s32 @!p0 $0x1BF5;
	p2 =	por !p2, p0  }
0x20: {  	[sflag:s8] =	ssyncset.s32 @!p0 $0xFFFFF086;
	s6 =	sadd.s32 @!p0 s3, s7;
	s7 =	simm.s32 @!p0 $0x108  }
0x21: {  	s3 =	sadd.s32 s3, s9;
	s6 =	sadd.s32 @!p0 $0x88, s6;
	s7 =	simm.s32 @p2 $0x1082  }
0x22: {  	[simem:s7], [sflag:s8] =	dma.local @!p0 [hbm:s6], $0xF7A  }
0x23: {  	s9 =	sor.u32 $0xD0000000, s2;
	s6 =	simm.s32 $0x108;
	_ =	swait.ge @!p0 [sflag:s8], $0x0  }
0x24: {  	s3 =	sadd.s32 $0x88, s3;
	s6 =	simm.s32 @!p1 $0x1082;
	[sflag:s4] =	ssyncset.s32 $0xFFFFF086  }
0x25: {  	[simem:s6], [sflag:s4] =	dma.local [hbm:s3], $0xF7A  }
0x26: {  	[smem:$0x3F89] =	sst s1;
	(tag) =	ssettag s2;
	_ =	strace s9  }
0x27: {  	s1 =	sld [smem:$0x3F99]  }
0x28: {  	s2 =	sld [smem:$0x3F9A]  }
0x29: {  	s4 =	sld [smem:$0x3F9C]  }
0x2a: {  	p0 =	seq.s32 s5, $0x0;
	s5 =	sld [smem:$0x3F9D]  }
0x2b: {  	s6 =	sld [smem:$0x3F9E]  }
0x2c: {  	s7 =	sld [smem:$0x3F9F]  }
0x2d: {  	s3 =	simm.s32 $0x108;
	s8 =	sld [smem:$0x3FA0]  }
0x2e: {  	s3 =	simm.s32 @!p0 $0x1082;
	s9 =	sld [smem:$0x3FA1]  }
0x2f: {  	lr =	sadd.s32 s0, s3;
	s0 =	sld [smem:$0x3F98]  }
0x30: {  	s3 =	sld [smem:$0x3F9B]  }
0x31: {  	[smem:$0x3FA4] =	sst s10  }
0x32: {  	s10 =	sld [smem:$0x3FA2];
	_ =	sdelay $0x3  }
0x33: {  	p0 =	seq.s32 s10, $0x1;
	s10 =	sld [smem:$0x3FA4];
	_ =	sdelay $0x3  }
0x34: {  	[smem:$0x3FA4] =	sst s10  }
0x35: {  	s10 =	sld [smem:$0x3FA3];
	_ =	sdelay $0x3  }
0x36: {  	p1 =	seq.s32 s10, $0x1;
	s10 =	sld [smem:$0x3FA4];
	_ =	sdelay $0x3  }
0x37: {  	[smem:$0x3FA4] =	sst s10  }
0x38: {  	s10 =	sld [smem:$0x3FA5]  }
0x39: {  	_ = 	snop;
	(pc) =	sbr.ind lr, $3  }
0x3a: {  	_ = 	snop  }
0x3b: {  	_ = 	snop  }
0x3c: {  	p2 =	seq.s32 s10, $0x1;
	s10 =	sld [smem:$0x3FA4]  }
0x3d: {  	_ =	shalt  }
0x3e: {  	_ =	shalt  }
0x3f: {  	_ =	shalt  }
0x40: {  	_ =	shalt  }
0x41: {  	_ =	shalt  }
0x42: {  	_ =	shalt  }
0x43: {  	_ =	shalt  }
0x44: {  	_ =	shalt  }
0x45: {  	_ =	shalt  }
0x46: {  	_ =	shalt  }
0x47: {  	_ =	shalt  }
0x48: {  	_ =	shalt  }
0x49: {  	_ =	shalt  }
0x4a: {  	_ =	shalt  }
0x4b: {  	_ =	shalt  }
0x4c: {  	_ =	shalt  }
0x4d: {  	_ =	shalt  }
0x4e: {  	_ =	shalt  }
0x4f: {  	_ =	shalt  }
0x50: {  	_ =	shalt  }
0x51: {  	_ =	shalt  }
0x52: {  	_ =	shalt  }
0x53: {  	_ =	shalt  }
0x54: {  	_ =	shalt  }
0x55: {  	_ =	shalt  }
0x56: {  	_ =	shalt  }
0x57: {  	_ =	shalt  }
0x58: {  	_ =	shalt  }
0x59: {  	_ =	shalt  }
0x5a: {  	_ =	shalt  }
0x5b: {  	_ =	shalt  }
0x5c: {  	_ =	shalt  }
0x5d: {  	_ =	shalt  }
0x5e: {  	_ =	shalt  }
0x5f: {  	_ =	shalt  }
0x60: {  	_ =	shalt  }
0x61: {  	_ =	shalt  }
0x62: {  	_ =	shalt  }
0x63: {  	_ =	shalt  }
0x64: {  	_ =	shalt  }
0x65: {  	_ =	shalt  }
0x66: {  	_ =	shalt  }
0x67: {  	_ =	shalt  }
0x68: {  	_ =	shalt  }
0x69: {  	_ =	shalt  }
0x6a: {  	_ =	shalt  }
0x6b: {  	_ =	shalt  }
0x6c: {  	_ =	shalt  }
0x6d: {  	_ =	shalt  }
0x6e: {  	_ =	shalt  }
0x6f: {  	_ =	shalt  }
0x70: {  	_ =	shalt  }
0x71: {  	_ =	shalt  }
0x72: {  	_ =	shalt  }
0x73: {  	_ =	shalt  }
0x74: {  	_ =	shalt  }
0x75: {  	_ =	shalt  }
0x76: {  	_ =	shalt  }
0x77: {  	_ =	shalt  }
0x78: {  	_ =	shalt  }
0x79: {  	_ =	shalt  }
0x7a: {  	_ =	shalt  }
0x7b: {  	_ =	shalt  }
0x7c: {  	_ =	shalt  }
0x7d: {  	_ =	shalt  }
0x7e: {  	_ =	shalt  }
0x7f: {  	_ =	shalt  }
0x80: {  	_ =	shalt  }
0x81: {  	_ =	shalt  }
0x82: {  	_ =	shalt  }
0x83: {  	_ =	shalt  }
0x84: {  	_ =	shalt  }
0x85: {  	_ =	shalt  }
0x86: {  	_ =	shalt  }
0x87: {  	_ =	shalt  }
.Lfunc_end0:
.L_simem_size_0:
called_computation_lowered:
.L_overlay_start_0:
0x88: {  	s2 =	sld [smem:$0x3FD9]  }
0x89: {  	s3 =	sld [smem:$0x3FFE];
	_ =	sdelay $0x1  }
0x8a: {  	s1 =	srdreg.scid  }
0x8b: {  	s0 =	sand.u32 $0x1, s1  }
0x8c: {  	s13 =	sshll.u32 s0, $0xA;
	s2 =	sadd.s32 s3, s2  }
0x8d: {  	s2 =	sadd.s32 s2, s13  }
0x8e: {  	[smem:$0x3FB0] =	sst s2  }
0x8f: {  	_ = 	snop  }
0x90: {  	s2 =	sld [smem:$0x3FD0];
	_ =	sdelay $0x2  }
0x91: {  	s14 =	simm.s32 $0xD;
	s4 =	simm.s32 $0x10  }
0x92: {  	[smem:s4], [sflag:s14] =	dma.local [hbm:s2], $0x1  }
0x93: {  	_ =	swait.eq [sflag:s14], $0x1  }
0x94: {  	[sflag:s14] =	ssyncset.done $0x0  }
0x95: {  	[sflag:s14] =	ssyncadd.s32 $0xFFFFFFFF  }
0x96: {  	s15 =	sld [smem:$0x11];
	(tm) =	ssettm $0x1  }
0x97: {  	s16 =	sld [smem:$0x3FFB];
	_ =	sdelay $0x3  }
0x98: {  	_ =	strace s16  }
0x99: {  	s3 =	sld [smem:$0x3FFC];
	_ =	sdelay $0x3  }
0x9a: {  	_ =	strace s3  }
0x9b: {  	s3 =	sld [smem:$0x3FFD];
	_ =	sdelay $0x3  }
0x9c: {  	_ =	strace s3  }
0x9d: {  	_ =	strace $0x8FFFFFFF  }
0x9e: {  	s17 =	sld [smem:$0x3FDB];
	_ =	sdelay $0x1  }
0x9f: {  	s18 =	simm.s32 $_scs_section_size  }
0xa0: {  	s5 =	simm.s32 $_size__tile_overlayer_lowered;
	s6 =	simm.s32 $_tile_overlayer_lowered  }
0xa1: {  	s21 =	simm.s32 $0x1BFF;
	s20 =	sshll.u32 s6, $0x1;
	s3 =	sadd.s32 s18, s17  }
0xa2: {  	s7 =	simm.s32 $0x0;
	s19 =	sshll.u32 s5, $0x1;
	s5 =	sadd.s32 s20, s3  }
0xa3: {  	[timem:s7], [sflag:s21] =	dma.local [hbm:s5], s19  }
0xa4: {  	_ =	swait.ge [sflag:s21], s19  }
0xa5: {  	s4 =	ssub.s32 $0x0, s19;
	[sflag:s21] =	ssyncset.done $0x0  }
0xa6: {  	[sflag:s21] =	ssyncadd.s32 s4;
	_ =	sdelay $0x1  }
0xa7: {  	s22 =	simm.s32 $0x1B8B  }
0xa8: {  	_ =	swait.ge [sflag:s22], $0x1  }
0xa9: {  	[sflag:s22] =	ssyncset.done $0x0  }
0xaa: {  	s23 =	sld [smem:$0x3FFE];
	[sflag:s22] =	ssyncadd.s32 $0xFFFFFFFF  }
0xab: {  	s25 =	simm.s32 $0x1B8E;
	s24 =	sld [smem:$0x0]  }
0xac: {  	s26 =	simm.s32 $execute0_lowered;
	[smem:$0x3FD2] =	sst s25  }
0xad: {  	s6 =	sshll.u32 s26, $0x1;
	_ =	strace $0x80000046;
	[dreg:$0x1] =	wrdreg $0xFFFFFFFF  }
0xae: {  	s28 =	simm.s32 $_size_execute0_lowered;
	s3 =	sadd.s32 s3, s6;
	[dreg:$0x0] =	wrdreg $0x0  }
0xaf: {  	s6 =	sshll.u32 s28, $0x1;
	[dreg:$0x2] =	wrdreg s3  }
0xb0: {  	[dreg:$0x3] =	wrdreg s6  }
0xb1: {  	[dreg:$0x4] =	wrdreg $0xC0  }
0xb2: {  	_ =	task [dreg:s7], $0x5FFFF  }
0xb3: {  	[dreg:$0x1] =	wrdreg $0xFFFFFFFF  }
0xb4: {  	[dreg:$0x0] =	wrdreg $0x60  }
0xb5: {  	[dreg:$0x2] =	wrdreg s23  }
0xb6: {  	[dreg:$0x3] =	wrdreg s15  }
0xb7: {  	[dreg:$0x4] =	wrdreg s1  }
0xb8: {  	[dreg:$0x5] =	wrdreg s24  }
0xb9: {  	[dreg:$0x6] =	wrdreg $0x9  }
0xba: {  	_ =	task.clear_ibuf [dreg:s7], $0x7FFFF;
	_ =	strace $0x90000046  }
0xbb: {  	s29 =	simm.s32 $0x9;
	_ =	strace $0x80000048  }
0xbc: {  	_ =	swait.ge [sflag:s29], $0x1  }
0xbd: {  	[sflag:s29] =	ssyncadd.s32 $0xFFFFFFFF  }
0xbe: {  	_ =	strace $0x90000048  }
0xbf: {  	_ =	sfence  }
0xc0: {  	s30 =	sld [smem:$0x0];
	_ =	sdelay $0x2  }
0xc1: {  	s31 =	sshll.u32 s1, $0xD;
	s1 =	sshrl.u32 s1, $0x2  }
0xc2: {  	s3 =	sand.u32 $0x4000, s31;
	s1 =	sadd.s32 s1, s30  }
0xc3: {  	s0 =	sor.u32 s3, s0;
	s1 =	sshll.u32 s1, $0x11  }
0xc4: {  	s0 =	sor.u32 s1, s0  }
0xc5: {  	s0 =	sadd.s32 $0x8F2B, s0  }
0xc6: {  	[sflag:s0] =	ssyncadd.remote.s32 $0x1  }
0xc7: {  	_ =	sfence.sel $0xFFFF  }
0xc8: {  	[dreg:$0x0] =	wrdreg $0xFFFFFFFF;
	(pc) =	sbr.abs _section_cstart, $3  }
0xc9: {  	[dreg:$0x1] =	wrdreg $0xFFFFFFFF  }
0xca: {  	_ =	task.clear_ibuf [dreg:s7], $0x2FFFF;
	_ =	strace $0x9FFFFFFF  }
0xcb: {  	(tm) =	ssettm $0x7FFFFFFF  }
tec
execute0_lowered:
.L_overlay_start_1:
0x0: {  	(tag) =	ssettag $0x1  }
0x1: {  	s5 =	rddreg [dreg:$0x0]  }
0x2: {  	s4 =	rddreg [dreg:$0x1]  }
0x3: {  	s2 =	rddreg [dreg:$0x2];
	_ =	strace $0x80000047;
	s3 =	simm.s32 $0x1  }
0x4: {  	v0 =	vimm.s32 $0x0;
	[sflag:s3] =	ssyncpa.u1 $0x0  }
0x5: {  	[tilespmem:$0x68] =	vst v0  }
0x6: {  	[tilespmem:$0x78] =	vst v0  }
0x7: {  	[tilespmem:$0x88] =	vst v0  }
0x8: {  	[tilespmem:$0x98] =	vst v0  }
0x9: {  	[tilespmem:$0xA8] =	vst v0  }
0xa: {  	[tilespmem:$0xB8] =	vst v0  }
0xb: {  	[tilespmem:$0xC8] =	vst v0  }
0xc: {  	[tilespmem:$0xD8] =	vst v0  }
0xd: {  	[tilespmem:$0xE8] =	vst v0  }
0xe: {  	[tilespmem:$0xF8] =	vst v0  }
0xf: {  	[tilespmem:$0x108] =	vst v0  }
0x10: {  	[tilespmem:$0x118] =	vst v0  }
0x11: {  	[tilespmem:$0x128] =	vst v0  }
0x12: {  	[tilespmem:$0x138] =	vst v0  }
0x13: {  	[tilespmem:$0x148] =	vst v0  }
0x14: {  	[tilespmem:$0x158] =	vst v0  }
0x15: {  	[tilespmem:$0x168] =	vst v0  }
0x16: {  	[tilespmem:$0x178] =	vst v0  }
0x17: {  	[tilespmem:$0x188] =	vst v0  }
0x18: {  	[tilespmem:$0x198] =	vst v0  }
0x19: {  	[tilespmem:$0x1A8] =	vst v0  }
0x1a: {  	[tilespmem:$0x1B8] =	vst v0  }
0x1b: {  	[tilespmem:$0x1C8] =	vst v0  }
0x1c: {  	[tilespmem:$0x1D8] =	vst v0  }
0x1d: {  	[tilespmem:$0x1E8] =	vst v0  }
0x1e: {  	[tilespmem:$0x1F8] =	vst v0  }
0x1f: {  	[tilespmem:$0x208] =	vst v0  }
0x20: {  	[tilespmem:$0x218] =	vst v0  }
0x21: {  	[tilespmem:$0x228] =	vst v0  }
0x22: {  	[tilespmem:$0x238] =	vst v0  }
0x23: {  	[tilespmem:$0x248] =	vst v0  }
0x24: {  	[tilespmem:$0x258] =	vst v0  }
0x25: {  	[tilespmem:$0x268] =	vst v0  }
0x26: {  	[tilespmem:$0x278] =	vst v0  }
0x27: {  	[tilespmem:$0x288] =	vst v0  }
0x28: {  	[tilespmem:$0x298] =	vst v0  }
0x29: {  	[tilespmem:$0x2A8] =	vst v0  }
0x2a: {  	[tilespmem:$0x2B8] =	vst v0  }
0x2b: {  	[tilespmem:$0x2C8] =	vst v0  }
0x2c: {  	[tilespmem:$0x2D8] =	vst v0  }
0x2d: {  	[tilespmem:$0x2E8] =	vst v0  }
0x2e: {  	[tilespmem:$0x2F8] =	vst v0  }
0x2f: {  	[tilespmem:$0x308] =	vst v0  }
0x30: {  	[tilespmem:$0x318] =	vst v0  }
0x31: {  	[tilespmem:$0x328] =	vst v0  }
0x32: {  	[tilespmem:$0x338] =	vst v0  }
0x33: {  	[tilespmem:$0x348] =	vst v0  }
0x34: {  	[tilespmem:$0x358] =	vst v0  }
0x35: {  	[tilespmem:$0x368] =	vst v0  }
0x36: {  	[tilespmem:$0x378] =	vst v0  }
0x37: {  	[tilespmem:$0x388] =	vst v0  }
0x38: {  	[tilespmem:$0x398] =	vst v0  }
0x39: {  	[tilespmem:$0x3A8] =	vst v0  }
0x3a: {  	[tilespmem:$0x3B8] =	vst v0  }
0x3b: {  	[tilespmem:$0x3C8] =	vst v0  }
0x3c: {  	[tilespmem:$0x3D8] =	vst v0  }
0x3d: {  	[tilespmem:$0x3E8] =	vst v0  }
0x3e: {  	[tilespmem:$0x3F8] =	vst v0  }
0x3f: {  	[tilespmem:$0x408] =	vst v0  }
0x40: {  	[tilespmem:$0x418] =	vst v0  }
0x41: {  	[tilespmem:$0x428] =	vst v0  }
0x42: {  	[tilespmem:$0x438] =	vst v0  }
0x43: {  	[tilespmem:$0x448] =	vst v0  }
0x44: {  	[tilespmem:$0x458] =	vst v0  }
0x45: {  	[tilespmem:$0x468] =	vst v0  }
0x46: {  	[tilespmem:$0x478] =	vst v0  }
0x47: {  	[tilespmem:$0x488] =	vst v0  }
0x48: {  	[tilespmem:$0x498] =	vst v0  }
0x49: {  	[tilespmem:$0x4A8] =	vst v0  }
0x4a: {  	[tilespmem:$0x4B8] =	vst v0  }
0x4b: {  	[tilespmem:$0x4C8] =	vst v0  }
0x4c: {  	[tilespmem:$0x4D8] =	vst v0  }
0x4d: {  	[tilespmem:$0x4E8] =	vst v0  }
0x4e: {  	[tilespmem:$0x4F8] =	vst v0  }
0x4f: {  	[tilespmem:$0x508] =	vst v0  }
0x50: {  	[tilespmem:$0x518] =	vst v0  }
0x51: {  	[tilespmem:$0x528] =	vst v0  }
0x52: {  	[tilespmem:$0x538] =	vst v0  }
0x53: {  	[tilespmem:$0x548] =	vst v0  }
0x54: {  	[tilespmem:$0x558] =	vst v0  }
0x55: {  	[tilespmem:$0x568] =	vst v0  }
0x56: {  	[tilespmem:$0x578] =	vst v0  }
0x57: {  	[tilespmem:$0x588] =	vst v0  }
0x58: {  	[tilespmem:$0x598] =	vst v0  }
0x59: {  	[tilespmem:$0x5A8] =	vst v0  }
0x5a: {  	[tilespmem:$0x5B8] =	vst v0  }
0x5b: {  	[tilespmem:$0x5C8] =	vst v0  }
0x5c: {  	[tilespmem:$0x5D8] =	vst v0  }
0x5d: {  	[tilespmem:$0x5E8] =	vst v0  }
0x5e: {  	[tilespmem:$0x5F8] =	vst v0  }
0x5f: {  	[tilespmem:$0x608] =	vst v0  }
0x60: {  	[tilespmem:$0x618] =	vst v0  }
0x61: {  	[tilespmem:$0x628] =	vst v0  }
0x62: {  	[tilespmem:$0x638] =	vst v0  }
0x63: {  	[tilespmem:$0x648] =	vst v0  }
0x64: {  	[tilespmem:$0x658] =	vst v0  }
0x65: {  	[tilespmem:$0x668] =	vst v0  }
0x66: {  	[tilespmem:$0x678] =	vst v0  }
0x67: {  	[tilespmem:$0x688] =	vst v0  }
0x68: {  	[tilespmem:$0x698] =	vst v0  }
0x69: {  	[tilespmem:$0x6A8] =	vst v0  }
0x6a: {  	[tilespmem:$0x6B8] =	vst v0  }
0x6b: {  	[tilespmem:$0x6C8] =	vst v0  }
0x6c: {  	[tilespmem:$0x6D8] =	vst v0  }
0x6d: {  	[tilespmem:$0x6E8] =	vst v0  }
0x6e: {  	[tilespmem:$0x6F8] =	vst v0  }
0x6f: {  	[tilespmem:$0x708] =	vst v0  }
0x70: {  	[tilespmem:$0x718] =	vst v0  }
0x71: {  	[tilespmem:$0x728] =	vst v0  }
0x72: {  	[tilespmem:$0x738] =	vst v0  }
0x73: {  	[tilespmem:$0x748] =	vst v0  }
0x74: {  	[tilespmem:$0x758] =	vst v0  }
0x75: {  	[tilespmem:$0x768] =	vst v0  }
0x76: {  	[tilespmem:$0x778] =	vst v0  }
0x77: {  	[tilespmem:$0x788] =	vst v0  }
0x78: {  	[tilespmem:$0x798] =	vst v0  }
0x79: {  	[tilespmem:$0x7A8] =	vst v0  }
0x7a: {  	[tilespmem:$0x7B8] =	vst v0  }
0x7b: {  	[tilespmem:$0x7C8] =	vst v0  }
0x7c: {  	[tilespmem:$0x7D8] =	vst v0  }
0x7d: {  	[tilespmem:$0x7E8] =	vst v0  }
0x7e: {  	[tilespmem:$0x7F8] =	vst v0  }
0x7f: {  	[tilespmem:$0x808] =	vst v0  }
0x80: {  	[tilespmem:$0x818] =	vst v0  }
0x81: {  	[tilespmem:$0x828] =	vst v0  }
0x82: {  	[tilespmem:$0x838] =	vst v0  }
0x83: {  	[tilespmem:$0x848] =	vst v0  }
0x84: {  	[tilespmem:$0x858] =	vst v0  }
0x85: {  	[tilespmem:$0x868] =	vst v0  }
0x86: {  	[tilespmem:$0x878] =	vst v0  }
0x87: {  	[tilespmem:$0x888] =	vst v0  }
0x88: {  	[tilespmem:$0x898] =	vst v0  }
0x89: {  	[tilespmem:$0x8A8] =	vst v0  }
0x8a: {  	[tilespmem:$0x8B8] =	vst v0  }
0x8b: {  	[tilespmem:$0x8C8] =	vst v0  }
0x8c: {  	[tilespmem:$0x8D8] =	vst v0  }
0x8d: {  	[tilespmem:$0x8E8] =	vst v0  }
0x8e: {  	[tilespmem:$0x8F8] =	vst v0  }
0x8f: {  	[tilespmem:$0x908] =	vst v0  }
0x90: {  	[tilespmem:$0x918] =	vst v0  }
0x91: {  	[tilespmem:$0x928] =	vst v0  }
0x92: {  	[tilespmem:$0x938] =	vst v0  }
0x93: {  	[tilespmem:$0x948] =	vst v0  }
0x94: {  	[tilespmem:$0x958] =	vst v0  }
0x95: {  	[tilespmem:$0x968] =	vst v0  }
0x96: {  	[tilespmem:$0x978] =	vst v0  }
0x97: {  	[tilespmem:$0x988] =	vst v0  }
0x98: {  	[tilespmem:$0x998] =	vst v0  }
0x99: {  	[tilespmem:$0x9A8] =	vst v0  }
0x9a: {  	[tilespmem:$0x9B8] =	vst v0  }
0x9b: {  	[tilespmem:$0x9C8] =	vst v0  }
0x9c: {  	[tilespmem:$0x9D8] =	vst v0  }
0x9d: {  	[tilespmem:$0x9E8] =	vst v0  }
0x9e: {  	[tilespmem:$0x9F8] =	vst v0  }
0x9f: {  	[tilespmem:$0xA08] =	vst v0  }
0xa0: {  	[tilespmem:$0xA18] =	vst v0  }
0xa1: {  	[tilespmem:$0xA28] =	vst v0  }
0xa2: {  	[tilespmem:$0xA38] =	vst v0  }
0xa3: {  	[tilespmem:$0xA48] =	vst v0  }
0xa4: {  	[tilespmem:$0xA58] =	vst v0  }
0xa5: {  	[tilespmem:$0xA68] =	vst v0  }
0xa6: {  	[tilespmem:$0xA78] =	vst v0  }
0xa7: {  	[tilespmem:$0xA88] =	vst v0  }
0xa8: {  	[tilespmem:$0xA98] =	vst v0  }
0xa9: {  	[tilespmem:$0xAA8] =	vst v0  }
0xaa: {  	[tilespmem:$0xAB8] =	vst v0  }
0xab: {  	[tilespmem:$0xAC8] =	vst v0  }
0xac: {  	[tilespmem:$0xAD8] =	vst v0  }
0xad: {  	[tilespmem:$0xAE8] =	vst v0  }
0xae: {  	[tilespmem:$0xAF8] =	vst v0  }
0xaf: {  	[tilespmem:$0xB08] =	vst v0  }
0xb0: {  	[tilespmem:$0xB18] =	vst v0  }
0xb1: {  	[tilespmem:$0xB28] =	vst v0  }
0xb2: {  	[tilespmem:$0xB38] =	vst v0  }
0xb3: {  	[tilespmem:$0xB48] =	vst v0  }
0xb4: {  	[tilespmem:$0xB58] =	vst v0  }
0xb5: {  	[tilespmem:$0xB68] =	vst v0  }
0xb6: {  	[tilespmem:$0xB78] =	vst v0  }
0xb7: {  	[tilespmem:$0xB88] =	vst v0  }
0xb8: {  	[tilespmem:$0xB98] =	vst v0  }
0xb9: {  	[tilespmem:$0xBA8] =	vst v0  }
0xba: {  	[tilespmem:$0xBB8] =	vst v0  }
0xbb: {  	[tilespmem:$0xBC8] =	vst v0  }
0xbc: {  	[tilespmem:$0xBD8] =	vst v0  }
0xbd: {  	[tilespmem:$0xBE8] =	vst v0  }
0xbe: {  	[tilespmem:$0xBF8] =	vst v0  }
0xbf: {  	[tilespmem:$0xC08] =	vst v0  }
0xc0: {  	[tilespmem:$0xC18] =	vst v0  }
0xc1: {  	[tilespmem:$0xC28] =	vst v0  }
0xc2: {  	[tilespmem:$0xC38] =	vst v0  }
0xc3: {  	[tilespmem:$0xC48] =	vst v0  }
0xc4: {  	[tilespmem:$0xC58] =	vst v0  }
0xc5: {  	[tilespmem:$0xC68] =	vst v0  }
0xc6: {  	[tilespmem:$0xC78] =	vst v0  }
0xc7: {  	[tilespmem:$0xC88] =	vst v0  }
0xc8: {  	[tilespmem:$0xC98] =	vst v0  }
0xc9: {  	[tilespmem:$0xCA8] =	vst v0  }
0xca: {  	[tilespmem:$0xCB8] =	vst v0  }
0xcb: {  	[tilespmem:$0xCC8] =	vst v0  }
0xcc: {  	[tilespmem:$0xCD8] =	vst v0  }
0xcd: {  	[tilespmem:$0xCE8] =	vst v0  }
0xce: {  	[tilespmem:$0xCF8] =	vst v0  }
0xcf: {  	[tilespmem:$0xD08] =	vst v0  }
0xd0: {  	[tilespmem:$0xD18] =	vst v0  }
0xd1: {  	[tilespmem:$0xD28] =	vst v0  }
0xd2: {  	[tilespmem:$0xD38] =	vst v0  }
0xd3: {  	[tilespmem:$0xD48] =	vst v0  }
0xd4: {  	[tilespmem:$0xD58] =	vst v0  }
0xd5: {  	[tilespmem:$0xD68] =	vst v0  }
0xd6: {  	[tilespmem:$0xD78] =	vst v0  }
0xd7: {  	[tilespmem:$0xD88] =	vst v0  }
0xd8: {  	[tilespmem:$0xD98] =	vst v0  }
0xd9: {  	[tilespmem:$0xDA8] =	vst v0  }
0xda: {  	[tilespmem:$0xDB8] =	vst v0  }
0xdb: {  	[tilespmem:$0xDC8] =	vst v0  }
0xdc: {  	[tilespmem:$0xDD8] =	vst v0  }
0xdd: {  	[tilespmem:$0xDE8] =	vst v0  }
0xde: {  	[tilespmem:$0xDF8] =	vst v0  }
0xdf: {  	[tilespmem:$0xE08] =	vst v0  }
0xe0: {  	[tilespmem:$0xE18] =	vst v0  }
0xe1: {  	[tilespmem:$0xE28] =	vst v0  }
0xe2: {  	[tilespmem:$0xE38] =	vst v0  }
0xe3: {  	[tilespmem:$0xE48] =	vst v0  }
0xe4: {  	[tilespmem:$0xE58] =	vst v0  }
0xe5: {  	[tilespmem:$0xE68] =	vst v0  }
0xe6: {  	[tilespmem:$0xE78] =	vst v0  }
0xe7: {  	[tilespmem:$0xE88] =	vst v0  }
0xe8: {  	[tilespmem:$0xE98] =	vst v0  }
0xe9: {  	[tilespmem:$0xEA8] =	vst v0  }
0xea: {  	[tilespmem:$0xEB8] =	vst v0  }
0xeb: {  	[tilespmem:$0xEC8] =	vst v0  }
0xec: {  	[tilespmem:$0xED8] =	vst v0  }
0xed: {  	[tilespmem:$0xEE8] =	vst v0  }
0xee: {  	[tilespmem:$0xEF8] =	vst v0  }
0xef: {  	[tilespmem:$0xF08] =	vst v0  }
0xf0: {  	[tilespmem:$0xF18] =	vst v0  }
0xf1: {  	[tilespmem:$0xF28] =	vst v0  }
0xf2: {  	[tilespmem:$0xF38] =	vst v0  }
0xf3: {  	[tilespmem:$0xF48] =	vst v0  }
0xf4: {  	[tilespmem:$0xF58] =	vst v0  }
0xf5: {  	[tilespmem:$0xF68] =	vst v0  }
0xf6: {  	[tilespmem:$0xF78] =	vst v0  }
0xf7: {  	[tilespmem:$0xF88] =	vst v0  }
0xf8: {  	[tilespmem:$0xF98] =	vst v0  }
0xf9: {  	[tilespmem:$0xFA8] =	vst v0  }
0xfa: {  	[tilespmem:$0xFB8] =	vst v0  }
0xfb: {  	[tilespmem:$0xFC8] =	vst v0  }
0xfc: {  	[tilespmem:$0xFD8] =	vst v0  }
0xfd: {  	[tilespmem:$0xFE8] =	vst v0  }
0xfe: {  	[tilespmem:$0xFF8] =	vst v0  }
0xff: {  	[tilespmem:$0x1008] =	vst v0  }
0x100: {  	[tilespmem:$0x1018] =	vst v0  }
0x101: {  	[tilespmem:$0x1028] =	vst v0  }
0x102: {  	[tilespmem:$0x1038] =	vst v0  }
0x103: {  	[tilespmem:$0x1048] =	vst v0  }
0x104: {  	[tilespmem:$0x1058] =	vst v0  }
0x105: {  	[tilespmem:$0x1068] =	vst v0  }
0x106: {  	[tilespmem:$0x1078] =	vst v0  }
0x107: {  	[tilespmem:$0x1088] =	vst v0  }
0x108: {  	[tilespmem:$0x1098] =	vst v0  }
0x109: {  	[tilespmem:$0x10A8] =	vst v0  }
0x10a: {  	[tilespmem:$0x10B8] =	vst v0  }
0x10b: {  	[tilespmem:$0x10C8] =	vst v0  }
0x10c: {  	[tilespmem:$0x10D8] =	vst v0  }
0x10d: {  	[tilespmem:$0x10E8] =	vst v0  }
0x10e: {  	[tilespmem:$0x10F8] =	vst v0  }
0x10f: {  	[tilespmem:$0x1108] =	vst v0  }
0x110: {  	[tilespmem:$0x1118] =	vst v0  }
0x111: {  	[tilespmem:$0x1128] =	vst v0  }
0x112: {  	[tilespmem:$0x1138] =	vst v0  }
0x113: {  	[tilespmem:$0x1148] =	vst v0  }
0x114: {  	[tilespmem:$0x1158] =	vst v0  }
0x115: {  	[tilespmem:$0x1168] =	vst v0  }
0x116: {  	[tilespmem:$0x1178] =	vst v0  }
0x117: {  	[tilespmem:$0x1188] =	vst v0  }
0x118: {  	[tilespmem:$0x1198] =	vst v0  }
0x119: {  	[tilespmem:$0x11A8] =	vst v0  }
0x11a: {  	[tilespmem:$0x11B8] =	vst v0  }
0x11b: {  	[tilespmem:$0x11C8] =	vst v0  }
0x11c: {  	[tilespmem:$0x11D8] =	vst v0  }
0x11d: {  	[tilespmem:$0x11E8] =	vst v0  }
0x11e: {  	[tilespmem:$0x11F8] =	vst v0  }
0x11f: {  	[tilespmem:$0x1208] =	vst v0  }
0x120: {  	[tilespmem:$0x1218] =	vst v0  }
0x121: {  	[tilespmem:$0x1228] =	vst v0  }
0x122: {  	[tilespmem:$0x1238] =	vst v0  }
0x123: {  	[tilespmem:$0x1248] =	vst v0  }
0x124: {  	[tilespmem:$0x1258] =	vst v0  }
0x125: {  	[tilespmem:$0x1268] =	vst v0  }
0x126: {  	[tilespmem:$0x1278] =	vst v0  }
0x127: {  	[tilespmem:$0x1288] =	vst v0  }
0x128: {  	[tilespmem:$0x1298] =	vst v0  }
0x129: {  	[tilespmem:$0x12A8] =	vst v0  }
0x12a: {  	[tilespmem:$0x12B8] =	vst v0  }
0x12b: {  	[tilespmem:$0x12C8] =	vst v0  }
0x12c: {  	[tilespmem:$0x12D8] =	vst v0  }
0x12d: {  	[tilespmem:$0x12E8] =	vst v0  }
0x12e: {  	[tilespmem:$0x12F8] =	vst v0  }
0x12f: {  	[tilespmem:$0x1308] =	vst v0  }
0x130: {  	[tilespmem:$0x1318] =	vst v0  }
0x131: {  	[tilespmem:$0x1328] =	vst v0  }
0x132: {  	[tilespmem:$0x1338] =	vst v0  }
0x133: {  	[tilespmem:$0x1348] =	vst v0  }
0x134: {  	[tilespmem:$0x1358] =	vst v0  }
0x135: {  	[tilespmem:$0x1368] =	vst v0  }
0x136: {  	[tilespmem:$0x1378] =	vst v0  }
0x137: {  	[tilespmem:$0x1388] =	vst v0  }
0x138: {  	[tilespmem:$0x1398] =	vst v0  }
0x139: {  	[tilespmem:$0x13A8] =	vst v0  }
0x13a: {  	[tilespmem:$0x13B8] =	vst v0  }
0x13b: {  	[tilespmem:$0x13C8] =	vst v0  }
0x13c: {  	[tilespmem:$0x13D8] =	vst v0  }
0x13d: {  	[tilespmem:$0x13E8] =	vst v0  }
0x13e: {  	[tilespmem:$0x13F8] =	vst v0  }
0x13f: {  	[tilespmem:$0x1408] =	vst v0  }
0x140: {  	[tilespmem:$0x1418] =	vst v0  }
0x141: {  	[tilespmem:$0x1428] =	vst v0  }
0x142: {  	[tilespmem:$0x1438] =	vst v0  }
0x143: {  	[tilespmem:$0x1448] =	vst v0  }
0x144: {  	[tilespmem:$0x1458] =	vst v0  }
0x145: {  	[tilespmem:$0x2388] =	vst v0  }
0x146: {  	[tilespmem:$0x2398] =	vst v0  }
0x147: {  	[tilespmem:$0x1468] =	vst v0  }
0x148: {  	[tilespmem:$0x1478] =	vst v0  }
0x149: {  	[tilespmem:$0x1488] =	vst v0  }
0x14a: {  	[tilespmem:$0x1498] =	vst v0  }
0x14b: {  	[tilespmem:$0x14A8] =	vst v0  }
0x14c: {  	[tilespmem:$0x14B8] =	vst v0  }
0x14d: {  	[tilespmem:$0x14C8] =	vst v0  }
0x14e: {  	[tilespmem:$0x14D8] =	vst v0  }
0x14f: {  	[tilespmem:$0x14E8] =	vst v0  }
0x150: {  	[tilespmem:$0x14F8] =	vst v0  }
0x151: {  	[tilespmem:$0x1508] =	vst v0  }
0x152: {  	[tilespmem:$0x1518] =	vst v0  }
0x153: {  	[tilespmem:$0x1528] =	vst v0  }
0x154: {  	[tilespmem:$0x1538] =	vst v0  }
0x155: {  	[tilespmem:$0x1548] =	vst v0  }
0x156: {  	[tilespmem:$0x1558] =	vst v0  }
0x157: {  	[tilespmem:$0x1568] =	vst v0  }
0x158: {  	[tilespmem:$0x1578] =	vst v0  }
0x159: {  	[tilespmem:$0x1588] =	vst v0  }
0x15a: {  	[tilespmem:$0x1598] =	vst v0  }
0x15b: {  	[tilespmem:$0x15A8] =	vst v0  }
0x15c: {  	[tilespmem:$0x15B8] =	vst v0  }
0x15d: {  	[tilespmem:$0x15C8] =	vst v0  }
0x15e: {  	[tilespmem:$0x15D8] =	vst v0  }
0x15f: {  	[tilespmem:$0x15E8] =	vst v0  }
0x160: {  	[tilespmem:$0x15F8] =	vst v0  }
0x161: {  	[tilespmem:$0x1608] =	vst v0  }
0x162: {  	[tilespmem:$0x1618] =	vst v0  }
0x163: {  	[tilespmem:$0x1628] =	vst v0  }
0x164: {  	[tilespmem:$0x1638] =	vst v0  }
0x165: {  	[tilespmem:$0x1648] =	vst v0  }
0x166: {  	[tilespmem:$0x1658] =	vst v0  }
0x167: {  	[tilespmem:$0x1668] =	vst v0  }
0x168: {  	[tilespmem:$0x1678] =	vst v0  }
0x169: {  	[tilespmem:$0x1688] =	vst v0  }
0x16a: {  	[tilespmem:$0x1698] =	vst v0  }
0x16b: {  	[tilespmem:$0x16A8] =	vst v0  }
0x16c: {  	[tilespmem:$0x16B8] =	vst v0  }
0x16d: {  	[tilespmem:$0x16C8] =	vst v0  }
0x16e: {  	[tilespmem:$0x16D8] =	vst v0  }
0x16f: {  	[tilespmem:$0x16E8] =	vst v0  }
0x170: {  	[tilespmem:$0x16F8] =	vst v0  }
0x171: {  	[tilespmem:$0x1708] =	vst v0  }
0x172: {  	[tilespmem:$0x1718] =	vst v0  }
0x173: {  	[tilespmem:$0x1728] =	vst v0  }
0x174: {  	[tilespmem:$0x1738] =	vst v0  }
0x175: {  	[tilespmem:$0x1748] =	vst v0  }
0x176: {  	[tilespmem:$0x1758] =	vst v0  }
0x177: {  	[tilespmem:$0x1768] =	vst v0  }
0x178: {  	[tilespmem:$0x1778] =	vst v0  }
0x179: {  	[tilespmem:$0x1788] =	vst v0  }
0x17a: {  	[tilespmem:$0x1798] =	vst v0  }
0x17b: {  	[tilespmem:$0x17A8] =	vst v0  }
0x17c: {  	[tilespmem:$0x17B8] =	vst v0  }
0x17d: {  	[tilespmem:$0x17C8] =	vst v0  }
0x17e: {  	[tilespmem:$0x17D8] =	vst v0  }
0x17f: {  	[tilespmem:$0x17E8] =	vst v0  }
0x180: {  	[tilespmem:$0x17F8] =	vst v0  }
0x181: {  	[tilespmem:$0x1808] =	vst v0  }
0x182: {  	[tilespmem:$0x1818] =	vst v0  }
0x183: {  	[tilespmem:$0x1828] =	vst v0  }
0x184: {  	[tilespmem:$0x1838] =	vst v0  }
0x185: {  	[tilespmem:$0x1848] =	vst v0  }
0x186: {  	[tilespmem:$0x1858] =	vst v0  }
0x187: {  	[tilespmem:$0x1868] =	vst v0  }
0x188: {  	[tilespmem:$0x1878] =	vst v0  }
0x189: {  	[tilespmem:$0x1888] =	vst v0  }
0x18a: {  	[tilespmem:$0x1898] =	vst v0  }
0x18b: {  	[tilespmem:$0x18A8] =	vst v0  }
0x18c: {  	[tilespmem:$0x18B8] =	vst v0  }
0x18d: {  	[tilespmem:$0x18C8] =	vst v0  }
0x18e: {  	[tilespmem:$0x18D8] =	vst v0  }
0x18f: {  	[tilespmem:$0x18E8] =	vst v0  }
0x190: {  	[tilespmem:$0x18F8] =	vst v0  }
0x191: {  	[tilespmem:$0x1908] =	vst v0  }
0x192: {  	[tilespmem:$0x1918] =	vst v0  }
0x193: {  	[tilespmem:$0x1928] =	vst v0  }
0x194: {  	[tilespmem:$0x1938] =	vst v0  }
0x195: {  	[tilespmem:$0x1948] =	vst v0  }
0x196: {  	[tilespmem:$0x1958] =	vst v0  }
0x197: {  	[tilespmem:$0x1968] =	vst v0  }
0x198: {  	[tilespmem:$0x1978] =	vst v0  }
0x199: {  	[tilespmem:$0x1988] =	vst v0  }
0x19a: {  	[tilespmem:$0x1998] =	vst v0  }
0x19b: {  	[tilespmem:$0x19A8] =	vst v0  }
0x19c: {  	[tilespmem:$0x19B8] =	vst v0  }
0x19d: {  	[tilespmem:$0x19C8] =	vst v0  }
0x19e: {  	[tilespmem:$0x19D8] =	vst v0  }
0x19f: {  	[tilespmem:$0x19E8] =	vst v0  }
0x1a0: {  	[tilespmem:$0x19F8] =	vst v0  }
0x1a1: {  	[tilespmem:$0x1A08] =	vst v0  }
0x1a2: {  	[tilespmem:$0x1A18] =	vst v0  }
0x1a3: {  	[tilespmem:$0x1A28] =	vst v0  }
0x1a4: {  	[tilespmem:$0x1A38] =	vst v0  }
0x1a5: {  	[tilespmem:$0x1A48] =	vst v0  }
0x1a6: {  	[tilespmem:$0x1A58] =	vst v0  }
0x1a7: {  	[tilespmem:$0x1A68] =	vst v0  }
0x1a8: {  	[tilespmem:$0x1A78] =	vst v0  }
0x1a9: {  	[tilespmem:$0x1A88] =	vst v0  }
0x1aa: {  	[tilespmem:$0x1A98] =	vst v0  }
0x1ab: {  	[tilespmem:$0x1AA8] =	vst v0  }
0x1ac: {  	[tilespmem:$0x1AB8] =	vst v0  }
0x1ad: {  	[tilespmem:$0x1AC8] =	vst v0  }
0x1ae: {  	[tilespmem:$0x1AD8] =	vst v0  }
0x1af: {  	[tilespmem:$0x1AE8] =	vst v0  }
0x1b0: {  	[tilespmem:$0x1AF8] =	vst v0  }
0x1b1: {  	[tilespmem:$0x1B08] =	vst v0  }
0x1b2: {  	[tilespmem:$0x1B18] =	vst v0  }
0x1b3: {  	[tilespmem:$0x1B28] =	vst v0  }
0x1b4: {  	[tilespmem:$0x1B38] =	vst v0  }
0x1b5: {  	[tilespmem:$0x1B48] =	vst v0  }
0x1b6: {  	[tilespmem:$0x1B58] =	vst v0  }
0x1b7: {  	[tilespmem:$0x1B68] =	vst v0  }
0x1b8: {  	[tilespmem:$0x1B78] =	vst v0  }
0x1b9: {  	[tilespmem:$0x1B88] =	vst v0  }
0x1ba: {  	[tilespmem:$0x1B98] =	vst v0  }
0x1bb: {  	[tilespmem:$0x1BA8] =	vst v0  }
0x1bc: {  	[tilespmem:$0x1BB8] =	vst v0  }
0x1bd: {  	[tilespmem:$0x1BC8] =	vst v0  }
0x1be: {  	[tilespmem:$0x1BD8] =	vst v0  }
0x1bf: {  	[tilespmem:$0x1BE8] =	vst v0  }
0x1c0: {  	[tilespmem:$0x1BF8] =	vst v0  }
0x1c1: {  	[tilespmem:$0x1C08] =	vst v0  }
0x1c2: {  	[tilespmem:$0x1C18] =	vst v0  }
0x1c3: {  	[tilespmem:$0x1C28] =	vst v0  }
0x1c4: {  	[tilespmem:$0x1C38] =	vst v0  }
0x1c5: {  	[tilespmem:$0x1C48] =	vst v0  }
0x1c6: {  	[tilespmem:$0x1C58] =	vst v0  }
0x1c7: {  	[tilespmem:$0x1C68] =	vst v0  }
0x1c8: {  	[tilespmem:$0x1C78] =	vst v0  }
0x1c9: {  	[tilespmem:$0x1C88] =	vst v0  }
0x1ca: {  	[tilespmem:$0x1C98] =	vst v0  }
0x1cb: {  	[tilespmem:$0x1CA8] =	vst v0  }
0x1cc: {  	[tilespmem:$0x1CB8] =	vst v0  }
0x1cd: {  	[tilespmem:$0x1CC8] =	vst v0  }
0x1ce: {  	[tilespmem:$0x1CD8] =	vst v0  }
0x1cf: {  	[tilespmem:$0x1CE8] =	vst v0  }
0x1d0: {  	[tilespmem:$0x1CF8] =	vst v0  }
0x1d1: {  	[tilespmem:$0x1D08] =	vst v0  }
0x1d2: {  	[tilespmem:$0x1D18] =	vst v0  }
0x1d3: {  	[tilespmem:$0x1D28] =	vst v0  }
0x1d4: {  	[tilespmem:$0x1D38] =	vst v0  }
0x1d5: {  	[tilespmem:$0x1D48] =	vst v0  }
0x1d6: {  	[tilespmem:$0x1D58] =	vst v0  }
0x1d7: {  	[tilespmem:$0x1D68] =	vst v0  }
0x1d8: {  	[tilespmem:$0x1D78] =	vst v0  }
0x1d9: {  	[tilespmem:$0x1D88] =	vst v0  }
0x1da: {  	[tilespmem:$0x1D98] =	vst v0  }
0x1db: {  	[tilespmem:$0x1DA8] =	vst v0  }
0x1dc: {  	[tilespmem:$0x1DB8] =	vst v0  }
0x1dd: {  	[tilespmem:$0x1DC8] =	vst v0  }
0x1de: {  	[tilespmem:$0x1DD8] =	vst v0  }
0x1df: {  	[tilespmem:$0x1DE8] =	vst v0  }
0x1e0: {  	[tilespmem:$0x1DF8] =	vst v0  }
0x1e1: {  	[tilespmem:$0x1E08] =	vst v0  }
0x1e2: {  	[tilespmem:$0x1E18] =	vst v0  }
0x1e3: {  	[tilespmem:$0x1E28] =	vst v0  }
0x1e4: {  	[tilespmem:$0x1E38] =	vst v0  }
0x1e5: {  	[tilespmem:$0x1E48] =	vst v0  }
0x1e6: {  	[tilespmem:$0x1E58] =	vst v0  }
0x1e7: {  	[tilespmem:$0x1E68] =	vst v0  }
0x1e8: {  	[tilespmem:$0x1E78] =	vst v0  }
0x1e9: {  	[tilespmem:$0x1E88] =	vst v0  }
0x1ea: {  	[tilespmem:$0x1E98] =	vst v0  }
0x1eb: {  	[tilespmem:$0x1EA8] =	vst v0  }
0x1ec: {  	[tilespmem:$0x1EB8] =	vst v0  }
0x1ed: {  	[tilespmem:$0x1EC8] =	vst v0  }
0x1ee: {  	[tilespmem:$0x1ED8] =	vst v0  }
0x1ef: {  	[tilespmem:$0x1EE8] =	vst v0  }
0x1f0: {  	[tilespmem:$0x1EF8] =	vst v0  }
0x1f1: {  	[tilespmem:$0x1F08] =	vst v0  }
0x1f2: {  	[tilespmem:$0x1F18] =	vst v0  }
0x1f3: {  	[tilespmem:$0x1F28] =	vst v0  }
0x1f4: {  	[tilespmem:$0x1F38] =	vst v0  }
0x1f5: {  	[tilespmem:$0x1F48] =	vst v0  }
0x1f6: {  	[tilespmem:$0x1F58] =	vst v0  }
0x1f7: {  	[tilespmem:$0x1F68] =	vst v0  }
0x1f8: {  	[tilespmem:$0x1F78] =	vst v0  }
0x1f9: {  	[tilespmem:$0x1F88] =	vst v0  }
0x1fa: {  	[tilespmem:$0x1F98] =	vst v0  }
0x1fb: {  	[tilespmem:$0x1FA8] =	vst v0  }
0x1fc: {  	[tilespmem:$0x1FB8] =	vst v0  }
0x1fd: {  	[tilespmem:$0x1FC8] =	vst v0  }
0x1fe: {  	[tilespmem:$0x1FD8] =	vst v0  }
0x1ff: {  	[tilespmem:$0x1FE8] =	vst v0  }
0x200: {  	[tilespmem:$0x1FF8] =	vst v0  }
0x201: {  	[tilespmem:$0x2008] =	vst v0  }
0x202: {  	[tilespmem:$0x2018] =	vst v0  }
0x203: {  	[tilespmem:$0x2028] =	vst v0  }
0x204: {  	[tilespmem:$0x2038] =	vst v0  }
0x205: {  	[tilespmem:$0x2048] =	vst v0  }
0x206: {  	[tilespmem:$0x2058] =	vst v0  }
0x207: {  	[tilespmem:$0x2068] =	vst v0  }
0x208: {  	[tilespmem:$0x2078] =	vst v0  }
0x209: {  	[tilespmem:$0x2088] =	vst v0  }
0x20a: {  	[tilespmem:$0x2098] =	vst v0  }
0x20b: {  	[tilespmem:$0x20A8] =	vst v0  }
0x20c: {  	[tilespmem:$0x20B8] =	vst v0  }
0x20d: {  	[tilespmem:$0x20C8] =	vst v0  }
0x20e: {  	[tilespmem:$0x20D8] =	vst v0  }
0x20f: {  	[tilespmem:$0x20E8] =	vst v0  }
0x210: {  	[tilespmem:$0x20F8] =	vst v0  }
0x211: {  	[tilespmem:$0x2108] =	vst v0  }
0x212: {  	[tilespmem:$0x2118] =	vst v0  }
0x213: {  	[tilespmem:$0x2128] =	vst v0  }
0x214: {  	[tilespmem:$0x2138] =	vst v0  }
0x215: {  	[tilespmem:$0x2148] =	vst v0  }
0x216: {  	[tilespmem:$0x2158] =	vst v0  }
0x217: {  	[tilespmem:$0x2168] =	vst v0  }
0x218: {  	[tilespmem:$0x2178] =	vst v0  }
0x219: {  	[tilespmem:$0x2188] =	vst v0  }
0x21a: {  	[tilespmem:$0x2198] =	vst v0  }
0x21b: {  	[tilespmem:$0x21A8] =	vst v0  }
0x21c: {  	[tilespmem:$0x21B8] =	vst v0  }
0x21d: {  	[tilespmem:$0x21C8] =	vst v0  }
0x21e: {  	[tilespmem:$0x21D8] =	vst v0  }
0x21f: {  	[tilespmem:$0x21E8] =	vst v0  }
0x220: {  	[tilespmem:$0x21F8] =	vst v0  }
0x221: {  	[tilespmem:$0x2208] =	vst v0  }
0x222: {  	[tilespmem:$0x2218] =	vst v0  }
0x223: {  	[tilespmem:$0x2228] =	vst v0  }
0x224: {  	[tilespmem:$0x2238] =	vst v0  }
0x225: {  	[tilespmem:$0x2248] =	vst v0  }
0x226: {  	[tilespmem:$0x2258] =	vst v0  }
0x227: {  	[tilespmem:$0x2268] =	vst v0  }
0x228: {  	[tilespmem:$0x2278] =	vst v0  }
0x229: {  	[tilespmem:$0x2288] =	vst v0  }
0x22a: {  	[tilespmem:$0x2298] =	vst v0  }
0x22b: {  	[tilespmem:$0x22A8] =	vst v0  }
0x22c: {  	[tilespmem:$0x22B8] =	vst v0  }
0x22d: {  	[tilespmem:$0x22C8] =	vst v0  }
0x22e: {  	[tilespmem:$0x22D8] =	vst v0  }
0x22f: {  	[tilespmem:$0x22E8] =	vst v0  }
0x230: {  	[tilespmem:$0x22F8] =	vst v0  }
0x231: {  	[tilespmem:$0x2308] =	vst v0  }
0x232: {  	[tilespmem:$0x2318] =	vst v0  }
0x233: {  	[tilespmem:$0x2328] =	vst v0  }
0x234: {  	[tilespmem:$0x2338] =	vst v0  }
0x235: {  	[tilespmem:$0x2348] =	vst v0  }
0x236: {  	[tilespmem:$0x2358] =	vst v0  }
0x237: {  	[tilespmem:$0x2368] =	vst v0  }
0x238: {  	[tilespmem:$0x2378] =	vst v0  }
0x239: {  	[tilespmem:$0x23A8] =	vst v0  }
0x23a: {  	[tilespmem:$0x23B8] =	vst v0  }
0x23b: {  	[tilespmem:$0x23C8] =	vst v0  }
0x23c: {  	[tilespmem:$0x23D8] =	vst v0  }
0x23d: {  	[tilespmem:$0x23E8] =	vst v0  }
0x23e: {  	[tilespmem:$0x23F8] =	vst v0  }
0x23f: {  	[tilespmem:$0x2408] =	vst v0  }
0x240: {  	[tilespmem:$0x2418] =	vst v0  }
0x241: {  	[tilespmem:$0x2428] =	vst v0  }
0x242: {  	[tilespmem:$0x2438] =	vst v0  }
0x243: {  	[tilespmem:$0x2448] =	vst v0  }
0x244: {  	[tilespmem:$0x2458] =	vst v0  }
0x245: {  	[tilespmem:$0x2468] =	vst v0  }
0x246: {  	[tilespmem:$0x2478] =	vst v0  }
0x247: {  	[tilespmem:$0x2488] =	vst v0  }
0x248: {  	[tilespmem:$0x2498] =	vst v0  }
0x249: {  	[tilespmem:$0x24A8] =	vst v0  }
0x24a: {  	[tilespmem:$0x24B8] =	vst v0  }
0x24b: {  	[tilespmem:$0x24C8] =	vst v0  }
0x24c: {  	[tilespmem:$0x24D8] =	vst v0  }
0x24d: {  	[tilespmem:$0x24E8] =	vst v0  }
0x24e: {  	[tilespmem:$0x24F8] =	vst v0  }
0x24f: {  	[tilespmem:$0x2508] =	vst v0  }
0x250: {  	[tilespmem:$0x2518] =	vst v0  }
0x251: {  	[tilespmem:$0x2528] =	vst v0  }
0x252: {  	[tilespmem:$0x2538] =	vst v0  }
0x253: {  	[tilespmem:$0x2548] =	vst v0  }
0x254: {  	[tilespmem:$0x2558] =	vst v0  }
0x255: {  	[tilespmem:$0x2568] =	vst v0  }
0x256: {  	[tilespmem:$0x2578] =	vst v0  }
0x257: {  	[tilespmem:$0x2588] =	vst v0  }
0x258: {  	[tilespmem:$0x2598] =	vst v0  }
0x259: {  	[tilespmem:$0x25A8] =	vst v0  }
0x25a: {  	[tilespmem:$0x25B8] =	vst v0  }
0x25b: {  	[tilespmem:$0x25C8] =	vst v0  }
0x25c: {  	[tilespmem:$0x25D8] =	vst v0  }
0x25d: {  	[tilespmem:$0x25E8] =	vst v0  }
0x25e: {  	[tilespmem:$0x25F8] =	vst v0  }
0x25f: {  	[tilespmem:$0x2608] =	vst v0  }
0x260: {  	[tilespmem:$0x2618] =	vst v0  }
0x261: {  	[tilespmem:$0x2628] =	vst v0  }
0x262: {  	[tilespmem:$0x2638] =	vst v0  }
0x263: {  	[tilespmem:$0x2648] =	vst v0  }
0x264: {  	[tilespmem:$0x2658] =	vst v0  }
0x265: {  	[tilespmem:$0x2668] =	vst v0  }
0x266: {  	[tilespmem:$0x2678] =	vst v0  }
0x267: {  	[tilespmem:$0x2688] =	vst v0  }
0x268: {  	[tilespmem:$0x2698] =	vst v0  }
0x269: {  	[tilespmem:$0x26A8] =	vst v0  }
0x26a: {  	[tilespmem:$0x26B8] =	vst v0  }
0x26b: {  	[tilespmem:$0x26C8] =	vst v0  }
0x26c: {  	[tilespmem:$0x26D8] =	vst v0  }
0x26d: {  	[tilespmem:$0x26E8] =	vst v0  }
0x26e: {  	[tilespmem:$0x26F8] =	vst v0  }
0x26f: {  	[tilespmem:$0x2708] =	vst v0  }
0x270: {  	[tilespmem:$0x2718] =	vst v0  }
0x271: {  	[tilespmem:$0x2728] =	vst v0  }
0x272: {  	[tilespmem:$0x2738] =	vst v0  }
0x273: {  	[tilespmem:$0x2748] =	vst v0  }
0x274: {  	[tilespmem:$0x2758] =	vst v0  }
0x275: {  	[tilespmem:$0x2768] =	vst v0  }
0x276: {  	[tilespmem:$0x2778] =	vst v0  }
0x277: {  	[tilespmem:$0x2788] =	vst v0  }
0x278: {  	[tilespmem:$0x2798] =	vst v0  }
0x279: {  	[tilespmem:$0x27A8] =	vst v0  }
0x27a: {  	[tilespmem:$0x27B8] =	vst v0  }
0x27b: {  	[tilespmem:$0x27C8] =	vst v0  }
0x27c: {  	[tilespmem:$0x27D8] =	vst v0  }
0x27d: {  	[tilespmem:$0x27E8] =	vst v0  }
0x27e: {  	[tilespmem:$0x27F8] =	vst v0  }
0x27f: {  	[tilespmem:$0x2808] =	vst v0  }
0x280: {  	[tilespmem:$0x2818] =	vst v0  }
0x281: {  	[tilespmem:$0x2828] =	vst v0  }
0x282: {  	[tilespmem:$0x2838] =	vst v0  }
0x283: {  	[tilespmem:$0x2848] =	vst v0  }
0x284: {  	[tilespmem:$0x2858] =	vst v0  }
0x285: {  	[tilespmem:$0x2868] =	vst v0  }
0x286: {  	[tilespmem:$0x2878] =	vst v0  }
0x287: {  	[tilespmem:$0x2888] =	vst v0  }
0x288: {  	[tilespmem:$0x2898] =	vst v0  }
0x289: {  	[tilespmem:$0x28A8] =	vst v0  }
0x28a: {  	[tilespmem:$0x28B8] =	vst v0  }
0x28b: {  	[tilespmem:$0x28C8] =	vst v0  }
0x28c: {  	[tilespmem:$0x28D8] =	vst v0  }
0x28d: {  	[tilespmem:$0x28E8] =	vst v0  }
0x28e: {  	[tilespmem:$0x28F8] =	vst v0  }
0x28f: {  	[tilespmem:$0x2908] =	vst v0  }
0x290: {  	[tilespmem:$0x2918] =	vst v0  }
0x291: {  	[tilespmem:$0x2928] =	vst v0  }
0x292: {  	[tilespmem:$0x2938] =	vst v0  }
0x293: {  	[tilespmem:$0x2948] =	vst v0  }
0x294: {  	[tilespmem:$0x2958] =	vst v0  }
0x295: {  	[tilespmem:$0x2968] =	vst v0  }
0x296: {  	[tilespmem:$0x2978] =	vst v0  }
0x297: {  	[tilespmem:$0x2988] =	vst v0  }
0x298: {  	[tilespmem:$0x2998] =	vst v0  }
0x299: {  	[tilespmem:$0x29A8] =	vst v0  }
0x29a: {  	[tilespmem:$0x29B8] =	vst v0  }
0x29b: {  	[tilespmem:$0x29C8] =	vst v0  }
0x29c: {  	[tilespmem:$0x29D8] =	vst v0  }
0x29d: {  	[tilespmem:$0x29E8] =	vst v0  }
0x29e: {  	[tilespmem:$0x29F8] =	vst v0  }
0x29f: {  	[tilespmem:$0x2A08] =	vst v0  }
0x2a0: {  	[tilespmem:$0x2A18] =	vst v0  }
0x2a1: {  	[tilespmem:$0x2A28] =	vst v0  }
0x2a2: {  	[tilespmem:$0x2A38] =	vst v0  }
0x2a3: {  	[tilespmem:$0x2A48] =	vst v0  }
0x2a4: {  	[tilespmem:$0x2A58] =	vst v0  }
0x2a5: {  	[tilespmem:$0x2A68] =	vst v0  }
0x2a6: {  	[tilespmem:$0x2A78] =	vst v0  }
0x2a7: {  	[tilespmem:$0x2A88] =	vst v0  }
0x2a8: {  	[tilespmem:$0x2A98] =	vst v0  }
0x2a9: {  	[tilespmem:$0x2AA8] =	vst v0  }
0x2aa: {  	[tilespmem:$0x2AB8] =	vst v0  }
0x2ab: {  	[tilespmem:$0x2AC8] =	vst v0  }
0x2ac: {  	[tilespmem:$0x2AD8] =	vst v0  }
0x2ad: {  	[tilespmem:$0x2AE8] =	vst v0  }
0x2ae: {  	[tilespmem:$0x2AF8] =	vst v0  }
0x2af: {  	[tilespmem:$0x2B08] =	vst v0  }
0x2b0: {  	[tilespmem:$0x2B18] =	vst v0  }
0x2b1: {  	[tilespmem:$0x2B28] =	vst v0  }
0x2b2: {  	[tilespmem:$0x2B38] =	vst v0  }
0x2b3: {  	[tilespmem:$0x2B48] =	vst v0  }
0x2b4: {  	[tilespmem:$0x2B58] =	vst v0  }
0x2b5: {  	[tilespmem:$0x2B68] =	vst v0  }
0x2b6: {  	[tilespmem:$0x2B78] =	vst v0  }
0x2b7: {  	[tilespmem:$0x2B88] =	vst v0  }
0x2b8: {  	[tilespmem:$0x2B98] =	vst v0  }
0x2b9: {  	[tilespmem:$0x2BA8] =	vst v0  }
0x2ba: {  	[tilespmem:$0x2BB8] =	vst v0  }
0x2bb: {  	[tilespmem:$0x2BC8] =	vst v0  }
0x2bc: {  	[tilespmem:$0x2BD8] =	vst v0  }
0x2bd: {  	[tilespmem:$0x2BE8] =	vst v0  }
0x2be: {  	[tilespmem:$0x2BF8] =	vst v0  }
0x2bf: {  	[tilespmem:$0x2C08] =	vst v0  }
0x2c0: {  	[tilespmem:$0x2C18] =	vst v0  }
0x2c1: {  	[tilespmem:$0x2C28] =	vst v0  }
0x2c2: {  	[tilespmem:$0x2C38] =	vst v0  }
0x2c3: {  	[tilespmem:$0x2C48] =	vst v0  }
0x2c4: {  	[tilespmem:$0x2C58] =	vst v0  }
0x2c5: {  	[tilespmem:$0x2C68] =	vst v0  }
0x2c6: {  	[tilespmem:$0x2C78] =	vst v0  }
0x2c7: {  	[tilespmem:$0x2C88] =	vst v0  }
0x2c8: {  	[tilespmem:$0x2C98] =	vst v0  }
0x2c9: {  	[tilespmem:$0x2CA8] =	vst v0  }
0x2ca: {  	[tilespmem:$0x2CB8] =	vst v0  }
0x2cb: {  	[tilespmem:$0x2CC8] =	vst v0  }
0x2cc: {  	[tilespmem:$0x2CD8] =	vst v0  }
0x2cd: {  	[tilespmem:$0x2CE8] =	vst v0  }
0x2ce: {  	[tilespmem:$0x2CF8] =	vst v0  }
0x2cf: {  	[tilespmem:$0x2D08] =	vst v0  }
0x2d0: {  	[tilespmem:$0x2D18] =	vst v0  }
0x2d1: {  	[tilespmem:$0x2D28] =	vst v0  }
0x2d2: {  	[tilespmem:$0x2D38] =	vst v0  }
0x2d3: {  	[tilespmem:$0x2D48] =	vst v0  }
0x2d4: {  	[tilespmem:$0x2D58] =	vst v0  }
0x2d5: {  	[tilespmem:$0x2D68] =	vst v0  }
0x2d6: {  	[tilespmem:$0x2D78] =	vst v0  }
0x2d7: {  	[tilespmem:$0x2D88] =	vst v0  }
0x2d8: {  	[tilespmem:$0x2D98] =	vst v0  }
0x2d9: {  	[tilespmem:$0x2DA8] =	vst v0  }
0x2da: {  	[tilespmem:$0x2DB8] =	vst v0  }
0x2db: {  	[tilespmem:$0x2DC8] =	vst v0  }
0x2dc: {  	[tilespmem:$0x2DD8] =	vst v0  }
0x2dd: {  	[tilespmem:$0x2DE8] =	vst v0  }
0x2de: {  	[tilespmem:$0x2DF8] =	vst v0  }
0x2df: {  	[tilespmem:$0x2E08] =	vst v0  }
0x2e0: {  	[tilespmem:$0x2E18] =	vst v0  }
0x2e1: {  	[tilespmem:$0x2E28] =	vst v0  }
0x2e2: {  	[tilespmem:$0x2E38] =	vst v0  }
0x2e3: {  	[tilespmem:$0x2E48] =	vst v0  }
0x2e4: {  	[tilespmem:$0x2E58] =	vst v0  }
0x2e5: {  	[tilespmem:$0x2E68] =	vst v0  }
0x2e6: {  	[tilespmem:$0x2E78] =	vst v0  }
0x2e7: {  	[tilespmem:$0x2E88] =	vst v0  }
0x2e8: {  	[tilespmem:$0x2E98] =	vst v0  }
0x2e9: {  	[tilespmem:$0x2EA8] =	vst v0  }
0x2ea: {  	[tilespmem:$0x2EB8] =	vst v0  }
0x2eb: {  	[tilespmem:$0x2EC8] =	vst v0  }
0x2ec: {  	[tilespmem:$0x2ED8] =	vst v0  }
0x2ed: {  	[tilespmem:$0x2EE8] =	vst v0  }
0x2ee: {  	[tilespmem:$0x2EF8] =	vst v0  }
0x2ef: {  	[tilespmem:$0x2F08] =	vst v0  }
0x2f0: {  	[tilespmem:$0x2F18] =	vst v0  }
0x2f1: {  	[tilespmem:$0x2F28] =	vst v0  }
0x2f2: {  	[tilespmem:$0x2F38] =	vst v0  }
0x2f3: {  	[tilespmem:$0x2F48] =	vst v0  }
0x2f4: {  	[tilespmem:$0x2F58] =	vst v0  }
0x2f5: {  	[tilespmem:$0x2F68] =	vst v0  }
0x2f6: {  	[tilespmem:$0x2F78] =	vst v0  }
0x2f7: {  	[tilespmem:$0x2F88] =	vst v0  }
0x2f8: {  	[tilespmem:$0x2F98] =	vst v0  }
0x2f9: {  	[tilespmem:$0x2FA8] =	vst v0  }
0x2fa: {  	[tilespmem:$0x2FB8] =	vst v0  }
0x2fb: {  	[tilespmem:$0x2FC8] =	vst v0  }
0x2fc: {  	[tilespmem:$0x2FD8] =	vst v0  }
0x2fd: {  	[tilespmem:$0x2FE8] =	vst v0  }
0x2fe: {  	[tilespmem:$0x2FF8] =	vst v0  }
0x2ff: {  	[tilespmem:$0x3008] =	vst v0  }
0x300: {  	[tilespmem:$0x3018] =	vst v0  }
0x301: {  	[tilespmem:$0x3028] =	vst v0  }
0x302: {  	[tilespmem:$0x3038] =	vst v0  }
0x303: {  	[tilespmem:$0x3048] =	vst v0  }
0x304: {  	[tilespmem:$0x3058] =	vst v0  }
0x305: {  	[tilespmem:$0x3068] =	vst v0  }
0x306: {  	[tilespmem:$0x3078] =	vst v0  }
0x307: {  	[tilespmem:$0x3088] =	vst v0  }
0x308: {  	[tilespmem:$0x3098] =	vst v0  }
0x309: {  	[tilespmem:$0x30A8] =	vst v0  }
0x30a: {  	[tilespmem:$0x30B8] =	vst v0  }
0x30b: {  	[tilespmem:$0x30C8] =	vst v0  }
0x30c: {  	[tilespmem:$0x30D8] =	vst v0  }
0x30d: {  	[tilespmem:$0x30E8] =	vst v0  }
0x30e: {  	[tilespmem:$0x30F8] =	vst v0  }
0x30f: {  	[tilespmem:$0x3108] =	vst v0  }
0x310: {  	[tilespmem:$0x3118] =	vst v0  }
0x311: {  	[tilespmem:$0x3128] =	vst v0  }
0x312: {  	[tilespmem:$0x3138] =	vst v0  }
0x313: {  	[tilespmem:$0x3148] =	vst v0  }
0x314: {  	[tilespmem:$0x3158] =	vst v0  }
0x315: {  	[tilespmem:$0x3168] =	vst v0  }
0x316: {  	[tilespmem:$0x3178] =	vst v0  }
0x317: {  	[tilespmem:$0x3188] =	vst v0  }
0x318: {  	[tilespmem:$0x3198] =	vst v0  }
0x319: {  	[tilespmem:$0x31A8] =	vst v0  }
0x31a: {  	[tilespmem:$0x31B8] =	vst v0  }
0x31b: {  	[tilespmem:$0x31C8] =	vst v0  }
0x31c: {  	[tilespmem:$0x31D8] =	vst v0  }
0x31d: {  	[tilespmem:$0x31E8] =	vst v0  }
0x31e: {  	[tilespmem:$0x31F8] =	vst v0  }
0x31f: {  	[tilespmem:$0x3208] =	vst v0  }
0x320: {  	[tilespmem:$0x3218] =	vst v0  }
0x321: {  	[tilespmem:$0x3228] =	vst v0  }
0x322: {  	[tilespmem:$0x3238] =	vst v0  }
0x323: {  	[tilespmem:$0x3248] =	vst v0  }
0x324: {  	[tilespmem:$0x3258] =	vst v0  }
0x325: {  	[tilespmem:$0x3268] =	vst v0  }
0x326: {  	[tilespmem:$0x3278] =	vst v0  }
0x327: {  	[tilespmem:$0x3288] =	vst v0  }
0x328: {  	[tilespmem:$0x3298] =	vst v0  }
0x329: {  	[tilespmem:$0x32A8] =	vst v0  }
0x32a: {  	[tilespmem:$0x32B8] =	vst v0  }
0x32b: {  	[tilespmem:$0x32C8] =	vst v0  }
0x32c: {  	[tilespmem:$0x32D8] =	vst v0  }
0x32d: {  	[tilespmem:$0x32E8] =	vst v0  }
0x32e: {  	[tilespmem:$0x32F8] =	vst v0  }
0x32f: {  	[tilespmem:$0x3308] =	vst v0  }
0x330: {  	[tilespmem:$0x3318] =	vst v0  }
0x331: {  	[tilespmem:$0x3328] =	vst v0  }
0x332: {  	[tilespmem:$0x3338] =	vst v0  }
0x333: {  	[tilespmem:$0x3348] =	vst v0  }
0x334: {  	[tilespmem:$0x3358] =	vst v0  }
0x335: {  	[tilespmem:$0x3368] =	vst v0  }
0x336: {  	[tilespmem:$0x3378] =	vst v0  }
0x337: {  	[tilespmem:$0x3388] =	vst v0  }
0x338: {  	[tilespmem:$0x3398] =	vst v0  }
0x339: {  	[tilespmem:$0x3448] =	vst v0  }
0x33a: {  	[tilespmem:$0x4288] =	vst v0  }
0x33b: {  	[tilespmem:$0x4278] =	vst v0  }
0x33c: {  	[tilespmem:$0x4268] =	vst v0  }
0x33d: {  	[tilespmem:$0x4258] =	vst v0  }
0x33e: {  	[tilespmem:$0x4248] =	vst v0  }
0x33f: {  	[tilespmem:$0x4238] =	vst v0  }
0x340: {  	[tilespmem:$0x4228] =	vst v0  }
0x341: {  	[tilespmem:$0x4218] =	vst v0  }
0x342: {  	[tilespmem:$0x4208] =	vst v0  }
0x343: {  	[tilespmem:$0x41F8] =	vst v0  }
0x344: {  	[tilespmem:$0x41E8] =	vst v0  }
0x345: {  	[tilespmem:$0x41D8] =	vst v0  }
0x346: {  	[tilespmem:$0x41C8] =	vst v0  }
0x347: {  	[tilespmem:$0x41B8] =	vst v0  }
0x348: {  	[tilespmem:$0x41A8] =	vst v0  }
0x349: {  	[tilespmem:$0x4198] =	vst v0  }
0x34a: {  	[tilespmem:$0x4188] =	vst v0  }
0x34b: {  	[tilespmem:$0x4178] =	vst v0  }
0x34c: {  	[tilespmem:$0x4168] =	vst v0  }
0x34d: {  	[tilespmem:$0x4158] =	vst v0  }
0x34e: {  	[tilespmem:$0x4148] =	vst v0  }
0x34f: {  	[tilespmem:$0x4138] =	vst v0  }
0x350: {  	[tilespmem:$0x4128] =	vst v0  }
0x351: {  	[tilespmem:$0x4118] =	vst v0  }
0x352: {  	[tilespmem:$0x4108] =	vst v0  }
0x353: {  	[tilespmem:$0x40F8] =	vst v0  }
0x354: {  	[tilespmem:$0x40E8] =	vst v0  }
0x355: {  	[tilespmem:$0x40D8] =	vst v0  }
0x356: {  	[tilespmem:$0x40C8] =	vst v0  }
0x357: {  	[tilespmem:$0x40B8] =	vst v0  }
0x358: {  	[tilespmem:$0x40A8] =	vst v0  }
0x359: {  	[tilespmem:$0x4098] =	vst v0  }
0x35a: {  	[tilespmem:$0x4088] =	vst v0  }
0x35b: {  	[tilespmem:$0x4078] =	vst v0  }
0x35c: {  	[tilespmem:$0x4068] =	vst v0  }
0x35d: {  	[tilespmem:$0x4058] =	vst v0  }
0x35e: {  	[tilespmem:$0x4048] =	vst v0  }
0x35f: {  	[tilespmem:$0x4038] =	vst v0  }
0x360: {  	[tilespmem:$0x4028] =	vst v0  }
0x361: {  	[tilespmem:$0x4018] =	vst v0  }
0x362: {  	[tilespmem:$0x4008] =	vst v0  }
0x363: {  	[tilespmem:$0x3FF8] =	vst v0  }
0x364: {  	[tilespmem:$0x3FE8] =	vst v0  }
0x365: {  	[tilespmem:$0x3FD8] =	vst v0  }
0x366: {  	[tilespmem:$0x3FC8] =	vst v0  }
0x367: {  	[tilespmem:$0x3FB8] =	vst v0  }
0x368: {  	[tilespmem:$0x3FA8] =	vst v0  }
0x369: {  	[tilespmem:$0x3F98] =	vst v0  }
0x36a: {  	[tilespmem:$0x3F88] =	vst v0  }
0x36b: {  	[tilespmem:$0x3F78] =	vst v0  }
0x36c: {  	[tilespmem:$0x3F68] =	vst v0  }
0x36d: {  	[tilespmem:$0x3F58] =	vst v0  }
0x36e: {  	[tilespmem:$0x3F48] =	vst v0  }
0x36f: {  	[tilespmem:$0x3F38] =	vst v0  }
0x370: {  	[tilespmem:$0x3F28] =	vst v0  }
0x371: {  	[tilespmem:$0x3F18] =	vst v0  }
0x372: {  	[tilespmem:$0x3F08] =	vst v0  }
0x373: {  	[tilespmem:$0x3EF8] =	vst v0  }
0x374: {  	[tilespmem:$0x3EE8] =	vst v0  }
0x375: {  	[tilespmem:$0x3ED8] =	vst v0  }
0x376: {  	[tilespmem:$0x3EC8] =	vst v0  }
0x377: {  	[tilespmem:$0x3EB8] =	vst v0  }
0x378: {  	[tilespmem:$0x3EA8] =	vst v0  }
0x379: {  	[tilespmem:$0x3E98] =	vst v0  }
0x37a: {  	[tilespmem:$0x3E88] =	vst v0  }
0x37b: {  	[tilespmem:$0x3E78] =	vst v0  }
0x37c: {  	[tilespmem:$0x3E68] =	vst v0  }
0x37d: {  	[tilespmem:$0x3E58] =	vst v0  }
0x37e: {  	[tilespmem:$0x3E48] =	vst v0  }
0x37f: {  	[tilespmem:$0x3E38] =	vst v0  }
0x380: {  	[tilespmem:$0x3E28] =	vst v0  }
0x381: {  	[tilespmem:$0x3E18] =	vst v0  }
0x382: {  	[tilespmem:$0x3E08] =	vst v0  }
0x383: {  	[tilespmem:$0x3DF8] =	vst v0  }
0x384: {  	[tilespmem:$0x3DE8] =	vst v0  }
0x385: {  	[tilespmem:$0x3DD8] =	vst v0  }
0x386: {  	[tilespmem:$0x3DC8] =	vst v0  }
0x387: {  	[tilespmem:$0x3DB8] =	vst v0  }
0x388: {  	[tilespmem:$0x3DA8] =	vst v0  }
0x389: {  	[tilespmem:$0x3D98] =	vst v0  }
0x38a: {  	[tilespmem:$0x3D88] =	vst v0  }
0x38b: {  	[tilespmem:$0x3D78] =	vst v0  }
0x38c: {  	[tilespmem:$0x3D68] =	vst v0  }
0x38d: {  	[tilespmem:$0x3D58] =	vst v0  }
0x38e: {  	[tilespmem:$0x3D48] =	vst v0  }
0x38f: {  	[tilespmem:$0x3D38] =	vst v0  }
0x390: {  	[tilespmem:$0x3D28] =	vst v0  }
0x391: {  	[tilespmem:$0x3D18] =	vst v0  }
0x392: {  	[tilespmem:$0x3D08] =	vst v0  }
0x393: {  	[tilespmem:$0x3CF8] =	vst v0  }
0x394: {  	[tilespmem:$0x3CE8] =	vst v0  }
0x395: {  	[tilespmem:$0x3CD8] =	vst v0  }
0x396: {  	[tilespmem:$0x3CC8] =	vst v0  }
0x397: {  	[tilespmem:$0x3CB8] =	vst v0  }
0x398: {  	[tilespmem:$0x3CA8] =	vst v0  }
0x399: {  	[tilespmem:$0x3C98] =	vst v0  }
0x39a: {  	[tilespmem:$0x3C88] =	vst v0  }
0x39b: {  	[tilespmem:$0x3C78] =	vst v0  }
0x39c: {  	[tilespmem:$0x3C68] =	vst v0  }
0x39d: {  	[tilespmem:$0x3C58] =	vst v0  }
0x39e: {  	[tilespmem:$0x3C48] =	vst v0  }
0x39f: {  	[tilespmem:$0x3C38] =	vst v0  }
0x3a0: {  	[tilespmem:$0x3C28] =	vst v0  }
0x3a1: {  	[tilespmem:$0x3C18] =	vst v0  }
0x3a2: {  	[tilespmem:$0x3C08] =	vst v0  }
0x3a3: {  	[tilespmem:$0x3BF8] =	vst v0  }
0x3a4: {  	[tilespmem:$0x3BE8] =	vst v0  }
0x3a5: {  	[tilespmem:$0x3BD8] =	vst v0  }
0x3a6: {  	[tilespmem:$0x3BC8] =	vst v0  }
0x3a7: {  	[tilespmem:$0x3BB8] =	vst v0  }
0x3a8: {  	[tilespmem:$0x3BA8] =	vst v0  }
0x3a9: {  	[tilespmem:$0x3B98] =	vst v0  }
0x3aa: {  	[tilespmem:$0x3B88] =	vst v0  }
0x3ab: {  	[tilespmem:$0x3B78] =	vst v0  }
0x3ac: {  	[tilespmem:$0x3B68] =	vst v0  }
0x3ad: {  	[tilespmem:$0x3B58] =	vst v0  }
0x3ae: {  	[tilespmem:$0x3B48] =	vst v0  }
0x3af: {  	[tilespmem:$0x3B38] =	vst v0  }
0x3b0: {  	[tilespmem:$0x3B28] =	vst v0  }
0x3b1: {  	[tilespmem:$0x3B18] =	vst v0  }
0x3b2: {  	[tilespmem:$0x3B08] =	vst v0  }
0x3b3: {  	[tilespmem:$0x3AF8] =	vst v0  }
0x3b4: {  	[tilespmem:$0x3AE8] =	vst v0  }
0x3b5: {  	[tilespmem:$0x3AD8] =	vst v0  }
0x3b6: {  	[tilespmem:$0x3AC8] =	vst v0  }
0x3b7: {  	[tilespmem:$0x3AB8] =	vst v0  }
0x3b8: {  	[tilespmem:$0x3AA8] =	vst v0  }
0x3b9: {  	[tilespmem:$0x3A98] =	vst v0  }
0x3ba: {  	[tilespmem:$0x3A88] =	vst v0  }
0x3bb: {  	[tilespmem:$0x3A78] =	vst v0  }
0x3bc: {  	[tilespmem:$0x3A68] =	vst v0  }
0x3bd: {  	[tilespmem:$0x3A58] =	vst v0  }
0x3be: {  	[tilespmem:$0x3A48] =	vst v0  }
0x3bf: {  	[tilespmem:$0x3A38] =	vst v0  }
0x3c0: {  	[tilespmem:$0x3A28] =	vst v0  }
0x3c1: {  	[tilespmem:$0x3A18] =	vst v0  }
0x3c2: {  	[tilespmem:$0x3A08] =	vst v0  }
0x3c3: {  	[tilespmem:$0x39F8] =	vst v0  }
0x3c4: {  	[tilespmem:$0x39E8] =	vst v0  }
0x3c5: {  	[tilespmem:$0x39D8] =	vst v0  }
0x3c6: {  	[tilespmem:$0x39C8] =	vst v0  }
0x3c7: {  	[tilespmem:$0x39B8] =	vst v0  }
0x3c8: {  	[tilespmem:$0x39A8] =	vst v0  }
0x3c9: {  	[tilespmem:$0x3998] =	vst v0  }
0x3ca: {  	[tilespmem:$0x3988] =	vst v0  }
0x3cb: {  	[tilespmem:$0x3978] =	vst v0  }
0x3cc: {  	[tilespmem:$0x3968] =	vst v0  }
0x3cd: {  	[tilespmem:$0x3958] =	vst v0  }
0x3ce: {  	[tilespmem:$0x3948] =	vst v0  }
0x3cf: {  	[tilespmem:$0x3938] =	vst v0  }
0x3d0: {  	[tilespmem:$0x3928] =	vst v0  }
0x3d1: {  	[tilespmem:$0x3918] =	vst v0  }
0x3d2: {  	[tilespmem:$0x3908] =	vst v0  }
0x3d3: {  	[tilespmem:$0x38F8] =	vst v0  }
0x3d4: {  	[tilespmem:$0x38E8] =	vst v0  }
0x3d5: {  	[tilespmem:$0x38D8] =	vst v0  }
0x3d6: {  	[tilespmem:$0x38C8] =	vst v0  }
0x3d7: {  	[tilespmem:$0x38B8] =	vst v0  }
0x3d8: {  	[tilespmem:$0x38A8] =	vst v0  }
0x3d9: {  	[tilespmem:$0x3898] =	vst v0  }
0x3da: {  	[tilespmem:$0x3888] =	vst v0  }
0x3db: {  	[tilespmem:$0x3878] =	vst v0  }
0x3dc: {  	[tilespmem:$0x3868] =	vst v0  }
0x3dd: {  	[tilespmem:$0x3858] =	vst v0  }
0x3de: {  	[tilespmem:$0x3848] =	vst v0  }
0x3df: {  	[tilespmem:$0x3838] =	vst v0  }
0x3e0: {  	[tilespmem:$0x3828] =	vst v0  }
0x3e1: {  	[tilespmem:$0x3818] =	vst v0  }
0x3e2: {  	[tilespmem:$0x3808] =	vst v0  }
0x3e3: {  	[tilespmem:$0x37F8] =	vst v0  }
0x3e4: {  	[tilespmem:$0x37E8] =	vst v0  }
0x3e5: {  	[tilespmem:$0x37D8] =	vst v0  }
0x3e6: {  	[tilespmem:$0x37C8] =	vst v0  }
0x3e7: {  	[tilespmem:$0x37B8] =	vst v0  }
0x3e8: {  	[tilespmem:$0x37A8] =	vst v0  }
0x3e9: {  	[tilespmem:$0x3798] =	vst v0  }
0x3ea: {  	[tilespmem:$0x3788] =	vst v0  }
0x3eb: {  	[tilespmem:$0x3778] =	vst v0  }
0x3ec: {  	[tilespmem:$0x3768] =	vst v0  }
0x3ed: {  	[tilespmem:$0x3758] =	vst v0  }
0x3ee: {  	[tilespmem:$0x3748] =	vst v0  }
0x3ef: {  	[tilespmem:$0x3738] =	vst v0  }
0x3f0: {  	[tilespmem:$0x3728] =	vst v0  }
0x3f1: {  	[tilespmem:$0x3718] =	vst v0  }
0x3f2: {  	[tilespmem:$0x3708] =	vst v0  }
0x3f3: {  	[tilespmem:$0x36F8] =	vst v0  }
0x3f4: {  	[tilespmem:$0x36E8] =	vst v0  }
0x3f5: {  	[tilespmem:$0x36D8] =	vst v0  }
0x3f6: {  	[tilespmem:$0x36C8] =	vst v0  }
0x3f7: {  	[tilespmem:$0x36B8] =	vst v0  }
0x3f8: {  	[tilespmem:$0x36A8] =	vst v0  }
0x3f9: {  	[tilespmem:$0x3698] =	vst v0  }
0x3fa: {  	[tilespmem:$0x3688] =	vst v0  }
0x3fb: {  	[tilespmem:$0x3678] =	vst v0  }
0x3fc: {  	[tilespmem:$0x3668] =	vst v0  }
0x3fd: {  	[tilespmem:$0x3658] =	vst v0  }
0x3fe: {  	[tilespmem:$0x3648] =	vst v0  }
0x3ff: {  	[tilespmem:$0x3638] =	vst v0  }
0x400: {  	[tilespmem:$0x3628] =	vst v0  }
0x401: {  	[tilespmem:$0x3618] =	vst v0  }
0x402: {  	[tilespmem:$0x3608] =	vst v0  }
0x403: {  	[tilespmem:$0x35F8] =	vst v0  }
0x404: {  	[tilespmem:$0x35E8] =	vst v0  }
0x405: {  	[tilespmem:$0x35D8] =	vst v0  }
0x406: {  	[tilespmem:$0x35C8] =	vst v0  }
0x407: {  	[tilespmem:$0x35B8] =	vst v0  }
0x408: {  	[tilespmem:$0x35A8] =	vst v0  }
0x409: {  	[tilespmem:$0x3598] =	vst v0  }
0x40a: {  	[tilespmem:$0x3588] =	vst v0  }
0x40b: {  	[tilespmem:$0x3578] =	vst v0  }
0x40c: {  	[tilespmem:$0x3568] =	vst v0  }
0x40d: {  	[tilespmem:$0x3558] =	vst v0  }
0x40e: {  	[tilespmem:$0x3548] =	vst v0  }
0x40f: {  	[tilespmem:$0x3538] =	vst v0  }
0x410: {  	[tilespmem:$0x3528] =	vst v0  }
0x411: {  	[tilespmem:$0x3518] =	vst v0  }
0x412: {  	[tilespmem:$0x3508] =	vst v0  }
0x413: {  	[tilespmem:$0x34F8] =	vst v0  }
0x414: {  	[tilespmem:$0x34E8] =	vst v0  }
0x415: {  	[tilespmem:$0x34D8] =	vst v0  }
0x416: {  	[tilespmem:$0x34C8] =	vst v0  }
0x417: {  	[tilespmem:$0x34B8] =	vst v0  }
0x418: {  	[tilespmem:$0x34A8] =	vst v0  }
0x419: {  	[tilespmem:$0x3498] =	vst v0  }
0x41a: {  	[tilespmem:$0x3488] =	vst v0  }
0x41b: {  	s12 =	stileid.u32;
	[tilespmem:$0x3478] =	vst v0  }
0x41c: {  	s0 =	simm.s32 $0x1;
	p0 =	sne.s32 s12, $0x0;
	s1 =	smul.u32 $0x47, s12;
	[tilespmem:$0x3468] =	vst v0  }
0x41d: {  	s0 =	simm.s32 @!p0 $0x0;
	[tilespmem:$0x3458] =	vst v0  }
0x41e: {  	[tilespmem:$0x3428] =	vst v0;
	s0 =	sadd.s32 s0, s1  }
0x41f: {  	p1 =	seq.s32 s12, $0x0;
	[tilespmem:$0x3438] =	vst v0;
	s1 =	simm.s32 $0x6300;
	s9 =	smul.u32 $0x160, s0  }
0x420: {  	s1 =	simm.s32 @!p1 $0x61A0;
	[tilespmem:$0x3418] =	vst v0  }
0x421: {  	[tilespmem:$0x33B8] =	vst v0;
	s0 =	sadd.s32 s1, s9  }
0x422: {  	s7 =	simm.s32 $0x2;
	s29 =	simm.s32 $0x9;
	[tilespmem:$0x3408] =	vst v0;
	s10 =	smin.u32 s0, $0x61A80  }
0x423: {  	s30 =	simm.s32 $0xA;
	s18 =	simm.s32 $0x0;
	[tilespmem:$0x33F8] =	vst v0;
	s0 =	ssub.s32 s10, s9  }
0x424: {  	p2 =	por $0x0, $0x0;
	s19 =	simm.s32 $0xC;
	[tilespmem:$0x33E8] =	vst v0;
	p1 =	sgt.s32 s0, $0x0  }
0x425: {  	s23 =	simm.s32 $0x0;
	s20 =	simm.s32 $0x0;
	[tilespmem:$0x33D8] =	vst v0;
	s0 =	simm.s32 @!p1 $0x0  }
0x426: {  	s22 =	simm.s32 $0x0;
	s6 =	sadd.s32 $0x189E400, s5;
	[tilespmem:$0x33C8] =	vst v0;
	s28 =	smulhi.u32 $0x2E8BA2E9, s0  }
0x427: {  	s2 =	sand.u32 $0x1, s2;
	s31 =	smul.u32 $0x180, s12;
	[tilespmem:$0x33A8] =	vst v0;
	[sflag:s7] =	ssyncpa.u1 $0x0  }
0x428: {  	v0 =	vimm.s32 $0xFFFFFFFF;
	[dreg:$0x5] =	wrdreg s2;
	s2 =	smul.u32 $0xC350, s2;
	s1 =	sshrl.u32 s28, $0x6  }
0x429: {  	s13 =	sadd.s32 $0xC69400, s5;
	[tilespmem:$0x84C8] =	vst v0;
	[sflag:s29] =	ssyncpa.u1 $0x0;
	s8 =	smul.u32 $0x160, s1  }
.Ltmp0:
0x42a: {  	s16 =	sshrl.u32 s31, $0x2;
	s11 =	sadd.s32 s2, s5;
	(pc) =	sbr.rel .LBB2_1-.Ltmp0, $4  }
0x42b: {  	[sflag:s30] =	ssyncpa.u1 $0x0;
	p1 =	sne.s32 s0, s8;
	s0 =	simm.s32 $0x1  }
0x42c: {  	s5 =	simm.s32 $0xB;
	s4 =	sadd.s32 s2, s4;
	s0 =	simm.s32 @!p1 $0x0  }
0x42d: {  	[sflag:s5] =	ssyncpa.u1 $0x0;
	s15 =	sadd.s32 $0xC50C00, s11;
	s14 =	sadd.s32 s0, s1  }
0x42e: {  	v0 =	vlaneseq.u32;
	s21 =	smov.u32 s9;
	p1 =	por $0x1, $0x1;
	s17 =	sadd.s32 $0x1, s14  }
.LBB2_22:
0x42f: {  	s0 =	sshrl.u32 s0, $0x2  }
.LBB2_24:
0x430: {  	_ =	swait.ge [sflag:s19], s0  }
0x431: {  	s30 =	ssub.s32 $0x0, s0;
	v1 =	vmov s25;
	vm0 =	veq.s32 v0, $0x0;
	[sflag:s19] =	ssyncset.done $0x0  }
0x432: {  	vm15 =	veq.s32 v0, $0x2;
	v1 =	vsel vm0, s31, v1;
	[sflag:s19] =	ssyncadd.s32 s30  }
0x433: {  	v1 =	vsel vm15, s23, v1;
	[sflag:s19] =	ssyncpa.u1 $0x1  }
0x434: {  	[tilespmem:$0x84C8] =	vst v1  }
.LBB2_25:
0x435: {  	s0 =	sadd.s32 $0x160, s21  }
0x436: {  	s1 =	smov.u32 s9;
	p3 =	slt.s32 s0, s10  }
0x437: {  	s1 =	smov.u32 @p3 s0;
	p3 =	sne.s32 s22, s17  }
.Ltmp1:
0x438: {  	_ = 	snop;
	(pc) =	sbr.rel @!p3 .LBB2_26-.Ltmp1, $4  }
0x439: {  	_ = 	snop  }
0x43a: {  	s23 =	smov.u32 s20  }
0x43b: {  	s31 =	sadd.s32 $0x1, s22;
	s20 =	smov.u32 s21;
	p1 =	por !p1, !p1  }
0x43c: {  	p2 =	por !p2, !p2;
	s22 =	smov.u32 s31;
	s21 =	smov.u32 s1  }
.LBB2_1:
0x43d: {  	p3 =	sge.u32 s22, s14  }
0x43e: {  	s0 =	smulhi.u32 @!p3 $0xAAAAAAAB, s22  }
0x43f: {  	s1 =	smov.u32 s21;
	p4 =	sgt.s32 @!p3 s21, $0x61920  }
0x440: {  	s2 =	sshra.s32 @!p3 s21, $0x1F;
	p4 =	por !p4, p3;
	s0 =	sshrl.u32 @!p3 s0, $0x1  }
0x441: {  	s2 =	sand.u32 @!p3 s2, s21;
	s1 =	simm.s32 @p4 $0x61920;
	s0 =	smul.u32 @!p3 $0x3, s0  }
0x442: {  	s1 =	ssub.s32 @!p3 s1, s2  }
0x443: {  	s1 =	sadd.s32 @!p3 $0xFFF9E6E0, s1;
	s0 =	ssub.s32 @!p3 s22, s0  }
0x444: {  	s2 =	sshll.u32 @!p3 s1, $0x2;
	p4 =	sgt.s32 @!p3 s1, $0x15F;
	s0 =	smul.u32 @!p3 $0x580, s0  }
0x445: {  	s7 =	sand.u32 @!p3 $0x7, s21;
	s1 =	ssub.s32 @!p3 $0x580, s2;
	p4 =	por !p4, p3  }
0x446: {  	s2 =	sshrl.u32 @!p3 s21, $0x3;
	s1 =	sshrl.u32 @!p3 s1, $0x2;
	s0 =	sshrl.u32 @!p3 s0, $0x2  }
0x447: {  	s2 =	sadd.s32 @!p3 s2, s15;
	s1 =	simm.s32 @!p4 $0x0;
	s0 =	sadd.s32 @!p3 $0x8B08, s0  }
0x448: {  	[tilespmem:s0], [sflag:$0xA] =	stream.linear.gather @!p3 [hbm4b:s2+s7], s1, $0x38;
	[tilespmem:$0x1F1E8] =	vst v63  }
0x449: {  	s1 =	sadd.s32 $0xFFFFFFFF, s22  }
0x44a: {  	p3 =	sge.u32 s1, s14  }
0x44b: {  	p4 =	sgt.s32 @!p3 s20, $0x61920  }
0x44c: {  	s0 =	smov.u32 s20;
	s2 =	sshra.s32 @!p3 s20, $0x1F;
	p4 =	por !p4, p3  }
0x44d: {  	s2 =	sand.u32 @!p3 s2, s20;
	s0 =	simm.s32 @p4 $0x61920  }
0x44e: {  	s0 =	ssub.s32 @!p3 s0, s2  }
0x44f: {  	s0 =	sadd.s32 @!p3 $0xFFF9E6E0, s0  }
0x450: {  	s2 =	sshll.u32 @!p3 s0, $0x2  }
0x451: {  	p4 =	sgt.s32 @!p3 s0, $0x15F;
	s0 =	ssub.s32 @!p3 $0x580, s2  }
0x452: {  	p4 =	por !p4, p3;
	s0 =	sshrl.u32 @!p3 s0, $0x2  }
0x453: {  	s7 =	simm.s32 @!p3 $0xA;
	s2 =	sand.u32 @!p3 $0x1, s1;
	s0 =	simm.s32 @!p4 $0x0  }
0x454: {  	s2 =	smul.u32 @!p3 $0x580, s2;
	_ =	swait.ge @!p3 [sflag:s7], s0  }
0x455: {  	s8 =	ssub.s32 @!p3 $0x0, s0;
	[sflag:s7] =	ssyncset.done @!p3 $0x0  }
0x456: {  	s2 =	sshrl.u32 @!p3 s2, $0x2;
	[sflag:s7] =	ssyncadd.s32 @!p3 s8;
	s7 =	sshrl.u32 @!p3 s20, $0x3  }
0x457: {  	s2 =	sadd.s32 @!p3 $0x8F28, s2;
	s8 =	sand.u32 @!p3 $0x7, s20;
	s7 =	sadd.s32 @!p3 s7, s4  }
0x458: {  	[tilespmem:s2], [sflag:$0xB] =	stream.linear.gather @!p3 [hbm4b:s7+s8], s0, $0x38;
	[tilespmem:$0x1F1E8] =	vst v63  }
0x459: {  	s0 =	ssub.s32 @!p3 $0x61A80, s20  }
0x45a: {  	p4 =	slt.s32 @!p3 s0, $0x1  }
0x45b: {  	p4 =	por p3, p4  }
.Ltmp2:
0x45c: {  	_ = 	snop;
	(pc) =	sbr.rel @p4 .LBB2_7-.Ltmp2, $1  }
0x45d: {  	_ =	sdelay $0x3  }
0x45e: {  	s2 =	smulhi.u32 $0xAAAAAAAB, s1;
	_ =	sdelay $0x1  }
0x45f: {  	s2 =	sshrl.u32 s2, $0x1  }
0x460: {  	s2 =	smul.u32 $0x3, s2;
	_ =	sdelay $0x1  }
0x461: {  	s29 =	ssub.s32 s1, s2  }
0x462: {  	s7 =	simm.s32 $0x1;
	s1 =	smul.u32 $0x580, s29  }
.Ltmp3:
0x463: {  	s7 =	simm.s32 @!p1 $0x0;
	(pc) =	sbr.rel .LBB2_4-.Ltmp3, $4  }
0x464: {  	s30 =	smul.u32 $0x2C000, s7  }
0x465: {  	p4 =	slt.s32 @!p3 s0, $0x160;
	s1 =	sshrl.u32 s1, $0x2  }
0x466: {  	p3 =	por !p4, p3;
	s2 =	sshrl.u32 s30, $0x2;
	s31 =	sadd.s32 $0x8B08, s1  }
0x467: {  	s24 =	simm.s32 $0x0;
	s0 =	simm.s32 @p3 $0x160;
	s1 =	sadd.s32 $0x91E8, s2;
	v1 =	vmov s31  }
.LBB2_3:
0x468: {  	p3 =	sge.s32 s24, s0  }
.Ltmp4:
0x469: {  	_ = 	snop;
	(pc) =	sbr.rel @p3 .LBB2_7-.Ltmp4, $2  }
0x46a: {  	_ =	sdelay $0x2  }
0x46b: {  	s1 =	sadd.s32 $0x800, s1  }
.LBB2_4:
0x46c: {  	p3 =	sle.s32 s0, s24  }
.Ltmp5:
0x46d: {  	_ = 	snop;
	(pc) =	sbr.rel @p3 .LBB2_3-.Ltmp5, $2  }
0x46e: {  	_ =	sdelay $0x2  }
0x46f: {  	s2 =	smov.u32 s24;
	s24 =	sadd.s32 $0x10, s24  }
0x470: {  	s7 =	ssub.s32 s0, s2  }
0x471: {  	p3 =	slt.s32 s7, $0x10  }
0x472: {  	s7 =	simm.s32 @!p3 $0x10  }
0x473: {  	v2 =	vmov s7  }
0x474: {  	vm0 =	vgt.s32 v2, v0;
	_ =	sdelay $0x5  }
0x475: {  	v2 =	vld.idx.msk [tilespmem:v1+s2+$0x0 ss:$0x1], vm0;
	_ =	sdelay $0x2  }
0x476: {  	s8 =	smov.u32 s0;
	p3 =	slt.s32 s24, s0  }
0x477: {  	s25 =	simm.s32 $0x0;
	s8 =	smov.u32 @p3 s24;
	s7 =	smov.u32 s1  }
.LBB2_6:
0x478: {  	(v2sf) =	vpush v2, s25;
	_ =	sdelay $0xc  }
0x479: {  	s25 =	sadd.s32 $0x1, s25  }
0x47a: {  	s31 =	sadd.s32 s25, s2  }
0x47b: {  	p3 =	slt.s32 s31, s8;
	s11 =	spop (v2sf)  }
.Ltmp6:
0x47c: {  	s11 =	sshll.u32 s11, $0x4;
	(pc) =	sbr.rel @p3 .LBB2_6-.Ltmp6, $4  }
0x47d: {  	s11 =	sand.u32 $0x1FFFFFF0, s11  }
0x47e: {  	s11 =	sadd.s32 s13, s11  }
0x47f: {  	[tilespmem:s7], [sflag:$0x9] =	stream.linear.gather [hbm4b:s11+s18], $0x21, $0x38;
	[tilespmem:$0x1F1E8] =	vst v63  }
0x480: {  	s7 =	sadd.s32 $0x80, s7  }
.Ltmp7:
0x481: {  	_ = 	snop;
	(pc) =	sbr.rel .LBB2_3-.Ltmp7, $1  }
0x482: {  	_ =	sdelay $0x3  }
.LBB2_7:
0x483: {  	p3 =	slt.u32 s22, $0x2  }
.Ltmp8:
0x484: {  	_ = 	snop;
	(pc) =	sbr.rel @p3 .LBB2_25-.Ltmp8, $1  }
0x485: {  	_ =	sdelay $0x3  }
0x486: {  	s0 =	ssub.s32 $0x61A80, s23;
	p3 =	sgt.s32 s23, $0x61920  }
0x487: {  	s1 =	smov.u32 s23;
	s2 =	sshra.s32 s23, $0x1F;
	p4 =	slt.s32 s0, $0x160  }
0x488: {  	s1 =	simm.s32 @!p3 $0x61920;
	s2 =	sand.u32 s2, s23;
	s0 =	simm.s32 @!p4 $0x160  }
0x489: {  	s1 =	ssub.s32 s1, s2;
	s0 =	smul.u32 $0x84, s0  }
0x48a: {  	s1 =	sadd.s32 $0xFFF9E6E0, s1  }
0x48b: {  	s29 =	simm.s32 $0x9;
	s25 =	sshll.u32 s1, $0x2;
	s0 =	sshrl.u32 s0, $0x2  }
0x48c: {  	p3 =	sgt.s32 s1, $0x15F;
	s26 =	ssub.s32 $0x580, s25;
	_ =	swait.ge [sflag:s29], s0  }
0x48d: {  	s0 =	ssub.s32 $0x0, s0;
	s1 =	sshrl.u32 s26, $0x2;
	[sflag:s29] =	ssyncset.done $0x0  }
0x48e: {  	s1 =	simm.s32 @p3 $0x0;
	[sflag:s29] =	ssyncadd.s32 s0  }
0x48f: {  	_ =	swait.ge [sflag:s5], s1  }
0x490: {  	s30 =	ssub.s32 $0x0, s1;
	[sflag:s5] =	ssyncset.done $0x0  }
0x491: {  	[sflag:s5] =	ssyncadd.s32 s30  }
0x492: {  	v1 =	vld [tilespmem:$0x84C8];
	_ =	sdelay $0x4  }
0x493: {  	(v2sf) =	vpush v1, $0x0  }
0x494: {  	(v2sf) =	vpush v1, $0x1  }
0x495: {  	(v2sf) =	vpush v1, $0x2;
	_ =	sdelay $0x3  }
0x496: {  	s0 =	sadd.s32 $0x160, s23  }
0x497: {  	p3 =	slt.s32 s10, s0;
	s1 =	ssub.s32 $0xC3500, s23  }
0x498: {  	s0 =	smov.u32 @p3 s10;
	p3 =	sgt.s32 s1, $0x0  }
0x499: {  	s0 =	ssub.s32 s0, s23;
	s1 =	simm.s32 @!p3 $0x0  }
0x49a: {  	p3 =	slt.s32 s1, s0  }
0x49b: {  	s0 =	smov.u32 @p3 s1  }
0x49c: {  	s26 =	simm.s32 $0x1;
	p3 =	slt.s32 s0, $0x1  }
.Ltmp9:
0x49d: {  	s26 =	simm.s32 @!p2 $0x0;
	(pc) =	sbr.rel @p3 .LBB2_12-.Ltmp9, $4  }
0x49e: {  	s31 =	smul.u32 $0x580, s26  }
0x49f: {  	s28 =	spop (v2sf)  }
0x4a0: {  	s2 =	sshrl.u32 s31, $0x2;
	s1 =	spop (v2sf)  }
0x4a1: {  	s24 =	sadd.s32 $0x8F28, s2;
	s23 =	spop (v2sf)  }
0x4a2: {  	s2 =	smin.u32 s0, $0x10  }
0x4a3: {  	v1 =	vmov s2  }
0x4a4: {  	p4 =	sgt.s32 s0, $0x10;
	vm1 =	vgt.u32 v1, v0  }
.Ltmp10:
0x4a5: {  	_ = 	snop;
	(pc) =	sbr.rel @!p4 .LBB2_11-.Ltmp10, $2  }
0x4a6: {  	_ =	sdelay $0x2  }
0x4a7: {  	s25 =	simm.s32 $0x10;
	s29 =	sadd.s32 $0xFFFFFFF0, s0;
	s2 =	smov.u32 s24;
	vm0 =	vmmov vm1  }
.LBB2_10:
0x4a8: {  	s7 =	smin.u32 s29, $0x10;
	s25 =	sadd.s32 $0x10, s25;
	v1 =	vld.msk [tilespmem:s2+$0x0 ss:$0x1], vm1  }
0x4a9: {  	v2 =	vmov s7;
	p4 =	slt.s32 s25, s0  }
0x4aa: {  	vm1 =	vgt.u32 v2, v0  }
.Ltmp11:
0x4ab: {  	(pc) =	sbr.rel @p4 .LBB2_10-.Ltmp11, $3  }
0x4ac: {  	_ =	sdelay $0x1  }
0x4ad: {  	v1 =	vshll.u32 v1, $0x4  }
0x4ae: {  	s29 =	sadd.s32 $0xFFFFFFF0, s29;
	[tilespmem:s2+$0x0] =	vst.msk vm0, v1;
	s2 =	sadd.s32 $0x10, s2;
	vm0 =	vmmov vm1  }
.LBB2_11:
0x4af: {  	_ =	sdelay $0x4  }
0x4b0: {  	v1 =	vld.msk [tilespmem:s2+$0x0 ss:$0x1], vm1;
	_ =	sdelay $0x4  }
0x4b1: {  	v1 =	vshll.u32 v1, $0x4  }
0x4b2: {  	[tilespmem:s2+$0x0] =	vst.msk vm0, v1  }
.LBB2_12:
0x4b3: {  	s2 =	sand.u32 $0x1, s22  }
0x4b4: {  	s2 =	smul.u32 $0x160, s2  }
0x4b5: {  	p4 =	sne.s32 s1, $0xFFFFFFFF  }
0x4b6: {  	v1 =	vld.msk @!p4 [tilespmem:s2+$0x8F28], $0x1;
	_ =	sdelay $0x4  }
0x4b7: {  	(v2sf) =	vpush @!p4 v1, $0x0;
	_ =	sdelay $0xc  }
.Ltmp12:
0x4b8: {  	_ = 	snop;
	(pc) =	sbr.rel @p3 .LBB2_23-.Ltmp12, $4  }
0x4b9: {  	_ = 	snop  }
0x4ba: {  	s30 =	spop @!p4 (v2sf)  }
0x4bb: {  	s23 =	simm.s32 @!p4 $0x0;
	s25 =	smov.u32 s30  }
0x4bc: {  	[sflag:s19] =	ssyncpa.u1 $0x0;
	s30 =	smov.u32 @p4 s28;
	s25 =	smov.u32 @p4 s1  }
0x4bd: {  	v1 =	vld.msk [tilespmem:s24+$0x0], $0x1;
	_ =	sdelay $0x4  }
0x4be: {  	(v2sf) =	vpush v1, $0x0;
	_ =	sdelay $0xd  }
0x4bf: {  	s2 =	smul.u32 $0x2C000, s26  }
0x4c0: {  	s26 =	ssub.s32 $0x0, s0;
	s28 =	simm.s32 $0x0;
	s1 =	spop (v2sf)  }
0x4c1: {  	s8 =	smov.u32 s30;
	s0 =	sadd.s32 $0x1, s26;
	p3 =	seq.s32 s30, s1  }
0x4c2: {  	p5 =	seq.s32 s0, $0x0;
	p4 =	sgt.s32 @!p3 s30, $0x0;
	s7 =	smul.u32 @!p3 $0xC0, s28  }
.Ltmp13:
0x4c3: {  	s2 =	sshrl.u32 s2, $0x2;
	p4 =	por !p4, p3;
	(pc) =	sbr.rel @p5 .LBB2_15-.Ltmp13, $4  }
0x4c4: {  	s29 =	sadd.s32 $0x91F8, s2;
	s8 =	simm.s32 @p4 $0x0  }
0x4c5: {  	s2 =	simm.s32 @!p3 $0x1;
	s7 =	sshra.s32 @!p3 s7, $0x2;
	s11 =	smin.u32 @!p3 s8, $0x1869FB  }
0x4c6: {  	s2 =	smov.u32 @p3 s28;
	s8 =	sadd.s32 @!p3 $0x4298, s7;
	s31 =	sand.u32 @!p3 $0x1FFFF8, s11  }
0x4c7: {  	s7 =	sand.u32 @!p3 $0x7, s11;
	s11 =	sadd.s32 @!p3 s6, s31;
	s31 =	sadd.s32 $0x1, s24  }
.LBB2_14:
0x4c8: {  	s12 =	smov.u32 s2  }
0x4c9: {  	[tilespmem:s8], [sflag:$0x2] =	stream.linear.gather @!p3 [hbm4b:s11+s7], $0x21, $0x38;
	[tilespmem:$0x1F1E8] =	vst v63  }
0x4ca: {  	s0 =	sadd.s32 $0x1, s0;
	s7 =	smov.u32 s1;
	v1 =	vld.msk [tilespmem:s31+$0x0], $0x1  }
0x4cb: {  	p4 =	seq.s32 s0, $0x0;
	_ =	sdelay $0x3  }
0x4cc: {  	(v2sf) =	vpush v1, $0x0;
	_ =	sdelay $0xe  }
0x4cd: {  	s1 =	spop (v2sf)  }
0x4ce: {  	p3 =	seq.s32 s7, s1  }
0x4cf: {  	p5 =	sgt.s32 @!p3 s7, $0x0;
	s8 =	smul.u32 @!p3 $0xC0, s2;
	s2 =	sadd.s32 @!p3 $0x1, s2  }
.Ltmp14:
0x4d0: {  	p5 =	por !p5, p3;
	s2 =	smov.u32 @p3 s12;
	(pc) =	sbr.rel @!p4 .LBB2_14-.Ltmp14, $4  }
0x4d1: {  	s7 =	simm.s32 @p5 $0x0;
	s8 =	sshra.s32 @!p3 s8, $0x2  }
0x4d2: {  	s7 =	smin.u32 @!p3 s7, $0x1869FB;
	s8 =	sadd.s32 @!p3 $0x4298, s8  }
0x4d3: {  	s11 =	sand.u32 @!p3 $0x1FFFF8, s7;
	s7 =	sand.u32 @!p3 $0x7, s7  }
0x4d4: {  	s31 =	sadd.s32 $0x1, s31;
	s11 =	sadd.s32 @!p3 s6, s11  }
.LBB2_15:
0x4d5: {  	s0 =	smul.u32 $0x84, s2  }
0x4d6: {  	[tilespmem:s8], [sflag:$0x2] =	stream.linear.gather @!p3 [hbm4b:s11+s7], $0x21, $0x38;
	[tilespmem:$0x1F1E8] =	vst v63  }
.Ltmp15:
0x4d7: {  	_ = 	snop;
	(pc) =	sbr.rel .LBB2_16-.Ltmp15, $4  }
0x4d8: {  	s1 =	simm.s32 $0x2;
	s0 =	sshrl.u32 s0, $0x2  }
0x4d9: {  	_ =	swait.ge [sflag:s1], s0  }
0x4da: {  	s0 =	ssub.s32 $0x0, s0;
	[sflag:s1] =	ssyncset.done $0x0  }
0x4db: {  	[sflag:s1] =	ssyncadd.s32 s0;
	s0 =	simm.s32 $0x0  }
.LBB2_17:
0x4dc: {  	v1 =	vld [tilespmem:s29+$0xFFFFFFF0];
	_ =	sdelay $0x4  }
0x4dd: {  	[tilespmem:s1+$0x68] =	vst.add.f32.msk $0xffff, v1  }
0x4de: {  	v1 =	vld [tilespmem:s29+$0x0];
	_ =	sdelay $0x4  }
0x4df: {  	[tilespmem:s1+$0x78] =	vst.add.f32.msk $0xffff, v1  }
0x4e0: {  	v1 =	vld.msk [tilespmem:s29+$0x10], $0x1;
	_ =	sdelay $0x4  }
0x4e1: {  	[tilespmem:s1+$0x88] =	vst.add.f32.msk $0x1, v1  }
.LBB2_21:
0x4e2: {  	s26 =	sadd.s32 $0x1, s26  }
0x4e3: {  	p3 =	seq.s32 s26, $0x0  }
.Ltmp16:
0x4e4: {  	_ = 	snop;
	(pc) =	sbr.rel @p3 .LBB2_22-.Ltmp16, $2  }
0x4e5: {  	_ =	sdelay $0x2  }
0x4e6: {  	s29 =	sadd.s32 $0x80, s29;
	s24 =	sadd.s32 $0x1, s24;
	s30 =	smov.u32 s31  }
.LBB2_16:
0x4e7: {  	v1 =	vld.msk [tilespmem:s24+$0x0], $0x1;
	_ =	sdelay $0x4  }
0x4e8: {  	(v2sf) =	vpush v1, $0x0;
	_ =	sdelay $0xe  }
0x4e9: {  	s31 =	spop (v2sf)  }
0x4ea: {  	p3 =	sne.s32 s30, s31  }
.Ltmp17:
0x4eb: {  	_ = 	snop;
	(pc) =	sbr.rel @!p3 .LBB2_17-.Ltmp17, $3  }
0x4ec: {  	_ = 	snop  }
0x4ed: {  	s1 =	smul.u32 $0xC0, s23;
	_ =	sdelay $0x1  }
0x4ee: {  	s1 =	sshra.s32 s1, $0x2  }
0x4ef: {  	p3 =	seq.s32 s30, s25  }
.Ltmp18:
0x4f0: {  	_ = 	snop;
	(pc) =	sbr.rel @!p3 .LBB2_19-.Ltmp18, $1  }
0x4f1: {  	_ =	sdelay $0x3  }
.Ltmp19:
0x4f2: {  	s1 =	sadd.s32 $0x68, s1;
	(pc) =	sbr.rel .LBB2_20-.Ltmp19, $4  }
0x4f3: {  	[spmem:s16] =	stream.linear.scatter [tilespmem:s1], [sflag:$0x1], $0x21, $0x38;
	[tilespmem:$0x1F1E8] =	vst v63  }
0x4f4: {  	_ =	swait.ge [sflag:s3], $0x21  }
0x4f5: {  	[sflag:s3] =	ssyncset.done $0x0  }
0x4f6: {  	[sflag:s3] =	ssyncadd.s32 $0xFFFFFFDF  }
.LBB2_19:
0x4f7: {  	s2 =	smul.u32 $0xC0, s28;
	_ =	sdelay $0x1  }
0x4f8: {  	s2 =	sshra.s32 s2, $0x2  }
0x4f9: {  	v1 =	vld [tilespmem:s2+$0x4298];
	_ =	sdelay $0x4  }
0x4fa: {  	[tilespmem:s1+$0x68] =	vst.add.f32.msk $0xffff, v1  }
0x4fb: {  	v1 =	vld [tilespmem:s2+$0x42A8];
	_ =	sdelay $0x4  }
0x4fc: {  	[tilespmem:s1+$0x78] =	vst.add.f32.msk $0xffff, v1  }
0x4fd: {  	v1 =	vld.msk [tilespmem:s2+$0x42B8], $0x1;
	_ =	sdelay $0x2  }
0x4fe: {  	p3 =	sgt.u32 s30, $0x1869FB  }
0x4ff: {  	s2 =	sand.u32 @!p3 $0x1FFFF8, s30  }
0x500: {  	s7 =	sadd.s32 $0x68, s1;
	[tilespmem:s1+$0x88] =	vst.add.f32.msk $0x1, v1;
	s1 =	sadd.s32 @!p3 s6, s2;
	s2 =	sand.u32 @!p3 $0x7, s30  }
0x501: {  	[hbm4b:s1+s2] =	stream.linear.scatter @!p3 [tilespmem:s7], [sflag:$0xC], $0x21, $0x38;
	[tilespmem:$0x1F1E8] =	vst v63  }
0x502: {  	s1 =	simm.s32 $0x0  }
0x503: {  	s1 =	simm.s32 @!p3 $0x84  }
0x504: {  	s0 =	sadd.s32 s1, s0  }
.LBB2_20:
0x505: {  	s1 =	sadd.s32 $0x1, s23  }
0x506: {  	s2 =	smulhi.u32 $0xBA2E8BA3, s1;
	_ =	sdelay $0x1  }
0x507: {  	s2 =	sshrl.u32 s2, $0x8  }
0x508: {  	s2 =	smul.u32 $0x160, s2  }
0x509: {  	v1 =	vld [tilespmem:s29+$0xFFFFFFF0]  }
0x50a: {  	s23 =	ssub.s32 s1, s2  }
0x50b: {  	s1 =	smul.u32 $0xC0, s23;
	_ =	sdelay $0x1  }
0x50c: {  	s1 =	sshrl.u32 s1, $0x2  }
0x50d: {  	[tilespmem:s1+$0x68] =	vst v1  }
0x50e: {  	v1 =	vld [tilespmem:s29+$0x0];
	_ =	sdelay $0x4  }
0x50f: {  	[tilespmem:s1+$0x78] =	vst v1  }
0x510: {  	v1 =	vld.msk [tilespmem:s29+$0x10], $0x1  }
.Ltmp20:
0x511: {  	_ = 	snop;
	(pc) =	sbr.rel .LBB2_21-.Ltmp20, $2  }
0x512: {  	_ =	sdelay $0x2  }
0x513: {  	s28 =	sadd.s32 $0x1, s28;
	[tilespmem:s1+$0x88] =	vst.msk $0x1, v1  }
.LBB2_23:
.Ltmp21:
0x514: {  	(pc) =	sbr.rel .LBB2_24-.Ltmp21, $4  }
0x515: {  	_ = 	snop  }
0x516: {  	s0 =	simm.s32 $0x2  }
0x517: {  	_ =	swait.ge [sflag:s0], $0x0  }
0x518: {  	s31 =	smov.u32 s30;
	[sflag:s0] =	ssyncset.done $0x0;
	s0 =	simm.s32 $0x0  }
.LBB2_26:
0x519: {  	_ =	sfence.sel $0x180000  }
0x51a: {  	s0 =	simm.s32 $0x9;
	[bflag:$0x0] =	sbarrier.arrive $0xFFFF  }
0x51b: {  	s24 =	simm.s32 $0xA;
	[sflag:s0] =	ssyncpa.u1 $0x1  }
0x51c: {  	s25 =	simm.s32 $0xB;
	[sflag:s24] =	ssyncpa.u1 $0x1  }
0x51d: {  	s26 =	simm.s32 $0x2;
	[sflag:s25] =	ssyncpa.u1 $0x1  }
0x51e: {  	[sflag:s26] =	ssyncpa.u1 $0x1  }
0x51f: {  	v0 =	vld [tilespmem:$0x84C8];
	_ =	sdelay $0x4  }
0x520: {  	(v2sf) =	vpush v0, $0x0  }
0x521: {  	(v2sf) =	vpush v0, $0x1  }
0x522: {  	(v2sf) =	vpush v0, $0x2;
	_ =	sdelay $0xc  }
0x523: {  	s0 =	spop (v2sf)  }
0x524: {  	s1 =	spop (v2sf)  }
0x525: {  	s2 =	smov.u32 s0;
	p1 =	sne.s32 s0, s1;
	s3 =	spop (v2sf)  }
0x526: {  	s2 =	simm.s32 @!p1 $0xFFFFFFFF;
	p1 =	seq.s32 s3, $0xFFFFFFFF  }
0x527: {  	v2 =	vimm.s32 $0x1;
	v3 =	vlaneseq.u32;
	v1 =	vmov s2;
	p2 =	sne.s32 @!p1 s0, s1  }
0x528: {  	s14 =	stileid.u32;
	v0 =	vperm.xlane v0, v2;
	s0 =	simm.s32 @!p1 $0x1;
	v1 =	vperm.xlane v1, v3;
	p2 =	por !p2, p1  }
0x529: {  	vm0 =	vcmask $0x3F04;
	s2 =	sshll.u32 s14, $0x1;
	s1 =	smul.u32 @!p1 $0xC0, s3;
	s0 =	simm.s32 @p2 $0x0  }
0x52a: {  	s5 =	simm.s32 $0x84C8;
	v0 =	vsel vm0, v1, v0;
	s0 =	sor.u32 @!p1 s0, s2  }
0x52b: {  	s4 =	sor.u32 $0x600, s2;
	s1 =	sshra.s32 @!p1 s1, $0x2;
	[tilespmem:$0x84C8] =	vst v0;
	s0 =	smul.u32 @!p1 $0xC0, s0  }
0x52c: {  	[spmem:s4] =	stream.linear.scatter [tilespmem:s5], [sflag:$0x1], $0x2, $0x38;
	[tilespmem:$0x1F1E8] =	vst v63  }
0x52d: {  	s1 =	sadd.s32 @!p1 $0x68, s1;
	s0 =	sshrl.u32 @!p1 s0, $0x2  }
0x52e: {  	[spmem:s0] =	stream.linear.scatter @!p1 [tilespmem:s1], [sflag:$0x1], $0x30, $0x38;
	[tilespmem:$0x1F1E8] =	vst v63  }
0x52f: {  	s0 =	simm.s32 @!p1 $0x32  }
0x530: {  	s28 =	simm.s32 $0x1;
	s0 =	simm.s32 @p1 $0x2  }
0x531: {  	_ =	swait.ge [sflag:s28], s0  }
0x532: {  	s0 =	ssub.s32 $0x0, s0;
	[sflag:s28] =	ssyncset.done $0x0  }
0x533: {  	[sflag:s28] =	ssyncadd.s32 s0  }
.Ltmp22:
0x534: {  	_ =	sfence.stream.spmem;
	(pc) =	sbr.rel @p0 .LBB2_43-.Ltmp22, $4  }
0x535: {  	s29 =	simm.s32 $0x3;
	[bflag:$0x0] =	sbarrier.arrive $0xFFFF  }
0x536: {  	s30 =	simm.s32 $0x4;
	[sflag:s29] =	ssyncpa.u1 $0x1  }
0x537: {  	s31 =	simm.s32 $0x3C;
	[sflag:s30] =	ssyncpa.u1 $0x1  }
0x538: {  	s15 =	rddreg [dreg:$0x5];
	[sflag:s31] =	ssyncpa.u1 $0x1  }
0x539: {  	_ =	sfence.stream.spmem;
	s0 =	simm.s32 $0x5  }
0x53a: {  	s1 =	simm.s32 $0x600;
	s2 =	simm.s32 $0x84D8;
	[sflag:s0] =	ssyncpa.u1 $0x0  }
0x53b: {  	[tilespmem:s2], [sflag:$0x5] =	stream.linear.gather [spmem:s1], $0x20, $0x38;
	[tilespmem:$0x1F1E8] =	vst v63  }
0x53c: {  	s26 =	simm.s32 $0x0;
	s28 =	simm.s32 $0x84F8  }
0x53d: {  	[tilespmem:s28], [sflag:$0x5] =	stream.linear.gather [spmem:s26], $0x600, $0x38;
	[tilespmem:$0x1F1E8] =	vst v63  }
0x53e: {  	_ =	swait.ge [sflag:s0], $0x620  }
0x53f: {  	[sflag:s0] =	ssyncset.done $0x0  }
0x540: {  	s29 =	simm.s32 $0x0;
	[sflag:s0] =	ssyncadd.s32 $0xFFFFF9E0  }
0x541: {  	v0 =	vld.msk [tilespmem:s29+$0x84D8], $0x1;
	_ =	sdelay $0x1  }
0x542: {  	s30 =	simm.s32 $0x1  }
0x543: {  	v1 =	vld.msk [tilespmem:s30+$0x84D8], $0x1;
	_ =	sdelay $0x1  }
0x544: {  	(v2sf) =	vpush v0, $0x0;
	_ =	sdelay $0x2  }
0x545: {  	(v2sf) =	vpush v1, $0x0;
	_ =	sdelay $0x2  }
0x546: {  	s31 =	simm.s32 $0x2  }
0x547: {  	v0 =	vld.msk [tilespmem:s31+$0x84D8], $0x1;
	_ =	sdelay $0x2  }
0x548: {  	s1 =	simm.s32 $0xFFFFFFFF;
	s2 =	simm.s32 $0xFFFFFFFF;
	s0 =	simm.s32 $0xC  }
.LBB2_28:
0x549: {  	s3 =	smov.u32 s2;
	s4 =	smov.u32 s1  }
0x54a: {  	s1 =	sshra.s32 s0, $0x2;
	p1 =	sne.s32 s0, $0x7C;
	s0 =	sadd.s32 $0x4, s0;
	(v2sf) =	vpush v0, $0x0  }
0x54b: {  	v0 =	vld.msk [tilespmem:s1+$0x84D8], $0x1  }
.Ltmp23:
0x54c: {  	(pc) =	sbr.rel @p1 .LBB2_28-.Ltmp23, $4  }
0x54d: {  	s2 =	spop (v2sf)  }
0x54e: {  	p2 =	sne.s32 s4, $0xFFFFFFFF;
	s1 =	smov.u32 s2  }
0x54f: {  	p3 =	seq.s32 s2, $0xFFFFFFFF;
	s1 =	smov.u32 @p2 s4  }
0x550: {  	s2 =	smov.u32 @p3 s3;
	s1 =	smov.u32 @p3 s4  }
0x551: {  	(v2sf) =	vpush v0, $0x0;
	_ =	sdelay $0x8  }
0x552: {  	s0 =	spop (v2sf)  }
0x553: {  	p1 =	sne.s32 s1, $0xFFFFFFFF;
	s3 =	smov.u32 s0  }
0x554: {  	s9 =	simm.s32 $0x6;
	p2 =	seq.s32 s0, $0xFFFFFFFF;
	s3 =	smov.u32 @p1 s1  }
0x555: {  	s10 =	simm.s32 $0x8498;
	s3 =	smov.u32 @p2 s1;
	s1 =	spop (v2sf)  }
0x556: {  	s0 =	smov.u32 @p2 s2;
	p1 =	sne.s32 s3, $0xFFFFFFFF;
	s7 =	smov.u32 s1  }
.Ltmp24:
0x557: {  	p2 =	seq.s32 s1, $0xFFFFFFFF;
	s7 =	smov.u32 @p1 s3;
	(pc) =	sbr.rel .LBB2_30-.Ltmp24, $4  }
0x558: {  	s11 =	simm.s32 $0x0;
	s7 =	smov.u32 @p2 s3;
	s4 =	spop (v2sf)  }
0x559: {  	[sflag:s9] =	ssyncpa.u1 $0x0;
	p1 =	sne.s32 s7, $0xFFFFFFFF;
	s5 =	smov.u32 s4  }
0x55a: {  	s1 =	smov.u32 @p2 s0;
	p2 =	seq.s32 s4, $0xFFFFFFFF;
	s5 =	smov.u32 @p1 s7  }
0x55b: {  	s3 =	simm.s32 $0x0;
	s4 =	smov.u32 @p2 s1;
	s5 =	smov.u32 @p2 s7  }
.LBB2_36:
0x55c: {  	p1 =	sgt.u32 s12, $0x1869FB  }
0x55d: {  	p2 =	seq.s32 @!p1 s12, s5  }
0x55e: {  	p1 =	por p1, p2  }
0x55f: {  	p2 =	sne.s32 @!p1 s12, s4  }
0x560: {  	p1 =	por p1, !p2  }
0x561: {  	s0 =	smul.u32 @p1 $0xC0, s11;
	_ =	sdelay $0x1  }
0x562: {  	s0 =	sand.u32 @!p1 $0x1FFFF8, s12  }
0x563: {  	s1 =	sand.u32 @!p1 $0x7, s12;
	s0 =	sadd.s32 @!p1 s6, s0  }
0x564: {  	[tilespmem:s10], [sflag:$0x6] =	stream.linear.gather @!p1 [hbm4b:s0+s1], $0x21, $0x38;
	[tilespmem:$0x1F1E8] =	vst v63  }
0x565: {  	_ =	swait.ge @!p1 [sflag:s9], $0x21  }
0x566: {  	[sflag:s9] =	ssyncset.done @!p1 $0x0  }
0x567: {  	[sflag:s9] =	ssyncadd.s32 @!p1 $0xFFFFFFDF  }
0x568: {  	v1 =	vld @!p1 [tilespmem:$0x8498];
	_ =	sdelay $0x1  }
0x569: {  	s0 =	smul.u32 @!p1 $0xC0, s11;
	_ =	sdelay $0x1  }
0x56a: {  	s1 =	sshra.s32 @!p1 s0, $0x2  }
0x56b: {  	[tilespmem:s1+$0x84F8] =	vst.add.f32.msk @!p1 $0xffff, v1  }
0x56c: {  	v1 =	vld @!p1 [tilespmem:$0x84A8];
	_ =	sdelay $0x4  }
0x56d: {  	[tilespmem:s1+$0x8508] =	vst.add.f32.msk @!p1 $0xffff, v1  }
0x56e: {  	v1 =	vld @!p1 [tilespmem:$0x84B8];
	_ =	sdelay $0x4  }
0x56f: {  	[tilespmem:s1+$0x8518] =	vst.add.f32.msk @!p1 $0xffff, v1  }
0x570: {  	s0 =	sshra.s32 s0, $0x2;
	[tilespmem:s3+$0x84D8] =	vst.msk $0x1, v0  }
0x571: {  	v0 =	vld [tilespmem:s0+$0x84F8];
	_ =	sdelay $0x1  }
0x572: {  	s31 =	smul.u32 $0xC0, s3;
	_ =	sdelay $0x1  }
0x573: {  	s1 =	sshra.s32 s31, $0x2  }
0x574: {  	[tilespmem:s1+$0x84F8] =	vst v0  }
0x575: {  	v0 =	vld [tilespmem:s0+$0x8508];
	_ =	sdelay $0x4  }
0x576: {  	[tilespmem:s1+$0x8508] =	vst v0  }
0x577: {  	v0 =	vld [tilespmem:s0+$0x8518];
	_ =	sdelay $0x4  }
0x578: {  	s3 =	sadd.s32 $0x1, s3;
	[tilespmem:s1+$0x8518] =	vst v0  }
.LBB2_37:
0x579: {  	s11 =	sadd.s32 $0x1, s11  }
0x57a: {  	p1 =	sne.s32 s11, $0x20  }
.Ltmp25:
0x57b: {  	_ = 	snop;
	(pc) =	sbr.rel @!p1 .LBB2_38-.Ltmp25, $1  }
0x57c: {  	_ =	sdelay $0x3  }
.LBB2_30:
0x57d: {  	v0 =	vld.msk [tilespmem:s11+$0x84D8], $0x1;
	_ =	sdelay $0x4  }
0x57e: {  	(v2sf) =	vpush v0, $0x0;
	_ =	sdelay $0xe  }
0x57f: {  	s12 =	spop (v2sf)  }
0x580: {  	p1 =	seq.s32 s12, $0xFFFFFFFF  }
.Ltmp26:
0x581: {  	_ = 	snop;
	(pc) =	sbr.rel @p1 .LBB2_37-.Ltmp26, $1  }
0x582: {  	_ =	sdelay $0x3  }
0x583: {  	p1 =	slt.s32 s3, $0x1  }
.Ltmp27:
0x584: {  	_ = 	snop;
	(pc) =	sbr.rel @p1 .LBB2_36-.Ltmp27, $1  }
0x585: {  	_ =	sdelay $0x3  }
0x586: {  	s0 =	simm.s32 $0x84D8;
	p1 =	por $0x0, $0x0  }
0x587: {  	v1 =	vld.msk @!p1 [tilespmem:s0+$0x0], $0x1;
	_ =	sdelay $0x4  }
0x588: {  	(v2sf) =	vpush @!p1 v1, $0x0;
	_ =	sdelay $0xd  }
0x589: {  	p3 =	sne.s32 s3, $0x1  }
.Ltmp28:
0x58a: {  	s1 =	spop @!p1 (v2sf);
	(pc) =	sbr.rel @!p3 .LBB2_34-.Ltmp28, $4  }
0x58b: {  	p2 =	seq.s32 @!p1 s12, s1  }
0x58c: {  	s13 =	simm.s32 $0x0;
	p2 =	por !p2, p1  }
0x58d: {  	s2 =	simm.s32 $0xFFFFFFFF;
	s13 =	simm.s32 @p2 $0xFFFFFFFF  }
0x58e: {  	s1 =	simm.s32 $0x1;
	s13 =	smov.u32 @p1 s2  }
.LBB2_33:
0x58f: {  	s2 =	smov.u32 s13;
	p1 =	sne.s32 s13, $0xFFFFFFFF  }
0x590: {  	s0 =	sadd.s32 $0x1, s0;
	s13 =	smov.u32 s1;
	s1 =	sadd.s32 $0x1, s1  }
0x591: {  	p2 =	sne.s32 s3, s1;
	v1 =	vld.msk @!p1 [tilespmem:s0+$0x0], $0x1;
	_ =	sdelay $0x4  }
0x592: {  	(v2sf) =	vpush @!p1 v1, $0x0;
	_ =	sdelay $0xe  }
.Ltmp29:
0x593: {  	s7 =	spop @!p1 (v2sf);
	(pc) =	sbr.rel @p2 .LBB2_33-.Ltmp29, $4  }
0x594: {  	p3 =	seq.s32 @!p1 s12, s7  }
0x595: {  	p3 =	por !p3, p1  }
0x596: {  	s13 =	simm.s32 @p3 $0xFFFFFFFF  }
0x597: {  	s13 =	smov.u32 @p1 s2  }
.LBB2_34:
0x598: {  	p1 =	seq.s32 s13, $0xFFFFFFFF  }
.Ltmp30:
0x599: {  	_ = 	snop;
	(pc) =	sbr.rel @p1 .LBB2_36-.Ltmp30, $1  }
0x59a: {  	_ =	sdelay $0x3  }
0x59b: {  	s0 =	smul.u32 $0xC0, s11;
	_ =	sdelay $0x1  }
0x59c: {  	s0 =	sshra.s32 s0, $0x2  }
0x59d: {  	v0 =	vld [tilespmem:s0+$0x84F8];
	_ =	sdelay $0x1  }
0x59e: {  	s1 =	smul.u32 $0xC0, s13;
	_ =	sdelay $0x1  }
0x59f: {  	s1 =	sshra.s32 s1, $0x2  }
0x5a0: {  	[tilespmem:s1+$0x84F8] =	vst.add.f32.msk $0xffff, v0  }
0x5a1: {  	v0 =	vld [tilespmem:s0+$0x8508];
	_ =	sdelay $0x4  }
0x5a2: {  	[tilespmem:s1+$0x8508] =	vst.add.f32.msk $0xffff, v0  }
0x5a3: {  	v0 =	vld [tilespmem:s0+$0x8518]  }
.Ltmp31:
0x5a4: {  	_ = 	snop;
	(pc) =	sbr.rel .LBB2_37-.Ltmp31, $2  }
0x5a5: {  	_ =	sdelay $0x2  }
0x5a6: {  	[tilespmem:s1+$0x8518] =	vst.add.f32.msk $0xffff, v0  }
.LBB2_38:
0x5a7: {  	s0 =	simm.s32 $0x6;
	p1 =	seq.s32 s3, $0x0  }
0x5a8: {  	[sflag:s0] =	ssyncpa.u1 $0x1;
	v0 =	vimm.s32 @p1 $0xFFFFFFFF  }
0x5a9: {  	s9 =	sadd.s32 $0xFFFFFFFF, s3;
	[tilespmem:$0x8AF8] =	vst @p1 v0  }
0x5aa: {  	v0 =	vld.msk @!p1 [tilespmem:s9+$0x84D8], $0x1;
	_ =	sdelay $0x1  }
0x5ab: {  	v1 =	vld.msk @!p1 [tilespmem:$0x84D8], $0x1;
	_ =	sdelay $0x2  }
0x5ac: {  	p2 =	seq.s32 @!p1 s9, $0x0;
	v0 =	vbroadcast @!p1 v0, $0x0  }
0x5ad: {  	vm0 =	vmmov @!p1 $0x1;
	p3 =	por !p2, p1  }
0x5ae: {  	p2 =	sne.s32 @!p1 s5, s4;
	v1 =	vnsel @!p1 vm0, $0xFFFFFFFF, v1;
	vm0 =	vcmask @!p1 $0x308;
	v0 =	vpsel !p3, $0xFFFFFFFF, v0  }
0x5af: {  	p3 =	por !p2, p1;
	v0 =	vsel @!p1 vm0, v1, v0  }
0x5b0: {  	s0 =	simm.s32 @!p1 $0x84F8;
	s1 =	simm.s32 @!p1 $0x0;
	s2 =	smul.u32 @!p3 $0xC0, s9;
	[tilespmem:$0x8AF8] =	vst @!p1 v0  }
0x5b1: {  	[spmem:s1] =	stream.linear.scatter @!p1 [tilespmem:s0], [sflag:$0x1], $0x30, $0x38;
	[tilespmem:$0x1F1E8] =	vst v63  }
0x5b2: {  	s0 =	sshra.s32 @!p3 s2, $0x2  }
0x5b3: {  	s1 =	simm.s32 @!p3 $0x30;
	s0 =	sadd.s32 @!p3 $0x84F8, s0  }
0x5b4: {  	[spmem:s1] =	stream.linear.scatter @!p3 [tilespmem:s0], [sflag:$0x1], $0x30, $0x38;
	[tilespmem:$0x1F1E8] =	vst v63  }
0x5b5: {  	s0 =	simm.s32 @!p3 $0x1  }
0x5b6: {  	_ =	swait.ge @!p3 [sflag:s0], $0x60  }
0x5b7: {  	p1 =	por p2, p1;
	[sflag:s0] =	ssyncset.done @!p3 $0x0  }
0x5b8: {  	[sflag:s0] =	ssyncadd.s32 @!p3 $0xFFFFFFA0;
	s0 =	simm.s32 @!p1 $0x1  }
0x5b9: {  	_ =	swait.ge @!p1 [sflag:s0], $0x30  }
0x5ba: {  	s29 =	simm.s32 $0x8AF8;
	[sflag:s0] =	ssyncset.done @!p1 $0x0  }
0x5bb: {  	s30 =	simm.s32 $0x600;
	s31 =	simm.s32 $0x1;
	[sflag:s0] =	ssyncadd.s32 @!p1 $0xFFFFFFD0  }
0x5bc: {  	[spmem:s30] =	stream.linear.scatter [tilespmem:s29], [sflag:$0x1], $0x10, $0x38;
	[tilespmem:$0x1F1E8] =	vst v63  }
0x5bd: {  	_ =	swait.ge [sflag:s31], $0x10  }
0x5be: {  	[sflag:s31] =	ssyncset.done $0x0  }
0x5bf: {  	p1 =	seq.s32 s15, $0x0;
	s8 =	rddreg [dreg:$0x2];
	[sflag:s31] =	ssyncadd.s32 $0xFFFFFFF0  }
0x5c0: {  	s1 =	sshll.u32 @p1 s8, $0xE;
	s7 =	rddreg [dreg:$0x3]  }
0x5c1: {  	s0 =	sadd.s32 @p1 $0x15C3C, s1;
	s1 =	sshll.u32 @p1 s7, $0x11  }
0x5c2: {  	_ =	sfence.stream.spmem;
	s0 =	sor.u32 @p1 s1, s0  }
0x5c3: {  	[sflag:s0] =	ssyncadd.remote.s32 @p1 $0x1;
	s0 =	simm.s32 @p1 $0x4  }
0x5c4: {  	s2 =	simm.s32 @!p1 $0x3C;
	s1 =	sand.u32 $0xFFFFFFFE, s8;
	_ =	swait.ge @p1 [sflag:s0], $0xE  }
0x5c5: {  	s4 =	simm.s32 @!p1 $0x0;
	s1 =	sadd.s32 @!p1 $0x4, s1;
	[sflag:s0] =	ssyncset.done @p1 $0x0  }
0x5c6: {  	s5 =	simm.s32 @!p1 $0x60;
	[sflag:s0] =	ssyncadd.s32 @p1 $0xFFFFFFF2;
	s0 =	sshll.u32 @!p1 s1, $0x1A  }
0x5c7: {  	s1 =	sshll.u32 @!p1 s1, $0xD;
	s0 =	sor.u32 @!p1 s0, s7;
	_ =	swait.eq @!p1 [sflag:s2], $0x1  }
0x5c8: {  	s1 =	sor.u32 @!p1 $0x1C04, s1;
	s2 =	simm.s32 @!p1 $0x1C03;
	s0 =	sor.u32 @!p1 $0x80004000, s0  }
0x5c9: {  	[spmem:s5], [sflag:s1] =	dma.general @!p1 [spmem:s4], [sflag:s2], length:$0xC, [dreg:$0x0], stride_count:$0x0, ici_dest:s0, dma_misc:DstOpCode:WRITE  }
0x5ca: {  	p2 =	slt.s32 s9, $0x2;
	s4 =	simm.s32 @!p1 $0xC0;
	s5 =	simm.s32 @!p1 $0xC2  }
0x5cb: {  	[spmem:s5], [sflag:s1] =	dma.general @!p1 [spmem:s4], [sflag:s2], length:$0x2, [dreg:$0x0], stride_count:$0x0, ici_dest:s0, dma_misc:DstOpCode:WRITE  }
.Ltmp32:
0x5cc: {  	s0 =	simm.s32 @!p1 $0x3;
	(pc) =	sbr.rel @p2 .LBB2_42-.Ltmp32, $4  }
0x5cd: {  	s1 =	sshll.u32 @!p1 s8, $0xE;
	_ =	swait.ge @!p1 [sflag:s0], $0xE  }
0x5ce: {  	s2 =	sshll.u32 @!p1 s7, $0x11;
	s1 =	sadd.s32 @!p1 $0x11C3C, s1;
	[sflag:s0] =	ssyncset.done @!p1 $0x0  }
0x5cf: {  	[sflag:s0] =	ssyncadd.s32 @!p1 $0xFFFFFFF2;
	s0 =	sor.u32 @!p1 s2, s1  }
0x5d0: {  	[sflag:s0] =	ssyncadd.remote.s32 @!p1 $0xFFFFFFFF;
	s0 =	simm.s32 $0x0  }
0x5d1: {  	s0 =	simm.s32 $0x84D9  }
0x5d2: {  	v0 =	vld.msk [tilespmem:s0+$0x0], $0x1;
	_ =	sdelay $0x4  }
0x5d3: {  	(v2sf) =	vpush v0, $0x0;
	_ =	sdelay $0xc  }
0x5d4: {  	s1 =	sadd.s32 $0xFFFFFFFE, s3  }
0x5d5: {  	s1 =	sadd.s32 $0xFFFFFFFF, s1  }
0x5d6: {  	p2 =	sne.s32 s1, $0x0;
	s2 =	spop (v2sf)  }
.Ltmp33:
0x5d7: {  	p1 =	sgt.u32 s2, $0x1869FB;
	(pc) =	sbr.rel @!p2 .LBB2_41-.Ltmp33, $4  }
0x5d8: {  	s4 =	simm.s32 $0x0;
	s3 =	sand.u32 @!p1 $0x1FFFF8, s2  }
0x5d9: {  	s0 =	simm.s32 $0x8528;
	s2 =	sand.u32 @!p1 $0x7, s2;
	s3 =	sadd.s32 @!p1 s6, s3  }
0x5da: {  	[hbm4b:s3+s2] =	stream.linear.scatter @!p1 [tilespmem:s0], [sflag:$0x5], $0x21, $0x38;
	[tilespmem:$0x1F1E8] =	vst v63  }
0x5db: {  	s4 =	simm.s32 @!p1 $0x84;
	s2 =	simm.s32 $0x0;
	s3 =	simm.s32 $0x84DA  }
.LBB2_40:
0x5dc: {  	v0 =	vld.msk [tilespmem:s3+$0x0], $0x1;
	s1 =	sadd.s32 $0xFFFFFFFF, s1;
	s2 =	sadd.s32 s2, s4  }
0x5dd: {  	p1 =	sne.s32 s1, $0x0;
	_ =	sdelay $0x3  }
0x5de: {  	(v2sf) =	vpush v0, $0x0;
	_ =	sdelay $0xe  }
.Ltmp34:
0x5df: {  	s5 =	spop (v2sf);
	(pc) =	sbr.rel @p1 .LBB2_40-.Ltmp34, $4  }
0x5e0: {  	s4 =	simm.s32 $0x0;
	p2 =	sgt.u32 s5, $0x1869FB  }
0x5e1: {  	s0 =	sadd.s32 $0x30, s0;
	s4 =	simm.s32 @!p2 $0x84;
	s7 =	sand.u32 @!p2 $0x1FFFF8, s5  }
0x5e2: {  	s3 =	sadd.s32 $0x1, s3;
	s5 =	sand.u32 @!p2 $0x7, s5;
	s7 =	sadd.s32 @!p2 s6, s7  }
0x5e3: {  	[hbm4b:s7+s5] =	stream.linear.scatter @!p2 [tilespmem:s0], [sflag:$0x5], $0x21, $0x38;
	[tilespmem:$0x1F1E8] =	vst v63  }
.LBB2_41:
0x5e4: {  	s0 =	sadd.s32 s2, s4  }
0x5e5: {  	s0 =	sshrl.u32 s0, $0x2  }
.LBB2_42:
0x5e6: {  	s1 =	simm.s32 $0x5  }
0x5e7: {  	_ =	swait.ge [sflag:s1], s0  }
0x5e8: {  	s31 =	ssub.s32 $0x0, s0;
	[sflag:s1] =	ssyncset.done $0x0  }
0x5e9: {  	[sflag:s1] =	ssyncadd.s32 s31  }
0x5ea: {  	[sflag:s1] =	ssyncpa.u1 $0x1  }
.LBB2_43:
0x5eb: {  	s0 =	sor.u32 s15, s14  }
0x5ec: {  	p1 =	sne.s32 s0, $0x0  }
.Ltmp35:
0x5ed: {  	_ = 	snop;
	(pc) =	sbr.rel @p1 .LBB2_58-.Ltmp35, $3  }
0x5ee: {  	_ =	sdelay $0x1  }
0x5ef: {  	[bflag:$0x0] =	sbarrier.arrive $0xFFFF  }
0x5f0: {  	_ =	sfence  }
0x5f1: {  	s0 =	simm.s32 $0x7  }
0x5f2: {  	s1 =	simm.s32 $0x600;
	s2 =	simm.s32 $0x84D8;
	[sflag:s0] =	ssyncpa.u1 $0x0  }
0x5f3: {  	[tilespmem:s2], [sflag:$0x7] =	stream.linear.gather [spmem:s1], $0x20, $0x38;
	[tilespmem:$0x1F1E8] =	vst v63  }
0x5f4: {  	s30 =	simm.s32 $0x84F8;
	s1 =	simm.s32 $0x0  }
0x5f5: {  	[tilespmem:s30], [sflag:$0x7] =	stream.linear.gather [spmem:s1], $0x600, $0x38;
	[tilespmem:$0x1F1E8] =	vst v63  }
.Ltmp36:
0x5f6: {  	_ = 	snop;
	(pc) =	sbr.rel .LBB2_45-.Ltmp36, $4  }
0x5f7: {  	_ =	swait.ge [sflag:s0], $0x620  }
0x5f8: {  	[sflag:s0] =	ssyncset.done $0x0  }
0x5f9: {  	s31 =	simm.s32 $0x8;
	[sflag:s0] =	ssyncadd.s32 $0xFFFFF9E0  }
0x5fa: {  	s2 =	simm.s32 $0x0;
	[sflag:s31] =	ssyncpa.u1 $0x0  }
.LBB2_51:
0x5fb: {  	p1 =	slt.u32 s0, $0x1869FC  }
0x5fc: {  	s3 =	sand.u32 @p1 $0x1FFFF8, s0  }
0x5fd: {  	s0 =	sand.u32 @p1 $0x7, s0;
	s4 =	simm.s32 @p1 $0x8498;
	s3 =	sadd.s32 @p1 s6, s3  }
0x5fe: {  	[tilespmem:s4], [sflag:$0x8] =	stream.linear.gather @p1 [hbm4b:s3+s0], $0x21, $0x38;
	[tilespmem:$0x1F1E8] =	vst v63  }
0x5ff: {  	s0 =	simm.s32 @p1 $0x8  }
0x600: {  	_ =	swait.ge @p1 [sflag:s0], $0x21  }
0x601: {  	[sflag:s0] =	ssyncset.done @p1 $0x0  }
0x602: {  	[sflag:s0] =	ssyncadd.s32 @p1 $0xFFFFFFDF  }
0x603: {  	v1 =	vld @p1 [tilespmem:$0x8498];
	_ =	sdelay $0x1  }
0x604: {  	s0 =	smul.u32 @p1 $0xC0, s2;
	_ =	sdelay $0x1  }
0x605: {  	s3 =	sshra.s32 @p1 s0, $0x2  }
0x606: {  	[tilespmem:s3+$0x84F8] =	vst.add.f32.msk @p1 $0xffff, v1  }
0x607: {  	v1 =	vld @p1 [tilespmem:$0x84A8];
	_ =	sdelay $0x4  }
0x608: {  	[tilespmem:s3+$0x8508] =	vst.add.f32.msk @p1 $0xffff, v1  }
0x609: {  	v1 =	vld @p1 [tilespmem:$0x84B8];
	_ =	sdelay $0x2  }
0x60a: {  	s4 =	smul.u32 @!p1 $0xC0, s2;
	_ =	sdelay $0x1  }
0x60b: {  	s4 =	smov.u32 @p1 s0;
	[tilespmem:s3+$0x8518] =	vst.add.f32.msk @p1 $0xffff, v1  }
0x60c: {  	s0 =	sshra.s32 s4, $0x2;
	[tilespmem:s1+$0x84D8] =	vst.msk $0x1, v0  }
0x60d: {  	v0 =	vld [tilespmem:s0+$0x84F8];
	_ =	sdelay $0x1  }
0x60e: {  	s31 =	smul.u32 $0xC0, s1;
	_ =	sdelay $0x1  }
0x60f: {  	s3 =	sshra.s32 s31, $0x2  }
0x610: {  	[tilespmem:s3+$0x84F8] =	vst v0  }
0x611: {  	v0 =	vld [tilespmem:s0+$0x8508];
	_ =	sdelay $0x4  }
0x612: {  	[tilespmem:s3+$0x8508] =	vst v0  }
0x613: {  	v0 =	vld [tilespmem:s0+$0x8518];
	_ =	sdelay $0x4  }
0x614: {  	s1 =	sadd.s32 $0x1, s1;
	[tilespmem:s3+$0x8518] =	vst v0  }
.LBB2_52:
0x615: {  	s2 =	sadd.s32 $0x1, s2  }
0x616: {  	p1 =	sne.s32 s2, $0x20  }
.Ltmp37:
0x617: {  	_ = 	snop;
	(pc) =	sbr.rel @!p1 .LBB2_53-.Ltmp37, $1  }
0x618: {  	_ =	sdelay $0x3  }
.LBB2_45:
0x619: {  	v0 =	vld.msk [tilespmem:s2+$0x84D8], $0x1;
	_ =	sdelay $0x4  }
0x61a: {  	(v2sf) =	vpush v0, $0x0;
	_ =	sdelay $0xe  }
0x61b: {  	s0 =	spop (v2sf)  }
0x61c: {  	p1 =	seq.s32 s0, $0xFFFFFFFF  }
.Ltmp38:
0x61d: {  	_ = 	snop;
	(pc) =	sbr.rel @p1 .LBB2_52-.Ltmp38, $1  }
0x61e: {  	_ =	sdelay $0x3  }
0x61f: {  	p1 =	slt.s32 s1, $0x1  }
.Ltmp39:
0x620: {  	_ = 	snop;
	(pc) =	sbr.rel @p1 .LBB2_51-.Ltmp39, $1  }
0x621: {  	_ =	sdelay $0x3  }
0x622: {  	s3 =	simm.s32 $0x84D8;
	p1 =	por $0x0, $0x0  }
0x623: {  	v1 =	vld.msk @!p1 [tilespmem:s3+$0x0], $0x1;
	_ =	sdelay $0x4  }
0x624: {  	(v2sf) =	vpush @!p1 v1, $0x0;
	_ =	sdelay $0xd  }
0x625: {  	p3 =	sne.s32 s1, $0x1  }
.Ltmp40:
0x626: {  	s4 =	spop @!p1 (v2sf);
	(pc) =	sbr.rel @!p3 .LBB2_49-.Ltmp40, $4  }
0x627: {  	p2 =	seq.s32 @!p1 s0, s4  }
0x628: {  	s4 =	simm.s32 $0x0;
	p2 =	por !p2, p1  }
0x629: {  	s7 =	simm.s32 $0xFFFFFFFF;
	s4 =	simm.s32 @p2 $0xFFFFFFFF  }
0x62a: {  	s5 =	simm.s32 $0x1;
	s4 =	smov.u32 @p1 s7  }
.LBB2_48:
0x62b: {  	s7 =	smov.u32 s4;
	p1 =	sne.s32 s4, $0xFFFFFFFF  }
0x62c: {  	s3 =	sadd.s32 $0x1, s3;
	s4 =	smov.u32 s5;
	s5 =	sadd.s32 $0x1, s5  }
0x62d: {  	p2 =	sne.s32 s1, s5;
	v1 =	vld.msk @!p1 [tilespmem:s3+$0x0], $0x1;
	_ =	sdelay $0x4  }
0x62e: {  	(v2sf) =	vpush @!p1 v1, $0x0;
	_ =	sdelay $0xe  }
.Ltmp41:
0x62f: {  	s8 =	spop @!p1 (v2sf);
	(pc) =	sbr.rel @p2 .LBB2_48-.Ltmp41, $4  }
0x630: {  	p3 =	seq.s32 @!p1 s0, s8  }
0x631: {  	p3 =	por !p3, p1  }
0x632: {  	s4 =	simm.s32 @p3 $0xFFFFFFFF  }
0x633: {  	s4 =	smov.u32 @p1 s7  }
.LBB2_49:
0x634: {  	p1 =	seq.s32 s4, $0xFFFFFFFF  }
.Ltmp42:
0x635: {  	_ = 	snop;
	(pc) =	sbr.rel @p1 .LBB2_51-.Ltmp42, $1  }
0x636: {  	_ =	sdelay $0x3  }
0x637: {  	s0 =	smul.u32 $0xC0, s2;
	_ =	sdelay $0x1  }
0x638: {  	s0 =	sshra.s32 s0, $0x2  }
0x639: {  	v0 =	vld [tilespmem:s0+$0x84F8];
	_ =	sdelay $0x1  }
0x63a: {  	s3 =	smul.u32 $0xC0, s4;
	_ =	sdelay $0x1  }
0x63b: {  	s3 =	sshra.s32 s3, $0x2  }
0x63c: {  	[tilespmem:s3+$0x84F8] =	vst.add.f32.msk $0xffff, v0  }
0x63d: {  	v0 =	vld [tilespmem:s0+$0x8508];
	_ =	sdelay $0x4  }
0x63e: {  	[tilespmem:s3+$0x8508] =	vst.add.f32.msk $0xffff, v0  }
0x63f: {  	v0 =	vld [tilespmem:s0+$0x8518]  }
.Ltmp43:
0x640: {  	_ = 	snop;
	(pc) =	sbr.rel .LBB2_52-.Ltmp43, $2  }
0x641: {  	_ =	sdelay $0x2  }
0x642: {  	[tilespmem:s3+$0x8518] =	vst.add.f32.msk $0xffff, v0  }
.LBB2_53:
0x643: {  	p1 =	slt.s32 s1, $0x1  }
.Ltmp44:
0x644: {  	_ = 	snop;
	(pc) =	sbr.rel @p1 .LBB2_57-.Ltmp44, $3  }
0x645: {  	_ =	sdelay $0x1  }
0x646: {  	s0 =	simm.s32 $0x8  }
0x647: {  	[sflag:s0] =	ssyncpa.u1 $0x1;
	s0 =	simm.s32 $0x0  }
0x648: {  	s2 =	simm.s32 $0x84D8  }
0x649: {  	v0 =	vld.msk [tilespmem:s2+$0x0], $0x1;
	_ =	sdelay $0x4  }
0x64a: {  	(v2sf) =	vpush v0, $0x0;
	_ =	sdelay $0xe  }
0x64b: {  	s1 =	sadd.s32 $0xFFFFFFFF, s1;
	s3 =	spop (v2sf)  }
0x64c: {  	p2 =	sne.s32 s1, $0x0;
	p1 =	sgt.u32 s3, $0x1869FB  }
.Ltmp45:
0x64d: {  	s4 =	sand.u32 @!p1 $0x1FFFF8, s3;
	(pc) =	sbr.rel @!p2 .LBB2_56-.Ltmp45, $4  }
0x64e: {  	s2 =	simm.s32 $0x84F8;
	s3 =	sand.u32 @!p1 $0x7, s3;
	s4 =	sadd.s32 @!p1 s6, s4  }
0x64f: {  	[hbm4b:s4+s3] =	stream.linear.scatter @!p1 [tilespmem:s2], [sflag:$0x7], $0x21, $0x38;
	[tilespmem:$0x1F1E8] =	vst v63  }
0x650: {  	s4 =	simm.s32 $0x0  }
0x651: {  	s3 =	simm.s32 $0x84D9;
	s4 =	simm.s32 @!p1 $0x84  }
.LBB2_55:
0x652: {  	v0 =	vld.msk [tilespmem:s3+$0x0], $0x1;
	s1 =	sadd.s32 $0xFFFFFFFF, s1;
	s0 =	sadd.s32 s0, s4  }
0x653: {  	p1 =	sne.s32 s1, $0x0;
	_ =	sdelay $0x3  }
0x654: {  	(v2sf) =	vpush v0, $0x0;
	_ =	sdelay $0xe  }
.Ltmp46:
0x655: {  	s5 =	spop (v2sf);
	(pc) =	sbr.rel @p1 .LBB2_55-.Ltmp46, $4  }
0x656: {  	s4 =	simm.s32 $0x0;
	p2 =	sgt.u32 s5, $0x1869FB  }
0x657: {  	s2 =	sadd.s32 $0x30, s2;
	s4 =	simm.s32 @!p2 $0x84;
	s7 =	sand.u32 @!p2 $0x1FFFF8, s5  }
0x658: {  	s3 =	sadd.s32 $0x1, s3;
	s5 =	sand.u32 @!p2 $0x7, s5;
	s7 =	sadd.s32 @!p2 s6, s7  }
0x659: {  	[hbm4b:s7+s5] =	stream.linear.scatter @!p2 [tilespmem:s2], [sflag:$0x7], $0x21, $0x38;
	[tilespmem:$0x1F1E8] =	vst v63  }
.LBB2_56:
0x65a: {  	s0 =	sadd.s32 s0, s4  }
0x65b: {  	s0 =	sshrl.u32 s0, $0x2  }
.LBB2_57:
0x65c: {  	s1 =	simm.s32 $0x7  }
0x65d: {  	_ =	swait.ge [sflag:s1], s0  }
0x65e: {  	s31 =	ssub.s32 $0x0, s0;
	[sflag:s1] =	ssyncset.done $0x0  }
0x65f: {  	[sflag:s1] =	ssyncadd.s32 s31  }
0x660: {  	[sflag:s1] =	ssyncpa.u1 $0x1  }
.LBB2_58:
0x661: {  	_ =	sfence;
	s0 =	simm.s32 $0x1  }
0x662: {  	[sflag:s0] =	ssyncpa.u1 $0x1  }
0x663: {  	_ =	strace $0x90000047  }
0x664: {  	[bflag:$0x2] =	sbarrier.arrive $0xFFFF  }
0x665: {  	s0 =	rddreg [dreg:$0x4]  }
0x666: {  	s0 =	sadd.s32 @!p0 $0x100000, s0  }
0x667: {  	[sflag:s0] =	ssyncadd.tile.s32 @!p0 $0x1;
	_ =	shalt  }
.Lfunc_end2:
_tile_overlayer_lowered:
.L_overlay_start_2:
0x668: {  	(tag) =	ssettag $0x2  }
0x669: {  	s0 =	rddreg [dreg:$0x0];
	s2 =	stileid.u32  }
0x66a: {  	s1 =	rddreg [dreg:$0x1];
	p0 =	sne.s32 s2, $0x0  }
0x66b: {  	s3 =	rddreg [dreg:$0x2];
	[bflag:$0x3] =	sbarrier.arrive $0xFFFF;
	s2 =	simm.s32 @!p0 $0x1C01  }
0x66c: {  	[timem:s3], [sflag:s2] =	dma.local @!p0 [hbm:s0], s1  }
0x66d: {  	s0 =	simm.s32 @!p0 $0x1  }
0x66e: {  	_ =	swait.ge @!p0 [sflag:s0], s1  }
0x66f: {  	s1 =	ssub.s32 @!p0 $0x0, s1;
	[sflag:s0] =	ssyncset.done @!p0 $0x0  }
0x670: {  	[sflag:s0] =	ssyncadd.s32 @!p0 s1  }
0x671: {  	[bflag:$0x3] =	sbarrier.arrive $0xFFFF  }
0x672: {  	_ =	shalt  }

// kernel: sparse-core-data-format-call.1.cloned.1.call-start
scs
called_computation.3_lowered:
.L_overlay_start_0:
0x0: {  	s1 =	sld [smem:$0x3FD9]  }
0x1: {  	s2 =	sld [smem:$0x3FFE];
	_ =	sdelay $0x1  }
0x2: {  	s3 =	srdreg.scid  }
0x3: {  	s0 =	sand.u32 $0x1, s3  }
0x4: {  	s17 =	sshll.u32 s0, $0xA;
	s1 =	sadd.s32 s2, s1  }
0x5: {  	s1 =	sadd.s32 s1, s17  }
0x6: {  	[smem:$0x3FB0] =	sst s1  }
0x7: {  	_ = 	snop  }
0x8: {  	(tm) =	ssettm $0x1  }
0x9: {  	s18 =	sld [smem:$0x3FFB];
	_ =	sdelay $0x3  }
0xa: {  	_ =	strace s18  }
0xb: {  	s1 =	sld [smem:$0x3FFC];
	_ =	sdelay $0x3  }
0xc: {  	_ =	strace s1  }
0xd: {  	s1 =	sld [smem:$0x3FFD];
	_ =	sdelay $0x3  }
0xe: {  	_ =	strace s1  }
0xf: {  	_ =	strace $0x8FFFFFFF  }
0x10: {  	s19 =	sld [smem:$0x3FDB];
	_ =	sdelay $0x1  }
0x11: {  	s20 =	simm.s32 $_scs_section_size  }
0x12: {  	s4 =	simm.s32 $_size__tile_overlayer_lowered;
	s5 =	simm.s32 $_tile_overlayer_lowered  }
0x13: {  	s23 =	simm.s32 $0x1BFF;
	s22 =	sshll.u32 s5, $0x1;
	s1 =	sadd.s32 s20, s19  }
0x14: {  	s6 =	simm.s32 $0x0;
	s21 =	sshll.u32 s4, $0x1;
	s4 =	sadd.s32 s22, s1  }
0x15: {  	[timem:s6], [sflag:s23] =	dma.local [hbm:s4], s21  }
0x16: {  	_ =	swait.ge [sflag:s23], s21  }
0x17: {  	s2 =	ssub.s32 $0x0, s21;
	[sflag:s23] =	ssyncset.done $0x0  }
0x18: {  	[sflag:s23] =	ssyncadd.s32 s2;
	_ =	sdelay $0x1  }
0x19: {  	s24 =	simm.s32 $0x1B8B  }
0x1a: {  	_ =	swait.ge [sflag:s24], $0x1  }
0x1b: {  	[sflag:s24] =	ssyncset.done $0x0  }
0x1c: {  	s26 =	simm.s32 $0x1B8E;
	s25 =	sld [smem:$0x3FFE];
	[sflag:s24] =	ssyncadd.s32 $0xFFFFFFFF  }
0x1d: {  	s27 =	simm.s32 $execute0_lowered;
	[smem:$0x3FD2] =	sst s26  }
0x1e: {  	s4 =	sshll.u32 s27, $0x1;
	_ =	strace $0x8000004F;
	[dreg:$0x1] =	wrdreg $0xFFFFFFFF  }
0x1f: {  	s28 =	simm.s32 $_size_execute0_lowered;
	s1 =	sadd.s32 s1, s4;
	[dreg:$0x0] =	wrdreg $0x0  }
0x20: {  	s4 =	sshll.u32 s28, $0x1;
	[dreg:$0x2] =	wrdreg s1  }
0x21: {  	[dreg:$0x3] =	wrdreg s4  }
0x22: {  	[dreg:$0x4] =	wrdreg $0xC0  }
0x23: {  	_ =	task [dreg:s6], $0x5FFFF  }
0x24: {  	[dreg:$0x1] =	wrdreg $0xFFFFFFFF  }
0x25: {  	[dreg:$0x0] =	wrdreg $0x60  }
0x26: {  	[dreg:$0x2] =	wrdreg s25  }
0x27: {  	[dreg:$0x3] =	wrdreg $0x9  }
0x28: {  	_ =	task.clear_ibuf [dreg:s6], $0x4FFFF;
	_ =	strace $0x9000004F  }
0x29: {  	s29 =	simm.s32 $0x9;
	_ =	strace $0x80000051  }
0x2a: {  	_ =	swait.ge [sflag:s29], $0x1  }
0x2b: {  	[sflag:s29] =	ssyncadd.s32 $0xFFFFFFFF  }
0x2c: {  	_ =	strace $0x90000051  }
0x2d: {  	_ =	sfence  }
0x2e: {  	s30 =	sld [smem:$0x0];
	_ =	sdelay $0x2  }
0x2f: {  	s31 =	sshll.u32 s3, $0xD;
	s3 =	sshrl.u32 s3, $0x2  }
0x30: {  	s2 =	sand.u32 $0x4000, s31;
	s1 =	sadd.s32 s3, s30  }
0x31: {  	s0 =	sor.u32 s2, s0;
	s1 =	sshll.u32 s1, $0x11  }
0x32: {  	s0 =	sor.u32 s1, s0  }
0x33: {  	s0 =	sadd.s32 $0x8F2B, s0  }
0x34: {  	[sflag:s0] =	ssyncadd.remote.s32 $0x1  }
0x35: {  	_ =	sfence.sel $0xFFFF  }
0x36: {  	[dreg:$0x0] =	wrdreg $0xFFFFFFFF;
	(pc) =	sbr.abs _section_cstart, $3  }
0x37: {  	[dreg:$0x1] =	wrdreg $0xFFFFFFFF  }
0x38: {  	_ =	task.clear_ibuf [dreg:s6], $0x2FFFF;
	_ =	strace $0x9FFFFFFF  }
0x39: {  	(tm) =	ssettm $0x7FFFFFFF  }
tec
execute0_lowered:
.L_overlay_start_1:
0x0: {  	(tag) =	ssettag $0x1  }
0x1: {  	s1 =	rddreg [dreg:$0x0]  }
0x2: {  	s0 =	rddreg [dreg:$0x1]  }
0x3: {  	_ =	strace $0x80000050;
	s4 =	srdreg.scid;
	s6 =	simm.s32 $0x2  }
0x4: {  	s13 =	simm.s32 $0x0;
	p0 =	por $0x0, $0x0;
	s15 =	simm.s32 $0x0  }
0x5: {  	s14 =	simm.s32 $0x0;
	s8 =	simm.s32 $0x0;
	s9 =	simm.s32 $0x0  }
.Ltmp0:
0x6: {  	s10 =	simm.s32 $0x0;
	s12 =	simm.s32 $0x0;
	(pc) =	sbr.rel .LBB1_1-.Ltmp0, $4  }
0x7: {  	s2 =	sadd.s32 $0x313400, s1;
	s3 =	sadd.s32 $0x3400, s1;
	s5 =	sshll.u32 s4, $0x4  }
0x8: {  	s1 =	stileid.u32;
	s4 =	simm.s32 $0x1;
	s5 =	sand.u32 $0x10, s5  }
0x9: {  	s7 =	simm.s32 $0x0;
	[sflag:s4] =	ssyncpa.u1 $0x0;
	s5 =	sor.u32 s1, s5  }
0xa: {  	[sflag:s6] =	ssyncpa.u1 $0x0;
	s6 =	simm.s32 $0x0;
	s11 =	smov.u32 s5  }
.LBB1_5:
0xb: {  	p1 =	slt.u32 s7, $0x2  }
0xc: {  	p2 =	sgt.s32 @!p1 s15, $0x1F  }
0xd: {  	s16 =	smov.u32 s15;
	s17 =	sshra.s32 @!p1 s15, $0x1F;
	p2 =	por !p2, p1  }
0xe: {  	s15 =	sand.u32 @!p1 s17, s15;
	s16 =	simm.s32 @p2 $0x1F  }
0xf: {  	p3 =	sgt.s32 @!p1 s13, $0x17F0;
	s15 =	ssub.s32 @!p1 s16, s15  }
0x10: {  	p3 =	por !p3, p1;
	s17 =	smov.u32 s13;
	s16 =	sadd.s32 @!p1 $0xFFFFFFE1, s15  }
0x11: {  	s15 =	ssub.s32 @!p1 $0x20, s15;
	p2 =	sgt.s32 @!p1 s16, $0x0;
	s16 =	sshra.s32 @!p1 s13, $0x1F  }
0x12: {  	s13 =	sand.u32 @!p1 s16, s13;
	s16 =	ssub.s32 @!p1 $0x0, s14;
	p2 =	por !p2, p1  }
0x13: {  	s17 =	simm.s32 @p3 $0x17F0;
	s14 =	smin.u32 @!p1 s14, s16;
	s15 =	simm.s32 @!p2 $0x0  }
0x14: {  	s13 =	ssub.s32 @!p1 s17, s13;
	s17 =	smov.u32 s11;
	p2 =	sgt.s32 @!p1 s14, $0x7F  }
0x15: {  	s16 =	sadd.s32 @!p1 $0xFFFFE810, s13;
	s14 =	ssub.s32 @!p1 $0x80, s14;
	p2 =	por !p2, p1  }
0x16: {  	s13 =	ssub.s32 @!p1 $0x1870, s13;
	p3 =	sgt.s32 @!p1 s16, $0x7F;
	s14 =	simm.s32 @!p2 $0x0  }
0x17: {  	s16 =	sadd.s32 $0x80, s10;
	p2 =	por !p3, p1;
	s14 =	smul.u32 @!p1 s14, s15  }
0x18: {  	s13 =	simm.s32 @!p2 $0x0;
	p2 =	sgt.s32 s16, $0x1869;
	s15 =	sadd.s32 $0x20, s11  }
0x19: {  	s18 =	smov.u32 s12;
	s17 =	smov.u32 @p2 s15  }
0x1a: {  	s13 =	smul.u32 @!p1 s13, s14;
	p3 =	sgt.s32 s17, $0x1F;
	s14 =	sadd.s32 $0x80, s12  }
0x1b: {  	s7 =	sadd.s32 $0x1, s7;
	p0 =	por !p0, !p0;
	s18 =	smov.u32 @p3 s14  }
0x1c: {  	s19 =	simm.s32 @!p1 $0x2;
	s16 =	simm.s32 @p2 $0x0;
	p2 =	sgt.s32 s18, $0x7F  }
0x1d: {  	s15 =	smov.u32 s8;
	s18 =	simm.s32 @p2 $0x0;
	p2 =	sne.s32 s7, $0x33  }
.Ltmp1:
0x1e: {  	s8 =	smov.u32 s11;
	s17 =	smov.u32 @p3 s5;
	(pc) =	sbr.rel @!p2 .LBB1_6-.Ltmp1, $4  }
0x1f: {  	s14 =	smov.u32 s9;
	s9 =	smov.u32 s12;
	s13 =	sand.u32 @!p1 $0x3FFFFFFF, s13  }
0x20: {  	s11 =	smov.u32 s17;
	_ =	swait.ge @!p1 [sflag:s19], s13;
	s20 =	ssub.s32 @!p1 $0x0, s13  }
0x21: {  	s13 =	smov.u32 s6;
	s6 =	smov.u32 s10;
	[sflag:s19] =	ssyncset.done @!p1 $0x0  }
0x22: {  	s10 =	smov.u32 s16;
	s12 =	smov.u32 s18;
	[sflag:s19] =	ssyncadd.s32 @!p1 s20  }
.LBB1_1:
0x23: {  	p1 =	sgt.u32 s7, $0x30  }
0x24: {  	s16 =	sshrl.u32 @!p1 s11, $0x3  }
0x25: {  	s17 =	sshll.u32 @!p1 s10, $0x3;
	s16 =	smul.u32 @!p1 $0xC400, s16  }
0x26: {  	s18 =	sshll.u32 @!p1 s11, $0x7;
	s17 =	sand.u32 @!p1 $0xFFFFFC00, s17  }
0x27: {  	s16 =	sadd.s32 @!p1 s16, s17;
	s17 =	sand.u32 @!p1 $0x380, s18  }
0x28: {  	s18 =	sand.u32 @!p1 $0x7F, s10;
	s16 =	sor.u32 @!p1 s17, s16  }
0x29: {  	s17 =	sor.u32 @!p1 s18, s16  }
0x2a: {  	s18 =	smulhi.u32 @!p1 $0x5397829D, s17  }
0x2b: {  	s16 =	smulhi.u32 @!p1 $0x5397829D, s16  }
0x2c: {  	s18 =	sshrl.u32 @!p1 s18, $0xB  }
0x2d: {  	s16 =	sshrl.u32 @!p1 s16, $0xB;
	s18 =	smul.u32 @!p1 $0x1880, s18  }
0x2e: {  	s19 =	sxor.u32 @!p1 $0xFFFFFFFF, s7;
	s20 =	smul.u32 @!p1 $0x6200, s12;
	s16 =	sand.u32 @!p1 $0x1F, s16  }
0x2f: {  	s19 =	sshll.u32 @!p1 s19, $0xE;
	s16 =	smul.u32 @!p1 $0x310, s16;
	s17 =	ssub.s32 @!p1 s17, s18  }
0x30: {  	s18 =	sand.u32 @!p1 $0x4000, s19;
	s19 =	sadd.s32 @!p1 s2, s20;
	s20 =	sand.u32 @!p1 $0x7, s17  }
0x31: {  	s17 =	sshrl.u32 @!p1 s17, $0x3;
	s16 =	sadd.s32 @!p1 s16, s19;
	s19 =	sshll.u32 @!p1 s20, $0x12  }
0x32: {  	s16 =	sadd.s32 @!p1 s17, s16;
	s17 =	sor.u32 @!p1 $0x80, s19;
	s19 =	simm.s32 @!p1 $0x31000  }
0x33: {  	[tilespmem:s18], [sflag:$0x1] =	stream.strided.gather @!p1 [hbm4b:s16+s17], $0x4000, s19, s17, $0x38;
	[tilespmem:$0x10100] =	vst v63  }
0x34: {  	p1 =	seq.s32 s7, $0x0  }
0x35: {  	p2 =	seq.s32 @!p1 s7, $0x32  }
0x36: {  	p1 =	por p1, p2  }
.Ltmp2:
0x37: {  	_ = 	snop;
	(pc) =	sbr.rel @p1 .LBB1_5-.Ltmp2, $1  }
0x38: {  	_ =	sdelay $0x3  }
0x39: {  	s16 =	simm.s32 $0x1  }
0x3a: {  	_ =	swait.ge [sflag:s4], $0x4000;
	s16 =	simm.s32 @!p0 $0x0  }
0x3b: {  	[sflag:s4] =	ssyncset.done $0x0;
	s17 =	sshll.u32 s16, $0xE  }
0x3c: {  	[sflag:s4] =	ssyncadd.s32 $0xFFFFC000;
	s17 =	sor.u32 $0x40, s17  }
0x3d: {  	s16 =	smul.u32 $0x10200, s16;
	v0 =	vld [tilespmem:s17+$0x30]  }
0x3e: {  	v1 =	vld [tilespmem:s17+$0xFFFFFFD0]  }
0x3f: {  	s16 =	sshrl.u32 s16, $0x2;
	v5 =	vld [tilespmem:s17+$0xFFFFFFE0]  }
0x40: {  	v6 =	vld [tilespmem:s17+$0xFFFFFFF0];
	s19 =	sor.u32 $0x8000, s16  }
0x41: {  	s31 =	sand.u32 $0x1, s7;
	v4 =	vld [tilespmem:s17+$0x0];
	s18 =	sadd.s32 $0x0, s19  }
0x42: {  	v3 =	vld [tilespmem:s17+$0x10];
	s16 =	smul.u32 $0x10200, s31;
	[tilespmem:s18+$0x3870 ss:$0x81] =	vst.msk $0xffff, v0  }
0x43: {  	v2 =	vld [tilespmem:s17+$0x20];
	[tilespmem:s18+$0x810 ss:$0x81] =	vst.msk $0xffff, v1  }
0x44: {  	s16 =	sshrl.u32 s16, $0x2;
	v0 =	vld [tilespmem:s17+$0xFFFFFFC0];
	[tilespmem:s18+$0x1020 ss:$0x81] =	vst.msk $0xffff, v5;
	s17 =	sadd.s32 $0x80, s17  }
0x45: {  	s20 =	simm.s32 $0x4;
	s21 =	simm.s32 $0x8;
	s16 =	sor.u32 $0x8000, s16;
	[tilespmem:s18+$0x1830 ss:$0x81] =	vst.msk $0xffff, v6;
	v1 =	vld [tilespmem:s17+$0x30]  }
.LBB1_3:
0x46: {  	p1 =	sne.s32 s21, $0x1FC;
	v5 =	vld [tilespmem:s17+$0xFFFFFFD0];
	[tilespmem:s18+$0x2040 ss:$0x81] =	vst.msk $0xffff, v4  }
0x47: {  	v6 =	vld [tilespmem:s17+$0xFFFFFFE0];
	[tilespmem:s18+$0x2850 ss:$0x81] =	vst.msk $0xffff, v3  }
0x48: {  	s22 =	sshra.s32 s20, $0x2;
	s20 =	smov.u32 s21;
	v7 =	vld [tilespmem:s17+$0xFFFFFFF0];
	[tilespmem:s18+$0x3060 ss:$0x81] =	vst.msk $0xffff, v2  }
.Ltmp3:
0x49: {  	v4 =	vld [tilespmem:s17+$0x0];
	[tilespmem:s18+$0x0 ss:$0x81] =	vst.msk $0xffff, v0;
	s18 =	sadd.s32 s22, s19;
	(pc) =	sbr.rel @p1 .LBB1_3-.Ltmp3, $4  }
0x4a: {  	v3 =	vld [tilespmem:s17+$0x10];
	[tilespmem:s18+$0x3870 ss:$0x81] =	vst.msk $0xffff, v1  }
0x4b: {  	[tilespmem:s18+$0x810 ss:$0x81] =	vst.msk $0xffff, v5;
	v2 =	vld [tilespmem:s17+$0x20]  }
0x4c: {  	v0 =	vld [tilespmem:s17+$0xFFFFFFC0];
	[tilespmem:s18+$0x1020 ss:$0x81] =	vst.msk $0xffff, v6;
	s17 =	sadd.s32 $0x80, s17  }
0x4d: {  	s21 =	sadd.s32 $0x4, s21;
	v1 =	vld [tilespmem:s17+$0x30];
	[tilespmem:s18+$0x1830 ss:$0x81] =	vst.msk $0xffff, v7  }
0x4e: {  	s21 =	sshll.u32 s6, $0x7  }
0x4f: {  	s22 =	sshll.u32 s9, $0x3;
	p1 =	sgt.s32 s8, $0x1F;
	s27 =	sshra.s32 s8, $0x1F  }
0x50: {  	s20 =	sshra.s32 s20, $0x2;
	s23 =	sand.u32 $0xFFFFFC00, s21;
	s22 =	sand.u32 $0xFFFFFC00, s22  }
0x51: {  	s30 =	ssub.s32 $0x0, s9;
	s21 =	sand.u32 $0x380, s21;
	s22 =	sadd.s32 s22, s23  }
0x52: {  	[tilespmem:s18+$0x2040 ss:$0x81] =	vst.msk $0xffff, v4;
	s31 =	sshra.s32 s6, $0x1F;
	s21 =	sor.u32 s21, s22;
	s22 =	smov.u32 s8  }
0x53: {  	s19 =	sadd.s32 s20, s19;
	[tilespmem:s18+$0x2850 ss:$0x81] =	vst.msk $0xffff, v3;
	s23 =	sand.u32 s27, s8;
	s22 =	simm.s32 @!p1 $0x1F  }
0x54: {  	v5 =	vld [tilespmem:s17+$0xFFFFFFD0];
	[tilespmem:s18+$0x3060 ss:$0x81] =	vst.msk $0xffff, v2;
	s27 =	smul.u32 $0x18700, s8;
	s21 =	sshrl.u32 s21, $0x7;
	s22 =	ssub.s32 s22, s23  }
0x55: {  	v58 =	vld [tilespmem:s17+$0xFFFFFFE0];
	[tilespmem:s18+$0x0 ss:$0x81] =	vst.msk $0xffff, v0;
	s18 =	sand.u32 s31, s6;
	s24 =	smulhi.u32 $0x29E71ED, s21;
	s28 =	sadd.s32 $0xFFFFFFE1, s22  }
0x56: {  	v59 =	vld [tilespmem:s17+$0xFFFFFFF0];
	s20 =	ssub.s32 $0x20, s22;
	s22 =	smov.u32 s6;
	p1 =	sgt.s32 s28, $0x0  }
0x57: {  	v60 =	vld [tilespmem:s17+$0x0];
	s29 =	sshrl.u32 s24, $0x6;
	s20 =	simm.s32 @p1 $0x0;
	p1 =	sgt.s32 s6, $0x17F0  }
0x58: {  	v61 =	vld [tilespmem:s17+$0x10];
	[tilespmem:s19+$0x3870 ss:$0x81] =	vst.msk $0xffff, v1;
	s24 =	smin.u32 s9, s30;
	s28 =	sshrl.u32 s9, $0x3;
	s22 =	simm.s32 @!p1 $0x17F0  }
0x59: {  	v62 =	vld [tilespmem:s17+$0x20];
	[tilespmem:s19+$0x810 ss:$0x81] =	vst.msk $0xffff, v5;
	p1 =	sgt.s32 s24, $0x7F;
	s24 =	ssub.s32 $0x80, s24;
	s18 =	ssub.s32 s22, s18  }
0x5a: {  	v63 =	vld [tilespmem:s17+$0xFFFFFFC0];
	[tilespmem:s19+$0x1020 ss:$0x81] =	vst.msk $0xffff, v58;
	s23 =	smul.u32 $0x1870, s29;
	s24 =	simm.s32 @p1 $0x0;
	s26 =	sadd.s32 $0xFFFFE810, s18  }
0x5b: {  	[tilespmem:s19+$0x1830 ss:$0x81] =	vst.msk $0xffff, v59;
	s25 =	smul.u32 s24, s20;
	s18 =	ssub.s32 $0x1870, s18;
	p1 =	sgt.s32 s26, $0x7F  }
.Ltmp4:
0x5c: {  	[tilespmem:s19+$0x2040 ss:$0x81] =	vst.msk $0xffff, v60;
	s29 =	sand.u32 $0xF, s28;
	s18 =	simm.s32 @p1 $0x0;
	(pc) =	sbr.rel .LBB1_5-.Ltmp4, $4  }
0x5d: {  	[tilespmem:s19+$0x2850 ss:$0x81] =	vst.msk $0xffff, v61;
	s21 =	ssub.s32 s21, s23;
	s20 =	sadd.s32 s3, s27;
	s17 =	smul.u32 s18, s25  }
0x5e: {  	[tilespmem:s19+$0x3060 ss:$0x81] =	vst.msk $0xffff, v62;
	s30 =	sshll.u32 s21, $0x4;
	s18 =	sadd.s32 s29, s20  }
0x5f: {  	s31 =	sand.u32 $0x7, s9;
	[tilespmem:s19+$0x0 ss:$0x81] =	vst.msk $0xffff, v63;
	s18 =	sadd.s32 s30, s18;
	s17 =	sand.u32 $0x3FFFFFFF, s17  }
0x60: {  	[hbm4b:s18+s31] =	stream.linear.scatter [tilespmem:s16], [sflag:$0x2], s17, $0x20;
	[tilespmem:$0x10100] =	vst v63  }
.LBB1_6:
0x61: {  	_ =	sfence.sel $0x180000  }
0x62: {  	s2 =	simm.s32 $0x1;
	[bflag:$0x0] =	sbarrier.arrive $0xFFFF  }
0x63: {  	s31 =	simm.s32 $0x2;
	[sflag:s2] =	ssyncpa.u1 $0x1  }
0x64: {  	[sflag:s31] =	ssyncpa.u1 $0x1  }
0x65: {  	p0 =	sne.s32 s1, $0x0;
	_ =	strace $0x90000050  }
0x66: {  	s0 =	sadd.s32 @!p0 $0x100000, s0;
	[bflag:$0x2] =	sbarrier.arrive $0xFFFF  }
0x67: {  	[sflag:s0] =	ssyncadd.tile.s32 @!p0 $0x1;
	_ =	shalt  }
.Lfunc_end1:
_tile_overlayer_lowered:
.L_overlay_start_2:
0x68: {  	(tag) =	ssettag $0x2  }
0x69: {  	s0 =	rddreg [dreg:$0x0];
	s2 =	stileid.u32  }
0x6a: {  	s1 =	rddreg [dreg:$0x1];
	p0 =	sne.s32 s2, $0x0  }
0x6b: {  	s3 =	rddreg [dreg:$0x2];
	[bflag:$0x3] =	sbarrier.arrive $0xFFFF;
	s2 =	simm.s32 @!p0 $0x1C01  }
0x6c: {  	[timem:s3], [sflag:s2] =	dma.local @!p0 [hbm:s0], s1  }
0x6d: {  	s0 =	simm.s32 @!p0 $0x1  }
0x6e: {  	_ =	swait.ge @!p0 [sflag:s0], s1  }
0x6f: {  	s1 =	ssub.s32 @!p0 $0x0, s1;
	[sflag:s0] =	ssyncset.done @!p0 $0x0  }
0x70: {  	[sflag:s0] =	ssyncadd.s32 @!p0 s1  }
0x71: {  	[bflag:$0x3] =	sbarrier.arrive $0xFFFF  }
0x72: {  	_ =	shalt  }

// kernel: sparse-core-data-format-call.2.cloned.1.call-start
scs
called_computation.4_lowered:
.L_overlay_start_0:
0x0: {  	s1 =	sld [smem:$0x3FD9]  }
0x1: {  	s2 =	sld [smem:$0x3FFE];
	_ =	sdelay $0x1  }
0x2: {  	s3 =	srdreg.scid  }
0x3: {  	s0 =	sand.u32 $0x1, s3  }
0x4: {  	s17 =	sshll.u32 s0, $0xA;
	s1 =	sadd.s32 s2, s1  }
0x5: {  	s1 =	sadd.s32 s1, s17  }
0x6: {  	[smem:$0x3FB0] =	sst s1  }
0x7: {  	_ = 	snop  }
0x8: {  	(tm) =	ssettm $0x1  }
0x9: {  	s18 =	sld [smem:$0x3FFB];
	_ =	sdelay $0x3  }
0xa: {  	_ =	strace s18  }
0xb: {  	s1 =	sld [smem:$0x3FFC];
	_ =	sdelay $0x3  }
0xc: {  	_ =	strace s1  }
0xd: {  	s1 =	sld [smem:$0x3FFD];
	_ =	sdelay $0x3  }
0xe: {  	_ =	strace s1  }
0xf: {  	_ =	strace $0x8FFFFFFF  }
0x10: {  	s19 =	sld [smem:$0x3FDB];
	_ =	sdelay $0x1  }
0x11: {  	s20 =	simm.s32 $_scs_section_size  }
0x12: {  	s4 =	simm.s32 $_size__tile_overlayer_lowered;
	s5 =	simm.s32 $_tile_overlayer_lowered  }
0x13: {  	s23 =	simm.s32 $0x1BFF;
	s22 =	sshll.u32 s5, $0x1;
	s1 =	sadd.s32 s20, s19  }
0x14: {  	s6 =	simm.s32 $0x0;
	s21 =	sshll.u32 s4, $0x1;
	s4 =	sadd.s32 s22, s1  }
0x15: {  	[timem:s6], [sflag:s23] =	dma.local [hbm:s4], s21  }
0x16: {  	_ =	swait.ge [sflag:s23], s21  }
0x17: {  	s2 =	ssub.s32 $0x0, s21;
	[sflag:s23] =	ssyncset.done $0x0  }
0x18: {  	[sflag:s23] =	ssyncadd.s32 s2;
	_ =	sdelay $0x1  }
0x19: {  	s24 =	simm.s32 $0x1B8B  }
0x1a: {  	_ =	swait.ge [sflag:s24], $0x1  }
0x1b: {  	[sflag:s24] =	ssyncset.done $0x0  }
0x1c: {  	s26 =	simm.s32 $0x1B8E;
	s25 =	sld [smem:$0x3FFE];
	[sflag:s24] =	ssyncadd.s32 $0xFFFFFFFF  }
0x1d: {  	s27 =	simm.s32 $execute0_lowered;
	[smem:$0x3FD2] =	sst s26  }
0x1e: {  	s4 =	sshll.u32 s27, $0x1;
	_ =	strace $0x8000004C;
	[dreg:$0x1] =	wrdreg $0xFFFFFFFF  }
0x1f: {  	s28 =	simm.s32 $_size_execute0_lowered;
	s1 =	sadd.s32 s1, s4;
	[dreg:$0x0] =	wrdreg $0x0  }
0x20: {  	s4 =	sshll.u32 s28, $0x1;
	[dreg:$0x2] =	wrdreg s1  }
0x21: {  	[dreg:$0x3] =	wrdreg s4  }
0x22: {  	[dreg:$0x4] =	wrdreg $0xC0  }
0x23: {  	_ =	task [dreg:s6], $0x5FFFF  }
0x24: {  	[dreg:$0x1] =	wrdreg $0xFFFFFFFF  }
0x25: {  	[dreg:$0x0] =	wrdreg $0x60  }
0x26: {  	[dreg:$0x2] =	wrdreg s25  }
0x27: {  	[dreg:$0x3] =	wrdreg $0x9  }
0x28: {  	_ =	task.clear_ibuf [dreg:s6], $0x4FFFF;
	_ =	strace $0x9000004C  }
0x29: {  	s29 =	simm.s32 $0x9;
	_ =	strace $0x8000004E  }
0x2a: {  	_ =	swait.ge [sflag:s29], $0x1  }
0x2b: {  	[sflag:s29] =	ssyncadd.s32 $0xFFFFFFFF  }
0x2c: {  	_ =	strace $0x9000004E  }
0x2d: {  	_ =	sfence  }
0x2e: {  	s30 =	sld [smem:$0x0];
	_ =	sdelay $0x2  }
0x2f: {  	s31 =	sshll.u32 s3, $0xD;
	s3 =	sshrl.u32 s3, $0x2  }
0x30: {  	s2 =	sand.u32 $0x4000, s31;
	s1 =	sadd.s32 s3, s30  }
0x31: {  	s0 =	sor.u32 s2, s0;
	s1 =	sshll.u32 s1, $0x11  }
0x32: {  	s0 =	sor.u32 s1, s0  }
0x33: {  	s0 =	sadd.s32 $0x8F2B, s0  }
0x34: {  	[sflag:s0] =	ssyncadd.remote.s32 $0x1  }
0x35: {  	_ =	sfence.sel $0xFFFF  }
0x36: {  	[dreg:$0x0] =	wrdreg $0xFFFFFFFF;
	(pc) =	sbr.abs _section_cstart, $3  }
0x37: {  	[dreg:$0x1] =	wrdreg $0xFFFFFFFF  }
0x38: {  	_ =	task.clear_ibuf [dreg:s6], $0x2FFFF;
	_ =	strace $0x9FFFFFFF  }
0x39: {  	(tm) =	ssettm $0x7FFFFFFF  }
tec
execute0_lowered:
.L_overlay_start_1:
0x0: {  	(tag) =	ssettag $0x1  }
0x1: {  	s4 =	rddreg [dreg:$0x0]  }
0x2: {  	s0 =	rddreg [dreg:$0x1];
	_ =	strace $0x8000004D;
	s3 =	srdreg.scid  }
0x3: {  	s1 =	stileid.u32;
	s6 =	simm.s32 $0x2;
	s10 =	simm.s32 $0x0  }
.Ltmp0:
0x4: {  	p0 =	por $0x0, $0x0;
	s11 =	simm.s32 $0x0;
	(pc) =	sbr.rel .LBB1_1-.Ltmp0, $4  }
0x5: {  	s9 =	simm.s32 $0x0;
	s7 =	simm.s32 $0x0;
	s5 =	sshll.u32 s3, $0x4  }
0x6: {  	s2 =	sadd.s32 $0x3446800, s4;
	s3 =	simm.s32 $0x1;
	s5 =	sand.u32 $0x10, s5  }
0x7: {  	s4 =	sadd.s32 $0x3400, s4;
	[sflag:s3] =	ssyncpa.u1 $0x0;
	s5 =	sor.u32 s1, s5  }
0x8: {  	[sflag:s6] =	ssyncpa.u1 $0x0;
	s6 =	simm.s32 $0xC400;
	s8 =	smov.u32 s5  }
.LBB1_5:
0x9: {  	s12 =	sadd.s32 $0x20, s8  }
0xa: {  	s10 =	sadd.s32 $0x80, s9;
	s14 =	smov.u32 s9;
	p2 =	sgt.s32 s12, $0x7F  }
0xb: {  	p1 =	slt.u32 s7, $0x2;
	s14 =	smov.u32 @p2 s10  }
0xc: {  	s7 =	sadd.s32 $0x1, s7;
	s12 =	smov.u32 @p2 s5;
	p2 =	sgt.s32 s14, $0x1869  }
0xd: {  	s14 =	simm.s32 @p2 $0x0;
	p2 =	sne.s32 s7, $0xC6  }
.Ltmp1:
0xe: {  	_ = 	snop;
	(pc) =	sbr.rel @!p2 .LBB1_6-.Ltmp1, $4  }
0xf: {  	s13 =	simm.s32 @!p1 $0x2  }
0x10: {  	s11 =	smov.u32 s9;
	_ =	swait.ge @!p1 [sflag:s13], $0x1000  }
0x11: {  	p0 =	por !p0, !p0;
	s10 =	smov.u32 s8;
	[sflag:s13] =	ssyncset.done @!p1 $0x0  }
0x12: {  	s8 =	smov.u32 s12;
	[sflag:s13] =	ssyncadd.s32 @!p1 $0xFFFFF000;
	s9 =	smov.u32 s14  }
.LBB1_1:
0x13: {  	p1 =	sgt.u32 s7, $0xC3  }
0x14: {  	p2 =	sgt.s32 @!p1 s9, $0x17EA  }
0x15: {  	s12 =	smov.u32 s9;
	s14 =	smov.u32 s8;
	p2 =	por !p2, p1  }
0x16: {  	s13 =	sshra.s32 @!p1 s9, $0x1F;
	s12 =	simm.s32 @p2 $0x17EA;
	p2 =	sgt.s32 @!p1 s8, $0x7F  }
0x17: {  	s15 =	sshra.s32 @!p1 s8, $0x1F;
	s13 =	sand.u32 @!p1 s13, s9;
	p2 =	por !p2, p1  }
0x18: {  	s12 =	ssub.s32 @!p1 s12, s13;
	s13 =	sand.u32 @!p1 s15, s8;
	s14 =	simm.s32 @p2 $0x7F  }
0x19: {  	s15 =	sshll.u32 @!p1 s8, $0x4;
	s12 =	sadd.s32 @!p1 $0xFFFFE816, s12;
	s13 =	ssub.s32 @!p1 s14, s13  }
0x1a: {  	p2 =	sgt.s32 @!p1 s12, $0x7F;
	s12 =	sshll.u32 @!p1 s12, $0x5;
	s14 =	sadd.s32 @!p1 $0xFFFFFF81, s13  }
0x1b: {  	s13 =	ssub.s32 @!p1 $0x80, s13;
	s12 =	ssub.s32 @!p1 $0x1000, s12;
	p3 =	sgt.s32 @!p1 s14, $0x0  }
0x1c: {  	p2 =	por !p2, p1;
	s14 =	sxor.u32 @!p1 $0xFFFFFFFF, s7;
	p3 =	por !p3, p1  }
0x1d: {  	s12 =	simm.s32 @!p2 $0x0;
	s14 =	sshll.u32 @!p1 s14, $0xC;
	s13 =	simm.s32 @!p3 $0x0  }
0x1e: {  	s12 =	smul.u32 @!p1 s13, s12;
	s13 =	sand.u32 @!p1 $0x1000, s14;
	s14 =	sshll.u32 @!p1 s9, $0xB  }
0x1f: {  	s16 =	simm.s32 @!p1 $0x4000;
	s15 =	sand.u32 @!p1 $0x7F0, s15;
	s14 =	sadd.s32 @!p1 s2, s14  }
0x20: {  	s12 =	sand.u32 @!p1 $0x3FFFFFE0, s12;
	s14 =	sadd.s32 @!p1 s15, s14;
	s15 =	simm.s32 @!p1 $0x20  }
0x21: {  	[tilespmem:s13], [sflag:$0x1] =	stream.strided.gather @!p1 [hbm4b:s14+s15], s12, s16, s15, $0x38;
	[tilespmem:$0x4040] =	vst v63  }
0x22: {  	p1 =	seq.s32 s7, $0x0  }
0x23: {  	p2 =	seq.s32 @!p1 s7, $0xC5  }
0x24: {  	p1 =	por p1, p2  }
.Ltmp2:
0x25: {  	_ = 	snop;
	(pc) =	sbr.rel @p1 .LBB1_5-.Ltmp2, $1  }
0x26: {  	_ =	sdelay $0x3  }
0x27: {  	p1 =	sgt.s32 s11, $0x17EA;
	s12 =	smov.u32 s11  }
0x28: {  	s13 =	sshra.s32 s11, $0x1F;
	s14 =	smov.u32 s10;
	s15 =	sshra.s32 s10, $0x1F  }
0x29: {  	s12 =	simm.s32 @!p1 $0x17EA;
	s13 =	sand.u32 s13, s11;
	p1 =	sgt.s32 s10, $0x7F  }
0x2a: {  	s27 =	sand.u32 s15, s10;
	s12 =	ssub.s32 s12, s13;
	s14 =	simm.s32 @!p1 $0x7F  }
0x2b: {  	s12 =	sadd.s32 $0xFFFFE816, s12;
	s13 =	ssub.s32 s14, s27  }
0x2c: {  	p1 =	sgt.s32 s12, $0x7F;
	s14 =	sadd.s32 $0xFFFFFF81, s13;
	s12 =	sshll.u32 s12, $0x5  }
0x2d: {  	s13 =	ssub.s32 $0x80, s13;
	p2 =	sgt.s32 s14, $0x0;
	s12 =	ssub.s32 $0x1000, s12  }
0x2e: {  	s13 =	simm.s32 @p2 $0x0;
	s12 =	simm.s32 @p1 $0x0  }
0x2f: {  	s12 =	smul.u32 s13, s12;
	_ =	sdelay $0x1  }
0x30: {  	s13 =	simm.s32 $0x1;
	s12 =	sand.u32 $0x3FFFFFE0, s12  }
0x31: {  	s13 =	simm.s32 @!p0 $0x0;
	_ =	swait.ge [sflag:s3], s12  }
0x32: {  	s28 =	sshll.u32 s13, $0xC;
	s12 =	ssub.s32 $0x0, s12;
	[sflag:s3] =	ssyncset.done $0x0  }
0x33: {  	s16 =	sor.u32 $0x10, s28;
	[sflag:s3] =	ssyncadd.s32 s12  }
0x34: {  	s29 =	smul.u32 $0x4080, s13;
	v1 =	vld [tilespmem:s16+$0x0]  }
0x35: {  	s30 =	sand.u32 $0x1, s7;
	v0 =	vld [tilespmem:s16+$0xFFFFFFF0]  }
0x36: {  	s13 =	smul.u32 $0x4080, s30;
	s12 =	sshrl.u32 s29, $0x2  }
0x37: {  	s14 =	sor.u32 $0x2000, s12  }
0x38: {  	s31 =	sshrl.u32 s13, $0x2;
	s13 =	sadd.s32 $0x0, s14  }
0x39: {  	s15 =	simm.s32 $0x4;
	s12 =	sor.u32 $0x2000, s31;
	s16 =	sadd.s32 $0x20, s16;
	[tilespmem:s13+$0x810 ss:$0x81] =	vst.msk $0xffff, v1  }
.LBB1_3:
0x3a: {  	v1 =	vld [tilespmem:s16+$0x0];
	p1 =	sne.s32 s15, $0x1FC;
	[tilespmem:s13+$0x0 ss:$0x81] =	vst.msk $0xffff, v0;
	s13 =	smov.u32 s15;
	s15 =	sadd.s32 $0x4, s15  }
.Ltmp3:
0x3b: {  	v0 =	vld [tilespmem:s16+$0xFFFFFFF0];
	(pc) =	sbr.rel @p1 .LBB1_3-.Ltmp3, $4  }
0x3c: {  	_ = 	snop  }
0x3d: {  	s13 =	sshra.s32 s13, $0x2  }
0x3e: {  	s13 =	sadd.s32 s13, s14  }
0x3f: {  	s16 =	sadd.s32 $0x20, s16;
	[tilespmem:s13+$0x810 ss:$0x81] =	vst.msk $0xffff, v1  }
0x40: {  	s14 =	sshll.u32 s11, $0x3  }
0x41: {  	s29 =	sand.u32 $0x7F, s11;
	s14 =	sand.u32 $0xFFFFFC00, s14  }
0x42: {  	s11 =	sor.u32 s29, s14;
	s14 =	smulhi.u32 $0x5397829D, s14  }
0x43: {  	s15 =	smulhi.u32 $0x5397829D, s11;
	_ =	sdelay $0x1  }
0x44: {  	s10 =	smul.u32 $0x6200, s10;
	s14 =	sshrl.u32 s14, $0xB;
	s15 =	sshrl.u32 s15, $0xB  }
0x45: {  	s14 =	sand.u32 $0x1F, s14;
	s15 =	smul.u32 $0x1880, s15  }
0x46: {  	s14 =	smul.u32 $0x310, s14  }
.Ltmp4:
0x47: {  	s11 =	ssub.s32 s11, s15;
	(pc) =	sbr.rel .LBB1_5-.Ltmp4, $4  }
0x48: {  	s10 =	sadd.s32 s4, s10;
	s15 =	sand.u32 $0x7, s11  }
0x49: {  	s10 =	sadd.s32 s14, s10;
	s11 =	sshrl.u32 s11, $0x3;
	s30 =	sshll.u32 s15, $0x12  }
0x4a: {  	[tilespmem:s13+$0x0 ss:$0x81] =	vst.msk $0xffff, v0;
	s10 =	sadd.s32 s11, s10;
	s31 =	sor.u32 $0x400, s30  }
0x4b: {  	[hbm4b:s10+s31] =	stream.strided.scatter [tilespmem:s12], [sflag:$0x2], $0x1000, s6, s31, $0x20;
	[tilespmem:$0x4040] =	vst v63  }
.LBB1_6:
0x4c: {  	_ =	sfence.sel $0x180000  }
0x4d: {  	s2 =	simm.s32 $0x1;
	[bflag:$0x0] =	sbarrier.arrive $0xFFFF  }
0x4e: {  	s31 =	simm.s32 $0x2;
	[sflag:s2] =	ssyncpa.u1 $0x1  }
0x4f: {  	[sflag:s31] =	ssyncpa.u1 $0x1  }
0x50: {  	p0 =	sne.s32 s1, $0x0;
	_ =	strace $0x9000004D  }
0x51: {  	s0 =	sadd.s32 @!p0 $0x100000, s0;
	[bflag:$0x2] =	sbarrier.arrive $0xFFFF  }
0x52: {  	[sflag:s0] =	ssyncadd.tile.s32 @!p0 $0x1;
	_ =	shalt  }
.Lfunc_end1:
_tile_overlayer_lowered:
.L_overlay_start_2:
0x53: {  	(tag) =	ssettag $0x2  }
0x54: {  	s0 =	rddreg [dreg:$0x0];
	s2 =	stileid.u32  }
0x55: {  	s1 =	rddreg [dreg:$0x1];
	p0 =	sne.s32 s2, $0x0  }
0x56: {  	s3 =	rddreg [dreg:$0x2];
	[bflag:$0x3] =	sbarrier.arrive $0xFFFF;
	s2 =	simm.s32 @!p0 $0x1C01  }
0x57: {  	[timem:s3], [sflag:s2] =	dma.local @!p0 [hbm:s0], s1  }
0x58: {  	s0 =	simm.s32 @!p0 $0x1  }
0x59: {  	_ =	swait.ge @!p0 [sflag:s0], s1  }
0x5a: {  	s1 =	ssub.s32 @!p0 $0x0, s1;
	[sflag:s0] =	ssyncset.done @!p0 $0x0  }
0x5b: {  	[sflag:s0] =	ssyncadd.s32 @!p0 s1  }
0x5c: {  	[bflag:$0x3] =	sbarrier.arrive $0xFFFF  }
0x5d: {  	_ =	shalt  }

// kernel: sparse-core-data-format-call.cloned.1.call-start
scs
called_computation.2_lowered:
.L_overlay_start_0:
0x0: {  	s2 =	sld [smem:$0x3FD9]  }
0x1: {  	s3 =	sld [smem:$0x3FFE];
	_ =	sdelay $0x1  }
0x2: {  	s1 =	srdreg.scid  }
0x3: {  	s0 =	sand.u32 $0x1, s1  }
0x4: {  	s15 =	sshll.u32 s0, $0xA;
	s2 =	sadd.s32 s3, s2  }
0x5: {  	s2 =	sadd.s32 s2, s15  }
0x6: {  	[smem:$0x3FB0] =	sst s2  }
0x7: {  	_ = 	snop  }
0x8: {  	s2 =	sld [smem:$0x3FD0];
	_ =	sdelay $0x2  }
0x9: {  	s16 =	simm.s32 $0xD;
	s4 =	simm.s32 $0x10  }
0xa: {  	[smem:s4], [sflag:s16] =	dma.local [hbm:s2], $0x1  }
0xb: {  	_ =	swait.eq [sflag:s16], $0x1  }
0xc: {  	[sflag:s16] =	ssyncset.done $0x0  }
0xd: {  	[sflag:s16] =	ssyncadd.s32 $0xFFFFFFFF  }
0xe: {  	s17 =	sld [smem:$0x11];
	(tm) =	ssettm $0x1  }
0xf: {  	s18 =	sld [smem:$0x3FFB];
	_ =	sdelay $0x3  }
0x10: {  	_ =	strace s18  }
0x11: {  	s3 =	sld [smem:$0x3FFC];
	_ =	sdelay $0x3  }
0x12: {  	_ =	strace s3  }
0x13: {  	s3 =	sld [smem:$0x3FFD];
	_ =	sdelay $0x3  }
0x14: {  	_ =	strace s3  }
0x15: {  	_ =	strace $0x8FFFFFFF  }
0x16: {  	s19 =	sld [smem:$0x3FDB];
	_ =	sdelay $0x1  }
0x17: {  	s20 =	simm.s32 $_scs_section_size  }
0x18: {  	s5 =	simm.s32 $_size__tile_overlayer_lowered;
	s6 =	simm.s32 $_tile_overlayer_lowered  }
0x19: {  	s23 =	simm.s32 $0x1BFF;
	s22 =	sshll.u32 s6, $0x1;
	s3 =	sadd.s32 s20, s19  }
0x1a: {  	s7 =	simm.s32 $0x0;
	s21 =	sshll.u32 s5, $0x1;
	s5 =	sadd.s32 s22, s3  }
0x1b: {  	[timem:s7], [sflag:s23] =	dma.local [hbm:s5], s21  }
0x1c: {  	_ =	swait.ge [sflag:s23], s21  }
0x1d: {  	s4 =	ssub.s32 $0x0, s21;
	[sflag:s23] =	ssyncset.done $0x0  }
0x1e: {  	[sflag:s23] =	ssyncadd.s32 s4;
	_ =	sdelay $0x1  }
0x1f: {  	s24 =	simm.s32 $0x1B8B  }
0x20: {  	_ =	swait.ge [sflag:s24], $0x1  }
0x21: {  	[sflag:s24] =	ssyncset.done $0x0  }
0x22: {  	s26 =	simm.s32 $0x1B8E;
	s25 =	sld [smem:$0x3FFE];
	[sflag:s24] =	ssyncadd.s32 $0xFFFFFFFF  }
0x23: {  	s27 =	simm.s32 $execute0_lowered;
	[smem:$0x3FD2] =	sst s26  }
0x24: {  	s5 =	sshll.u32 s27, $0x1;
	_ =	strace $0x80000052;
	[dreg:$0x1] =	wrdreg $0xFFFFFFFF  }
0x25: {  	s28 =	simm.s32 $_size_execute0_lowered;
	s3 =	sadd.s32 s3, s5;
	[dreg:$0x0] =	wrdreg $0x0  }
0x26: {  	s5 =	sshll.u32 s28, $0x1;
	[dreg:$0x2] =	wrdreg s3  }
0x27: {  	[dreg:$0x3] =	wrdreg s5  }
0x28: {  	[dreg:$0x4] =	wrdreg $0xC0  }
0x29: {  	_ =	task [dreg:s7], $0x5FFFF  }
0x2a: {  	[dreg:$0x1] =	wrdreg $0xFFFFFFFF  }
0x2b: {  	[dreg:$0x0] =	wrdreg $0x60  }
0x2c: {  	[dreg:$0x2] =	wrdreg s25  }
0x2d: {  	[dreg:$0x3] =	wrdreg s17  }
0x2e: {  	[dreg:$0x4] =	wrdreg $0xB  }
0x2f: {  	_ =	task.clear_ibuf [dreg:s7], $0x5FFFF;
	_ =	strace $0x90000052  }
0x30: {  	s29 =	simm.s32 $0xB;
	_ =	strace $0x80000054  }
0x31: {  	_ =	swait.ge [sflag:s29], $0x1  }
0x32: {  	[sflag:s29] =	ssyncadd.s32 $0xFFFFFFFF  }
0x33: {  	_ =	strace $0x90000054  }
0x34: {  	_ =	sfence  }
0x35: {  	s30 =	sld [smem:$0x0];
	_ =	sdelay $0x2  }
0x36: {  	s31 =	sshll.u32 s1, $0xD;
	s1 =	sshrl.u32 s1, $0x2  }
0x37: {  	s3 =	sand.u32 $0x4000, s31;
	s1 =	sadd.s32 s1, s30  }
0x38: {  	s0 =	sor.u32 s3, s0;
	s1 =	sshll.u32 s1, $0x11  }
0x39: {  	s0 =	sor.u32 s1, s0  }
0x3a: {  	s0 =	sadd.s32 $0x8F2B, s0  }
0x3b: {  	[sflag:s0] =	ssyncadd.remote.s32 $0x1  }
0x3c: {  	_ =	sfence.sel $0xFFFF  }
0x3d: {  	[dreg:$0x0] =	wrdreg $0xFFFFFFFF;
	(pc) =	sbr.abs _section_cstart, $3  }
0x3e: {  	[dreg:$0x1] =	wrdreg $0xFFFFFFFF  }
0x3f: {  	_ =	task.clear_ibuf [dreg:s7], $0x2FFFF;
	_ =	strace $0x9FFFFFFF  }
0x40: {  	(tm) =	ssettm $0x7FFFFFFF  }
0x41: {  	_ =	shalt  }
tec
execute0_lowered:
.L_overlay_start_1:
0x0: {  	(tag) =	ssettag $0x1  }
0x1: {  	s3 =	rddreg [dreg:$0x0];
	s0 =	stileid.u32  }
0x2: {  	s1 =	srdreg.scid;
	s2 =	rddreg [dreg:$0x1];
	s6 =	simm.s32 $0x1  }
0x3: {  	s8 =	simm.s32 $0x2;
	s9 =	simm.s32 $0x0;
	s10 =	simm.s32 $0x0  }
0x4: {  	s19 =	simm.s32 $0x0;
	s18 =	simm.s32 $0x0;
	s20 =	simm.s32 $0x0  }
0x5: {  	s11 =	simm.s32 $0x0;
	s12 =	simm.s32 $0x0;
	s13 =	simm.s32 $0x0  }
0x6: {  	s15 =	simm.s32 $0x0;
	s4 =	sshll.u32 s0, $0x2;
	s5 =	sshll.u32 s1, $0x6  }
.Ltmp0:
0x7: {  	s17 =	simm.s32 $0x0;
	s4 =	sor.u32 s4, s5;
	(pc) =	sbr.rel .LBB1_1-.Ltmp0, $4  }
0x8: {  	s1 =	rddreg [dreg:$0x2];
	_ =	strace $0x80000053;
	s4 =	sand.u32 $0x70, s4  }
0x9: {  	s3 =	sadd.s32 $0x3400, s3;
	[sflag:s6] =	ssyncpa.u1 $0x0;
	s7 =	ssub.s32 $0x1860, s4  }
0xa: {  	s5 =	sand.u32 $0x3, s0;
	[sflag:s8] =	ssyncpa.u1 $0x0;
	s7 =	sshrl.u32 s7, $0x7  }
0xb: {  	s16 =	smov.u32 s5;
	s14 =	smov.u32 s4;
	s8 =	sadd.s32 $0x2, s7  }
.LBB1_7:
0xc: {  	p0 =	slt.u32 s17, $0x2;
	s21 =	smov.u32 s20  }
0xd: {  	p1 =	sgt.s32 @!p0 s20, $0x3;
	s22 =	sshra.s32 @!p0 s20, $0x1F;
	s23 =	sshra.s32 @!p0 s19, $0x1F  }
0xe: {  	p1 =	por !p1, p0;
	s20 =	sand.u32 @!p0 s22, s20;
	s22 =	smov.u32 s19  }
0xf: {  	s21 =	simm.s32 @p1 $0x3;
	p1 =	sgt.s32 @!p0 s19, $0x185A;
	s19 =	sand.u32 @!p0 s23, s19  }
0x10: {  	p1 =	por !p1, p0;
	s20 =	ssub.s32 @!p0 s21, s20;
	s21 =	ssub.s32 @!p0 $0x0, s18  }
0x11: {  	s22 =	simm.s32 @p1 $0x185A;
	s20 =	sadd.s32 @!p0 $0xFFFFFFFD, s20;
	s18 =	smin.u32 @!p0 s18, s21  }
0x12: {  	s19 =	ssub.s32 @!p0 s22, s19;
	p1 =	sgt.s32 @!p0 s20, $0x0;
	p2 =	sgt.s32 @!p0 s18, $0x7  }
0x13: {  	s18 =	ssub.s32 @!p0 $0x8, s18;
	s20 =	sshll.u32 @!p0 s20, $0x7;
	s22 =	sadd.s32 @!p0 $0xFFFFE7A6, s19  }
0x14: {  	p2 =	por !p2, p0;
	s20 =	ssub.s32 @!p0 $0x80, s20;
	p1 =	por !p1, p0  }
0x15: {  	s18 =	simm.s32 @!p2 $0x0;
	p2 =	sgt.s32 @!p0 s22, $0xF;
	s20 =	simm.s32 @!p1 $0x0  }
0x16: {  	s19 =	ssub.s32 @!p0 $0x186A, s19;
	p1 =	por !p2, p0;
	s18 =	smul.u32 @!p0 s18, s20  }
0x17: {  	s21 =	sadd.s32 $0x80, s14;
	s22 =	smov.u32 s15;
	s19 =	simm.s32 @!p1 $0x0  }
0x18: {  	p1 =	sgt.s32 s21, $0x1869;
	s18 =	smul.u32 @!p0 s19, s18;
	s19 =	sadd.s32 $0x8, s15  }
0x19: {  	s22 =	smov.u32 @p1 s19  }
0x1a: {  	s24 =	smov.u32 s16;
	s19 =	sadd.s32 $0x4, s16;
	p2 =	sgt.s32 s22, $0x7  }
0x1b: {  	s10 =	sadd.s32 $0x4000, s10;
	s23 =	simm.s32 @!p0 $0x2;
	s24 =	smov.u32 @p2 s19  }
0x1c: {  	s20 =	smov.u32 s13;
	s21 =	smov.u32 @p1 s4;
	p1 =	sgt.s32 s24, $0x3  }
0x1d: {  	s18 =	sand.u32 @!p0 $0x3FFFFF80, s18;
	s24 =	smov.u32 @p1 s5;
	p1 =	sne.s32 s17, s8  }
.Ltmp1:
0x1e: {  	s13 =	smov.u32 s16;
	_ =	swait.ge @!p0 [sflag:s23], s18;
	(pc) =	sbr.rel @!p1 .LBB1_8-.Ltmp1, $4  }
0x1f: {  	s25 =	ssub.s32 @!p0 $0x0, s18;
	s22 =	simm.s32 @p2 $0x0;
	s19 =	smov.u32 s11  }
0x20: {  	s18 =	smov.u32 s12;
	s11 =	smov.u32 s14;
	s12 =	smov.u32 s15  }
0x21: {  	s14 =	smov.u32 s21;
	[sflag:s23] =	ssyncset.done @!p0 $0x0;
	s15 =	smov.u32 s22  }
0x22: {  	s17 =	sadd.s32 $0x1, s17;
	[sflag:s23] =	ssyncadd.s32 @!p0 s25;
	s16 =	smov.u32 s24  }
.LBB1_1:
0x23: {  	p0 =	sgt.u32 s17, s7  }
0x24: {  	s21 =	sand.u32 @!p0 $0x1FFFFFF, s14  }
0x25: {  	s22 =	smulhi.u32 @!p0 $0x29E71ED, s21  }
0x26: {  	s23 =	smul.u32 @!p0 $0xC3800, s16  }
0x27: {  	s25 =	smul.u32 @!p0 $0x18700, s15;
	s22 =	sshrl.u32 @!p0 s22, $0x6  }
0x28: {  	s22 =	smul.u32 @!p0 $0x1870, s22  }
0x29: {  	s23 =	sadd.s32 @!p0 s3, s23  }
0x2a: {  	s24 =	sxor.u32 @!p0 $0xFFFFFFFF, s17;
	s23 =	sadd.s32 @!p0 s25, s23;
	s21 =	ssub.s32 @!p0 s21, s22  }
0x2b: {  	s22 =	sshll.u32 @!p0 s24, $0xE;
	s24 =	simm.s32 @!p0 $0xC3800;
	s21 =	sshll.u32 @!p0 s21, $0x4  }
0x2c: {  	s22 =	sand.u32 @!p0 $0x4000, s22;
	s21 =	sadd.s32 @!p0 s21, s23;
	s23 =	simm.s32 @!p0 $0x800  }
0x2d: {  	[tilespmem:s22], [sflag:$0x1] =	stream.strided.gather @!p0 [hbm4b:s21+s23], $0x4000, s24, s23, $0x38;
	[tilespmem:$0x10000] =	vst v63  }
0x2e: {  	p0 =	seq.s32 s17, $0x0  }
0x2f: {  	p1 =	sge.u32 @!p0 s17, s8  }
0x30: {  	p0 =	por p0, p1  }
.Ltmp2:
0x31: {  	_ = 	snop;
	(pc) =	sbr.rel @p0 .LBB1_7-.Ltmp2, $1  }
0x32: {  	_ =	sdelay $0x3  }
0x33: {  	s21 =	sand.u32 $0x4000, s10  }
0x34: {  	_ =	swait.ge [sflag:s6], $0x4000;
	s24 =	sshll.u32 s17, $0xE;
	s22 =	sor.u32 $0x8040, s21  }
0x35: {  	s23 =	sor.u32 $0x40, s21;
	[sflag:s6] =	ssyncset.done $0x0;
	s31 =	sand.u32 $0x4000, s24  }
0x36: {  	s24 =	simm.s32 $0x0;
	[sflag:s6] =	ssyncadd.s32 $0xFFFFC000;
	s21 =	sor.u32 $0x8000, s31  }
.LBB1_3:
0x37: {  	v0 =	vmov s23;
	_ =	sdelay $0x3  }
0x38: {  	s26 =	simm.s32 $0x0  }
0x39: {  	v6 =	vld.idx.msk [tilespmem:v0+s26+$0x30 ss:$0x1], $0xffff  }
0x3a: {  	v7 =	vld.idx.msk [tilespmem:v0+s26+$0xFFFFFFC0 ss:$0x1], $0xffff  }
0x3b: {  	v5 =	vld.idx.msk [tilespmem:v0+s26+$0xFFFFFFD0 ss:$0x1], $0xffff  }
0x3c: {  	v4 =	vld.idx.msk [tilespmem:v0+s26+$0xFFFFFFE0 ss:$0x1], $0xffff  }
0x3d: {  	v3 =	vld.idx.msk [tilespmem:v0+s26+$0xFFFFFFF0 ss:$0x1], $0xffff  }
0x3e: {  	v1 =	vld.idx.msk [tilespmem:v0+s26+$0x0 ss:$0x1], $0xffff  }
0x3f: {  	v2 =	vld.idx.msk [tilespmem:v0+s26+$0x10 ss:$0x1], $0xffff;
	[tilespmem:s22+$0x30] =	vst v6  }
0x40: {  	s25 =	simm.s32 $0x80;
	s27 =	simm.s32 $0x400;
	[tilespmem:s22+$0xFFFFFFC0] =	vst v7;
	v6 =	vld.idx.msk [tilespmem:v0+s26+$0x20 ss:$0x1], $0xffff;
	s26 =	smov.u32 s22  }
.LBB1_4:
0x41: {  	p0 =	sne.s32 s27, $0x1E00;
	v7 =	vld.idx.msk [tilespmem:v0+s25+$0x30 ss:$0x1], $0xffff;
	[tilespmem:s26+$0xFFFFFFD0] =	vst v5  }
0x42: {  	v8 =	vld.idx.msk [tilespmem:v0+s25+$0xFFFFFFC0 ss:$0x1], $0xffff;
	[tilespmem:s26+$0xFFFFFFE0] =	vst v4  }
0x43: {  	v5 =	vld.idx.msk [tilespmem:v0+s25+$0xFFFFFFD0 ss:$0x1], $0xffff;
	[tilespmem:s26+$0xFFFFFFF0] =	vst v3  }
.Ltmp3:
0x44: {  	v4 =	vld.idx.msk [tilespmem:v0+s25+$0xFFFFFFE0 ss:$0x1], $0xffff;
	[tilespmem:s26+$0x0] =	vst v1;
	(pc) =	sbr.rel @p0 .LBB1_4-.Ltmp3, $4  }
0x45: {  	v3 =	vld.idx.msk [tilespmem:v0+s25+$0xFFFFFFF0 ss:$0x1], $0xffff;
	[tilespmem:s26+$0x10] =	vst v2  }
0x46: {  	v1 =	vld.idx.msk [tilespmem:v0+s25+$0x0 ss:$0x1], $0xffff;
	[tilespmem:s26+$0x20] =	vst v6;
	s26 =	sadd.s32 $0x400, s26  }
0x47: {  	v2 =	vld.idx.msk [tilespmem:v0+s25+$0x10 ss:$0x1], $0xffff;
	[tilespmem:s26+$0x30] =	vst v7  }
0x48: {  	[tilespmem:s26+$0xFFFFFFC0] =	vst v8;
	v6 =	vld.idx.msk [tilespmem:v0+s25+$0x20 ss:$0x1], $0xffff;
	s25 =	sshra.s32 s27, $0x2;
	s27 =	sadd.s32 $0x200, s27  }
0x49: {  	_ =	sdelay $0x2  }
0x4a: {  	[tilespmem:s26+$0xFFFFFFD0] =	vst v5  }
0x4b: {  	v56 =	vld.idx.msk [tilespmem:v0+s25+$0x30 ss:$0x1], $0xffff;
	[tilespmem:s26+$0xFFFFFFE0] =	vst v4  }
0x4c: {  	v57 =	vld.idx.msk [tilespmem:v0+s25+$0xFFFFFFC0 ss:$0x1], $0xffff;
	[tilespmem:s26+$0xFFFFFFF0] =	vst v3  }
0x4d: {  	v58 =	vld.idx.msk [tilespmem:v0+s25+$0xFFFFFFD0 ss:$0x1], $0xffff;
	[tilespmem:s26+$0x0] =	vst v1  }
0x4e: {  	v59 =	vld.idx.msk [tilespmem:v0+s25+$0xFFFFFFE0 ss:$0x1], $0xffff;
	[tilespmem:s26+$0x10] =	vst v2  }
0x4f: {  	v60 =	vld.idx.msk [tilespmem:v0+s25+$0xFFFFFFF0 ss:$0x1], $0xffff;
	s31 =	sadd.s32 $0x400, s26;
	[tilespmem:s26+$0x20] =	vst v6  }
0x50: {  	v61 =	vld.idx.msk [tilespmem:v0+s25+$0x0 ss:$0x1], $0xffff;
	[tilespmem:s31+$0x30] =	vst v56  }
0x51: {  	v62 =	vld.idx.msk [tilespmem:v0+s25+$0x10 ss:$0x1], $0xffff;
	s24 =	sadd.s32 $0x1, s24;
	[tilespmem:s31+$0xFFFFFFC0] =	vst v57  }
0x52: {  	v63 =	vld.idx.msk [tilespmem:v0+s25+$0x20 ss:$0x1], $0xffff;
	p0 =	sne.s32 s24, $0x8;
	[tilespmem:s31+$0xFFFFFFD0] =	vst v58  }
.Ltmp4:
0x53: {  	[tilespmem:s31+$0xFFFFFFE0] =	vst v59;
	(pc) =	sbr.rel @p0 .LBB1_3-.Ltmp4, $4  }
0x54: {  	[tilespmem:s31+$0xFFFFFFF0] =	vst v60  }
0x55: {  	[tilespmem:s31+$0x0] =	vst v61  }
0x56: {  	[tilespmem:s31+$0x10] =	vst v62  }
0x57: {  	s22 =	sadd.s32 $0x80, s22;
	s23 =	sadd.s32 $0x800, s23;
	[tilespmem:s31+$0x20] =	vst v63  }
0x58: {  	p0 =	sgt.s32 s13, $0x3;
	s22 =	smov.u32 s13;
	s23 =	sshra.s32 s13, $0x1F  }
0x59: {  	p1 =	sgt.s32 s11, $0x185A;
	s24 =	sshra.s32 s11, $0x1F;
	s25 =	ssub.s32 $0x0, s12  }
0x5a: {  	s29 =	smul.u32 $0xC3500, s13;
	s22 =	simm.s32 @!p0 $0x3;
	s23 =	sand.u32 s23, s13  }
0x5b: {  	s24 =	sand.u32 s24, s11;
	s22 =	ssub.s32 s22, s23;
	s23 =	smov.u32 s11  }
0x5c: {  	s27 =	smin.u32 s12, s25;
	s22 =	sadd.s32 $0xFFFFFFFD, s22;
	s23 =	simm.s32 @!p1 $0x185A  }
0x5d: {  	p1 =	sgt.s32 s27, $0x7;
	p0 =	sgt.s32 s22, $0x0;
	s22 =	sshll.u32 s22, $0x7  }
0x5e: {  	s23 =	ssub.s32 s23, s24;
	s24 =	ssub.s32 $0x8, s27;
	s22 =	ssub.s32 $0x80, s22  }
0x5f: {  	s28 =	sadd.s32 $0xFFFFE7A6, s23;
	s24 =	simm.s32 @p1 $0x0;
	s22 =	simm.s32 @p0 $0x0  }
0x60: {  	s23 =	ssub.s32 $0x186A, s23;
	p0 =	sgt.s32 s28, $0xF;
	s22 =	smul.u32 s24, s22  }
.Ltmp5:
0x61: {  	s30 =	sshll.u32 s11, $0x7;
	s23 =	simm.s32 @p0 $0x0;
	(pc) =	sbr.rel .LBB1_7-.Ltmp5, $4  }
0x62: {  	s31 =	sshll.u32 s12, $0x4;
	s24 =	sadd.s32 s2, s29;
	s22 =	smul.u32 s23, s22  }
0x63: {  	s25 =	sand.u32 $0x70, s31;
	s23 =	sadd.s32 s30, s24  }
0x64: {  	s23 =	sadd.s32 s25, s23;
	s22 =	sand.u32 $0x3FFFFF80, s22  }
0x65: {  	[hbm4b:s23+s9] =	stream.linear.scatter [tilespmem:s21], [sflag:$0x2], s22, $0x38;
	[tilespmem:$0x10000] =	vst v63  }
.LBB1_8:
0x66: {  	_ =	sfence.sel $0x180000  }
0x67: {  	s2 =	simm.s32 $0x1;
	[bflag:$0x0] =	sbarrier.arrive $0xFFFF  }
0x68: {  	s31 =	simm.s32 $0x2;
	[sflag:s2] =	ssyncpa.u1 $0x1  }
0x69: {  	[sflag:s31] =	ssyncpa.u1 $0x1  }
0x6a: {  	p0 =	sne.s32 s0, $0x0;
	_ =	strace $0x90000053  }
0x6b: {  	s0 =	sadd.s32 @!p0 $0x100000, s1;
	[bflag:$0x2] =	sbarrier.arrive $0xFFFF  }
0x6c: {  	[sflag:s0] =	ssyncadd.tile.s32 @!p0 $0x1;
	_ =	shalt  }
.Lfunc_end1:
_tile_overlayer_lowered:
.L_overlay_start_2:
0x6d: {  	(tag) =	ssettag $0x2  }
0x6e: {  	s0 =	rddreg [dreg:$0x0];
	s2 =	stileid.u32  }
0x6f: {  	s1 =	rddreg [dreg:$0x1];
	p0 =	sne.s32 s2, $0x0  }
0x70: {  	s3 =	rddreg [dreg:$0x2];
	[bflag:$0x3] =	sbarrier.arrive $0xFFFF;
	s2 =	simm.s32 @!p0 $0x1C01  }
0x71: {  	[timem:s3], [sflag:s2] =	dma.local @!p0 [hbm:s0], s1  }
0x72: {  	s0 =	simm.s32 @!p0 $0x1  }
0x73: {  	_ =	swait.ge @!p0 [sflag:s0], s1  }
0x74: {  	s1 =	ssub.s32 @!p0 $0x0, s1;
	[sflag:s0] =	ssyncset.done @!p0 $0x0  }
0x75: {  	[sflag:s0] =	ssyncadd.s32 @!p0 s1  }
0x76: {  	[bflag:$0x3] =	sbarrier.arrive $0xFFFF  }
0x77: {  	_ =	shalt  }

</sc_bundles>
